<compile_context>
chip_gen: v7x
topology: tpu7x:2x2x1
jax: 0.10.2.dev20260603
libtpu: 0.0.44.dev20260713+nightly
codegen_flags: <defaults>
</compile_context>

<pallas_src>
import functools

import jax
import jax.numpy as jnp
from jax import lax
from jax.experimental import pallas as pl
from jax.experimental.pallas import tpu as pltpu
from jax.experimental.pallas import tpu_sc as plsc

NC = 2
NS = 16
NW = NC * NS

SLAB = 128
CHUNK_E = 576
ID_CHUNK = 512


def _proj_body(x_ref, wn_ref, wi_ref, ws_ref, y_ref, z_ref, h_ref):
    xb = x_ref[...]
    y_ref[...] = jnp.dot(xb, wn_ref[...], preferred_element_type=jnp.float32)
    z_ref[...] = jnp.dot(xb, wi_ref[...], preferred_element_type=jnp.float32)
    h_ref[...] = jnp.dot(xb, ws_ref[...], preferred_element_type=jnp.float32)


def _combine_body(h_ref, nb_ref, cnt_ref, idp_ref, bias_ref, out_ref):
    ku = h_ref.shape[1]
    blk = h_ref.shape[0]
    left = h_ref[...] + idp_ref[0] + idp_ref[1]
    cnt = jnp.sum(cnt_ref[...], axis=1)
    right = (nb_ref[0] + nb_ref[1]) / jnp.maximum(cnt[:, None], 1.0)
    bias = bias_ref[...]
    out_ref[:, 0:ku] = jax.nn.relu(left + bias[0, 0:ku])
    out_ref[:, ku:] = jax.nn.relu(right + bias[0, ku:])


def kernel(x, edge_index, id_index, W_self, W_id, W_neighbor, bias):
    n, d = x.shape
    ku = W_self.shape[1]
    e = edge_index.shape[1]
    nid = id_index.shape[0]

    tile_e = e // NW
    full_chunks = tile_e // CHUNK_E
    tail_e = tile_e - full_chunks * CHUNK_E
    n_bodies = full_chunks + (1 if tail_e else 0)
    npad = n + 8
    id_pad = -(-nid // ID_CHUNK) * ID_CHUNK
    id_chunks = id_pad // ID_CHUNK
    rsub = 8 * ((n // NS) // 8)
    rlast = n - rsub * (NS - 1)

    blk = 1000
    grid1 = n // blk
    y, z, h = pl.pallas_call(
        _proj_body,
        grid=(grid1,),
        in_specs=[
            pl.BlockSpec((blk, d), lambda i: (i, 0)),
            pl.BlockSpec((d, ku), lambda i: (0, 0)),
            pl.BlockSpec((d, ku), lambda i: (0, 0)),
            pl.BlockSpec((d, ku), lambda i: (0, 0)),
        ],
        out_specs=[
            pl.BlockSpec((blk, ku), lambda i: (i, 0)),
            pl.BlockSpec((blk, ku), lambda i: (i, 0)),
            pl.BlockSpec((blk, ku), lambda i: (i, 0)),
        ],
        out_shape=[
            jax.ShapeDtypeStruct((n, ku), jnp.float32),
            jax.ShapeDtypeStruct((n, ku), jnp.float32),
            jax.ShapeDtypeStruct((n, ku), jnp.float32),
        ],
    )(x, W_neighbor, W_id, W_self)

    edges = edge_index.astype(jnp.int32)
    idg = jnp.concatenate(
        [id_index.astype(jnp.int32),
         jnp.zeros((id_pad - nid,), dtype=jnp.int32)])
    idsc = jnp.concatenate(
        [id_index.astype(jnp.int32),
         jnp.full((id_pad - nid,), n, dtype=jnp.int32)])
    zeros64 = jnp.zeros((rlast, ku), jnp.float32)

    mesh = plsc.VectorSubcoreMesh(
        core_axis_name="c", subcore_axis_name="s",
        num_cores=NC, num_subcores=NS)

    @functools.partial(
        pl.kernel,
        out_type=(
            jax.ShapeDtypeStruct((NC, n, ku), jnp.float32),
            jax.ShapeDtypeStruct((NW, n), jnp.float32),
            jax.ShapeDtypeStruct((NC, n, ku), jnp.float32),
        ),
        mesh=mesh,
        compiler_params=pltpu.CompilerParams(
            use_tc_tiling_on_sc=False, needs_layout_passes=False),
        scratch_types=[
            pltpu.VMEM((4, CHUNK_E), jnp.int32),
            pltpu.VMEM((4, CHUNK_E), jnp.int32),
            pltpu.VMEM((CHUNK_E, ku), jnp.float32),
            pltpu.VMEM((CHUNK_E, ku), jnp.float32),
            pltpu.VMEM((n,), jnp.float32),
            pltpu.VMEM_SHARED((npad, ku), jnp.float32),
            pltpu.SemaphoreType.DMA,
            pltpu.SemaphoreType.DMA,
            pltpu.SemaphoreType.DMA,
            pltpu.SemaphoreType.DMA,
        ],
    )
    def sc_scatter(y_hbm, z_hbm, edge_hbm, idg_hbm, idsc_hbm, z64_hbm,
                   nb_out, cnt_out, idp_out,
                   row_r, col_r, rows_v0, rows_v1, hist_v,
                   nb_acc, sem_i, sem_g0, sem_g1, sem_s):
        ci = lax.axis_index("c")
        si = lax.axis_index("s")
        wid = si * NC + ci

        r0 = si * rsub

        def zero_nb_async(nrows):
            return pltpu.async_copy(z64_hbm.at[pl.ds(0, nrows)],
                                    nb_acc.at[pl.ds(r0, nrows)], sem_s)

        def zero_nb(nrows):
            zero_nb_async(nrows).wait()

        @pl.when(si < NS - 1)
        def _():
            zd = zero_nb_async(rsub)
            zv = jnp.zeros((16,), jnp.float32)

            @pl.loop(0, n, step=16)
            def _(i):
                hist_v[pl.ds(i, 16)] = zv

            zd.wait()

        @pl.when(si == NS - 1)
        def _():
            zd = zero_nb_async(rlast)
            zv = jnp.zeros((16,), jnp.float32)

            @pl.loop(0, n, step=16)
            def _(i):
                hist_v[pl.ds(i, 16)] = zv

            zd.wait()

        plsc.subcore_barrier()

        ones_reg = jnp.ones((16,), jnp.float32)
        e0 = wid * tile_e
        rows_b = (rows_v0, rows_v1)
        gsem = (sem_g0, sem_g1)
        sizes = [CHUNK_E] * full_chunks + ([tail_e] if tail_e else [])

        def idx_refs(k):
            ne = sizes[k]
            sl = pl.ds(0, ne)
            return row_r.at[k % 4].at[sl], col_r.at[k % 4].at[sl]

        def fire_idx(k):
            base = e0 + k * CHUNK_E
            ne = sizes[k]
            rv, cv = idx_refs(k)
            pltpu.async_copy(edge_hbm.at[0].at[pl.ds(base, ne)], rv, sem_i)
            pltpu.async_copy(edge_hbm.at[1].at[pl.ds(base, ne)], cv, sem_i)

        def wait_idx(k):
            ne = sizes[k]
            rv, cv = idx_refs(k)
            pltpu.make_async_copy(edge_hbm.at[0].at[pl.ds(e0, ne)], rv,
                                  sem_i).wait()
            pltpu.make_async_copy(edge_hbm.at[1].at[pl.ds(e0, ne)], cv,
                                  sem_i).wait()

        def fire_gather(k):
            ne = sizes[k]
            _, cv = idx_refs(k)
            return pltpu.async_copy(
                y_hbm.at[cv], rows_b[k % 2].at[pl.ds(0, ne)], gsem[k % 2])

        fire_idx(0)
        if n_bodies > 1:
            fire_idx(1)
        wait_idx(0)
        gds = {0: fire_gather(0)}
        sds = {}
        for k in range(n_bodies):
            p = k % 2
            ne = sizes[k]
            rv, _ = idx_refs(k)
            if k - 1 in sds:
                sds[k - 1].wait()
            if k + 1 < n_bodies:
                wait_idx(k + 1)
                gds[k + 1] = fire_gather(k + 1)
            if k + 2 < n_bodies:
                fire_idx(k + 2)
            @pl.loop(0, ne, step=16)
            def _(i, _k=k):
                plsc.addupdate_scatter(
                    hist_v, [row_r.at[_k % 4][pl.ds(i, 16)]], ones_reg)

            gds[k].wait()
            sds[k] = pltpu.async_copy(rows_b[p].at[pl.ds(0, ne)],
                                      nb_acc.at[rv], sem_s, add=True)
        sds[n_bodies - 1].wait()

        plsc.subcore_barrier()

        def writeout(dst, nrows):
            sl = pl.ds(r0, nrows)
            pltpu.sync_copy(nb_acc.at[sl], dst.at[ci].at[sl])

        def stage2(nrows):
            sl = pl.ds(r0, nrows)
            wd = pltpu.async_copy(nb_acc.at[sl], nb_out.at[ci].at[sl],
                                  sem_g0)
            hd = pltpu.async_copy(hist_v, cnt_out.at[wid], sem_g1)
            wd.wait()
            zd = zero_nb_async(nrows)
            hd.wait()
            zd.wait()

        @pl.when(si < NS - 1)
        def _():
            stage2(rsub)

        @pl.when(si == NS - 1)
        def _():
            stage2(rlast)

        plsc.subcore_barrier()

        @pl.when(wid < id_chunks)
        def _():
            base = wid * ID_CHUNK
            idv = row_r.at[0].at[pl.ds(0, ID_CHUNK)]
            isv = row_r.at[1].at[pl.ds(0, ID_CHUNK)]
            gv = rows_v0.at[pl.ds(0, ID_CHUNK)]
            pltpu.sync_copy(idg_hbm.at[pl.ds(base, ID_CHUNK)], idv)
            pltpu.sync_copy(idsc_hbm.at[pl.ds(base, ID_CHUNK)], isv)
            pltpu.async_copy(z_hbm.at[idv], gv, sem_g0).wait()
            pltpu.sync_copy(gv, nb_acc.at[isv], add=True)

        plsc.subcore_barrier()

        @pl.when(si < NS - 1)
        def _():
            writeout(idp_out, rsub)

        @pl.when(si == NS - 1)
        def _():
            writeout(idp_out, rlast)

    nb_p, cnt_p, idp_p = sc_scatter(y, z, edges, idg, idsc, zeros64)

    out = pl.pallas_call(
        _combine_body,
        grid=(grid1,),
        in_specs=[
            pl.BlockSpec((blk, ku), lambda i: (i, 0)),
            pl.BlockSpec((NC, blk, ku), lambda i: (0, i, 0)),
            pl.BlockSpec((blk, NW), lambda i: (i, 0)),
            pl.BlockSpec((NC, blk, ku), lambda i: (0, i, 0)),
            pl.BlockSpec((1, 2 * ku), lambda i: (0, 0)),
        ],
        out_specs=pl.BlockSpec((blk, 2 * ku), lambda i: (i, 0)),
        out_shape=jax.ShapeDtypeStruct((n, 2 * ku), jnp.float32),
    )(h, nb_p, cnt_p.T, idp_p, bias.reshape(1, 2 * ku))
    return out

# --- scband reference (transcript-rebuilt; emitter-appended) ---
"""Pipeline reference for scband-idsage-73882027425871 (READ-ONLY COPY).

The authoritative reference and input builder live on the scoring server;
editing this copy changes nothing except your own understanding.
"""

import jax, jax.numpy as jnp
import numpy as np

N = 10000
E = 320000
D = 128
UNITS = 128
KU = UNITS // 2  # concat=True
NUM_ID = 5000


def setup_inputs(seed: int = 0) -> dict:
    key = jax.random.key(seed)
    ks = jax.random.split(key, 7)
    x = jax.random.normal(ks[0], (N, D), dtype=jnp.float32)
    edge_index = jax.random.randint(ks[1], (2, E), 0, N)
    id_index = jax.random.randint(ks[2], (NUM_ID,), 0, N)
    # glorot_uniform init for [D, KU] kernels
    limit = float(np.sqrt(6.0 / (D + KU)))
    W_self = jax.random.uniform(ks[3], (D, KU), dtype=jnp.float32, minval=-limit, maxval=limit)
    W_id = jax.random.uniform(ks[4], (D, KU), dtype=jnp.float32, minval=-limit, maxval=limit)
    W_neighbor = jax.random.uniform(ks[5], (D, KU), dtype=jnp.float32, minval=-limit, maxval=limit)
    bias = jnp.zeros((UNITS,), dtype=jnp.float32)
    return {"x": x, "edge_index": edge_index, "id_index": id_index,
            "W_self": W_self, "W_id": W_id, "W_neighbor": W_neighbor, "bias": bias}


def reference(x, edge_index, id_index, W_self, W_id, W_neighbor, bias):
    num_nodes = x.shape[0]
    row = edge_index[0]
    col = edge_index[1]
    # gather neighbor features (edge_weight is None -> no gcn_mapper)
    neighbor_x = jnp.take(x, col, axis=0)
    # mean_reducer: segment mean over destination (row)
    seg_sum = jax.ops.segment_sum(neighbor_x, row, num_segments=num_nodes)
    seg_cnt = jax.ops.segment_sum(jnp.ones((row.shape[0],), dtype=x.dtype), row, num_segments=num_nodes)
    neighbor_reduced_msg = seg_sum / jnp.maximum(seg_cnt, 1.0)[:, None]
    neighbor_msg = neighbor_reduced_msg @ W_neighbor
    h = x @ W_self
    x_id = jnp.take(x, id_index, axis=0)
    h_id = x_id @ W_id
    h = h.at[id_index].add(h_id)
    # concat=True
    h = jnp.concatenate([h, neighbor_msg], axis=1)
    h = h + bias
    h = jax.nn.relu(h)
    # normalize=False
    return h

if __name__ == "__main__":
    import jax
    _d = setup_inputs()
    print(jax.jit(kernel)(*tuple(_d.values())))

</pallas_src>

<mosaic_0001>
#map = affine_map<(d0, d1) -> (0, 0)>
#map1 = affine_map<(d0, d1) -> (0)>
#map2 = affine_map<(d0, d1) -> (0, 0, 0)>
module attributes {stable_mosaic.version = 14 : i64} {
  func.func @sc_scatter(%arg0: i32, %arg1: i32, %arg2: memref<10000x64xf32, #tpu.memory_space<hbm>>, %arg3: memref<10000x64xf32, #tpu.memory_space<hbm>>, %arg4: memref<2x320000xi32, #tpu.memory_space<hbm>>, %arg5: memref<5120xi32, #tpu.memory_space<hbm>>, %arg6: memref<5120xi32, #tpu.memory_space<hbm>>, %arg7: memref<640x64xf32, #tpu.memory_space<hbm>>, %arg8: memref<2x10000x64xf32, #tpu.memory_space<hbm>>, %arg9: memref<32x10000xf32, #tpu.memory_space<hbm>>, %arg10: memref<2x10000x64xf32, #tpu.memory_space<hbm>>, %arg11: memref<4x576xi32, #tpu.memory_space<vmem>>, %arg12: memref<4x576xi32, #tpu.memory_space<vmem>>, %arg13: memref<576x64xf32, #tpu.memory_space<vmem>>, %arg14: memref<576x64xf32, #tpu.memory_space<vmem>>, %arg15: memref<10000xf32, #tpu.memory_space<vmem>>, %arg16: memref<10008x64xf32, #tpu.memory_space<vmem_shared>>, %arg17: memref<!tpu.dma_semaphore, #tpu.memory_space<semaphore_mem>>, %arg18: memref<!tpu.dma_semaphore, #tpu.memory_space<semaphore_mem>>, %arg19: memref<!tpu.dma_semaphore, #tpu.memory_space<semaphore_mem>>, %arg20: memref<!tpu.dma_semaphore, #tpu.memory_space<semaphore_mem>>) attributes {dimension_semantics = [#tpu.dimension_semantics<core_parallel>, #tpu.dimension_semantics<subcore_parallel>], iteration_bounds = array<i64: 2, 16>, scalar_prefetch = 0 : i64, scratch_operands = 10 : i64, tpu.core_type = #tpu.core_type<sc_vector_subcore>, window_params = [{transform_indices = #map}, {transform_indices = #map}, {transform_indices = #map}, {transform_indices = #map1}, {transform_indices = #map1}, {transform_indices = #map}, {transform_indices = #map2}, {transform_indices = #map}, {transform_indices = #map2}]} {
    %mul3A = arith.constant 2 : i32
    %mul3A_0 = arith.muli %arg1, %mul3A : i32
    %add3A = arith.addi %mul3A_0, %arg0 : i32
    %mul3A_1 = arith.constant 624 : i32
    %mul3A_2 = arith.muli %arg1, %mul3A_1 : i32
    %lt3A = arith.constant 15 : i32
    %lt3A_3 = arith.cmpi slt, %arg1, %lt3A : i32
    %convert_element_type3A = arith.extui %lt3A_3 : i1 to i32
    %cond3A = arith.constant 0 : i32
    %cond3A_4 = arith.cmpi ne, %convert_element_type3A, %cond3A : i32
    scf.if %cond3A_4 {
      %dma_start3A_2467 = arith.constant 0 : i32
      %dma_start3A_2468 = tpu.memref_slice %arg16[%mul3A_2, %dma_start3A_2467] : memref<10008x64xf32, #tpu.memory_space<vmem_shared>> -> memref<624x64xf32, #tpu.memory_space<vmem_shared>>
      %dma_start3A_2469 = arith.constant 0 : i32
      %dma_start3A_2470 = arith.constant 0 : i32
      %dma_start3A_2471 = tpu.memref_slice %arg7[%dma_start3A_2469, %dma_start3A_2470] : memref<640x64xf32, #tpu.memory_space<hbm>> -> memref<624x64xf32, #tpu.memory_space<hbm>>
      tpu.enqueue_dma source(%dma_start3A_2471 : memref<624x64xf32, #tpu.memory_space<hbm>>) target(%dma_start3A_2468 : memref<624x64xf32, #tpu.memory_space<vmem_shared>>) target_semaphore(%arg20 : memref<!tpu.dma_semaphore, #tpu.memory_space<semaphore_mem>>)
      %broadcast_in_dim3A_2472 = arith.constant 0.000000e+00 : f32
      %broadcast_in_dim3A_2473 = vector.broadcast %broadcast_in_dim3A_2472 : f32 to vector<16xf32>
      %scan3A_2474 = arith.constant 0 : i32
      %scan3A_2475 = arith.constant 625 : i32
      %scan3A_2476 = arith.addi %scan3A_2474, %scan3A_2475 : i32
      %scan3A_2477 = arith.constant 1 : i32
      scf.for %scan3A_2484 = %scan3A_2474 to %scan3A_2476 step %scan3A_2477  : i32 {
        %mul3A_2485 = arith.constant 16 : i32
        %mul3A_2486 = arith.muli %scan3A_2484, %mul3A_2485 : i32
        %add3A_2487 = arith.constant 0 : i32
        %add3A_2488 = arith.addi %add3A_2487, %mul3A_2486 : i32
        %swap3A = arith.index_cast %add3A_2488 : i32 to index
        %swap3A_2489 = tpu.vector_load %arg15[%swap3A] {strides = array<i32>} : memref<10000xf32, #tpu.memory_space<vmem>>, vector<16xf32>,
        tpu.vector_store %arg15[%swap3A], %broadcast_in_dim3A_2473 {strides = array<i32>} : memref<10000xf32, #tpu.memory_space<vmem>>, vector<16xf32>,
      }
      %scan3A_2478 = arith.constant 625 : i32
      %dma_wait3A_2479 = arith.constant 0 : i32
      %dma_wait3A_2480 = tpu.memref_slice %arg16[%mul3A_2, %dma_wait3A_2479] : memref<10008x64xf32, #tpu.memory_space<vmem_shared>> -> memref<624x64xf32, #tpu.memory_space<vmem_shared>>
      %dma_wait3A_2481 = arith.constant 0 : i32
      %dma_wait3A_2482 = arith.constant 0 : i32
      %dma_wait3A_2483 = tpu.memref_slice %arg7[%dma_wait3A_2481, %dma_wait3A_2482] : memref<640x64xf32, #tpu.memory_space<hbm>> -> memref<624x64xf32, #tpu.memory_space<hbm>>
      tpu.wait_dma2 semaphore(%arg20 : memref<!tpu.dma_semaphore, #tpu.memory_space<semaphore_mem>>) src(%dma_wait3A_2483 : memref<624x64xf32, #tpu.memory_space<hbm>>) dst(%dma_wait3A_2480 : memref<624x64xf32, #tpu.memory_space<vmem_shared>>)
    } else {
    }
    %eq3A = arith.constant 15 : i32
    %eq3A_5 = arith.cmpi eq, %arg1, %eq3A : i32
    %convert_element_type3A_6 = arith.extui %eq3A_5 : i1 to i32
    %cond3A_7 = arith.constant 0 : i32
    %cond3A_8 = arith.cmpi ne, %convert_element_type3A_6, %cond3A_7 : i32
    scf.if %cond3A_8 {
      %dma_start3A_2467 = arith.constant 0 : i32
      %dma_start3A_2468 = tpu.memref_slice %arg16[%mul3A_2, %dma_start3A_2467] : memref<10008x64xf32, #tpu.memory_space<vmem_shared>> -> memref<640x64xf32, #tpu.memory_space<vmem_shared>>
      %dma_start3A_2469 = arith.constant 0 : i32
      %dma_start3A_2470 = arith.constant 0 : i32
      %dma_start3A_2471 = tpu.memref_slice %arg7[%dma_start3A_2469, %dma_start3A_2470] : memref<640x64xf32, #tpu.memory_space<hbm>> -> memref<640x64xf32, #tpu.memory_space<hbm>>
      tpu.enqueue_dma source(%dma_start3A_2471 : memref<640x64xf32, #tpu.memory_space<hbm>>) target(%dma_start3A_2468 : memref<640x64xf32, #tpu.memory_space<vmem_shared>>) target_semaphore(%arg20 : memref<!tpu.dma_semaphore, #tpu.memory_space<semaphore_mem>>)
      %broadcast_in_dim3A_2472 = arith.constant 0.000000e+00 : f32
      %broadcast_in_dim3A_2473 = vector.broadcast %broadcast_in_dim3A_2472 : f32 to vector<16xf32>
      %scan3A_2474 = arith.constant 0 : i32
      %scan3A_2475 = arith.constant 625 : i32
      %scan3A_2476 = arith.addi %scan3A_2474, %scan3A_2475 : i32
      %scan3A_2477 = arith.constant 1 : i32
      scf.for %scan3A_2484 = %scan3A_2474 to %scan3A_2476 step %scan3A_2477  : i32 {
        %mul3A_2485 = arith.constant 16 : i32
        %mul3A_2486 = arith.muli %scan3A_2484, %mul3A_2485 : i32
        %add3A_2487 = arith.constant 0 : i32
        %add3A_2488 = arith.addi %add3A_2487, %mul3A_2486 : i32
        %swap3A = arith.index_cast %add3A_2488 : i32 to index
        %swap3A_2489 = tpu.vector_load %arg15[%swap3A] {strides = array<i32>} : memref<10000xf32, #tpu.memory_space<vmem>>, vector<16xf32>,
        tpu.vector_store %arg15[%swap3A], %broadcast_in_dim3A_2473 {strides = array<i32>} : memref<10000xf32, #tpu.memory_space<vmem>>, vector<16xf32>,
      }
      %scan3A_2478 = arith.constant 625 : i32
      %dma_wait3A_2479 = arith.constant 0 : i32
      %dma_wait3A_2480 = tpu.memref_slice %arg16[%mul3A_2, %dma_wait3A_2479] : memref<10008x64xf32, #tpu.memory_space<vmem_shared>> -> memref<640x64xf32, #tpu.memory_space<vmem_shared>>
      %dma_wait3A_2481 = arith.constant 0 : i32
      %dma_wait3A_2482 = arith.constant 0 : i32
      %dma_wait3A_2483 = tpu.memref_slice %arg7[%dma_wait3A_2481, %dma_wait3A_2482] : memref<640x64xf32, #tpu.memory_space<hbm>> -> memref<640x64xf32, #tpu.memory_space<hbm>>
      tpu.wait_dma2 semaphore(%arg20 : memref<!tpu.dma_semaphore, #tpu.memory_space<semaphore_mem>>) src(%dma_wait3A_2483 : memref<640x64xf32, #tpu.memory_space<hbm>>) dst(%dma_wait3A_2480 : memref<640x64xf32, #tpu.memory_space<vmem_shared>>)
    } else {
    }
    %barrier3A = arith.constant 0 : index
    tpu.barrier barrier_id(%barrier3A)
    %broadcast_in_dim3A = arith.constant 1.000000e+00 : f32
    %broadcast_in_dim3A_9 = vector.broadcast %broadcast_in_dim3A : f32 to vector<16xf32>
    %mul3A_10 = arith.constant 10000 : i32
    %mul3A_11 = arith.muli %add3A, %mul3A_10 : i32
    %add3A_12 = arith.constant 0 : i32
    %add3A_13 = arith.addi %mul3A_11, %add3A_12 : i32
    %dma_start3A = arith.constant 0 : i32
    %dma_start3A_14 = arith.constant 0 : i32
    %dma_start3A_15 = arith.constant 0 : i32
    %dma_start3A_16 = tpu.memref_slice %arg11[%dma_start3A_14, %dma_start3A_15] : memref<4x576xi32, #tpu.memory_space<vmem>> -> memref<1x576xi32, #tpu.memory_space<vmem>>
    %dma_start3A_17 = tpu.memref_squeeze %dma_start3A_16 : memref<1x576xi32, #tpu.memory_space<vmem>> -> memref<576xi32, #tpu.memory_space<vmem>>
    %dma_start3A_18 = arith.constant 0 : i32
    %dma_start3A_19 = tpu.memref_slice %dma_start3A_17[%dma_start3A_18] : memref<576xi32, #tpu.memory_space<vmem>> -> memref<576xi32, #tpu.memory_space<vmem>>
    %dma_start3A_20 = arith.constant 0 : i32
    %dma_start3A_21 = tpu.memref_slice %arg4[%dma_start3A, %dma_start3A_20] : memref<2x320000xi32, #tpu.memory_space<hbm>> -> memref<1x320000xi32, #tpu.memory_space<hbm>>
    %dma_start3A_22 = tpu.memref_squeeze %dma_start3A_21 : memref<1x320000xi32, #tpu.memory_space<hbm>> -> memref<320000xi32, #tpu.memory_space<hbm>>
    %dma_start3A_23 = tpu.memref_slice %dma_start3A_22[%add3A_13] : memref<320000xi32, #tpu.memory_space<hbm>> -> memref<576xi32, #tpu.memory_space<hbm>>
    %dma_start3A_24 = arith.constant 0 : i32
    %dma_start3A_25 = tpu.memref_slice %arg11[%dma_start3A_14, %dma_start3A_24] : memref<4x576xi32, #tpu.memory_space<vmem>> -> memref<1x576xi32, #tpu.memory_space<vmem>>
    %dma_start3A_26 = tpu.memref_squeeze %dma_start3A_25 : memref<1x576xi32, #tpu.memory_space<vmem>> -> memref<576xi32, #tpu.memory_space<vmem>>
    %dma_start3A_27 = arith.constant 0 : i32
    %dma_start3A_28 = tpu.memref_slice %dma_start3A_26[%dma_start3A_27] : memref<576xi32, #tpu.memory_space<vmem>> -> memref<576xi32, #tpu.memory_space<vmem>>
    %dma_start3A_29 = arith.constant 0 : i32
    %dma_start3A_30 = tpu.memref_slice %arg4[%dma_start3A, %dma_start3A_29] : memref<2x320000xi32, #tpu.memory_space<hbm>> -> memref<1x320000xi32, #tpu.memory_space<hbm>>
    %dma_start3A_31 = tpu.memref_squeeze %dma_start3A_30 : memref<1x320000xi32, #tpu.memory_space<hbm>> -> memref<320000xi32, #tpu.memory_space<hbm>>
    %dma_start3A_32 = tpu.memref_slice %dma_start3A_31[%add3A_13] : memref<320000xi32, #tpu.memory_space<hbm>> -> memref<576xi32, #tpu.memory_space<hbm>>
    tpu.enqueue_dma source(%dma_start3A_32 : memref<576xi32, #tpu.memory_space<hbm>>) target(%dma_start3A_28 : memref<576xi32, #tpu.memory_space<vmem>>) target_semaphore(%arg17 : memref<!tpu.dma_semaphore, #tpu.memory_space<semaphore_mem>>)
    %dma_start3A_33 = arith.constant 1 : i32
    %dma_start3A_34 = arith.constant 0 : i32
    %dma_start3A_35 = arith.constant 0 : i32
    %dma_start3A_36 = tpu.memref_slice %arg12[%dma_start3A_34, %dma_start3A_35] : memref<4x576xi32, #tpu.memory_space<vmem>> -> memref<1x576xi32, #tpu.memory_space<vmem>>
    %dma_start3A_37 = tpu.memref_squeeze %dma_start3A_36 : memref<1x576xi32, #tpu.memory_space<vmem>> -> memref<576xi32, #tpu.memory_space<vmem>>
    %dma_start3A_38 = arith.constant 0 : i32
    %dma_start3A_39 = tpu.memref_slice %dma_start3A_37[%dma_start3A_38] : memref<576xi32, #tpu.memory_space<vmem>> -> memref<576xi32, #tpu.memory_space<vmem>>
    %dma_start3A_40 = arith.constant 0 : i32
    %dma_start3A_41 = tpu.memref_slice %arg4[%dma_start3A_33, %dma_start3A_40] : memref<2x320000xi32, #tpu.memory_space<hbm>> -> memref<1x320000xi32, #tpu.memory_space<hbm>>
    %dma_start3A_42 = tpu.memref_squeeze %dma_start3A_41 : memref<1x320000xi32, #tpu.memory_space<hbm>> -> memref<320000xi32, #tpu.memory_space<hbm>>
    %dma_start3A_43 = tpu.memref_slice %dma_start3A_42[%add3A_13] : memref<320000xi32, #tpu.memory_space<hbm>> -> memref<576xi32, #tpu.memory_space<hbm>>
    %dma_start3A_44 = arith.constant 0 : i32
    %dma_start3A_45 = tpu.memref_slice %arg12[%dma_start3A_34, %dma_start3A_44] : memref<4x576xi32, #tpu.memory_space<vmem>> -> memref<1x576xi32, #tpu.memory_space<vmem>>
    %dma_start3A_46 = tpu.memref_squeeze %dma_start3A_45 : memref<1x576xi32, #tpu.memory_space<vmem>> -> memref<576xi32, #tpu.memory_space<vmem>>
    %dma_start3A_47 = arith.constant 0 : i32
    %dma_start3A_48 = tpu.memref_slice %dma_start3A_46[%dma_start3A_47] : memref<576xi32, #tpu.memory_space<vmem>> -> memref<576xi32, #tpu.memory_space<vmem>>
    %dma_start3A_49 = arith.constant 0 : i32
    %dma_start3A_50 = tpu.memref_slice %arg4[%dma_start3A_33, %dma_start3A_49] : memref<2x320000xi32, #tpu.memory_space<hbm>> -> memref<1x320000xi32, #tpu.memory_space<hbm>>
    %dma_start3A_51 = tpu.memref_squeeze %dma_start3A_50 : memref<1x320000xi32, #tpu.memory_space<hbm>> -> memref<320000xi32, #tpu.memory_space<hbm>>
    %dma_start3A_52 = tpu.memref_slice %dma_start3A_51[%add3A_13] : memref<320000xi32, #tpu.memory_space<hbm>> -> memref<576xi32, #tpu.memory_space<hbm>>
    tpu.enqueue_dma source(%dma_start3A_52 : memref<576xi32, #tpu.memory_space<hbm>>) target(%dma_start3A_48 : memref<576xi32, #tpu.memory_space<vmem>>) target_semaphore(%arg17 : memref<!tpu.dma_semaphore, #tpu.memory_space<semaphore_mem>>)
    %add3A_53 = arith.constant 576 : i32
    %add3A_54 = arith.addi %mul3A_11, %add3A_53 : i32
    %dma_start3A_55 = arith.constant 0 : i32
    %dma_start3A_56 = arith.constant 1 : i32
    %dma_start3A_57 = arith.constant 0 : i32
    %dma_start3A_58 = tpu.memref_slice %arg11[%dma_start3A_56, %dma_start3A_57] : memref<4x576xi32, #tpu.memory_space<vmem>> -> memref<1x576xi32, #tpu.memory_space<vmem>>
    %dma_start3A_59 = tpu.memref_squeeze %dma_start3A_58 : memref<1x576xi32, #tpu.memory_space<vmem>> -> memref<576xi32, #tpu.memory_space<vmem>>
    %dma_start3A_60 = arith.constant 0 : i32
    %dma_start3A_61 = tpu.memref_slice %dma_start3A_59[%dma_start3A_60] : memref<576xi32, #tpu.memory_space<vmem>> -> memref<576xi32, #tpu.memory_space<vmem>>
    %dma_start3A_62 = arith.constant 0 : i32
    %dma_start3A_63 = tpu.memref_slice %arg4[%dma_start3A_55, %dma_start3A_62] : memref<2x320000xi32, #tpu.memory_space<hbm>> -> memref<1x320000xi32, #tpu.memory_space<hbm>>
    %dma_start3A_64 = tpu.memref_squeeze %dma_start3A_63 : memref<1x320000xi32, #tpu.memory_space<hbm>> -> memref<320000xi32, #tpu.memory_space<hbm>>
    %dma_start3A_65 = tpu.memref_slice %dma_start3A_64[%add3A_54] : memref<320000xi32, #tpu.memory_space<hbm>> -> memref<576xi32, #tpu.memory_space<hbm>>
    %dma_start3A_66 = arith.constant 0 : i32
    %dma_start3A_67 = tpu.memref_slice %arg11[%dma_start3A_56, %dma_start3A_66] : memref<4x576xi32, #tpu.memory_space<vmem>> -> memref<1x576xi32, #tpu.memory_space<vmem>>
    %dma_start3A_68 = tpu.memref_squeeze %dma_start3A_67 : memref<1x576xi32, #tpu.memory_space<vmem>> -> memref<576xi32, #tpu.memory_space<vmem>>
    %dma_start3A_69 = arith.constant 0 : i32
    %dma_start3A_70 = tpu.memref_slice %dma_start3A_68[%dma_start3A_69] : memref<576xi32, #tpu.memory_space<vmem>> -> memref<576xi32, #tpu.memory_space<vmem>>
    %dma_start3A_71 = arith.constant 0 : i32
    %dma_start3A_72 = tpu.memref_slice %arg4[%dma_start3A_55, %dma_start3A_71] : memref<2x320000xi32, #tpu.memory_space<hbm>> -> memref<1x320000xi32, #tpu.memory_space<hbm>>
    %dma_start3A_73 = tpu.memref_squeeze %dma_start3A_72 : memref<1x320000xi32, #tpu.memory_space<hbm>> -> memref<320000xi32, #tpu.memory_space<hbm>>
    %dma_start3A_74 = tpu.memref_slice %dma_start3A_73[%add3A_54] : memref<320000xi32, #tpu.memory_space<hbm>> -> memref<576xi32, #tpu.memory_space<hbm>>
    tpu.enqueue_dma source(%dma_start3A_74 : memref<576xi32, #tpu.memory_space<hbm>>) target(%dma_start3A_70 : memref<576xi32, #tpu.memory_space<vmem>>) target_semaphore(%arg17 : memref<!tpu.dma_semaphore, #tpu.memory_space<semaphore_mem>>)
    %dma_start3A_75 = arith.constant 1 : i32
    %dma_start3A_76 = arith.constant 1 : i32
    %dma_start3A_77 = arith.constant 0 : i32
    %dma_start3A_78 = tpu.memref_slice %arg12[%dma_start3A_76, %dma_start3A_77] : memref<4x576xi32, #tpu.memory_space<vmem>> -> memref<1x576xi32, #tpu.memory_space<vmem>>
    %dma_start3A_79 = tpu.memref_squeeze %dma_start3A_78 : memref<1x576xi32, #tpu.memory_space<vmem>> -> memref<576xi32, #tpu.memory_space<vmem>>
    %dma_start3A_80 = arith.constant 0 : i32
    %dma_start3A_81 = tpu.memref_slice %dma_start3A_79[%dma_start3A_80] : memref<576xi32, #tpu.memory_space<vmem>> -> memref<576xi32, #tpu.memory_space<vmem>>
    %dma_start3A_82 = arith.constant 0 : i32
    %dma_start3A_83 = tpu.memref_slice %arg4[%dma_start3A_75, %dma_start3A_82] : memref<2x320000xi32, #tpu.memory_space<hbm>> -> memref<1x320000xi32, #tpu.memory_space<hbm>>
    %dma_start3A_84 = tpu.memref_squeeze %dma_start3A_83 : memref<1x320000xi32, #tpu.memory_space<hbm>> -> memref<320000xi32, #tpu.memory_space<hbm>>
    %dma_start3A_85 = tpu.memref_slice %dma_start3A_84[%add3A_54] : memref<320000xi32, #tpu.memory_space<hbm>> -> memref<576xi32, #tpu.memory_space<hbm>>
    %dma_start3A_86 = arith.constant 0 : i32
    %dma_start3A_87 = tpu.memref_slice %arg12[%dma_start3A_76, %dma_start3A_86] : memref<4x576xi32, #tpu.memory_space<vmem>> -> memref<1x576xi32, #tpu.memory_space<vmem>>
    %dma_start3A_88 = tpu.memref_squeeze %dma_start3A_87 : memref<1x576xi32, #tpu.memory_space<vmem>> -> memref<576xi32, #tpu.memory_space<vmem>>
    %dma_start3A_89 = arith.constant 0 : i32
    %dma_start3A_90 = tpu.memref_slice %dma_start3A_88[%dma_start3A_89] : memref<576xi32, #tpu.memory_space<vmem>> -> memref<576xi32, #tpu.memory_space<vmem>>
    %dma_start3A_91 = arith.constant 0 : i32
    %dma_start3A_92 = tpu.memref_slice %arg4[%dma_start3A_75, %dma_start3A_91] : memref<2x320000xi32, #tpu.memory_space<hbm>> -> memref<1x320000xi32, #tpu.memory_space<hbm>>
    %dma_start3A_93 = tpu.memref_squeeze %dma_start3A_92 : memref<1x320000xi32, #tpu.memory_space<hbm>> -> memref<320000xi32, #tpu.memory_space<hbm>>
    %dma_start3A_94 = tpu.memref_slice %dma_start3A_93[%add3A_54] : memref<320000xi32, #tpu.memory_space<hbm>> -> memref<576xi32, #tpu.memory_space<hbm>>
    tpu.enqueue_dma source(%dma_start3A_94 : memref<576xi32, #tpu.memory_space<hbm>>) target(%dma_start3A_90 : memref<576xi32, #tpu.memory_space<vmem>>) target_semaphore(%arg17 : memref<!tpu.dma_semaphore, #tpu.memory_space<semaphore_mem>>)
    %dma_wait3A = arith.constant 0 : i32
    %dma_wait3A_95 = arith.constant 0 : i32
    %dma_wait3A_96 = arith.constant 0 : i32
    %dma_wait3A_97 = tpu.memref_slice %arg11[%dma_wait3A_95, %dma_wait3A_96] : memref<4x576xi32, #tpu.memory_space<vmem>> -> memref<1x576xi32, #tpu.memory_space<vmem>>
    %dma_wait3A_98 = tpu.memref_squeeze %dma_wait3A_97 : memref<1x576xi32, #tpu.memory_space<vmem>> -> memref<576xi32, #tpu.memory_space<vmem>>
    %dma_wait3A_99 = arith.constant 0 : i32
    %dma_wait3A_100 = tpu.memref_slice %dma_wait3A_98[%dma_wait3A_99] : memref<576xi32, #tpu.memory_space<vmem>> -> memref<576xi32, #tpu.memory_space<vmem>>
    %dma_wait3A_101 = arith.constant 0 : i32
    %dma_wait3A_102 = tpu.memref_slice %arg4[%dma_wait3A, %dma_wait3A_101] : memref<2x320000xi32, #tpu.memory_space<hbm>> -> memref<1x320000xi32, #tpu.memory_space<hbm>>
    %dma_wait3A_103 = tpu.memref_squeeze %dma_wait3A_102 : memref<1x320000xi32, #tpu.memory_space<hbm>> -> memref<320000xi32, #tpu.memory_space<hbm>>
    %dma_wait3A_104 = tpu.memref_slice %dma_wait3A_103[%mul3A_11] : memref<320000xi32, #tpu.memory_space<hbm>> -> memref<576xi32, #tpu.memory_space<hbm>>
    %dma_wait3A_105 = arith.constant 0 : i32
    %dma_wait3A_106 = tpu.memref_slice %arg11[%dma_wait3A_95, %dma_wait3A_105] : memref<4x576xi32, #tpu.memory_space<vmem>> -> memref<1x576xi32, #tpu.memory_space<vmem>>
    %dma_wait3A_107 = tpu.memref_squeeze %dma_wait3A_106 : memref<1x576xi32, #tpu.memory_space<vmem>> -> memref<576xi32, #tpu.memory_space<vmem>>
    %dma_wait3A_108 = arith.constant 0 : i32
    %dma_wait3A_109 = tpu.memref_slice %dma_wait3A_107[%dma_wait3A_108] : memref<576xi32, #tpu.memory_space<vmem>> -> memref<576xi32, #tpu.memory_space<vmem>>
    %dma_wait3A_110 = arith.constant 0 : i32
    %dma_wait3A_111 = tpu.memref_slice %arg4[%dma_wait3A, %dma_wait3A_110] : memref<2x320000xi32, #tpu.memory_space<hbm>> -> memref<1x320000xi32, #tpu.memory_space<hbm>>
    %dma_wait3A_112 = tpu.memref_squeeze %dma_wait3A_111 : memref<1x320000xi32, #tpu.memory_space<hbm>> -> memref<320000xi32, #tpu.memory_space<hbm>>
    %dma_wait3A_113 = tpu.memref_slice %dma_wait3A_112[%mul3A_11] : memref<320000xi32, #tpu.memory_space<hbm>> -> memref<576xi32, #tpu.memory_space<hbm>>
    tpu.wait_dma2 semaphore(%arg17 : memref<!tpu.dma_semaphore, #tpu.memory_space<semaphore_mem>>) src(%dma_wait3A_113 : memref<576xi32, #tpu.memory_space<hbm>>) dst(%dma_wait3A_109 : memref<576xi32, #tpu.memory_space<vmem>>)
    %dma_wait3A_114 = arith.constant 1 : i32
    %dma_wait3A_115 = arith.constant 0 : i32
    %dma_wait3A_116 = arith.constant 0 : i32
    %dma_wait3A_117 = tpu.memref_slice %arg12[%dma_wait3A_115, %dma_wait3A_116] : memref<4x576xi32, #tpu.memory_space<vmem>> -> memref<1x576xi32, #tpu.memory_space<vmem>>
    %dma_wait3A_118 = tpu.memref_squeeze %dma_wait3A_117 : memref<1x576xi32, #tpu.memory_space<vmem>> -> memref<576xi32, #tpu.memory_space<vmem>>
    %dma_wait3A_119 = arith.constant 0 : i32
    %dma_wait3A_120 = tpu.memref_slice %dma_wait3A_118[%dma_wait3A_119] : memref<576xi32, #tpu.memory_space<vmem>> -> memref<576xi32, #tpu.memory_space<vmem>>
    %dma_wait3A_121 = arith.constant 0 : i32
    %dma_wait3A_122 = tpu.memref_slice %arg4[%dma_wait3A_114, %dma_wait3A_121] : memref<2x320000xi32, #tpu.memory_space<hbm>> -> memref<1x320000xi32, #tpu.memory_space<hbm>>
    %dma_wait3A_123 = tpu.memref_squeeze %dma_wait3A_122 : memref<1x320000xi32, #tpu.memory_space<hbm>> -> memref<320000xi32, #tpu.memory_space<hbm>>
    %dma_wait3A_124 = tpu.memref_slice %dma_wait3A_123[%mul3A_11] : memref<320000xi32, #tpu.memory_space<hbm>> -> memref<576xi32, #tpu.memory_space<hbm>>
    %dma_wait3A_125 = arith.constant 0 : i32
    %dma_wait3A_126 = tpu.memref_slice %arg12[%dma_wait3A_115, %dma_wait3A_125] : memref<4x576xi32, #tpu.memory_space<vmem>> -> memref<1x576xi32, #tpu.memory_space<vmem>>
    %dma_wait3A_127 = tpu.memref_squeeze %dma_wait3A_126 : memref<1x576xi32, #tpu.memory_space<vmem>> -> memref<576xi32, #tpu.memory_space<vmem>>
    %dma_wait3A_128 = arith.constant 0 : i32
    %dma_wait3A_129 = tpu.memref_slice %dma_wait3A_127[%dma_wait3A_128] : memref<576xi32, #tpu.memory_space<vmem>> -> memref<576xi32, #tpu.memory_space<vmem>>
    %dma_wait3A_130 = arith.constant 0 : i32
    %dma_wait3A_131 = tpu.memref_slice %arg4[%dma_wait3A_114, %dma_wait3A_130] : memref<2x320000xi32, #tpu.memory_space<hbm>> -> memref<1x320000xi32, #tpu.memory_space<hbm>>
    %dma_wait3A_132 = tpu.memref_squeeze %dma_wait3A_131 : memref<1x320000xi32, #tpu.memory_space<hbm>> -> memref<320000xi32, #tpu.memory_space<hbm>>
    %dma_wait3A_133 = tpu.memref_slice %dma_wait3A_132[%mul3A_11] : memref<320000xi32, #tpu.memory_space<hbm>> -> memref<576xi32, #tpu.memory_space<hbm>>
    tpu.wait_dma2 semaphore(%arg17 : memref<!tpu.dma_semaphore, #tpu.memory_space<semaphore_mem>>) src(%dma_wait3A_133 : memref<576xi32, #tpu.memory_space<hbm>>) dst(%dma_wait3A_129 : memref<576xi32, #tpu.memory_space<vmem>>)
    %dma_start3A_134 = arith.constant 0 : i32
    %dma_start3A_135 = arith.constant 0 : i32
    %dma_start3A_136 = arith.constant 0 : i32
    %dma_start3A_137 = tpu.memref_slice %arg13[%dma_start3A_135, %dma_start3A_136] : memref<576x64xf32, #tpu.memory_space<vmem>> -> memref<576x64xf32, #tpu.memory_space<vmem>>
    %dma_start3A_138 = arith.constant 0 : i32
    %dma_start3A_139 = tpu.memref_slice %arg12[%dma_start3A_134, %dma_start3A_138] : memref<4x576xi32, #tpu.memory_space<vmem>> -> memref<1x576xi32, #tpu.memory_space<vmem>>
    %dma_start3A_140 = tpu.memref_squeeze %dma_start3A_139 : memref<1x576xi32, #tpu.memory_space<vmem>> -> memref<576xi32, #tpu.memory_space<vmem>>
    %dma_start3A_141 = arith.constant 0 : i32
    %dma_start3A_142 = tpu.memref_slice %dma_start3A_140[%dma_start3A_141] : memref<576xi32, #tpu.memory_space<vmem>> -> memref<576xi32, #tpu.memory_space<vmem>>
    %dma_start3A_143 = arith.constant 0 : i32
    %dma_start3A_144 = arith.constant 0 : i32
    %dma_start3A_145 = tpu.memref_slice %arg2[%dma_start3A_143, %dma_start3A_144] : memref<10000x64xf32, #tpu.memory_space<hbm>> -> memref<10000x64xf32, #tpu.memory_space<hbm>>
    tpu.enqueue_indirect_dma source(%dma_start3A_145 : memref<10000x64xf32, #tpu.memory_space<hbm>>) target(%dma_start3A_137 : memref<576x64xf32, #tpu.memory_space<vmem>>) offsets(%dma_start3A_142 : memref<576xi32, #tpu.memory_space<vmem>>) semaphore(%arg18 : memref<!tpu.dma_semaphore, #tpu.memory_space<semaphore_mem>>)
    %dma_wait3A_146 = arith.constant 0 : i32
    %dma_wait3A_147 = arith.constant 1 : i32
    %dma_wait3A_148 = arith.constant 0 : i32
    %dma_wait3A_149 = tpu.memref_slice %arg11[%dma_wait3A_147, %dma_wait3A_148] : memref<4x576xi32, #tpu.memory_space<vmem>> -> memref<1x576xi32, #tpu.memory_space<vmem>>
    %dma_wait3A_150 = tpu.memref_squeeze %dma_wait3A_149 : memref<1x576xi32, #tpu.memory_space<vmem>> -> memref<576xi32, #tpu.memory_space<vmem>>
    %dma_wait3A_151 = arith.constant 0 : i32
    %dma_wait3A_152 = tpu.memref_slice %dma_wait3A_150[%dma_wait3A_151] : memref<576xi32, #tpu.memory_space<vmem>> -> memref<576xi32, #tpu.memory_space<vmem>>
    %dma_wait3A_153 = arith.constant 0 : i32
    %dma_wait3A_154 = tpu.memref_slice %arg4[%dma_wait3A_146, %dma_wait3A_153] : memref<2x320000xi32, #tpu.memory_space<hbm>> -> memref<1x320000xi32, #tpu.memory_space<hbm>>
    %dma_wait3A_155 = tpu.memref_squeeze %dma_wait3A_154 : memref<1x320000xi32, #tpu.memory_space<hbm>> -> memref<320000xi32, #tpu.memory_space<hbm>>
    %dma_wait3A_156 = tpu.memref_slice %dma_wait3A_155[%mul3A_11] : memref<320000xi32, #tpu.memory_space<hbm>> -> memref<576xi32, #tpu.memory_space<hbm>>
    %dma_wait3A_157 = arith.constant 0 : i32
    %dma_wait3A_158 = tpu.memref_slice %arg11[%dma_wait3A_147, %dma_wait3A_157] : memref<4x576xi32, #tpu.memory_space<vmem>> -> memref<1x576xi32, #tpu.memory_space<vmem>>
    %dma_wait3A_159 = tpu.memref_squeeze %dma_wait3A_158 : memref<1x576xi32, #tpu.memory_space<vmem>> -> memref<576xi32, #tpu.memory_space<vmem>>
    %dma_wait3A_160 = arith.constant 0 : i32
    %dma_wait3A_161 = tpu.memref_slice %dma_wait3A_159[%dma_wait3A_160] : memref<576xi32, #tpu.memory_space<vmem>> -> memref<576xi32, #tpu.memory_space<vmem>>
    %dma_wait3A_162 = arith.constant 0 : i32
    %dma_wait3A_163 = tpu.memref_slice %arg4[%dma_wait3A_146, %dma_wait3A_162] : memref<2x320000xi32, #tpu.memory_space<hbm>> -> memref<1x320000xi32, #tpu.memory_space<hbm>>
    %dma_wait3A_164 = tpu.memref_squeeze %dma_wait3A_163 : memref<1x320000xi32, #tpu.memory_space<hbm>> -> memref<320000xi32, #tpu.memory_space<hbm>>
    %dma_wait3A_165 = tpu.memref_slice %dma_wait3A_164[%mul3A_11] : memref<320000xi32, #tpu.memory_space<hbm>> -> memref<576xi32, #tpu.memory_space<hbm>>
    tpu.wait_dma2 semaphore(%arg17 : memref<!tpu.dma_semaphore, #tpu.memory_space<semaphore_mem>>) src(%dma_wait3A_165 : memref<576xi32, #tpu.memory_space<hbm>>) dst(%dma_wait3A_161 : memref<576xi32, #tpu.memory_space<vmem>>)
    %dma_wait3A_166 = arith.constant 1 : i32
    %dma_wait3A_167 = arith.constant 1 : i32
    %dma_wait3A_168 = arith.constant 0 : i32
    %dma_wait3A_169 = tpu.memref_slice %arg12[%dma_wait3A_167, %dma_wait3A_168] : memref<4x576xi32, #tpu.memory_space<vmem>> -> memref<1x576xi32, #tpu.memory_space<vmem>>
    %dma_wait3A_170 = tpu.memref_squeeze %dma_wait3A_169 : memref<1x576xi32, #tpu.memory_space<vmem>> -> memref<576xi32, #tpu.memory_space<vmem>>
    %dma_wait3A_171 = arith.constant 0 : i32
    %dma_wait3A_172 = tpu.memref_slice %dma_wait3A_170[%dma_wait3A_171] : memref<576xi32, #tpu.memory_space<vmem>> -> memref<576xi32, #tpu.memory_space<vmem>>
    %dma_wait3A_173 = arith.constant 0 : i32
    %dma_wait3A_174 = tpu.memref_slice %arg4[%dma_wait3A_166, %dma_wait3A_173] : memref<2x320000xi32, #tpu.memory_space<hbm>> -> memref<1x320000xi32, #tpu.memory_space<hbm>>
    %dma_wait3A_175 = tpu.memref_squeeze %dma_wait3A_174 : memref<1x320000xi32, #tpu.memory_space<hbm>> -> memref<320000xi32, #tpu.memory_space<hbm>>
    %dma_wait3A_176 = tpu.memref_slice %dma_wait3A_175[%mul3A_11] : memref<320000xi32, #tpu.memory_space<hbm>> -> memref<576xi32, #tpu.memory_space<hbm>>
    %dma_wait3A_177 = arith.constant 0 : i32
    %dma_wait3A_178 = tpu.memref_slice %arg12[%dma_wait3A_167, %dma_wait3A_177] : memref<4x576xi32, #tpu.memory_space<vmem>> -> memref<1x576xi32, #tpu.memory_space<vmem>>
    %dma_wait3A_179 = tpu.memref_squeeze %dma_wait3A_178 : memref<1x576xi32, #tpu.memory_space<vmem>> -> memref<576xi32, #tpu.memory_space<vmem>>
    %dma_wait3A_180 = arith.constant 0 : i32
    %dma_wait3A_181 = tpu.memref_slice %dma_wait3A_179[%dma_wait3A_180] : memref<576xi32, #tpu.memory_space<vmem>> -> memref<576xi32, #tpu.memory_space<vmem>>
    %dma_wait3A_182 = arith.constant 0 : i32
    %dma_wait3A_183 = tpu.memref_slice %arg4[%dma_wait3A_166, %dma_wait3A_182] : memref<2x320000xi32, #tpu.memory_space<hbm>> -> memref<1x320000xi32, #tpu.memory_space<hbm>>
    %dma_wait3A_184 = tpu.memref_squeeze %dma_wait3A_183 : memref<1x320000xi32, #tpu.memory_space<hbm>> -> memref<320000xi32, #tpu.memory_space<hbm>>
    %dma_wait3A_185 = tpu.memref_slice %dma_wait3A_184[%mul3A_11] : memref<320000xi32, #tpu.memory_space<hbm>> -> memref<576xi32, #tpu.memory_space<hbm>>
    tpu.wait_dma2 semaphore(%arg17 : memref<!tpu.dma_semaphore, #tpu.memory_space<semaphore_mem>>) src(%dma_wait3A_185 : memref<576xi32, #tpu.memory_space<hbm>>) dst(%dma_wait3A_181 : memref<576xi32, #tpu.memory_space<vmem>>)
    %dma_start3A_186 = arith.constant 1 : i32
    %dma_start3A_187 = arith.constant 0 : i32
    %dma_start3A_188 = arith.constant 0 : i32
    %dma_start3A_189 = tpu.memref_slice %arg14[%dma_start3A_187, %dma_start3A_188] : memref<576x64xf32, #tpu.memory_space<vmem>> -> memref<576x64xf32, #tpu.memory_space<vmem>>
    %dma_start3A_190 = arith.constant 0 : i32
    %dma_start3A_191 = tpu.memref_slice %arg12[%dma_start3A_186, %dma_start3A_190] : memref<4x576xi32, #tpu.memory_space<vmem>> -> memref<1x576xi32, #tpu.memory_space<vmem>>
    %dma_start3A_192 = tpu.memref_squeeze %dma_start3A_191 : memref<1x576xi32, #tpu.memory_space<vmem>> -> memref<576xi32, #tpu.memory_space<vmem>>
    %dma_start3A_193 = arith.constant 0 : i32
    %dma_start3A_194 = tpu.memref_slice %dma_start3A_192[%dma_start3A_193] : memref<576xi32, #tpu.memory_space<vmem>> -> memref<576xi32, #tpu.memory_space<vmem>>
    %dma_start3A_195 = arith.constant 0 : i32
    %dma_start3A_196 = arith.constant 0 : i32
    %dma_start3A_197 = tpu.memref_slice %arg2[%dma_start3A_195, %dma_start3A_196] : memref<10000x64xf32, #tpu.memory_space<hbm>> -> memref<10000x64xf32, #tpu.memory_space<hbm>>
    tpu.enqueue_indirect_dma source(%dma_start3A_197 : memref<10000x64xf32, #tpu.memory_space<hbm>>) target(%dma_start3A_189 : memref<576x64xf32, #tpu.memory_space<vmem>>) offsets(%dma_start3A_194 : memref<576xi32, #tpu.memory_space<vmem>>) semaphore(%arg19 : memref<!tpu.dma_semaphore, #tpu.memory_space<semaphore_mem>>)
    %add3A_198 = arith.constant 1152 : i32
    %add3A_199 = arith.addi %mul3A_11, %add3A_198 : i32
    %dma_start3A_200 = arith.constant 0 : i32
    %dma_start3A_201 = arith.constant 2 : i32
    %dma_start3A_202 = arith.constant 0 : i32
    %dma_start3A_203 = tpu.memref_slice %arg11[%dma_start3A_201, %dma_start3A_202] : memref<4x576xi32, #tpu.memory_space<vmem>> -> memref<1x576xi32, #tpu.memory_space<vmem>>
    %dma_start3A_204 = tpu.memref_squeeze %dma_start3A_203 : memref<1x576xi32, #tpu.memory_space<vmem>> -> memref<576xi32, #tpu.memory_space<vmem>>
    %dma_start3A_205 = arith.constant 0 : i32
    %dma_start3A_206 = tpu.memref_slice %dma_start3A_204[%dma_start3A_205] : memref<576xi32, #tpu.memory_space<vmem>> -> memref<576xi32, #tpu.memory_space<vmem>>
    %dma_start3A_207 = arith.constant 0 : i32
    %dma_start3A_208 = tpu.memref_slice %arg4[%dma_start3A_200, %dma_start3A_207] : memref<2x320000xi32, #tpu.memory_space<hbm>> -> memref<1x320000xi32, #tpu.memory_space<hbm>>
    %dma_start3A_209 = tpu.memref_squeeze %dma_start3A_208 : memref<1x320000xi32, #tpu.memory_space<hbm>> -> memref<320000xi32, #tpu.memory_space<hbm>>
    %dma_start3A_210 = tpu.memref_slice %dma_start3A_209[%add3A_199] : memref<320000xi32, #tpu.memory_space<hbm>> -> memref<576xi32, #tpu.memory_space<hbm>>
    %dma_start3A_211 = arith.constant 0 : i32
    %dma_start3A_212 = tpu.memref_slice %arg11[%dma_start3A_201, %dma_start3A_211] : memref<4x576xi32, #tpu.memory_space<vmem>> -> memref<1x576xi32, #tpu.memory_space<vmem>>
    %dma_start3A_213 = tpu.memref_squeeze %dma_start3A_212 : memref<1x576xi32, #tpu.memory_space<vmem>> -> memref<576xi32, #tpu.memory_space<vmem>>
    %dma_start3A_214 = arith.constant 0 : i32
    %dma_start3A_215 = tpu.memref_slice %dma_start3A_213[%dma_start3A_214] : memref<576xi32, #tpu.memory_space<vmem>> -> memref<576xi32, #tpu.memory_space<vmem>>
    %dma_start3A_216 = arith.constant 0 : i32
    %dma_start3A_217 = tpu.memref_slice %arg4[%dma_start3A_200, %dma_start3A_216] : memref<2x320000xi32, #tpu.memory_space<hbm>> -> memref<1x320000xi32, #tpu.memory_space<hbm>>
    %dma_start3A_218 = tpu.memref_squeeze %dma_start3A_217 : memref<1x320000xi32, #tpu.memory_space<hbm>> -> memref<320000xi32, #tpu.memory_space<hbm>>
    %dma_start3A_219 = tpu.memref_slice %dma_start3A_218[%add3A_199] : memref<320000xi32, #tpu.memory_space<hbm>> -> memref<576xi32, #tpu.memory_space<hbm>>
    tpu.enqueue_dma source(%dma_start3A_219 : memref<576xi32, #tpu.memory_space<hbm>>) target(%dma_start3A_215 : memref<576xi32, #tpu.memory_space<vmem>>) target_semaphore(%arg17 : memref<!tpu.dma_semaphore, #tpu.memory_space<semaphore_mem>>)
    %dma_start3A_220 = arith.constant 1 : i32
    %dma_start3A_221 = arith.constant 2 : i32
    %dma_start3A_222 = arith.constant 0 : i32
    %dma_start3A_223 = tpu.memref_slice %arg12[%dma_start3A_221, %dma_start3A_222] : memref<4x576xi32, #tpu.memory_space<vmem>> -> memref<1x576xi32, #tpu.memory_space<vmem>>
    %dma_start3A_224 = tpu.memref_squeeze %dma_start3A_223 : memref<1x576xi32, #tpu.memory_space<vmem>> -> memref<576xi32, #tpu.memory_space<vmem>>
    %dma_start3A_225 = arith.constant 0 : i32
    %dma_start3A_226 = tpu.memref_slice %dma_start3A_224[%dma_start3A_225] : memref<576xi32, #tpu.memory_space<vmem>> -> memref<576xi32, #tpu.memory_space<vmem>>
    %dma_start3A_227 = arith.constant 0 : i32
    %dma_start3A_228 = tpu.memref_slice %arg4[%dma_start3A_220, %dma_start3A_227] : memref<2x320000xi32, #tpu.memory_space<hbm>> -> memref<1x320000xi32, #tpu.memory_space<hbm>>
    %dma_start3A_229 = tpu.memref_squeeze %dma_start3A_228 : memref<1x320000xi32, #tpu.memory_space<hbm>> -> memref<320000xi32, #tpu.memory_space<hbm>>
    %dma_start3A_230 = tpu.memref_slice %dma_start3A_229[%add3A_199] : memref<320000xi32, #tpu.memory_space<hbm>> -> memref<576xi32, #tpu.memory_space<hbm>>
    %dma_start3A_231 = arith.constant 0 : i32
    %dma_start3A_232 = tpu.memref_slice %arg12[%dma_start3A_221, %dma_start3A_231] : memref<4x576xi32, #tpu.memory_space<vmem>> -> memref<1x576xi32, #tpu.memory_space<vmem>>
    %dma_start3A_233 = tpu.memref_squeeze %dma_start3A_232 : memref<1x576xi32, #tpu.memory_space<vmem>> -> memref<576xi32, #tpu.memory_space<vmem>>
    %dma_start3A_234 = arith.constant 0 : i32
    %dma_start3A_235 = tpu.memref_slice %dma_start3A_233[%dma_start3A_234] : memref<576xi32, #tpu.memory_space<vmem>> -> memref<576xi32, #tpu.memory_space<vmem>>
    %dma_start3A_236 = arith.constant 0 : i32
    %dma_start3A_237 = tpu.memref_slice %arg4[%dma_start3A_220, %dma_start3A_236] : memref<2x320000xi32, #tpu.memory_space<hbm>> -> memref<1x320000xi32, #tpu.memory_space<hbm>>
    %dma_start3A_238 = tpu.memref_squeeze %dma_start3A_237 : memref<1x320000xi32, #tpu.memory_space<hbm>> -> memref<320000xi32, #tpu.memory_space<hbm>>
    %dma_start3A_239 = tpu.memref_slice %dma_start3A_238[%add3A_199] : memref<320000xi32, #tpu.memory_space<hbm>> -> memref<576xi32, #tpu.memory_space<hbm>>
    tpu.enqueue_dma source(%dma_start3A_239 : memref<576xi32, #tpu.memory_space<hbm>>) target(%dma_start3A_235 : memref<576xi32, #tpu.memory_space<vmem>>) target_semaphore(%arg17 : memref<!tpu.dma_semaphore, #tpu.memory_space<semaphore_mem>>)
    %scan3A = arith.constant 0 : i32
    %scan3A_240 = arith.constant 36 : i32
    %scan3A_241 = arith.addi %scan3A, %scan3A_240 : i32
    %scan3A_242 = arith.constant 1 : i32
    scf.for %scan3A_2467 = %scan3A to %scan3A_241 step %scan3A_242  : i32 {
      %mul3A_2468 = arith.constant 16 : i32
      %mul3A_2469 = arith.muli %scan3A_2467, %mul3A_2468 : i32
      %add3A_2470 = arith.constant 0 : i32
      %add3A_2471 = arith.addi %add3A_2470, %mul3A_2469 : i32
      %get3A = arith.constant 0 : i32
      %get3A_2472 = arith.constant 0 : i32
      %get3A_2473 = tpu.memref_slice %arg11[%get3A, %get3A_2472] : memref<4x576xi32, #tpu.memory_space<vmem>> -> memref<1x576xi32, #tpu.memory_space<vmem>>
      %get3A_2474 = tpu.memref_squeeze %get3A_2473 : memref<1x576xi32, #tpu.memory_space<vmem>> -> memref<576xi32, #tpu.memory_space<vmem>>
      %get3A_2475 = arith.index_cast %add3A_2471 : i32 to index
      %get3A_2476 = tpu.vector_load %get3A_2474[%get3A_2475] {strides = array<i32>} : memref<576xi32, #tpu.memory_space<vmem>>, vector<16xi32>,
      tpu.vector_store_idx %arg15[%get3A_2476], %broadcast_in_dim3A_9 {add = true} : memref<10000xf32, #tpu.memory_space<vmem>>[vector<16xi32>], vector<16xf32>,
    }
    %scan3A_243 = arith.constant 36 : i32
    %dma_wait3A_244 = arith.constant 0 : i32
    %dma_wait3A_245 = arith.constant 0 : i32
    %dma_wait3A_246 = arith.constant 0 : i32
    %dma_wait3A_247 = tpu.memref_slice %arg13[%dma_wait3A_245, %dma_wait3A_246] : memref<576x64xf32, #tpu.memory_space<vmem>> -> memref<576x64xf32, #tpu.memory_space<vmem>>
    %dma_wait3A_248 = arith.constant 0 : i32
    %dma_wait3A_249 = tpu.memref_slice %arg12[%dma_wait3A_244, %dma_wait3A_248] : memref<4x576xi32, #tpu.memory_space<vmem>> -> memref<1x576xi32, #tpu.memory_space<vmem>>
    %dma_wait3A_250 = tpu.memref_squeeze %dma_wait3A_249 : memref<1x576xi32, #tpu.memory_space<vmem>> -> memref<576xi32, #tpu.memory_space<vmem>>
    %dma_wait3A_251 = arith.constant 0 : i32
    %dma_wait3A_252 = tpu.memref_slice %dma_wait3A_250[%dma_wait3A_251] : memref<576xi32, #tpu.memory_space<vmem>> -> memref<576xi32, #tpu.memory_space<vmem>>
    %dma_wait3A_253 = arith.constant 0 : i32
    %dma_wait3A_254 = arith.constant 0 : i32
    %dma_wait3A_255 = tpu.memref_slice %arg2[%dma_wait3A_253, %dma_wait3A_254] : memref<10000x64xf32, #tpu.memory_space<hbm>> -> memref<10000x64xf32, #tpu.memory_space<hbm>>
    tpu.wait_indirect_dma semaphore(%arg18 : memref<!tpu.dma_semaphore, #tpu.memory_space<semaphore_mem>>) src(%dma_wait3A_255 : memref<10000x64xf32, #tpu.memory_space<hbm>>) dst(%dma_wait3A_247 : memref<576x64xf32, #tpu.memory_space<vmem>>)
    %dma_start3A_256 = arith.constant 0 : i32
    %dma_start3A_257 = arith.constant 0 : i32
    %dma_start3A_258 = arith.constant 0 : i32
    %dma_start3A_259 = tpu.memref_slice %arg13[%dma_start3A_257, %dma_start3A_258] : memref<576x64xf32, #tpu.memory_space<vmem>> -> memref<576x64xf32, #tpu.memory_space<vmem>>
    %dma_start3A_260 = arith.constant 0 : i32
    %dma_start3A_261 = tpu.memref_slice %arg11[%dma_start3A_256, %dma_start3A_260] : memref<4x576xi32, #tpu.memory_space<vmem>> -> memref<1x576xi32, #tpu.memory_space<vmem>>
    %dma_start3A_262 = tpu.memref_squeeze %dma_start3A_261 : memref<1x576xi32, #tpu.memory_space<vmem>> -> memref<576xi32, #tpu.memory_space<vmem>>
    %dma_start3A_263 = arith.constant 0 : i32
    %dma_start3A_264 = tpu.memref_slice %dma_start3A_262[%dma_start3A_263] : memref<576xi32, #tpu.memory_space<vmem>> -> memref<576xi32, #tpu.memory_space<vmem>>
    %dma_start3A_265 = arith.constant 0 : i32
    %dma_start3A_266 = arith.constant 0 : i32
    %dma_start3A_267 = tpu.memref_slice %arg16[%dma_start3A_265, %dma_start3A_266] : memref<10008x64xf32, #tpu.memory_space<vmem_shared>> -> memref<10008x64xf32, #tpu.memory_space<vmem_shared>>
    tpu.enqueue_indirect_dma source(%dma_start3A_259 : memref<576x64xf32, #tpu.memory_space<vmem>>) target(%dma_start3A_267 : memref<10008x64xf32, #tpu.memory_space<vmem_shared>>) offsets(%dma_start3A_264 : memref<576xi32, #tpu.memory_space<vmem>>) semaphore(%arg20 : memref<!tpu.dma_semaphore, #tpu.memory_space<semaphore_mem>>) {add = true}
    %dma_wait3A_268 = arith.constant 0 : i32
    %dma_wait3A_269 = arith.constant 0 : i32
    %dma_wait3A_270 = arith.constant 0 : i32
    %dma_wait3A_271 = tpu.memref_slice %arg13[%dma_wait3A_269, %dma_wait3A_270] : memref<576x64xf32, #tpu.memory_space<vmem>> -> memref<576x64xf32, #tpu.memory_space<vmem>>
    %dma_wait3A_272 = arith.constant 0 : i32
    %dma_wait3A_273 = tpu.memref_slice %arg11[%dma_wait3A_268, %dma_wait3A_272] : memref<4x576xi32, #tpu.memory_space<vmem>> -> memref<1x576xi32, #tpu.memory_space<vmem>>
    %dma_wait3A_274 = tpu.memref_squeeze %dma_wait3A_273 : memref<1x576xi32, #tpu.memory_space<vmem>> -> memref<576xi32, #tpu.memory_space<vmem>>
    %dma_wait3A_275 = arith.constant 0 : i32
    %dma_wait3A_276 = tpu.memref_slice %dma_wait3A_274[%dma_wait3A_275] : memref<576xi32, #tpu.memory_space<vmem>> -> memref<576xi32, #tpu.memory_space<vmem>>
    %dma_wait3A_277 = arith.constant 0 : i32
    %dma_wait3A_278 = arith.constant 0 : i32
    %dma_wait3A_279 = tpu.memref_slice %arg16[%dma_wait3A_277, %dma_wait3A_278] : memref<10008x64xf32, #tpu.memory_space<vmem_shared>> -> memref<10008x64xf32, #tpu.memory_space<vmem_shared>>
    tpu.wait_indirect_dma semaphore(%arg20 : memref<!tpu.dma_semaphore, #tpu.memory_space<semaphore_mem>>) src(%dma_wait3A_271 : memref<576x64xf32, #tpu.memory_space<vmem>>) dst(%dma_wait3A_279 : memref<10008x64xf32, #tpu.memory_space<vmem_shared>>)
    %dma_wait3A_280 = arith.constant 0 : i32
    %dma_wait3A_281 = arith.constant 2 : i32
    %dma_wait3A_282 = arith.constant 0 : i32
    %dma_wait3A_283 = tpu.memref_slice %arg11[%dma_wait3A_281, %dma_wait3A_282] : memref<4x576xi32, #tpu.memory_space<vmem>> -> memref<1x576xi32, #tpu.memory_space<vmem>>
    %dma_wait3A_284 = tpu.memref_squeeze %dma_wait3A_283 : memref<1x576xi32, #tpu.memory_space<vmem>> -> memref<576xi32, #tpu.memory_space<vmem>>
    %dma_wait3A_285 = arith.constant 0 : i32
    %dma_wait3A_286 = tpu.memref_slice %dma_wait3A_284[%dma_wait3A_285] : memref<576xi32, #tpu.memory_space<vmem>> -> memref<576xi32, #tpu.memory_space<vmem>>
    %dma_wait3A_287 = arith.constant 0 : i32
    %dma_wait3A_288 = tpu.memref_slice %arg4[%dma_wait3A_280, %dma_wait3A_287] : memref<2x320000xi32, #tpu.memory_space<hbm>> -> memref<1x320000xi32, #tpu.memory_space<hbm>>
    %dma_wait3A_289 = tpu.memref_squeeze %dma_wait3A_288 : memref<1x320000xi32, #tpu.memory_space<hbm>> -> memref<320000xi32, #tpu.memory_space<hbm>>
    %dma_wait3A_290 = tpu.memref_slice %dma_wait3A_289[%mul3A_11] : memref<320000xi32, #tpu.memory_space<hbm>> -> memref<576xi32, #tpu.memory_space<hbm>>
    %dma_wait3A_291 = arith.constant 0 : i32
    %dma_wait3A_292 = tpu.memref_slice %arg11[%dma_wait3A_281, %dma_wait3A_291] : memref<4x576xi32, #tpu.memory_space<vmem>> -> memref<1x576xi32, #tpu.memory_space<vmem>>
    %dma_wait3A_293 = tpu.memref_squeeze %dma_wait3A_292 : memref<1x576xi32, #tpu.memory_space<vmem>> -> memref<576xi32, #tpu.memory_space<vmem>>
    %dma_wait3A_294 = arith.constant 0 : i32
    %dma_wait3A_295 = tpu.memref_slice %dma_wait3A_293[%dma_wait3A_294] : memref<576xi32, #tpu.memory_space<vmem>> -> memref<576xi32, #tpu.memory_space<vmem>>
    %dma_wait3A_296 = arith.constant 0 : i32
    %dma_wait3A_297 = tpu.memref_slice %arg4[%dma_wait3A_280, %dma_wait3A_296] : memref<2x320000xi32, #tpu.memory_space<hbm>> -> memref<1x320000xi32, #tpu.memory_space<hbm>>
    %dma_wait3A_298 = tpu.memref_squeeze %dma_wait3A_297 : memref<1x320000xi32, #tpu.memory_space<hbm>> -> memref<320000xi32, #tpu.memory_space<hbm>>
    %dma_wait3A_299 = tpu.memref_slice %dma_wait3A_298[%mul3A_11] : memref<320000xi32, #tpu.memory_space<hbm>> -> memref<576xi32, #tpu.memory_space<hbm>>
    tpu.wait_dma2 semaphore(%arg17 : memref<!tpu.dma_semaphore, #tpu.memory_space<semaphore_mem>>) src(%dma_wait3A_299 : memref<576xi32, #tpu.memory_space<hbm>>) dst(%dma_wait3A_295 : memref<576xi32, #tpu.memory_space<vmem>>)
    %dma_wait3A_300 = arith.constant 1 : i32
    %dma_wait3A_301 = arith.constant 2 : i32
    %dma_wait3A_302 = arith.constant 0 : i32
    %dma_wait3A_303 = tpu.memref_slice %arg12[%dma_wait3A_301, %dma_wait3A_302] : memref<4x576xi32, #tpu.memory_space<vmem>> -> memref<1x576xi32, #tpu.memory_space<vmem>>
    %dma_wait3A_304 = tpu.memref_squeeze %dma_wait3A_303 : memref<1x576xi32, #tpu.memory_space<vmem>> -> memref<576xi32, #tpu.memory_space<vmem>>
    %dma_wait3A_305 = arith.constant 0 : i32
    %dma_wait3A_306 = tpu.memref_slice %dma_wait3A_304[%dma_wait3A_305] : memref<576xi32, #tpu.memory_space<vmem>> -> memref<576xi32, #tpu.memory_space<vmem>>
    %dma_wait3A_307 = arith.constant 0 : i32
    %dma_wait3A_308 = tpu.memref_slice %arg4[%dma_wait3A_300, %dma_wait3A_307] : memref<2x320000xi32, #tpu.memory_space<hbm>> -> memref<1x320000xi32, #tpu.memory_space<hbm>>
    %dma_wait3A_309 = tpu.memref_squeeze %dma_wait3A_308 : memref<1x320000xi32, #tpu.memory_space<hbm>> -> memref<320000xi32, #tpu.memory_space<hbm>>
    %dma_wait3A_310 = tpu.memref_slice %dma_wait3A_309[%mul3A_11] : memref<320000xi32, #tpu.memory_space<hbm>> -> memref<576xi32, #tpu.memory_space<hbm>>
    %dma_wait3A_311 = arith.constant 0 : i32
    %dma_wait3A_312 = tpu.memref_slice %arg12[%dma_wait3A_301, %dma_wait3A_311] : memref<4x576xi32, #tpu.memory_space<vmem>> -> memref<1x576xi32, #tpu.memory_space<vmem>>
    %dma_wait3A_313 = tpu.memref_squeeze %dma_wait3A_312 : memref<1x576xi32, #tpu.memory_space<vmem>> -> memref<576xi32, #tpu.memory_space<vmem>>
    %dma_wait3A_314 = arith.constant 0 : i32
    %dma_wait3A_315 = tpu.memref_slice %dma_wait3A_313[%dma_wait3A_314] : memref<576xi32, #tpu.memory_space<vmem>> -> memref<576xi32, #tpu.memory_space<vmem>>
    %dma_wait3A_316 = arith.constant 0 : i32
    %dma_wait3A_317 = tpu.memref_slice %arg4[%dma_wait3A_300, %dma_wait3A_316] : memref<2x320000xi32, #tpu.memory_space<hbm>> -> memref<1x320000xi32, #tpu.memory_space<hbm>>
    %dma_wait3A_318 = tpu.memref_squeeze %dma_wait3A_317 : memref<1x320000xi32, #tpu.memory_space<hbm>> -> memref<320000xi32, #tpu.memory_space<hbm>>
    %dma_wait3A_319 = tpu.memref_slice %dma_wait3A_318[%mul3A_11] : memref<320000xi32, #tpu.memory_space<hbm>> -> memref<576xi32, #tpu.memory_space<hbm>>
    tpu.wait_dma2 semaphore(%arg17 : memref<!tpu.dma_semaphore, #tpu.memory_space<semaphore_mem>>) src(%dma_wait3A_319 : memref<576xi32, #tpu.memory_space<hbm>>) dst(%dma_wait3A_315 : memref<576xi32, #tpu.memory_space<vmem>>)
    %dma_start3A_320 = arith.constant 2 : i32
    %dma_start3A_321 = arith.constant 0 : i32
    %dma_start3A_322 = arith.constant 0 : i32
    %dma_start3A_323 = tpu.memref_slice %arg13[%dma_start3A_321, %dma_start3A_322] : memref<576x64xf32, #tpu.memory_space<vmem>> -> memref<576x64xf32, #tpu.memory_space<vmem>>
    %dma_start3A_324 = arith.constant 0 : i32
    %dma_start3A_325 = tpu.memref_slice %arg12[%dma_start3A_320, %dma_start3A_324] : memref<4x576xi32, #tpu.memory_space<vmem>> -> memref<1x576xi32, #tpu.memory_space<vmem>>
    %dma_start3A_326 = tpu.memref_squeeze %dma_start3A_325 : memref<1x576xi32, #tpu.memory_space<vmem>> -> memref<576xi32, #tpu.memory_space<vmem>>
    %dma_start3A_327 = arith.constant 0 : i32
    %dma_start3A_328 = tpu.memref_slice %dma_start3A_326[%dma_start3A_327] : memref<576xi32, #tpu.memory_space<vmem>> -> memref<576xi32, #tpu.memory_space<vmem>>
    %dma_start3A_329 = arith.constant 0 : i32
    %dma_start3A_330 = arith.constant 0 : i32
    %dma_start3A_331 = tpu.memref_slice %arg2[%dma_start3A_329, %dma_start3A_330] : memref<10000x64xf32, #tpu.memory_space<hbm>> -> memref<10000x64xf32, #tpu.memory_space<hbm>>
    tpu.enqueue_indirect_dma source(%dma_start3A_331 : memref<10000x64xf32, #tpu.memory_space<hbm>>) target(%dma_start3A_323 : memref<576x64xf32, #tpu.memory_space<vmem>>) offsets(%dma_start3A_328 : memref<576xi32, #tpu.memory_space<vmem>>) semaphore(%arg18 : memref<!tpu.dma_semaphore, #tpu.memory_space<semaphore_mem>>)
    %add3A_332 = arith.constant 1728 : i32
    %add3A_333 = arith.addi %mul3A_11, %add3A_332 : i32
    %dma_start3A_334 = arith.constant 0 : i32
    %dma_start3A_335 = arith.constant 3 : i32
    %dma_start3A_336 = arith.constant 0 : i32
    %dma_start3A_337 = tpu.memref_slice %arg11[%dma_start3A_335, %dma_start3A_336] : memref<4x576xi32, #tpu.memory_space<vmem>> -> memref<1x576xi32, #tpu.memory_space<vmem>>
    %dma_start3A_338 = tpu.memref_squeeze %dma_start3A_337 : memref<1x576xi32, #tpu.memory_space<vmem>> -> memref<576xi32, #tpu.memory_space<vmem>>
    %dma_start3A_339 = arith.constant 0 : i32
    %dma_start3A_340 = tpu.memref_slice %dma_start3A_338[%dma_start3A_339] : memref<576xi32, #tpu.memory_space<vmem>> -> memref<576xi32, #tpu.memory_space<vmem>>
    %dma_start3A_341 = arith.constant 0 : i32
    %dma_start3A_342 = tpu.memref_slice %arg4[%dma_start3A_334, %dma_start3A_341] : memref<2x320000xi32, #tpu.memory_space<hbm>> -> memref<1x320000xi32, #tpu.memory_space<hbm>>
    %dma_start3A_343 = tpu.memref_squeeze %dma_start3A_342 : memref<1x320000xi32, #tpu.memory_space<hbm>> -> memref<320000xi32, #tpu.memory_space<hbm>>
    %dma_start3A_344 = tpu.memref_slice %dma_start3A_343[%add3A_333] : memref<320000xi32, #tpu.memory_space<hbm>> -> memref<576xi32, #tpu.memory_space<hbm>>
    %dma_start3A_345 = arith.constant 0 : i32
    %dma_start3A_346 = tpu.memref_slice %arg11[%dma_start3A_335, %dma_start3A_345] : memref<4x576xi32, #tpu.memory_space<vmem>> -> memref<1x576xi32, #tpu.memory_space<vmem>>
    %dma_start3A_347 = tpu.memref_squeeze %dma_start3A_346 : memref<1x576xi32, #tpu.memory_space<vmem>> -> memref<576xi32, #tpu.memory_space<vmem>>
    %dma_start3A_348 = arith.constant 0 : i32
    %dma_start3A_349 = tpu.memref_slice %dma_start3A_347[%dma_start3A_348] : memref<576xi32, #tpu.memory_space<vmem>> -> memref<576xi32, #tpu.memory_space<vmem>>
    %dma_start3A_350 = arith.constant 0 : i32
    %dma_start3A_351 = tpu.memref_slice %arg4[%dma_start3A_334, %dma_start3A_350] : memref<2x320000xi32, #tpu.memory_space<hbm>> -> memref<1x320000xi32, #tpu.memory_space<hbm>>
    %dma_start3A_352 = tpu.memref_squeeze %dma_start3A_351 : memref<1x320000xi32, #tpu.memory_space<hbm>> -> memref<320000xi32, #tpu.memory_space<hbm>>
    %dma_start3A_353 = tpu.memref_slice %dma_start3A_352[%add3A_333] : memref<320000xi32, #tpu.memory_space<hbm>> -> memref<576xi32, #tpu.memory_space<hbm>>
    tpu.enqueue_dma source(%dma_start3A_353 : memref<576xi32, #tpu.memory_space<hbm>>) target(%dma_start3A_349 : memref<576xi32, #tpu.memory_space<vmem>>) target_semaphore(%arg17 : memref<!tpu.dma_semaphore, #tpu.memory_space<semaphore_mem>>)
    %dma_start3A_354 = arith.constant 1 : i32
    %dma_start3A_355 = arith.constant 3 : i32
    %dma_start3A_356 = arith.constant 0 : i32
    %dma_start3A_357 = tpu.memref_slice %arg12[%dma_start3A_355, %dma_start3A_356] : memref<4x576xi32, #tpu.memory_space<vmem>> -> memref<1x576xi32, #tpu.memory_space<vmem>>
    %dma_start3A_358 = tpu.memref_squeeze %dma_start3A_357 : memref<1x576xi32, #tpu.memory_space<vmem>> -> memref<576xi32, #tpu.memory_space<vmem>>
    %dma_start3A_359 = arith.constant 0 : i32
    %dma_start3A_360 = tpu.memref_slice %dma_start3A_358[%dma_start3A_359] : memref<576xi32, #tpu.memory_space<vmem>> -> memref<576xi32, #tpu.memory_space<vmem>>
    %dma_start3A_361 = arith.constant 0 : i32
    %dma_start3A_362 = tpu.memref_slice %arg4[%dma_start3A_354, %dma_start3A_361] : memref<2x320000xi32, #tpu.memory_space<hbm>> -> memref<1x320000xi32, #tpu.memory_space<hbm>>
    %dma_start3A_363 = tpu.memref_squeeze %dma_start3A_362 : memref<1x320000xi32, #tpu.memory_space<hbm>> -> memref<320000xi32, #tpu.memory_space<hbm>>
    %dma_start3A_364 = tpu.memref_slice %dma_start3A_363[%add3A_333] : memref<320000xi32, #tpu.memory_space<hbm>> -> memref<576xi32, #tpu.memory_space<hbm>>
    %dma_start3A_365 = arith.constant 0 : i32
    %dma_start3A_366 = tpu.memref_slice %arg12[%dma_start3A_355, %dma_start3A_365] : memref<4x576xi32, #tpu.memory_space<vmem>> -> memref<1x576xi32, #tpu.memory_space<vmem>>
    %dma_start3A_367 = tpu.memref_squeeze %dma_start3A_366 : memref<1x576xi32, #tpu.memory_space<vmem>> -> memref<576xi32, #tpu.memory_space<vmem>>
    %dma_start3A_368 = arith.constant 0 : i32
    %dma_start3A_369 = tpu.memref_slice %dma_start3A_367[%dma_start3A_368] : memref<576xi32, #tpu.memory_space<vmem>> -> memref<576xi32, #tpu.memory_space<vmem>>
    %dma_start3A_370 = arith.constant 0 : i32
    %dma_start3A_371 = tpu.memref_slice %arg4[%dma_start3A_354, %dma_start3A_370] : memref<2x320000xi32, #tpu.memory_space<hbm>> -> memref<1x320000xi32, #tpu.memory_space<hbm>>
    %dma_start3A_372 = tpu.memref_squeeze %dma_start3A_371 : memref<1x320000xi32, #tpu.memory_space<hbm>> -> memref<320000xi32, #tpu.memory_space<hbm>>
    %dma_start3A_373 = tpu.memref_slice %dma_start3A_372[%add3A_333] : memref<320000xi32, #tpu.memory_space<hbm>> -> memref<576xi32, #tpu.memory_space<hbm>>
    tpu.enqueue_dma source(%dma_start3A_373 : memref<576xi32, #tpu.memory_space<hbm>>) target(%dma_start3A_369 : memref<576xi32, #tpu.memory_space<vmem>>) target_semaphore(%arg17 : memref<!tpu.dma_semaphore, #tpu.memory_space<semaphore_mem>>)
    %scan3A_374 = arith.constant 0 : i32
    %scan3A_375 = arith.constant 36 : i32
    %scan3A_376 = arith.addi %scan3A_374, %scan3A_375 : i32
    %scan3A_377 = arith.constant 1 : i32
    scf.for %scan3A_2467 = %scan3A_374 to %scan3A_376 step %scan3A_377  : i32 {
      %mul3A_2468 = arith.constant 16 : i32
      %mul3A_2469 = arith.muli %scan3A_2467, %mul3A_2468 : i32
      %add3A_2470 = arith.constant 0 : i32
      %add3A_2471 = arith.addi %add3A_2470, %mul3A_2469 : i32
      %get3A = arith.constant 1 : i32
      %get3A_2472 = arith.constant 0 : i32
      %get3A_2473 = tpu.memref_slice %arg11[%get3A, %get3A_2472] : memref<4x576xi32, #tpu.memory_space<vmem>> -> memref<1x576xi32, #tpu.memory_space<vmem>>
      %get3A_2474 = tpu.memref_squeeze %get3A_2473 : memref<1x576xi32, #tpu.memory_space<vmem>> -> memref<576xi32, #tpu.memory_space<vmem>>
      %get3A_2475 = arith.index_cast %add3A_2471 : i32 to index
      %get3A_2476 = tpu.vector_load %get3A_2474[%get3A_2475] {strides = array<i32>} : memref<576xi32, #tpu.memory_space<vmem>>, vector<16xi32>,
      tpu.vector_store_idx %arg15[%get3A_2476], %broadcast_in_dim3A_9 {add = true} : memref<10000xf32, #tpu.memory_space<vmem>>[vector<16xi32>], vector<16xf32>,
    }
    %scan3A_378 = arith.constant 36 : i32
    %dma_wait3A_379 = arith.constant 1 : i32
    %dma_wait3A_380 = arith.constant 0 : i32
    %dma_wait3A_381 = arith.constant 0 : i32
    %dma_wait3A_382 = tpu.memref_slice %arg14[%dma_wait3A_380, %dma_wait3A_381] : memref<576x64xf32, #tpu.memory_space<vmem>> -> memref<576x64xf32, #tpu.memory_space<vmem>>
    %dma_wait3A_383 = arith.constant 0 : i32
    %dma_wait3A_384 = tpu.memref_slice %arg12[%dma_wait3A_379, %dma_wait3A_383] : memref<4x576xi32, #tpu.memory_space<vmem>> -> memref<1x576xi32, #tpu.memory_space<vmem>>
    %dma_wait3A_385 = tpu.memref_squeeze %dma_wait3A_384 : memref<1x576xi32, #tpu.memory_space<vmem>> -> memref<576xi32, #tpu.memory_space<vmem>>
    %dma_wait3A_386 = arith.constant 0 : i32
    %dma_wait3A_387 = tpu.memref_slice %dma_wait3A_385[%dma_wait3A_386] : memref<576xi32, #tpu.memory_space<vmem>> -> memref<576xi32, #tpu.memory_space<vmem>>
    %dma_wait3A_388 = arith.constant 0 : i32
    %dma_wait3A_389 = arith.constant 0 : i32
    %dma_wait3A_390 = tpu.memref_slice %arg2[%dma_wait3A_388, %dma_wait3A_389] : memref<10000x64xf32, #tpu.memory_space<hbm>> -> memref<10000x64xf32, #tpu.memory_space<hbm>>
    tpu.wait_indirect_dma semaphore(%arg19 : memref<!tpu.dma_semaphore, #tpu.memory_space<semaphore_mem>>) src(%dma_wait3A_390 : memref<10000x64xf32, #tpu.memory_space<hbm>>) dst(%dma_wait3A_382 : memref<576x64xf32, #tpu.memory_space<vmem>>)
    %dma_start3A_391 = arith.constant 1 : i32
    %dma_start3A_392 = arith.constant 0 : i32
    %dma_start3A_393 = arith.constant 0 : i32
    %dma_start3A_394 = tpu.memref_slice %arg14[%dma_start3A_392, %dma_start3A_393] : memref<576x64xf32, #tpu.memory_space<vmem>> -> memref<576x64xf32, #tpu.memory_space<vmem>>
    %dma_start3A_395 = arith.constant 0 : i32
    %dma_start3A_396 = tpu.memref_slice %arg11[%dma_start3A_391, %dma_start3A_395] : memref<4x576xi32, #tpu.memory_space<vmem>> -> memref<1x576xi32, #tpu.memory_space<vmem>>
    %dma_start3A_397 = tpu.memref_squeeze %dma_start3A_396 : memref<1x576xi32, #tpu.memory_space<vmem>> -> memref<576xi32, #tpu.memory_space<vmem>>
    %dma_start3A_398 = arith.constant 0 : i32
    %dma_start3A_399 = tpu.memref_slice %dma_start3A_397[%dma_start3A_398] : memref<576xi32, #tpu.memory_space<vmem>> -> memref<576xi32, #tpu.memory_space<vmem>>
    %dma_start3A_400 = arith.constant 0 : i32
    %dma_start3A_401 = arith.constant 0 : i32
    %dma_start3A_402 = tpu.memref_slice %arg16[%dma_start3A_400, %dma_start3A_401] : memref<10008x64xf32, #tpu.memory_space<vmem_shared>> -> memref<10008x64xf32, #tpu.memory_space<vmem_shared>>
    tpu.enqueue_indirect_dma source(%dma_start3A_394 : memref<576x64xf32, #tpu.memory_space<vmem>>) target(%dma_start3A_402 : memref<10008x64xf32, #tpu.memory_space<vmem_shared>>) offsets(%dma_start3A_399 : memref<576xi32, #tpu.memory_space<vmem>>) semaphore(%arg20 : memref<!tpu.dma_semaphore, #tpu.memory_space<semaphore_mem>>) {add = true}
    %dma_wait3A_403 = arith.constant 1 : i32
    %dma_wait3A_404 = arith.constant 0 : i32
    %dma_wait3A_405 = arith.constant 0 : i32
    %dma_wait3A_406 = tpu.memref_slice %arg14[%dma_wait3A_404, %dma_wait3A_405] : memref<576x64xf32, #tpu.memory_space<vmem>> -> memref<576x64xf32, #tpu.memory_space<vmem>>
    %dma_wait3A_407 = arith.constant 0 : i32
    %dma_wait3A_408 = tpu.memref_slice %arg11[%dma_wait3A_403, %dma_wait3A_407] : memref<4x576xi32, #tpu.memory_space<vmem>> -> memref<1x576xi32, #tpu.memory_space<vmem>>
    %dma_wait3A_409 = tpu.memref_squeeze %dma_wait3A_408 : memref<1x576xi32, #tpu.memory_space<vmem>> -> memref<576xi32, #tpu.memory_space<vmem>>
    %dma_wait3A_410 = arith.constant 0 : i32
    %dma_wait3A_411 = tpu.memref_slice %dma_wait3A_409[%dma_wait3A_410] : memref<576xi32, #tpu.memory_space<vmem>> -> memref<576xi32, #tpu.memory_space<vmem>>
    %dma_wait3A_412 = arith.constant 0 : i32
    %dma_wait3A_413 = arith.constant 0 : i32
    %dma_wait3A_414 = tpu.memref_slice %arg16[%dma_wait3A_412, %dma_wait3A_413] : memref<10008x64xf32, #tpu.memory_space<vmem_shared>> -> memref<10008x64xf32, #tpu.memory_space<vmem_shared>>
    tpu.wait_indirect_dma semaphore(%arg20 : memref<!tpu.dma_semaphore, #tpu.memory_space<semaphore_mem>>) src(%dma_wait3A_406 : memref<576x64xf32, #tpu.memory_space<vmem>>) dst(%dma_wait3A_414 : memref<10008x64xf32, #tpu.memory_space<vmem_shared>>)
    %dma_wait3A_415 = arith.constant 0 : i32
    %dma_wait3A_416 = arith.constant 3 : i32
    %dma_wait3A_417 = arith.constant 0 : i32
    %dma_wait3A_418 = tpu.memref_slice %arg11[%dma_wait3A_416, %dma_wait3A_417] : memref<4x576xi32, #tpu.memory_space<vmem>> -> memref<1x576xi32, #tpu.memory_space<vmem>>
    %dma_wait3A_419 = tpu.memref_squeeze %dma_wait3A_418 : memref<1x576xi32, #tpu.memory_space<vmem>> -> memref<576xi32, #tpu.memory_space<vmem>>
    %dma_wait3A_420 = arith.constant 0 : i32
    %dma_wait3A_421 = tpu.memref_slice %dma_wait3A_419[%dma_wait3A_420] : memref<576xi32, #tpu.memory_space<vmem>> -> memref<576xi32, #tpu.memory_space<vmem>>
    %dma_wait3A_422 = arith.constant 0 : i32
    %dma_wait3A_423 = tpu.memref_slice %arg4[%dma_wait3A_415, %dma_wait3A_422] : memref<2x320000xi32, #tpu.memory_space<hbm>> -> memref<1x320000xi32, #tpu.memory_space<hbm>>
    %dma_wait3A_424 = tpu.memref_squeeze %dma_wait3A_423 : memref<1x320000xi32, #tpu.memory_space<hbm>> -> memref<320000xi32, #tpu.memory_space<hbm>>
    %dma_wait3A_425 = tpu.memref_slice %dma_wait3A_424[%mul3A_11] : memref<320000xi32, #tpu.memory_space<hbm>> -> memref<576xi32, #tpu.memory_space<hbm>>
    %dma_wait3A_426 = arith.constant 0 : i32
    %dma_wait3A_427 = tpu.memref_slice %arg11[%dma_wait3A_416, %dma_wait3A_426] : memref<4x576xi32, #tpu.memory_space<vmem>> -> memref<1x576xi32, #tpu.memory_space<vmem>>
    %dma_wait3A_428 = tpu.memref_squeeze %dma_wait3A_427 : memref<1x576xi32, #tpu.memory_space<vmem>> -> memref<576xi32, #tpu.memory_space<vmem>>
    %dma_wait3A_429 = arith.constant 0 : i32
    %dma_wait3A_430 = tpu.memref_slice %dma_wait3A_428[%dma_wait3A_429] : memref<576xi32, #tpu.memory_space<vmem>> -> memref<576xi32, #tpu.memory_space<vmem>>
    %dma_wait3A_431 = arith.constant 0 : i32
    %dma_wait3A_432 = tpu.memref_slice %arg4[%dma_wait3A_415, %dma_wait3A_431] : memref<2x320000xi32, #tpu.memory_space<hbm>> -> memref<1x320000xi32, #tpu.memory_space<hbm>>
    %dma_wait3A_433 = tpu.memref_squeeze %dma_wait3A_432 : memref<1x320000xi32, #tpu.memory_space<hbm>> -> memref<320000xi32, #tpu.memory_space<hbm>>
    %dma_wait3A_434 = tpu.memref_slice %dma_wait3A_433[%mul3A_11] : memref<320000xi32, #tpu.memory_space<hbm>> -> memref<576xi32, #tpu.memory_space<hbm>>
    tpu.wait_dma2 semaphore(%arg17 : memref<!tpu.dma_semaphore, #tpu.memory_space<semaphore_mem>>) src(%dma_wait3A_434 : memref<576xi32, #tpu.memory_space<hbm>>) dst(%dma_wait3A_430 : memref<576xi32, #tpu.memory_space<vmem>>)
    %dma_wait3A_435 = arith.constant 1 : i32
    %dma_wait3A_436 = arith.constant 3 : i32
    %dma_wait3A_437 = arith.constant 0 : i32
    %dma_wait3A_438 = tpu.memref_slice %arg12[%dma_wait3A_436, %dma_wait3A_437] : memref<4x576xi32, #tpu.memory_space<vmem>> -> memref<1x576xi32, #tpu.memory_space<vmem>>
    %dma_wait3A_439 = tpu.memref_squeeze %dma_wait3A_438 : memref<1x576xi32, #tpu.memory_space<vmem>> -> memref<576xi32, #tpu.memory_space<vmem>>
    %dma_wait3A_440 = arith.constant 0 : i32
    %dma_wait3A_441 = tpu.memref_slice %dma_wait3A_439[%dma_wait3A_440] : memref<576xi32, #tpu.memory_space<vmem>> -> memref<576xi32, #tpu.memory_space<vmem>>
    %dma_wait3A_442 = arith.constant 0 : i32
    %dma_wait3A_443 = tpu.memref_slice %arg4[%dma_wait3A_435, %dma_wait3A_442] : memref<2x320000xi32, #tpu.memory_space<hbm>> -> memref<1x320000xi32, #tpu.memory_space<hbm>>
    %dma_wait3A_444 = tpu.memref_squeeze %dma_wait3A_443 : memref<1x320000xi32, #tpu.memory_space<hbm>> -> memref<320000xi32, #tpu.memory_space<hbm>>
    %dma_wait3A_445 = tpu.memref_slice %dma_wait3A_444[%mul3A_11] : memref<320000xi32, #tpu.memory_space<hbm>> -> memref<576xi32, #tpu.memory_space<hbm>>
    %dma_wait3A_446 = arith.constant 0 : i32
    %dma_wait3A_447 = tpu.memref_slice %arg12[%dma_wait3A_436, %dma_wait3A_446] : memref<4x576xi32, #tpu.memory_space<vmem>> -> memref<1x576xi32, #tpu.memory_space<vmem>>
    %dma_wait3A_448 = tpu.memref_squeeze %dma_wait3A_447 : memref<1x576xi32, #tpu.memory_space<vmem>> -> memref<576xi32, #tpu.memory_space<vmem>>
    %dma_wait3A_449 = arith.constant 0 : i32
    %dma_wait3A_450 = tpu.memref_slice %dma_wait3A_448[%dma_wait3A_449] : memref<576xi32, #tpu.memory_space<vmem>> -> memref<576xi32, #tpu.memory_space<vmem>>
    %dma_wait3A_451 = arith.constant 0 : i32
    %dma_wait3A_452 = tpu.memref_slice %arg4[%dma_wait3A_435, %dma_wait3A_451] : memref<2x320000xi32, #tpu.memory_space<hbm>> -> memref<1x320000xi32, #tpu.memory_space<hbm>>
    %dma_wait3A_453 = tpu.memref_squeeze %dma_wait3A_452 : memref<1x320000xi32, #tpu.memory_space<hbm>> -> memref<320000xi32, #tpu.memory_space<hbm>>
    %dma_wait3A_454 = tpu.memref_slice %dma_wait3A_453[%mul3A_11] : memref<320000xi32, #tpu.memory_space<hbm>> -> memref<576xi32, #tpu.memory_space<hbm>>
    tpu.wait_dma2 semaphore(%arg17 : memref<!tpu.dma_semaphore, #tpu.memory_space<semaphore_mem>>) src(%dma_wait3A_454 : memref<576xi32, #tpu.memory_space<hbm>>) dst(%dma_wait3A_450 : memref<576xi32, #tpu.memory_space<vmem>>)
    %dma_start3A_455 = arith.constant 3 : i32
    %dma_start3A_456 = arith.constant 0 : i32
    %dma_start3A_457 = arith.constant 0 : i32
    %dma_start3A_458 = tpu.memref_slice %arg14[%dma_start3A_456, %dma_start3A_457] : memref<576x64xf32, #tpu.memory_space<vmem>> -> memref<576x64xf32, #tpu.memory_space<vmem>>
    %dma_start3A_459 = arith.constant 0 : i32
    %dma_start3A_460 = tpu.memref_slice %arg12[%dma_start3A_455, %dma_start3A_459] : memref<4x576xi32, #tpu.memory_space<vmem>> -> memref<1x576xi32, #tpu.memory_space<vmem>>
    %dma_start3A_461 = tpu.memref_squeeze %dma_start3A_460 : memref<1x576xi32, #tpu.memory_space<vmem>> -> memref<576xi32, #tpu.memory_space<vmem>>
    %dma_start3A_462 = arith.constant 0 : i32
    %dma_start3A_463 = tpu.memref_slice %dma_start3A_461[%dma_start3A_462] : memref<576xi32, #tpu.memory_space<vmem>> -> memref<576xi32, #tpu.memory_space<vmem>>
    %dma_start3A_464 = arith.constant 0 : i32
    %dma_start3A_465 = arith.constant 0 : i32
    %dma_start3A_466 = tpu.memref_slice %arg2[%dma_start3A_464, %dma_start3A_465] : memref<10000x64xf32, #tpu.memory_space<hbm>> -> memref<10000x64xf32, #tpu.memory_space<hbm>>
    tpu.enqueue_indirect_dma source(%dma_start3A_466 : memref<10000x64xf32, #tpu.memory_space<hbm>>) target(%dma_start3A_458 : memref<576x64xf32, #tpu.memory_space<vmem>>) offsets(%dma_start3A_463 : memref<576xi32, #tpu.memory_space<vmem>>) semaphore(%arg19 : memref<!tpu.dma_semaphore, #tpu.memory_space<semaphore_mem>>)
    %add3A_467 = arith.constant 2304 : i32
    %add3A_468 = arith.addi %mul3A_11, %add3A_467 : i32
    %dma_start3A_469 = arith.constant 0 : i32
    %dma_start3A_470 = arith.constant 0 : i32
    %dma_start3A_471 = arith.constant 0 : i32
    %dma_start3A_472 = tpu.memref_slice %arg11[%dma_start3A_470, %dma_start3A_471] : memref<4x576xi32, #tpu.memory_space<vmem>> -> memref<1x576xi32, #tpu.memory_space<vmem>>
    %dma_start3A_473 = tpu.memref_squeeze %dma_start3A_472 : memref<1x576xi32, #tpu.memory_space<vmem>> -> memref<576xi32, #tpu.memory_space<vmem>>
    %dma_start3A_474 = arith.constant 0 : i32
    %dma_start3A_475 = tpu.memref_slice %dma_start3A_473[%dma_start3A_474] : memref<576xi32, #tpu.memory_space<vmem>> -> memref<576xi32, #tpu.memory_space<vmem>>
    %dma_start3A_476 = arith.constant 0 : i32
    %dma_start3A_477 = tpu.memref_slice %arg4[%dma_start3A_469, %dma_start3A_476] : memref<2x320000xi32, #tpu.memory_space<hbm>> -> memref<1x320000xi32, #tpu.memory_space<hbm>>
    %dma_start3A_478 = tpu.memref_squeeze %dma_start3A_477 : memref<1x320000xi32, #tpu.memory_space<hbm>> -> memref<320000xi32, #tpu.memory_space<hbm>>
    %dma_start3A_479 = tpu.memref_slice %dma_start3A_478[%add3A_468] : memref<320000xi32, #tpu.memory_space<hbm>> -> memref<576xi32, #tpu.memory_space<hbm>>
    %dma_start3A_480 = arith.constant 0 : i32
    %dma_start3A_481 = tpu.memref_slice %arg11[%dma_start3A_470, %dma_start3A_480] : memref<4x576xi32, #tpu.memory_space<vmem>> -> memref<1x576xi32, #tpu.memory_space<vmem>>
    %dma_start3A_482 = tpu.memref_squeeze %dma_start3A_481 : memref<1x576xi32, #tpu.memory_space<vmem>> -> memref<576xi32, #tpu.memory_space<vmem>>
    %dma_start3A_483 = arith.constant 0 : i32
    %dma_start3A_484 = tpu.memref_slice %dma_start3A_482[%dma_start3A_483] : memref<576xi32, #tpu.memory_space<vmem>> -> memref<576xi32, #tpu.memory_space<vmem>>
    %dma_start3A_485 = arith.constant 0 : i32
    %dma_start3A_486 = tpu.memref_slice %arg4[%dma_start3A_469, %dma_start3A_485] : memref<2x320000xi32, #tpu.memory_space<hbm>> -> memref<1x320000xi32, #tpu.memory_space<hbm>>
    %dma_start3A_487 = tpu.memref_squeeze %dma_start3A_486 : memref<1x320000xi32, #tpu.memory_space<hbm>> -> memref<320000xi32, #tpu.memory_space<hbm>>
    %dma_start3A_488 = tpu.memref_slice %dma_start3A_487[%add3A_468] : memref<320000xi32, #tpu.memory_space<hbm>> -> memref<576xi32, #tpu.memory_space<hbm>>
    tpu.enqueue_dma source(%dma_start3A_488 : memref<576xi32, #tpu.memory_space<hbm>>) target(%dma_start3A_484 : memref<576xi32, #tpu.memory_space<vmem>>) target_semaphore(%arg17 : memref<!tpu.dma_semaphore, #tpu.memory_space<semaphore_mem>>)
    %dma_start3A_489 = arith.constant 1 : i32
    %dma_start3A_490 = arith.constant 0 : i32
    %dma_start3A_491 = arith.constant 0 : i32
    %dma_start3A_492 = tpu.memref_slice %arg12[%dma_start3A_490, %dma_start3A_491] : memref<4x576xi32, #tpu.memory_space<vmem>> -> memref<1x576xi32, #tpu.memory_space<vmem>>
    %dma_start3A_493 = tpu.memref_squeeze %dma_start3A_492 : memref<1x576xi32, #tpu.memory_space<vmem>> -> memref<576xi32, #tpu.memory_space<vmem>>
    %dma_start3A_494 = arith.constant 0 : i32
    %dma_start3A_495 = tpu.memref_slice %dma_start3A_493[%dma_start3A_494] : memref<576xi32, #tpu.memory_space<vmem>> -> memref<576xi32, #tpu.memory_space<vmem>>
    %dma_start3A_496 = arith.constant 0 : i32
    %dma_start3A_497 = tpu.memref_slice %arg4[%dma_start3A_489, %dma_start3A_496] : memref<2x320000xi32, #tpu.memory_space<hbm>> -> memref<1x320000xi32, #tpu.memory_space<hbm>>
    %dma_start3A_498 = tpu.memref_squeeze %dma_start3A_497 : memref<1x320000xi32, #tpu.memory_space<hbm>> -> memref<320000xi32, #tpu.memory_space<hbm>>
    %dma_start3A_499 = tpu.memref_slice %dma_start3A_498[%add3A_468] : memref<320000xi32, #tpu.memory_space<hbm>> -> memref<576xi32, #tpu.memory_space<hbm>>
    %dma_start3A_500 = arith.constant 0 : i32
    %dma_start3A_501 = tpu.memref_slice %arg12[%dma_start3A_490, %dma_start3A_500] : memref<4x576xi32, #tpu.memory_space<vmem>> -> memref<1x576xi32, #tpu.memory_space<vmem>>
    %dma_start3A_502 = tpu.memref_squeeze %dma_start3A_501 : memref<1x576xi32, #tpu.memory_space<vmem>> -> memref<576xi32, #tpu.memory_space<vmem>>
    %dma_start3A_503 = arith.constant 0 : i32
    %dma_start3A_504 = tpu.memref_slice %dma_start3A_502[%dma_start3A_503] : memref<576xi32, #tpu.memory_space<vmem>> -> memref<576xi32, #tpu.memory_space<vmem>>
    %dma_start3A_505 = arith.constant 0 : i32
    %dma_start3A_506 = tpu.memref_slice %arg4[%dma_start3A_489, %dma_start3A_505] : memref<2x320000xi32, #tpu.memory_space<hbm>> -> memref<1x320000xi32, #tpu.memory_space<hbm>>
    %dma_start3A_507 = tpu.memref_squeeze %dma_start3A_506 : memref<1x320000xi32, #tpu.memory_space<hbm>> -> memref<320000xi32, #tpu.memory_space<hbm>>
    %dma_start3A_508 = tpu.memref_slice %dma_start3A_507[%add3A_468] : memref<320000xi32, #tpu.memory_space<hbm>> -> memref<576xi32, #tpu.memory_space<hbm>>
    tpu.enqueue_dma source(%dma_start3A_508 : memref<576xi32, #tpu.memory_space<hbm>>) target(%dma_start3A_504 : memref<576xi32, #tpu.memory_space<vmem>>) target_semaphore(%arg17 : memref<!tpu.dma_semaphore, #tpu.memory_space<semaphore_mem>>)
    %scan3A_509 = arith.constant 0 : i32
    %scan3A_510 = arith.constant 36 : i32
    %scan3A_511 = arith.addi %scan3A_509, %scan3A_510 : i32
    %scan3A_512 = arith.constant 1 : i32
    scf.for %scan3A_2467 = %scan3A_509 to %scan3A_511 step %scan3A_512  : i32 {
      %mul3A_2468 = arith.constant 16 : i32
      %mul3A_2469 = arith.muli %scan3A_2467, %mul3A_2468 : i32
      %add3A_2470 = arith.constant 0 : i32
      %add3A_2471 = arith.addi %add3A_2470, %mul3A_2469 : i32
      %get3A = arith.constant 2 : i32
      %get3A_2472 = arith.constant 0 : i32
      %get3A_2473 = tpu.memref_slice %arg11[%get3A, %get3A_2472] : memref<4x576xi32, #tpu.memory_space<vmem>> -> memref<1x576xi32, #tpu.memory_space<vmem>>
      %get3A_2474 = tpu.memref_squeeze %get3A_2473 : memref<1x576xi32, #tpu.memory_space<vmem>> -> memref<576xi32, #tpu.memory_space<vmem>>
      %get3A_2475 = arith.index_cast %add3A_2471 : i32 to index
      %get3A_2476 = tpu.vector_load %get3A_2474[%get3A_2475] {strides = array<i32>} : memref<576xi32, #tpu.memory_space<vmem>>, vector<16xi32>,
      tpu.vector_store_idx %arg15[%get3A_2476], %broadcast_in_dim3A_9 {add = true} : memref<10000xf32, #tpu.memory_space<vmem>>[vector<16xi32>], vector<16xf32>,
    }
    %scan3A_513 = arith.constant 36 : i32
    %dma_wait3A_514 = arith.constant 2 : i32
    %dma_wait3A_515 = arith.constant 0 : i32
    %dma_wait3A_516 = arith.constant 0 : i32
    %dma_wait3A_517 = tpu.memref_slice %arg13[%dma_wait3A_515, %dma_wait3A_516] : memref<576x64xf32, #tpu.memory_space<vmem>> -> memref<576x64xf32, #tpu.memory_space<vmem>>
    %dma_wait3A_518 = arith.constant 0 : i32
    %dma_wait3A_519 = tpu.memref_slice %arg12[%dma_wait3A_514, %dma_wait3A_518] : memref<4x576xi32, #tpu.memory_space<vmem>> -> memref<1x576xi32, #tpu.memory_space<vmem>>
    %dma_wait3A_520 = tpu.memref_squeeze %dma_wait3A_519 : memref<1x576xi32, #tpu.memory_space<vmem>> -> memref<576xi32, #tpu.memory_space<vmem>>
    %dma_wait3A_521 = arith.constant 0 : i32
    %dma_wait3A_522 = tpu.memref_slice %dma_wait3A_520[%dma_wait3A_521] : memref<576xi32, #tpu.memory_space<vmem>> -> memref<576xi32, #tpu.memory_space<vmem>>
    %dma_wait3A_523 = arith.constant 0 : i32
    %dma_wait3A_524 = arith.constant 0 : i32
    %dma_wait3A_525 = tpu.memref_slice %arg2[%dma_wait3A_523, %dma_wait3A_524] : memref<10000x64xf32, #tpu.memory_space<hbm>> -> memref<10000x64xf32, #tpu.memory_space<hbm>>
    tpu.wait_indirect_dma semaphore(%arg18 : memref<!tpu.dma_semaphore, #tpu.memory_space<semaphore_mem>>) src(%dma_wait3A_525 : memref<10000x64xf32, #tpu.memory_space<hbm>>) dst(%dma_wait3A_517 : memref<576x64xf32, #tpu.memory_space<vmem>>)
    %dma_start3A_526 = arith.constant 2 : i32
    %dma_start3A_527 = arith.constant 0 : i32
    %dma_start3A_528 = arith.constant 0 : i32
    %dma_start3A_529 = tpu.memref_slice %arg13[%dma_start3A_527, %dma_start3A_528] : memref<576x64xf32, #tpu.memory_space<vmem>> -> memref<576x64xf32, #tpu.memory_space<vmem>>
    %dma_start3A_530 = arith.constant 0 : i32
    %dma_start3A_531 = tpu.memref_slice %arg11[%dma_start3A_526, %dma_start3A_530] : memref<4x576xi32, #tpu.memory_space<vmem>> -> memref<1x576xi32, #tpu.memory_space<vmem>>
    %dma_start3A_532 = tpu.memref_squeeze %dma_start3A_531 : memref<1x576xi32, #tpu.memory_space<vmem>> -> memref<576xi32, #tpu.memory_space<vmem>>
    %dma_start3A_533 = arith.constant 0 : i32
    %dma_start3A_534 = tpu.memref_slice %dma_start3A_532[%dma_start3A_533] : memref<576xi32, #tpu.memory_space<vmem>> -> memref<576xi32, #tpu.memory_space<vmem>>
    %dma_start3A_535 = arith.constant 0 : i32
    %dma_start3A_536 = arith.constant 0 : i32
    %dma_start3A_537 = tpu.memref_slice %arg16[%dma_start3A_535, %dma_start3A_536] : memref<10008x64xf32, #tpu.memory_space<vmem_shared>> -> memref<10008x64xf32, #tpu.memory_space<vmem_shared>>
    tpu.enqueue_indirect_dma source(%dma_start3A_529 : memref<576x64xf32, #tpu.memory_space<vmem>>) target(%dma_start3A_537 : memref<10008x64xf32, #tpu.memory_space<vmem_shared>>) offsets(%dma_start3A_534 : memref<576xi32, #tpu.memory_space<vmem>>) semaphore(%arg20 : memref<!tpu.dma_semaphore, #tpu.memory_space<semaphore_mem>>) {add = true}
    %dma_wait3A_538 = arith.constant 2 : i32
    %dma_wait3A_539 = arith.constant 0 : i32
    %dma_wait3A_540 = arith.constant 0 : i32
    %dma_wait3A_541 = tpu.memref_slice %arg13[%dma_wait3A_539, %dma_wait3A_540] : memref<576x64xf32, #tpu.memory_space<vmem>> -> memref<576x64xf32, #tpu.memory_space<vmem>>
    %dma_wait3A_542 = arith.constant 0 : i32
    %dma_wait3A_543 = tpu.memref_slice %arg11[%dma_wait3A_538, %dma_wait3A_542] : memref<4x576xi32, #tpu.memory_space<vmem>> -> memref<1x576xi32, #tpu.memory_space<vmem>>
    %dma_wait3A_544 = tpu.memref_squeeze %dma_wait3A_543 : memref<1x576xi32, #tpu.memory_space<vmem>> -> memref<576xi32, #tpu.memory_space<vmem>>
    %dma_wait3A_545 = arith.constant 0 : i32
    %dma_wait3A_546 = tpu.memref_slice %dma_wait3A_544[%dma_wait3A_545] : memref<576xi32, #tpu.memory_space<vmem>> -> memref<576xi32, #tpu.memory_space<vmem>>
    %dma_wait3A_547 = arith.constant 0 : i32
    %dma_wait3A_548 = arith.constant 0 : i32
    %dma_wait3A_549 = tpu.memref_slice %arg16[%dma_wait3A_547, %dma_wait3A_548] : memref<10008x64xf32, #tpu.memory_space<vmem_shared>> -> memref<10008x64xf32, #tpu.memory_space<vmem_shared>>
    tpu.wait_indirect_dma semaphore(%arg20 : memref<!tpu.dma_semaphore, #tpu.memory_space<semaphore_mem>>) src(%dma_wait3A_541 : memref<576x64xf32, #tpu.memory_space<vmem>>) dst(%dma_wait3A_549 : memref<10008x64xf32, #tpu.memory_space<vmem_shared>>)
    %dma_wait3A_550 = arith.constant 0 : i32
    %dma_wait3A_551 = arith.constant 0 : i32
    %dma_wait3A_552 = arith.constant 0 : i32
    %dma_wait3A_553 = tpu.memref_slice %arg11[%dma_wait3A_551, %dma_wait3A_552] : memref<4x576xi32, #tpu.memory_space<vmem>> -> memref<1x576xi32, #tpu.memory_space<vmem>>
    %dma_wait3A_554 = tpu.memref_squeeze %dma_wait3A_553 : memref<1x576xi32, #tpu.memory_space<vmem>> -> memref<576xi32, #tpu.memory_space<vmem>>
    %dma_wait3A_555 = arith.constant 0 : i32
    %dma_wait3A_556 = tpu.memref_slice %dma_wait3A_554[%dma_wait3A_555] : memref<576xi32, #tpu.memory_space<vmem>> -> memref<576xi32, #tpu.memory_space<vmem>>
    %dma_wait3A_557 = arith.constant 0 : i32
    %dma_wait3A_558 = tpu.memref_slice %arg4[%dma_wait3A_550, %dma_wait3A_557] : memref<2x320000xi32, #tpu.memory_space<hbm>> -> memref<1x320000xi32, #tpu.memory_space<hbm>>
    %dma_wait3A_559 = tpu.memref_squeeze %dma_wait3A_558 : memref<1x320000xi32, #tpu.memory_space<hbm>> -> memref<320000xi32, #tpu.memory_space<hbm>>
    %dma_wait3A_560 = tpu.memref_slice %dma_wait3A_559[%mul3A_11] : memref<320000xi32, #tpu.memory_space<hbm>> -> memref<576xi32, #tpu.memory_space<hbm>>
    %dma_wait3A_561 = arith.constant 0 : i32
    %dma_wait3A_562 = tpu.memref_slice %arg11[%dma_wait3A_551, %dma_wait3A_561] : memref<4x576xi32, #tpu.memory_space<vmem>> -> memref<1x576xi32, #tpu.memory_space<vmem>>
    %dma_wait3A_563 = tpu.memref_squeeze %dma_wait3A_562 : memref<1x576xi32, #tpu.memory_space<vmem>> -> memref<576xi32, #tpu.memory_space<vmem>>
    %dma_wait3A_564 = arith.constant 0 : i32
    %dma_wait3A_565 = tpu.memref_slice %dma_wait3A_563[%dma_wait3A_564] : memref<576xi32, #tpu.memory_space<vmem>> -> memref<576xi32, #tpu.memory_space<vmem>>
    %dma_wait3A_566 = arith.constant 0 : i32
    %dma_wait3A_567 = tpu.memref_slice %arg4[%dma_wait3A_550, %dma_wait3A_566] : memref<2x320000xi32, #tpu.memory_space<hbm>> -> memref<1x320000xi32, #tpu.memory_space<hbm>>
    %dma_wait3A_568 = tpu.memref_squeeze %dma_wait3A_567 : memref<1x320000xi32, #tpu.memory_space<hbm>> -> memref<320000xi32, #tpu.memory_space<hbm>>
    %dma_wait3A_569 = tpu.memref_slice %dma_wait3A_568[%mul3A_11] : memref<320000xi32, #tpu.memory_space<hbm>> -> memref<576xi32, #tpu.memory_space<hbm>>
    tpu.wait_dma2 semaphore(%arg17 : memref<!tpu.dma_semaphore, #tpu.memory_space<semaphore_mem>>) src(%dma_wait3A_569 : memref<576xi32, #tpu.memory_space<hbm>>) dst(%dma_wait3A_565 : memref<576xi32, #tpu.memory_space<vmem>>)
    %dma_wait3A_570 = arith.constant 1 : i32
    %dma_wait3A_571 = arith.constant 0 : i32
    %dma_wait3A_572 = arith.constant 0 : i32
    %dma_wait3A_573 = tpu.memref_slice %arg12[%dma_wait3A_571, %dma_wait3A_572] : memref<4x576xi32, #tpu.memory_space<vmem>> -> memref<1x576xi32, #tpu.memory_space<vmem>>
    %dma_wait3A_574 = tpu.memref_squeeze %dma_wait3A_573 : memref<1x576xi32, #tpu.memory_space<vmem>> -> memref<576xi32, #tpu.memory_space<vmem>>
    %dma_wait3A_575 = arith.constant 0 : i32
    %dma_wait3A_576 = tpu.memref_slice %dma_wait3A_574[%dma_wait3A_575] : memref<576xi32, #tpu.memory_space<vmem>> -> memref<576xi32, #tpu.memory_space<vmem>>
    %dma_wait3A_577 = arith.constant 0 : i32
    %dma_wait3A_578 = tpu.memref_slice %arg4[%dma_wait3A_570, %dma_wait3A_577] : memref<2x320000xi32, #tpu.memory_space<hbm>> -> memref<1x320000xi32, #tpu.memory_space<hbm>>
    %dma_wait3A_579 = tpu.memref_squeeze %dma_wait3A_578 : memref<1x320000xi32, #tpu.memory_space<hbm>> -> memref<320000xi32, #tpu.memory_space<hbm>>
    %dma_wait3A_580 = tpu.memref_slice %dma_wait3A_579[%mul3A_11] : memref<320000xi32, #tpu.memory_space<hbm>> -> memref<576xi32, #tpu.memory_space<hbm>>
    %dma_wait3A_581 = arith.constant 0 : i32
    %dma_wait3A_582 = tpu.memref_slice %arg12[%dma_wait3A_571, %dma_wait3A_581] : memref<4x576xi32, #tpu.memory_space<vmem>> -> memref<1x576xi32, #tpu.memory_space<vmem>>
    %dma_wait3A_583 = tpu.memref_squeeze %dma_wait3A_582 : memref<1x576xi32, #tpu.memory_space<vmem>> -> memref<576xi32, #tpu.memory_space<vmem>>
    %dma_wait3A_584 = arith.constant 0 : i32
    %dma_wait3A_585 = tpu.memref_slice %dma_wait3A_583[%dma_wait3A_584] : memref<576xi32, #tpu.memory_space<vmem>> -> memref<576xi32, #tpu.memory_space<vmem>>
    %dma_wait3A_586 = arith.constant 0 : i32
    %dma_wait3A_587 = tpu.memref_slice %arg4[%dma_wait3A_570, %dma_wait3A_586] : memref<2x320000xi32, #tpu.memory_space<hbm>> -> memref<1x320000xi32, #tpu.memory_space<hbm>>
    %dma_wait3A_588 = tpu.memref_squeeze %dma_wait3A_587 : memref<1x320000xi32, #tpu.memory_space<hbm>> -> memref<320000xi32, #tpu.memory_space<hbm>>
    %dma_wait3A_589 = tpu.memref_slice %dma_wait3A_588[%mul3A_11] : memref<320000xi32, #tpu.memory_space<hbm>> -> memref<576xi32, #tpu.memory_space<hbm>>
    tpu.wait_dma2 semaphore(%arg17 : memref<!tpu.dma_semaphore, #tpu.memory_space<semaphore_mem>>) src(%dma_wait3A_589 : memref<576xi32, #tpu.memory_space<hbm>>) dst(%dma_wait3A_585 : memref<576xi32, #tpu.memory_space<vmem>>)
    %dma_start3A_590 = arith.constant 0 : i32
    %dma_start3A_591 = arith.constant 0 : i32
    %dma_start3A_592 = arith.constant 0 : i32
    %dma_start3A_593 = tpu.memref_slice %arg13[%dma_start3A_591, %dma_start3A_592] : memref<576x64xf32, #tpu.memory_space<vmem>> -> memref<576x64xf32, #tpu.memory_space<vmem>>
    %dma_start3A_594 = arith.constant 0 : i32
    %dma_start3A_595 = tpu.memref_slice %arg12[%dma_start3A_590, %dma_start3A_594] : memref<4x576xi32, #tpu.memory_space<vmem>> -> memref<1x576xi32, #tpu.memory_space<vmem>>
    %dma_start3A_596 = tpu.memref_squeeze %dma_start3A_595 : memref<1x576xi32, #tpu.memory_space<vmem>> -> memref<576xi32, #tpu.memory_space<vmem>>
    %dma_start3A_597 = arith.constant 0 : i32
    %dma_start3A_598 = tpu.memref_slice %dma_start3A_596[%dma_start3A_597] : memref<576xi32, #tpu.memory_space<vmem>> -> memref<576xi32, #tpu.memory_space<vmem>>
    %dma_start3A_599 = arith.constant 0 : i32
    %dma_start3A_600 = arith.constant 0 : i32
    %dma_start3A_601 = tpu.memref_slice %arg2[%dma_start3A_599, %dma_start3A_600] : memref<10000x64xf32, #tpu.memory_space<hbm>> -> memref<10000x64xf32, #tpu.memory_space<hbm>>
    tpu.enqueue_indirect_dma source(%dma_start3A_601 : memref<10000x64xf32, #tpu.memory_space<hbm>>) target(%dma_start3A_593 : memref<576x64xf32, #tpu.memory_space<vmem>>) offsets(%dma_start3A_598 : memref<576xi32, #tpu.memory_space<vmem>>) semaphore(%arg18 : memref<!tpu.dma_semaphore, #tpu.memory_space<semaphore_mem>>)
    %add3A_602 = arith.constant 2880 : i32
    %add3A_603 = arith.addi %mul3A_11, %add3A_602 : i32
    %dma_start3A_604 = arith.constant 0 : i32
    %dma_start3A_605 = arith.constant 1 : i32
    %dma_start3A_606 = arith.constant 0 : i32
    %dma_start3A_607 = tpu.memref_slice %arg11[%dma_start3A_605, %dma_start3A_606] : memref<4x576xi32, #tpu.memory_space<vmem>> -> memref<1x576xi32, #tpu.memory_space<vmem>>
    %dma_start3A_608 = tpu.memref_squeeze %dma_start3A_607 : memref<1x576xi32, #tpu.memory_space<vmem>> -> memref<576xi32, #tpu.memory_space<vmem>>
    %dma_start3A_609 = arith.constant 0 : i32
    %dma_start3A_610 = tpu.memref_slice %dma_start3A_608[%dma_start3A_609] : memref<576xi32, #tpu.memory_space<vmem>> -> memref<576xi32, #tpu.memory_space<vmem>>
    %dma_start3A_611 = arith.constant 0 : i32
    %dma_start3A_612 = tpu.memref_slice %arg4[%dma_start3A_604, %dma_start3A_611] : memref<2x320000xi32, #tpu.memory_space<hbm>> -> memref<1x320000xi32, #tpu.memory_space<hbm>>
    %dma_start3A_613 = tpu.memref_squeeze %dma_start3A_612 : memref<1x320000xi32, #tpu.memory_space<hbm>> -> memref<320000xi32, #tpu.memory_space<hbm>>
    %dma_start3A_614 = tpu.memref_slice %dma_start3A_613[%add3A_603] : memref<320000xi32, #tpu.memory_space<hbm>> -> memref<576xi32, #tpu.memory_space<hbm>>
    %dma_start3A_615 = arith.constant 0 : i32
    %dma_start3A_616 = tpu.memref_slice %arg11[%dma_start3A_605, %dma_start3A_615] : memref<4x576xi32, #tpu.memory_space<vmem>> -> memref<1x576xi32, #tpu.memory_space<vmem>>
    %dma_start3A_617 = tpu.memref_squeeze %dma_start3A_616 : memref<1x576xi32, #tpu.memory_space<vmem>> -> memref<576xi32, #tpu.memory_space<vmem>>
    %dma_start3A_618 = arith.constant 0 : i32
    %dma_start3A_619 = tpu.memref_slice %dma_start3A_617[%dma_start3A_618] : memref<576xi32, #tpu.memory_space<vmem>> -> memref<576xi32, #tpu.memory_space<vmem>>
    %dma_start3A_620 = arith.constant 0 : i32
    %dma_start3A_621 = tpu.memref_slice %arg4[%dma_start3A_604, %dma_start3A_620] : memref<2x320000xi32, #tpu.memory_space<hbm>> -> memref<1x320000xi32, #tpu.memory_space<hbm>>
    %dma_start3A_622 = tpu.memref_squeeze %dma_start3A_621 : memref<1x320000xi32, #tpu.memory_space<hbm>> -> memref<320000xi32, #tpu.memory_space<hbm>>
    %dma_start3A_623 = tpu.memref_slice %dma_start3A_622[%add3A_603] : memref<320000xi32, #tpu.memory_space<hbm>> -> memref<576xi32, #tpu.memory_space<hbm>>
    tpu.enqueue_dma source(%dma_start3A_623 : memref<576xi32, #tpu.memory_space<hbm>>) target(%dma_start3A_619 : memref<576xi32, #tpu.memory_space<vmem>>) target_semaphore(%arg17 : memref<!tpu.dma_semaphore, #tpu.memory_space<semaphore_mem>>)
    %dma_start3A_624 = arith.constant 1 : i32
    %dma_start3A_625 = arith.constant 1 : i32
    %dma_start3A_626 = arith.constant 0 : i32
    %dma_start3A_627 = tpu.memref_slice %arg12[%dma_start3A_625, %dma_start3A_626] : memref<4x576xi32, #tpu.memory_space<vmem>> -> memref<1x576xi32, #tpu.memory_space<vmem>>
    %dma_start3A_628 = tpu.memref_squeeze %dma_start3A_627 : memref<1x576xi32, #tpu.memory_space<vmem>> -> memref<576xi32, #tpu.memory_space<vmem>>
    %dma_start3A_629 = arith.constant 0 : i32
    %dma_start3A_630 = tpu.memref_slice %dma_start3A_628[%dma_start3A_629] : memref<576xi32, #tpu.memory_space<vmem>> -> memref<576xi32, #tpu.memory_space<vmem>>
    %dma_start3A_631 = arith.constant 0 : i32
    %dma_start3A_632 = tpu.memref_slice %arg4[%dma_start3A_624, %dma_start3A_631] : memref<2x320000xi32, #tpu.memory_space<hbm>> -> memref<1x320000xi32, #tpu.memory_space<hbm>>
    %dma_start3A_633 = tpu.memref_squeeze %dma_start3A_632 : memref<1x320000xi32, #tpu.memory_space<hbm>> -> memref<320000xi32, #tpu.memory_space<hbm>>
    %dma_start3A_634 = tpu.memref_slice %dma_start3A_633[%add3A_603] : memref<320000xi32, #tpu.memory_space<hbm>> -> memref<576xi32, #tpu.memory_space<hbm>>
    %dma_start3A_635 = arith.constant 0 : i32
    %dma_start3A_636 = tpu.memref_slice %arg12[%dma_start3A_625, %dma_start3A_635] : memref<4x576xi32, #tpu.memory_space<vmem>> -> memref<1x576xi32, #tpu.memory_space<vmem>>
    %dma_start3A_637 = tpu.memref_squeeze %dma_start3A_636 : memref<1x576xi32, #tpu.memory_space<vmem>> -> memref<576xi32, #tpu.memory_space<vmem>>
    %dma_start3A_638 = arith.constant 0 : i32
    %dma_start3A_639 = tpu.memref_slice %dma_start3A_637[%dma_start3A_638] : memref<576xi32, #tpu.memory_space<vmem>> -> memref<576xi32, #tpu.memory_space<vmem>>
    %dma_start3A_640 = arith.constant 0 : i32
    %dma_start3A_641 = tpu.memref_slice %arg4[%dma_start3A_624, %dma_start3A_640] : memref<2x320000xi32, #tpu.memory_space<hbm>> -> memref<1x320000xi32, #tpu.memory_space<hbm>>
    %dma_start3A_642 = tpu.memref_squeeze %dma_start3A_641 : memref<1x320000xi32, #tpu.memory_space<hbm>> -> memref<320000xi32, #tpu.memory_space<hbm>>
    %dma_start3A_643 = tpu.memref_slice %dma_start3A_642[%add3A_603] : memref<320000xi32, #tpu.memory_space<hbm>> -> memref<576xi32, #tpu.memory_space<hbm>>
    tpu.enqueue_dma source(%dma_start3A_643 : memref<576xi32, #tpu.memory_space<hbm>>) target(%dma_start3A_639 : memref<576xi32, #tpu.memory_space<vmem>>) target_semaphore(%arg17 : memref<!tpu.dma_semaphore, #tpu.memory_space<semaphore_mem>>)
    %scan3A_644 = arith.constant 0 : i32
    %scan3A_645 = arith.constant 36 : i32
    %scan3A_646 = arith.addi %scan3A_644, %scan3A_645 : i32
    %scan3A_647 = arith.constant 1 : i32
    scf.for %scan3A_2467 = %scan3A_644 to %scan3A_646 step %scan3A_647  : i32 {
      %mul3A_2468 = arith.constant 16 : i32
      %mul3A_2469 = arith.muli %scan3A_2467, %mul3A_2468 : i32
      %add3A_2470 = arith.constant 0 : i32
      %add3A_2471 = arith.addi %add3A_2470, %mul3A_2469 : i32
      %get3A = arith.constant 3 : i32
      %get3A_2472 = arith.constant 0 : i32
      %get3A_2473 = tpu.memref_slice %arg11[%get3A, %get3A_2472] : memref<4x576xi32, #tpu.memory_space<vmem>> -> memref<1x576xi32, #tpu.memory_space<vmem>>
      %get3A_2474 = tpu.memref_squeeze %get3A_2473 : memref<1x576xi32, #tpu.memory_space<vmem>> -> memref<576xi32, #tpu.memory_space<vmem>>
      %get3A_2475 = arith.index_cast %add3A_2471 : i32 to index
      %get3A_2476 = tpu.vector_load %get3A_2474[%get3A_2475] {strides = array<i32>} : memref<576xi32, #tpu.memory_space<vmem>>, vector<16xi32>,
      tpu.vector_store_idx %arg15[%get3A_2476], %broadcast_in_dim3A_9 {add = true} : memref<10000xf32, #tpu.memory_space<vmem>>[vector<16xi32>], vector<16xf32>,
    }
    %scan3A_648 = arith.constant 36 : i32
    %dma_wait3A_649 = arith.constant 3 : i32
    %dma_wait3A_650 = arith.constant 0 : i32
    %dma_wait3A_651 = arith.constant 0 : i32
    %dma_wait3A_652 = tpu.memref_slice %arg14[%dma_wait3A_650, %dma_wait3A_651] : memref<576x64xf32, #tpu.memory_space<vmem>> -> memref<576x64xf32, #tpu.memory_space<vmem>>
    %dma_wait3A_653 = arith.constant 0 : i32
    %dma_wait3A_654 = tpu.memref_slice %arg12[%dma_wait3A_649, %dma_wait3A_653] : memref<4x576xi32, #tpu.memory_space<vmem>> -> memref<1x576xi32, #tpu.memory_space<vmem>>
    %dma_wait3A_655 = tpu.memref_squeeze %dma_wait3A_654 : memref<1x576xi32, #tpu.memory_space<vmem>> -> memref<576xi32, #tpu.memory_space<vmem>>
    %dma_wait3A_656 = arith.constant 0 : i32
    %dma_wait3A_657 = tpu.memref_slice %dma_wait3A_655[%dma_wait3A_656] : memref<576xi32, #tpu.memory_space<vmem>> -> memref<576xi32, #tpu.memory_space<vmem>>
    %dma_wait3A_658 = arith.constant 0 : i32
    %dma_wait3A_659 = arith.constant 0 : i32
    %dma_wait3A_660 = tpu.memref_slice %arg2[%dma_wait3A_658, %dma_wait3A_659] : memref<10000x64xf32, #tpu.memory_space<hbm>> -> memref<10000x64xf32, #tpu.memory_space<hbm>>
    tpu.wait_indirect_dma semaphore(%arg19 : memref<!tpu.dma_semaphore, #tpu.memory_space<semaphore_mem>>) src(%dma_wait3A_660 : memref<10000x64xf32, #tpu.memory_space<hbm>>) dst(%dma_wait3A_652 : memref<576x64xf32, #tpu.memory_space<vmem>>)
    %dma_start3A_661 = arith.constant 3 : i32
    %dma_start3A_662 = arith.constant 0 : i32
    %dma_start3A_663 = arith.constant 0 : i32
    %dma_start3A_664 = tpu.memref_slice %arg14[%dma_start3A_662, %dma_start3A_663] : memref<576x64xf32, #tpu.memory_space<vmem>> -> memref<576x64xf32, #tpu.memory_space<vmem>>
    %dma_start3A_665 = arith.constant 0 : i32
    %dma_start3A_666 = tpu.memref_slice %arg11[%dma_start3A_661, %dma_start3A_665] : memref<4x576xi32, #tpu.memory_space<vmem>> -> memref<1x576xi32, #tpu.memory_space<vmem>>
    %dma_start3A_667 = tpu.memref_squeeze %dma_start3A_666 : memref<1x576xi32, #tpu.memory_space<vmem>> -> memref<576xi32, #tpu.memory_space<vmem>>
    %dma_start3A_668 = arith.constant 0 : i32
    %dma_start3A_669 = tpu.memref_slice %dma_start3A_667[%dma_start3A_668] : memref<576xi32, #tpu.memory_space<vmem>> -> memref<576xi32, #tpu.memory_space<vmem>>
    %dma_start3A_670 = arith.constant 0 : i32
    %dma_start3A_671 = arith.constant 0 : i32
    %dma_start3A_672 = tpu.memref_slice %arg16[%dma_start3A_670, %dma_start3A_671] : memref<10008x64xf32, #tpu.memory_space<vmem_shared>> -> memref<10008x64xf32, #tpu.memory_space<vmem_shared>>
    tpu.enqueue_indirect_dma source(%dma_start3A_664 : memref<576x64xf32, #tpu.memory_space<vmem>>) target(%dma_start3A_672 : memref<10008x64xf32, #tpu.memory_space<vmem_shared>>) offsets(%dma_start3A_669 : memref<576xi32, #tpu.memory_space<vmem>>) semaphore(%arg20 : memref<!tpu.dma_semaphore, #tpu.memory_space<semaphore_mem>>) {add = true}
    %dma_wait3A_673 = arith.constant 3 : i32
    %dma_wait3A_674 = arith.constant 0 : i32
    %dma_wait3A_675 = arith.constant 0 : i32
    %dma_wait3A_676 = tpu.memref_slice %arg14[%dma_wait3A_674, %dma_wait3A_675] : memref<576x64xf32, #tpu.memory_space<vmem>> -> memref<576x64xf32, #tpu.memory_space<vmem>>
    %dma_wait3A_677 = arith.constant 0 : i32
    %dma_wait3A_678 = tpu.memref_slice %arg11[%dma_wait3A_673, %dma_wait3A_677] : memref<4x576xi32, #tpu.memory_space<vmem>> -> memref<1x576xi32, #tpu.memory_space<vmem>>
    %dma_wait3A_679 = tpu.memref_squeeze %dma_wait3A_678 : memref<1x576xi32, #tpu.memory_space<vmem>> -> memref<576xi32, #tpu.memory_space<vmem>>
    %dma_wait3A_680 = arith.constant 0 : i32
    %dma_wait3A_681 = tpu.memref_slice %dma_wait3A_679[%dma_wait3A_680] : memref<576xi32, #tpu.memory_space<vmem>> -> memref<576xi32, #tpu.memory_space<vmem>>
    %dma_wait3A_682 = arith.constant 0 : i32
    %dma_wait3A_683 = arith.constant 0 : i32
    %dma_wait3A_684 = tpu.memref_slice %arg16[%dma_wait3A_682, %dma_wait3A_683] : memref<10008x64xf32, #tpu.memory_space<vmem_shared>> -> memref<10008x64xf32, #tpu.memory_space<vmem_shared>>
    tpu.wait_indirect_dma semaphore(%arg20 : memref<!tpu.dma_semaphore, #tpu.memory_space<semaphore_mem>>) src(%dma_wait3A_676 : memref<576x64xf32, #tpu.memory_space<vmem>>) dst(%dma_wait3A_684 : memref<10008x64xf32, #tpu.memory_space<vmem_shared>>)
    %dma_wait3A_685 = arith.constant 0 : i32
    %dma_wait3A_686 = arith.constant 1 : i32
    %dma_wait3A_687 = arith.constant 0 : i32
    %dma_wait3A_688 = tpu.memref_slice %arg11[%dma_wait3A_686, %dma_wait3A_687] : memref<4x576xi32, #tpu.memory_space<vmem>> -> memref<1x576xi32, #tpu.memory_space<vmem>>
    %dma_wait3A_689 = tpu.memref_squeeze %dma_wait3A_688 : memref<1x576xi32, #tpu.memory_space<vmem>> -> memref<576xi32, #tpu.memory_space<vmem>>
    %dma_wait3A_690 = arith.constant 0 : i32
    %dma_wait3A_691 = tpu.memref_slice %dma_wait3A_689[%dma_wait3A_690] : memref<576xi32, #tpu.memory_space<vmem>> -> memref<576xi32, #tpu.memory_space<vmem>>
    %dma_wait3A_692 = arith.constant 0 : i32
    %dma_wait3A_693 = tpu.memref_slice %arg4[%dma_wait3A_685, %dma_wait3A_692] : memref<2x320000xi32, #tpu.memory_space<hbm>> -> memref<1x320000xi32, #tpu.memory_space<hbm>>
    %dma_wait3A_694 = tpu.memref_squeeze %dma_wait3A_693 : memref<1x320000xi32, #tpu.memory_space<hbm>> -> memref<320000xi32, #tpu.memory_space<hbm>>
    %dma_wait3A_695 = tpu.memref_slice %dma_wait3A_694[%mul3A_11] : memref<320000xi32, #tpu.memory_space<hbm>> -> memref<576xi32, #tpu.memory_space<hbm>>
    %dma_wait3A_696 = arith.constant 0 : i32
    %dma_wait3A_697 = tpu.memref_slice %arg11[%dma_wait3A_686, %dma_wait3A_696] : memref<4x576xi32, #tpu.memory_space<vmem>> -> memref<1x576xi32, #tpu.memory_space<vmem>>
    %dma_wait3A_698 = tpu.memref_squeeze %dma_wait3A_697 : memref<1x576xi32, #tpu.memory_space<vmem>> -> memref<576xi32, #tpu.memory_space<vmem>>
    %dma_wait3A_699 = arith.constant 0 : i32
    %dma_wait3A_700 = tpu.memref_slice %dma_wait3A_698[%dma_wait3A_699] : memref<576xi32, #tpu.memory_space<vmem>> -> memref<576xi32, #tpu.memory_space<vmem>>
    %dma_wait3A_701 = arith.constant 0 : i32
    %dma_wait3A_702 = tpu.memref_slice %arg4[%dma_wait3A_685, %dma_wait3A_701] : memref<2x320000xi32, #tpu.memory_space<hbm>> -> memref<1x320000xi32, #tpu.memory_space<hbm>>
    %dma_wait3A_703 = tpu.memref_squeeze %dma_wait3A_702 : memref<1x320000xi32, #tpu.memory_space<hbm>> -> memref<320000xi32, #tpu.memory_space<hbm>>
    %dma_wait3A_704 = tpu.memref_slice %dma_wait3A_703[%mul3A_11] : memref<320000xi32, #tpu.memory_space<hbm>> -> memref<576xi32, #tpu.memory_space<hbm>>
    tpu.wait_dma2 semaphore(%arg17 : memref<!tpu.dma_semaphore, #tpu.memory_space<semaphore_mem>>) src(%dma_wait3A_704 : memref<576xi32, #tpu.memory_space<hbm>>) dst(%dma_wait3A_700 : memref<576xi32, #tpu.memory_space<vmem>>)
    %dma_wait3A_705 = arith.constant 1 : i32
    %dma_wait3A_706 = arith.constant 1 : i32
    %dma_wait3A_707 = arith.constant 0 : i32
    %dma_wait3A_708 = tpu.memref_slice %arg12[%dma_wait3A_706, %dma_wait3A_707] : memref<4x576xi32, #tpu.memory_space<vmem>> -> memref<1x576xi32, #tpu.memory_space<vmem>>
    %dma_wait3A_709 = tpu.memref_squeeze %dma_wait3A_708 : memref<1x576xi32, #tpu.memory_space<vmem>> -> memref<576xi32, #tpu.memory_space<vmem>>
    %dma_wait3A_710 = arith.constant 0 : i32
    %dma_wait3A_711 = tpu.memref_slice %dma_wait3A_709[%dma_wait3A_710] : memref<576xi32, #tpu.memory_space<vmem>> -> memref<576xi32, #tpu.memory_space<vmem>>
    %dma_wait3A_712 = arith.constant 0 : i32
    %dma_wait3A_713 = tpu.memref_slice %arg4[%dma_wait3A_705, %dma_wait3A_712] : memref<2x320000xi32, #tpu.memory_space<hbm>> -> memref<1x320000xi32, #tpu.memory_space<hbm>>
    %dma_wait3A_714 = tpu.memref_squeeze %dma_wait3A_713 : memref<1x320000xi32, #tpu.memory_space<hbm>> -> memref<320000xi32, #tpu.memory_space<hbm>>
    %dma_wait3A_715 = tpu.memref_slice %dma_wait3A_714[%mul3A_11] : memref<320000xi32, #tpu.memory_space<hbm>> -> memref<576xi32, #tpu.memory_space<hbm>>
    %dma_wait3A_716 = arith.constant 0 : i32
    %dma_wait3A_717 = tpu.memref_slice %arg12[%dma_wait3A_706, %dma_wait3A_716] : memref<4x576xi32, #tpu.memory_space<vmem>> -> memref<1x576xi32, #tpu.memory_space<vmem>>
    %dma_wait3A_718 = tpu.memref_squeeze %dma_wait3A_717 : memref<1x576xi32, #tpu.memory_space<vmem>> -> memref<576xi32, #tpu.memory_space<vmem>>
    %dma_wait3A_719 = arith.constant 0 : i32
    %dma_wait3A_720 = tpu.memref_slice %dma_wait3A_718[%dma_wait3A_719] : memref<576xi32, #tpu.memory_space<vmem>> -> memref<576xi32, #tpu.memory_space<vmem>>
    %dma_wait3A_721 = arith.constant 0 : i32
    %dma_wait3A_722 = tpu.memref_slice %arg4[%dma_wait3A_705, %dma_wait3A_721] : memref<2x320000xi32, #tpu.memory_space<hbm>> -> memref<1x320000xi32, #tpu.memory_space<hbm>>
    %dma_wait3A_723 = tpu.memref_squeeze %dma_wait3A_722 : memref<1x320000xi32, #tpu.memory_space<hbm>> -> memref<320000xi32, #tpu.memory_space<hbm>>
    %dma_wait3A_724 = tpu.memref_slice %dma_wait3A_723[%mul3A_11] : memref<320000xi32, #tpu.memory_space<hbm>> -> memref<576xi32, #tpu.memory_space<hbm>>
    tpu.wait_dma2 semaphore(%arg17 : memref<!tpu.dma_semaphore, #tpu.memory_space<semaphore_mem>>) src(%dma_wait3A_724 : memref<576xi32, #tpu.memory_space<hbm>>) dst(%dma_wait3A_720 : memref<576xi32, #tpu.memory_space<vmem>>)
    %dma_start3A_725 = arith.constant 1 : i32
    %dma_start3A_726 = arith.constant 0 : i32
    %dma_start3A_727 = arith.constant 0 : i32
    %dma_start3A_728 = tpu.memref_slice %arg14[%dma_start3A_726, %dma_start3A_727] : memref<576x64xf32, #tpu.memory_space<vmem>> -> memref<576x64xf32, #tpu.memory_space<vmem>>
    %dma_start3A_729 = arith.constant 0 : i32
    %dma_start3A_730 = tpu.memref_slice %arg12[%dma_start3A_725, %dma_start3A_729] : memref<4x576xi32, #tpu.memory_space<vmem>> -> memref<1x576xi32, #tpu.memory_space<vmem>>
    %dma_start3A_731 = tpu.memref_squeeze %dma_start3A_730 : memref<1x576xi32, #tpu.memory_space<vmem>> -> memref<576xi32, #tpu.memory_space<vmem>>
    %dma_start3A_732 = arith.constant 0 : i32
    %dma_start3A_733 = tpu.memref_slice %dma_start3A_731[%dma_start3A_732] : memref<576xi32, #tpu.memory_space<vmem>> -> memref<576xi32, #tpu.memory_space<vmem>>
    %dma_start3A_734 = arith.constant 0 : i32
    %dma_start3A_735 = arith.constant 0 : i32
    %dma_start3A_736 = tpu.memref_slice %arg2[%dma_start3A_734, %dma_start3A_735] : memref<10000x64xf32, #tpu.memory_space<hbm>> -> memref<10000x64xf32, #tpu.memory_space<hbm>>
    tpu.enqueue_indirect_dma source(%dma_start3A_736 : memref<10000x64xf32, #tpu.memory_space<hbm>>) target(%dma_start3A_728 : memref<576x64xf32, #tpu.memory_space<vmem>>) offsets(%dma_start3A_733 : memref<576xi32, #tpu.memory_space<vmem>>) semaphore(%arg19 : memref<!tpu.dma_semaphore, #tpu.memory_space<semaphore_mem>>)
    %add3A_737 = arith.constant 3456 : i32
    %add3A_738 = arith.addi %mul3A_11, %add3A_737 : i32
    %dma_start3A_739 = arith.constant 0 : i32
    %dma_start3A_740 = arith.constant 2 : i32
    %dma_start3A_741 = arith.constant 0 : i32
    %dma_start3A_742 = tpu.memref_slice %arg11[%dma_start3A_740, %dma_start3A_741] : memref<4x576xi32, #tpu.memory_space<vmem>> -> memref<1x576xi32, #tpu.memory_space<vmem>>
    %dma_start3A_743 = tpu.memref_squeeze %dma_start3A_742 : memref<1x576xi32, #tpu.memory_space<vmem>> -> memref<576xi32, #tpu.memory_space<vmem>>
    %dma_start3A_744 = arith.constant 0 : i32
    %dma_start3A_745 = tpu.memref_slice %dma_start3A_743[%dma_start3A_744] : memref<576xi32, #tpu.memory_space<vmem>> -> memref<576xi32, #tpu.memory_space<vmem>>
    %dma_start3A_746 = arith.constant 0 : i32
    %dma_start3A_747 = tpu.memref_slice %arg4[%dma_start3A_739, %dma_start3A_746] : memref<2x320000xi32, #tpu.memory_space<hbm>> -> memref<1x320000xi32, #tpu.memory_space<hbm>>
    %dma_start3A_748 = tpu.memref_squeeze %dma_start3A_747 : memref<1x320000xi32, #tpu.memory_space<hbm>> -> memref<320000xi32, #tpu.memory_space<hbm>>
    %dma_start3A_749 = tpu.memref_slice %dma_start3A_748[%add3A_738] : memref<320000xi32, #tpu.memory_space<hbm>> -> memref<576xi32, #tpu.memory_space<hbm>>
    %dma_start3A_750 = arith.constant 0 : i32
    %dma_start3A_751 = tpu.memref_slice %arg11[%dma_start3A_740, %dma_start3A_750] : memref<4x576xi32, #tpu.memory_space<vmem>> -> memref<1x576xi32, #tpu.memory_space<vmem>>
    %dma_start3A_752 = tpu.memref_squeeze %dma_start3A_751 : memref<1x576xi32, #tpu.memory_space<vmem>> -> memref<576xi32, #tpu.memory_space<vmem>>
    %dma_start3A_753 = arith.constant 0 : i32
    %dma_start3A_754 = tpu.memref_slice %dma_start3A_752[%dma_start3A_753] : memref<576xi32, #tpu.memory_space<vmem>> -> memref<576xi32, #tpu.memory_space<vmem>>
    %dma_start3A_755 = arith.constant 0 : i32
    %dma_start3A_756 = tpu.memref_slice %arg4[%dma_start3A_739, %dma_start3A_755] : memref<2x320000xi32, #tpu.memory_space<hbm>> -> memref<1x320000xi32, #tpu.memory_space<hbm>>
    %dma_start3A_757 = tpu.memref_squeeze %dma_start3A_756 : memref<1x320000xi32, #tpu.memory_space<hbm>> -> memref<320000xi32, #tpu.memory_space<hbm>>
    %dma_start3A_758 = tpu.memref_slice %dma_start3A_757[%add3A_738] : memref<320000xi32, #tpu.memory_space<hbm>> -> memref<576xi32, #tpu.memory_space<hbm>>
    tpu.enqueue_dma source(%dma_start3A_758 : memref<576xi32, #tpu.memory_space<hbm>>) target(%dma_start3A_754 : memref<576xi32, #tpu.memory_space<vmem>>) target_semaphore(%arg17 : memref<!tpu.dma_semaphore, #tpu.memory_space<semaphore_mem>>)
    %dma_start3A_759 = arith.constant 1 : i32
    %dma_start3A_760 = arith.constant 2 : i32
    %dma_start3A_761 = arith.constant 0 : i32
    %dma_start3A_762 = tpu.memref_slice %arg12[%dma_start3A_760, %dma_start3A_761] : memref<4x576xi32, #tpu.memory_space<vmem>> -> memref<1x576xi32, #tpu.memory_space<vmem>>
    %dma_start3A_763 = tpu.memref_squeeze %dma_start3A_762 : memref<1x576xi32, #tpu.memory_space<vmem>> -> memref<576xi32, #tpu.memory_space<vmem>>
    %dma_start3A_764 = arith.constant 0 : i32
    %dma_start3A_765 = tpu.memref_slice %dma_start3A_763[%dma_start3A_764] : memref<576xi32, #tpu.memory_space<vmem>> -> memref<576xi32, #tpu.memory_space<vmem>>
    %dma_start3A_766 = arith.constant 0 : i32
    %dma_start3A_767 = tpu.memref_slice %arg4[%dma_start3A_759, %dma_start3A_766] : memref<2x320000xi32, #tpu.memory_space<hbm>> -> memref<1x320000xi32, #tpu.memory_space<hbm>>
    %dma_start3A_768 = tpu.memref_squeeze %dma_start3A_767 : memref<1x320000xi32, #tpu.memory_space<hbm>> -> memref<320000xi32, #tpu.memory_space<hbm>>
    %dma_start3A_769 = tpu.memref_slice %dma_start3A_768[%add3A_738] : memref<320000xi32, #tpu.memory_space<hbm>> -> memref<576xi32, #tpu.memory_space<hbm>>
    %dma_start3A_770 = arith.constant 0 : i32
    %dma_start3A_771 = tpu.memref_slice %arg12[%dma_start3A_760, %dma_start3A_770] : memref<4x576xi32, #tpu.memory_space<vmem>> -> memref<1x576xi32, #tpu.memory_space<vmem>>
    %dma_start3A_772 = tpu.memref_squeeze %dma_start3A_771 : memref<1x576xi32, #tpu.memory_space<vmem>> -> memref<576xi32, #tpu.memory_space<vmem>>
    %dma_start3A_773 = arith.constant 0 : i32
    %dma_start3A_774 = tpu.memref_slice %dma_start3A_772[%dma_start3A_773] : memref<576xi32, #tpu.memory_space<vmem>> -> memref<576xi32, #tpu.memory_space<vmem>>
    %dma_start3A_775 = arith.constant 0 : i32
    %dma_start3A_776 = tpu.memref_slice %arg4[%dma_start3A_759, %dma_start3A_775] : memref<2x320000xi32, #tpu.memory_space<hbm>> -> memref<1x320000xi32, #tpu.memory_space<hbm>>
    %dma_start3A_777 = tpu.memref_squeeze %dma_start3A_776 : memref<1x320000xi32, #tpu.memory_space<hbm>> -> memref<320000xi32, #tpu.memory_space<hbm>>
    %dma_start3A_778 = tpu.memref_slice %dma_start3A_777[%add3A_738] : memref<320000xi32, #tpu.memory_space<hbm>> -> memref<576xi32, #tpu.memory_space<hbm>>
    tpu.enqueue_dma source(%dma_start3A_778 : memref<576xi32, #tpu.memory_space<hbm>>) target(%dma_start3A_774 : memref<576xi32, #tpu.memory_space<vmem>>) target_semaphore(%arg17 : memref<!tpu.dma_semaphore, #tpu.memory_space<semaphore_mem>>)
    %scan3A_779 = arith.constant 0 : i32
    %scan3A_780 = arith.constant 36 : i32
    %scan3A_781 = arith.addi %scan3A_779, %scan3A_780 : i32
    %scan3A_782 = arith.constant 1 : i32
    scf.for %scan3A_2467 = %scan3A_779 to %scan3A_781 step %scan3A_782  : i32 {
      %mul3A_2468 = arith.constant 16 : i32
      %mul3A_2469 = arith.muli %scan3A_2467, %mul3A_2468 : i32
      %add3A_2470 = arith.constant 0 : i32
      %add3A_2471 = arith.addi %add3A_2470, %mul3A_2469 : i32
      %get3A = arith.constant 0 : i32
      %get3A_2472 = arith.constant 0 : i32
      %get3A_2473 = tpu.memref_slice %arg11[%get3A, %get3A_2472] : memref<4x576xi32, #tpu.memory_space<vmem>> -> memref<1x576xi32, #tpu.memory_space<vmem>>
      %get3A_2474 = tpu.memref_squeeze %get3A_2473 : memref<1x576xi32, #tpu.memory_space<vmem>> -> memref<576xi32, #tpu.memory_space<vmem>>
      %get3A_2475 = arith.index_cast %add3A_2471 : i32 to index
      %get3A_2476 = tpu.vector_load %get3A_2474[%get3A_2475] {strides = array<i32>} : memref<576xi32, #tpu.memory_space<vmem>>, vector<16xi32>,
      tpu.vector_store_idx %arg15[%get3A_2476], %broadcast_in_dim3A_9 {add = true} : memref<10000xf32, #tpu.memory_space<vmem>>[vector<16xi32>], vector<16xf32>,
    }
    %scan3A_783 = arith.constant 36 : i32
    %dma_wait3A_784 = arith.constant 0 : i32
    %dma_wait3A_785 = arith.constant 0 : i32
    %dma_wait3A_786 = arith.constant 0 : i32
    %dma_wait3A_787 = tpu.memref_slice %arg13[%dma_wait3A_785, %dma_wait3A_786] : memref<576x64xf32, #tpu.memory_space<vmem>> -> memref<576x64xf32, #tpu.memory_space<vmem>>
    %dma_wait3A_788 = arith.constant 0 : i32
    %dma_wait3A_789 = tpu.memref_slice %arg12[%dma_wait3A_784, %dma_wait3A_788] : memref<4x576xi32, #tpu.memory_space<vmem>> -> memref<1x576xi32, #tpu.memory_space<vmem>>
    %dma_wait3A_790 = tpu.memref_squeeze %dma_wait3A_789 : memref<1x576xi32, #tpu.memory_space<vmem>> -> memref<576xi32, #tpu.memory_space<vmem>>
    %dma_wait3A_791 = arith.constant 0 : i32
    %dma_wait3A_792 = tpu.memref_slice %dma_wait3A_790[%dma_wait3A_791] : memref<576xi32, #tpu.memory_space<vmem>> -> memref<576xi32, #tpu.memory_space<vmem>>
    %dma_wait3A_793 = arith.constant 0 : i32
    %dma_wait3A_794 = arith.constant 0 : i32
    %dma_wait3A_795 = tpu.memref_slice %arg2[%dma_wait3A_793, %dma_wait3A_794] : memref<10000x64xf32, #tpu.memory_space<hbm>> -> memref<10000x64xf32, #tpu.memory_space<hbm>>
    tpu.wait_indirect_dma semaphore(%arg18 : memref<!tpu.dma_semaphore, #tpu.memory_space<semaphore_mem>>) src(%dma_wait3A_795 : memref<10000x64xf32, #tpu.memory_space<hbm>>) dst(%dma_wait3A_787 : memref<576x64xf32, #tpu.memory_space<vmem>>)
    %dma_start3A_796 = arith.constant 0 : i32
    %dma_start3A_797 = arith.constant 0 : i32
    %dma_start3A_798 = arith.constant 0 : i32
    %dma_start3A_799 = tpu.memref_slice %arg13[%dma_start3A_797, %dma_start3A_798] : memref<576x64xf32, #tpu.memory_space<vmem>> -> memref<576x64xf32, #tpu.memory_space<vmem>>
    %dma_start3A_800 = arith.constant 0 : i32
    %dma_start3A_801 = tpu.memref_slice %arg11[%dma_start3A_796, %dma_start3A_800] : memref<4x576xi32, #tpu.memory_space<vmem>> -> memref<1x576xi32, #tpu.memory_space<vmem>>
    %dma_start3A_802 = tpu.memref_squeeze %dma_start3A_801 : memref<1x576xi32, #tpu.memory_space<vmem>> -> memref<576xi32, #tpu.memory_space<vmem>>
    %dma_start3A_803 = arith.constant 0 : i32
    %dma_start3A_804 = tpu.memref_slice %dma_start3A_802[%dma_start3A_803] : memref<576xi32, #tpu.memory_space<vmem>> -> memref<576xi32, #tpu.memory_space<vmem>>
    %dma_start3A_805 = arith.constant 0 : i32
    %dma_start3A_806 = arith.constant 0 : i32
    %dma_start3A_807 = tpu.memref_slice %arg16[%dma_start3A_805, %dma_start3A_806] : memref<10008x64xf32, #tpu.memory_space<vmem_shared>> -> memref<10008x64xf32, #tpu.memory_space<vmem_shared>>
    tpu.enqueue_indirect_dma source(%dma_start3A_799 : memref<576x64xf32, #tpu.memory_space<vmem>>) target(%dma_start3A_807 : memref<10008x64xf32, #tpu.memory_space<vmem_shared>>) offsets(%dma_start3A_804 : memref<576xi32, #tpu.memory_space<vmem>>) semaphore(%arg20 : memref<!tpu.dma_semaphore, #tpu.memory_space<semaphore_mem>>) {add = true}
    %dma_wait3A_808 = arith.constant 0 : i32
    %dma_wait3A_809 = arith.constant 0 : i32
    %dma_wait3A_810 = arith.constant 0 : i32
    %dma_wait3A_811 = tpu.memref_slice %arg13[%dma_wait3A_809, %dma_wait3A_810] : memref<576x64xf32, #tpu.memory_space<vmem>> -> memref<576x64xf32, #tpu.memory_space<vmem>>
    %dma_wait3A_812 = arith.constant 0 : i32
    %dma_wait3A_813 = tpu.memref_slice %arg11[%dma_wait3A_808, %dma_wait3A_812] : memref<4x576xi32, #tpu.memory_space<vmem>> -> memref<1x576xi32, #tpu.memory_space<vmem>>
    %dma_wait3A_814 = tpu.memref_squeeze %dma_wait3A_813 : memref<1x576xi32, #tpu.memory_space<vmem>> -> memref<576xi32, #tpu.memory_space<vmem>>
    %dma_wait3A_815 = arith.constant 0 : i32
    %dma_wait3A_816 = tpu.memref_slice %dma_wait3A_814[%dma_wait3A_815] : memref<576xi32, #tpu.memory_space<vmem>> -> memref<576xi32, #tpu.memory_space<vmem>>
    %dma_wait3A_817 = arith.constant 0 : i32
    %dma_wait3A_818 = arith.constant 0 : i32
    %dma_wait3A_819 = tpu.memref_slice %arg16[%dma_wait3A_817, %dma_wait3A_818] : memref<10008x64xf32, #tpu.memory_space<vmem_shared>> -> memref<10008x64xf32, #tpu.memory_space<vmem_shared>>
    tpu.wait_indirect_dma semaphore(%arg20 : memref<!tpu.dma_semaphore, #tpu.memory_space<semaphore_mem>>) src(%dma_wait3A_811 : memref<576x64xf32, #tpu.memory_space<vmem>>) dst(%dma_wait3A_819 : memref<10008x64xf32, #tpu.memory_space<vmem_shared>>)
    %dma_wait3A_820 = arith.constant 0 : i32
    %dma_wait3A_821 = arith.constant 2 : i32
    %dma_wait3A_822 = arith.constant 0 : i32
    %dma_wait3A_823 = tpu.memref_slice %arg11[%dma_wait3A_821, %dma_wait3A_822] : memref<4x576xi32, #tpu.memory_space<vmem>> -> memref<1x576xi32, #tpu.memory_space<vmem>>
    %dma_wait3A_824 = tpu.memref_squeeze %dma_wait3A_823 : memref<1x576xi32, #tpu.memory_space<vmem>> -> memref<576xi32, #tpu.memory_space<vmem>>
    %dma_wait3A_825 = arith.constant 0 : i32
    %dma_wait3A_826 = tpu.memref_slice %dma_wait3A_824[%dma_wait3A_825] : memref<576xi32, #tpu.memory_space<vmem>> -> memref<576xi32, #tpu.memory_space<vmem>>
    %dma_wait3A_827 = arith.constant 0 : i32
    %dma_wait3A_828 = tpu.memref_slice %arg4[%dma_wait3A_820, %dma_wait3A_827] : memref<2x320000xi32, #tpu.memory_space<hbm>> -> memref<1x320000xi32, #tpu.memory_space<hbm>>
    %dma_wait3A_829 = tpu.memref_squeeze %dma_wait3A_828 : memref<1x320000xi32, #tpu.memory_space<hbm>> -> memref<320000xi32, #tpu.memory_space<hbm>>
    %dma_wait3A_830 = tpu.memref_slice %dma_wait3A_829[%mul3A_11] : memref<320000xi32, #tpu.memory_space<hbm>> -> memref<576xi32, #tpu.memory_space<hbm>>
    %dma_wait3A_831 = arith.constant 0 : i32
    %dma_wait3A_832 = tpu.memref_slice %arg11[%dma_wait3A_821, %dma_wait3A_831] : memref<4x576xi32, #tpu.memory_space<vmem>> -> memref<1x576xi32, #tpu.memory_space<vmem>>
    %dma_wait3A_833 = tpu.memref_squeeze %dma_wait3A_832 : memref<1x576xi32, #tpu.memory_space<vmem>> -> memref<576xi32, #tpu.memory_space<vmem>>
    %dma_wait3A_834 = arith.constant 0 : i32
    %dma_wait3A_835 = tpu.memref_slice %dma_wait3A_833[%dma_wait3A_834] : memref<576xi32, #tpu.memory_space<vmem>> -> memref<576xi32, #tpu.memory_space<vmem>>
    %dma_wait3A_836 = arith.constant 0 : i32
    %dma_wait3A_837 = tpu.memref_slice %arg4[%dma_wait3A_820, %dma_wait3A_836] : memref<2x320000xi32, #tpu.memory_space<hbm>> -> memref<1x320000xi32, #tpu.memory_space<hbm>>
    %dma_wait3A_838 = tpu.memref_squeeze %dma_wait3A_837 : memref<1x320000xi32, #tpu.memory_space<hbm>> -> memref<320000xi32, #tpu.memory_space<hbm>>
    %dma_wait3A_839 = tpu.memref_slice %dma_wait3A_838[%mul3A_11] : memref<320000xi32, #tpu.memory_space<hbm>> -> memref<576xi32, #tpu.memory_space<hbm>>
    tpu.wait_dma2 semaphore(%arg17 : memref<!tpu.dma_semaphore, #tpu.memory_space<semaphore_mem>>) src(%dma_wait3A_839 : memref<576xi32, #tpu.memory_space<hbm>>) dst(%dma_wait3A_835 : memref<576xi32, #tpu.memory_space<vmem>>)
    %dma_wait3A_840 = arith.constant 1 : i32
    %dma_wait3A_841 = arith.constant 2 : i32
    %dma_wait3A_842 = arith.constant 0 : i32
    %dma_wait3A_843 = tpu.memref_slice %arg12[%dma_wait3A_841, %dma_wait3A_842] : memref<4x576xi32, #tpu.memory_space<vmem>> -> memref<1x576xi32, #tpu.memory_space<vmem>>
    %dma_wait3A_844 = tpu.memref_squeeze %dma_wait3A_843 : memref<1x576xi32, #tpu.memory_space<vmem>> -> memref<576xi32, #tpu.memory_space<vmem>>
    %dma_wait3A_845 = arith.constant 0 : i32
    %dma_wait3A_846 = tpu.memref_slice %dma_wait3A_844[%dma_wait3A_845] : memref<576xi32, #tpu.memory_space<vmem>> -> memref<576xi32, #tpu.memory_space<vmem>>
    %dma_wait3A_847 = arith.constant 0 : i32
    %dma_wait3A_848 = tpu.memref_slice %arg4[%dma_wait3A_840, %dma_wait3A_847] : memref<2x320000xi32, #tpu.memory_space<hbm>> -> memref<1x320000xi32, #tpu.memory_space<hbm>>
    %dma_wait3A_849 = tpu.memref_squeeze %dma_wait3A_848 : memref<1x320000xi32, #tpu.memory_space<hbm>> -> memref<320000xi32, #tpu.memory_space<hbm>>
    %dma_wait3A_850 = tpu.memref_slice %dma_wait3A_849[%mul3A_11] : memref<320000xi32, #tpu.memory_space<hbm>> -> memref<576xi32, #tpu.memory_space<hbm>>
    %dma_wait3A_851 = arith.constant 0 : i32
    %dma_wait3A_852 = tpu.memref_slice %arg12[%dma_wait3A_841, %dma_wait3A_851] : memref<4x576xi32, #tpu.memory_space<vmem>> -> memref<1x576xi32, #tpu.memory_space<vmem>>
    %dma_wait3A_853 = tpu.memref_squeeze %dma_wait3A_852 : memref<1x576xi32, #tpu.memory_space<vmem>> -> memref<576xi32, #tpu.memory_space<vmem>>
    %dma_wait3A_854 = arith.constant 0 : i32
    %dma_wait3A_855 = tpu.memref_slice %dma_wait3A_853[%dma_wait3A_854] : memref<576xi32, #tpu.memory_space<vmem>> -> memref<576xi32, #tpu.memory_space<vmem>>
    %dma_wait3A_856 = arith.constant 0 : i32
    %dma_wait3A_857 = tpu.memref_slice %arg4[%dma_wait3A_840, %dma_wait3A_856] : memref<2x320000xi32, #tpu.memory_space<hbm>> -> memref<1x320000xi32, #tpu.memory_space<hbm>>
    %dma_wait3A_858 = tpu.memref_squeeze %dma_wait3A_857 : memref<1x320000xi32, #tpu.memory_space<hbm>> -> memref<320000xi32, #tpu.memory_space<hbm>>
    %dma_wait3A_859 = tpu.memref_slice %dma_wait3A_858[%mul3A_11] : memref<320000xi32, #tpu.memory_space<hbm>> -> memref<576xi32, #tpu.memory_space<hbm>>
    tpu.wait_dma2 semaphore(%arg17 : memref<!tpu.dma_semaphore, #tpu.memory_space<semaphore_mem>>) src(%dma_wait3A_859 : memref<576xi32, #tpu.memory_space<hbm>>) dst(%dma_wait3A_855 : memref<576xi32, #tpu.memory_space<vmem>>)
    %dma_start3A_860 = arith.constant 2 : i32
    %dma_start3A_861 = arith.constant 0 : i32
    %dma_start3A_862 = arith.constant 0 : i32
    %dma_start3A_863 = tpu.memref_slice %arg13[%dma_start3A_861, %dma_start3A_862] : memref<576x64xf32, #tpu.memory_space<vmem>> -> memref<576x64xf32, #tpu.memory_space<vmem>>
    %dma_start3A_864 = arith.constant 0 : i32
    %dma_start3A_865 = tpu.memref_slice %arg12[%dma_start3A_860, %dma_start3A_864] : memref<4x576xi32, #tpu.memory_space<vmem>> -> memref<1x576xi32, #tpu.memory_space<vmem>>
    %dma_start3A_866 = tpu.memref_squeeze %dma_start3A_865 : memref<1x576xi32, #tpu.memory_space<vmem>> -> memref<576xi32, #tpu.memory_space<vmem>>
    %dma_start3A_867 = arith.constant 0 : i32
    %dma_start3A_868 = tpu.memref_slice %dma_start3A_866[%dma_start3A_867] : memref<576xi32, #tpu.memory_space<vmem>> -> memref<576xi32, #tpu.memory_space<vmem>>
    %dma_start3A_869 = arith.constant 0 : i32
    %dma_start3A_870 = arith.constant 0 : i32
    %dma_start3A_871 = tpu.memref_slice %arg2[%dma_start3A_869, %dma_start3A_870] : memref<10000x64xf32, #tpu.memory_space<hbm>> -> memref<10000x64xf32, #tpu.memory_space<hbm>>
    tpu.enqueue_indirect_dma source(%dma_start3A_871 : memref<10000x64xf32, #tpu.memory_space<hbm>>) target(%dma_start3A_863 : memref<576x64xf32, #tpu.memory_space<vmem>>) offsets(%dma_start3A_868 : memref<576xi32, #tpu.memory_space<vmem>>) semaphore(%arg18 : memref<!tpu.dma_semaphore, #tpu.memory_space<semaphore_mem>>)
    %add3A_872 = arith.constant 4032 : i32
    %add3A_873 = arith.addi %mul3A_11, %add3A_872 : i32
    %dma_start3A_874 = arith.constant 0 : i32
    %dma_start3A_875 = arith.constant 3 : i32
    %dma_start3A_876 = arith.constant 0 : i32
    %dma_start3A_877 = tpu.memref_slice %arg11[%dma_start3A_875, %dma_start3A_876] : memref<4x576xi32, #tpu.memory_space<vmem>> -> memref<1x576xi32, #tpu.memory_space<vmem>>
    %dma_start3A_878 = tpu.memref_squeeze %dma_start3A_877 : memref<1x576xi32, #tpu.memory_space<vmem>> -> memref<576xi32, #tpu.memory_space<vmem>>
    %dma_start3A_879 = arith.constant 0 : i32
    %dma_start3A_880 = tpu.memref_slice %dma_start3A_878[%dma_start3A_879] : memref<576xi32, #tpu.memory_space<vmem>> -> memref<576xi32, #tpu.memory_space<vmem>>
    %dma_start3A_881 = arith.constant 0 : i32
    %dma_start3A_882 = tpu.memref_slice %arg4[%dma_start3A_874, %dma_start3A_881] : memref<2x320000xi32, #tpu.memory_space<hbm>> -> memref<1x320000xi32, #tpu.memory_space<hbm>>
    %dma_start3A_883 = tpu.memref_squeeze %dma_start3A_882 : memref<1x320000xi32, #tpu.memory_space<hbm>> -> memref<320000xi32, #tpu.memory_space<hbm>>
    %dma_start3A_884 = tpu.memref_slice %dma_start3A_883[%add3A_873] : memref<320000xi32, #tpu.memory_space<hbm>> -> memref<576xi32, #tpu.memory_space<hbm>>
    %dma_start3A_885 = arith.constant 0 : i32
    %dma_start3A_886 = tpu.memref_slice %arg11[%dma_start3A_875, %dma_start3A_885] : memref<4x576xi32, #tpu.memory_space<vmem>> -> memref<1x576xi32, #tpu.memory_space<vmem>>
    %dma_start3A_887 = tpu.memref_squeeze %dma_start3A_886 : memref<1x576xi32, #tpu.memory_space<vmem>> -> memref<576xi32, #tpu.memory_space<vmem>>
    %dma_start3A_888 = arith.constant 0 : i32
    %dma_start3A_889 = tpu.memref_slice %dma_start3A_887[%dma_start3A_888] : memref<576xi32, #tpu.memory_space<vmem>> -> memref<576xi32, #tpu.memory_space<vmem>>
    %dma_start3A_890 = arith.constant 0 : i32
    %dma_start3A_891 = tpu.memref_slice %arg4[%dma_start3A_874, %dma_start3A_890] : memref<2x320000xi32, #tpu.memory_space<hbm>> -> memref<1x320000xi32, #tpu.memory_space<hbm>>
    %dma_start3A_892 = tpu.memref_squeeze %dma_start3A_891 : memref<1x320000xi32, #tpu.memory_space<hbm>> -> memref<320000xi32, #tpu.memory_space<hbm>>
    %dma_start3A_893 = tpu.memref_slice %dma_start3A_892[%add3A_873] : memref<320000xi32, #tpu.memory_space<hbm>> -> memref<576xi32, #tpu.memory_space<hbm>>
    tpu.enqueue_dma source(%dma_start3A_893 : memref<576xi32, #tpu.memory_space<hbm>>) target(%dma_start3A_889 : memref<576xi32, #tpu.memory_space<vmem>>) target_semaphore(%arg17 : memref<!tpu.dma_semaphore, #tpu.memory_space<semaphore_mem>>)
    %dma_start3A_894 = arith.constant 1 : i32
    %dma_start3A_895 = arith.constant 3 : i32
    %dma_start3A_896 = arith.constant 0 : i32
    %dma_start3A_897 = tpu.memref_slice %arg12[%dma_start3A_895, %dma_start3A_896] : memref<4x576xi32, #tpu.memory_space<vmem>> -> memref<1x576xi32, #tpu.memory_space<vmem>>
    %dma_start3A_898 = tpu.memref_squeeze %dma_start3A_897 : memref<1x576xi32, #tpu.memory_space<vmem>> -> memref<576xi32, #tpu.memory_space<vmem>>
    %dma_start3A_899 = arith.constant 0 : i32
    %dma_start3A_900 = tpu.memref_slice %dma_start3A_898[%dma_start3A_899] : memref<576xi32, #tpu.memory_space<vmem>> -> memref<576xi32, #tpu.memory_space<vmem>>
    %dma_start3A_901 = arith.constant 0 : i32
    %dma_start3A_902 = tpu.memref_slice %arg4[%dma_start3A_894, %dma_start3A_901] : memref<2x320000xi32, #tpu.memory_space<hbm>> -> memref<1x320000xi32, #tpu.memory_space<hbm>>
    %dma_start3A_903 = tpu.memref_squeeze %dma_start3A_902 : memref<1x320000xi32, #tpu.memory_space<hbm>> -> memref<320000xi32, #tpu.memory_space<hbm>>
    %dma_start3A_904 = tpu.memref_slice %dma_start3A_903[%add3A_873] : memref<320000xi32, #tpu.memory_space<hbm>> -> memref<576xi32, #tpu.memory_space<hbm>>
    %dma_start3A_905 = arith.constant 0 : i32
    %dma_start3A_906 = tpu.memref_slice %arg12[%dma_start3A_895, %dma_start3A_905] : memref<4x576xi32, #tpu.memory_space<vmem>> -> memref<1x576xi32, #tpu.memory_space<vmem>>
    %dma_start3A_907 = tpu.memref_squeeze %dma_start3A_906 : memref<1x576xi32, #tpu.memory_space<vmem>> -> memref<576xi32, #tpu.memory_space<vmem>>
    %dma_start3A_908 = arith.constant 0 : i32
    %dma_start3A_909 = tpu.memref_slice %dma_start3A_907[%dma_start3A_908] : memref<576xi32, #tpu.memory_space<vmem>> -> memref<576xi32, #tpu.memory_space<vmem>>
    %dma_start3A_910 = arith.constant 0 : i32
    %dma_start3A_911 = tpu.memref_slice %arg4[%dma_start3A_894, %dma_start3A_910] : memref<2x320000xi32, #tpu.memory_space<hbm>> -> memref<1x320000xi32, #tpu.memory_space<hbm>>
    %dma_start3A_912 = tpu.memref_squeeze %dma_start3A_911 : memref<1x320000xi32, #tpu.memory_space<hbm>> -> memref<320000xi32, #tpu.memory_space<hbm>>
    %dma_start3A_913 = tpu.memref_slice %dma_start3A_912[%add3A_873] : memref<320000xi32, #tpu.memory_space<hbm>> -> memref<576xi32, #tpu.memory_space<hbm>>
    tpu.enqueue_dma source(%dma_start3A_913 : memref<576xi32, #tpu.memory_space<hbm>>) target(%dma_start3A_909 : memref<576xi32, #tpu.memory_space<vmem>>) target_semaphore(%arg17 : memref<!tpu.dma_semaphore, #tpu.memory_space<semaphore_mem>>)
    %scan3A_914 = arith.constant 0 : i32
    %scan3A_915 = arith.constant 36 : i32
    %scan3A_916 = arith.addi %scan3A_914, %scan3A_915 : i32
    %scan3A_917 = arith.constant 1 : i32
    scf.for %scan3A_2467 = %scan3A_914 to %scan3A_916 step %scan3A_917  : i32 {
      %mul3A_2468 = arith.constant 16 : i32
      %mul3A_2469 = arith.muli %scan3A_2467, %mul3A_2468 : i32
      %add3A_2470 = arith.constant 0 : i32
      %add3A_2471 = arith.addi %add3A_2470, %mul3A_2469 : i32
      %get3A = arith.constant 1 : i32
      %get3A_2472 = arith.constant 0 : i32
      %get3A_2473 = tpu.memref_slice %arg11[%get3A, %get3A_2472] : memref<4x576xi32, #tpu.memory_space<vmem>> -> memref<1x576xi32, #tpu.memory_space<vmem>>
      %get3A_2474 = tpu.memref_squeeze %get3A_2473 : memref<1x576xi32, #tpu.memory_space<vmem>> -> memref<576xi32, #tpu.memory_space<vmem>>
      %get3A_2475 = arith.index_cast %add3A_2471 : i32 to index
      %get3A_2476 = tpu.vector_load %get3A_2474[%get3A_2475] {strides = array<i32>} : memref<576xi32, #tpu.memory_space<vmem>>, vector<16xi32>,
      tpu.vector_store_idx %arg15[%get3A_2476], %broadcast_in_dim3A_9 {add = true} : memref<10000xf32, #tpu.memory_space<vmem>>[vector<16xi32>], vector<16xf32>,
    }
    %scan3A_918 = arith.constant 36 : i32
    %dma_wait3A_919 = arith.constant 1 : i32
    %dma_wait3A_920 = arith.constant 0 : i32
    %dma_wait3A_921 = arith.constant 0 : i32
    %dma_wait3A_922 = tpu.memref_slice %arg14[%dma_wait3A_920, %dma_wait3A_921] : memref<576x64xf32, #tpu.memory_space<vmem>> -> memref<576x64xf32, #tpu.memory_space<vmem>>
    %dma_wait3A_923 = arith.constant 0 : i32
    %dma_wait3A_924 = tpu.memref_slice %arg12[%dma_wait3A_919, %dma_wait3A_923] : memref<4x576xi32, #tpu.memory_space<vmem>> -> memref<1x576xi32, #tpu.memory_space<vmem>>
    %dma_wait3A_925 = tpu.memref_squeeze %dma_wait3A_924 : memref<1x576xi32, #tpu.memory_space<vmem>> -> memref<576xi32, #tpu.memory_space<vmem>>
    %dma_wait3A_926 = arith.constant 0 : i32
    %dma_wait3A_927 = tpu.memref_slice %dma_wait3A_925[%dma_wait3A_926] : memref<576xi32, #tpu.memory_space<vmem>> -> memref<576xi32, #tpu.memory_space<vmem>>
    %dma_wait3A_928 = arith.constant 0 : i32
    %dma_wait3A_929 = arith.constant 0 : i32
    %dma_wait3A_930 = tpu.memref_slice %arg2[%dma_wait3A_928, %dma_wait3A_929] : memref<10000x64xf32, #tpu.memory_space<hbm>> -> memref<10000x64xf32, #tpu.memory_space<hbm>>
    tpu.wait_indirect_dma semaphore(%arg19 : memref<!tpu.dma_semaphore, #tpu.memory_space<semaphore_mem>>) src(%dma_wait3A_930 : memref<10000x64xf32, #tpu.memory_space<hbm>>) dst(%dma_wait3A_922 : memref<576x64xf32, #tpu.memory_space<vmem>>)
    %dma_start3A_931 = arith.constant 1 : i32
    %dma_start3A_932 = arith.constant 0 : i32
    %dma_start3A_933 = arith.constant 0 : i32
    %dma_start3A_934 = tpu.memref_slice %arg14[%dma_start3A_932, %dma_start3A_933] : memref<576x64xf32, #tpu.memory_space<vmem>> -> memref<576x64xf32, #tpu.memory_space<vmem>>
    %dma_start3A_935 = arith.constant 0 : i32
    %dma_start3A_936 = tpu.memref_slice %arg11[%dma_start3A_931, %dma_start3A_935] : memref<4x576xi32, #tpu.memory_space<vmem>> -> memref<1x576xi32, #tpu.memory_space<vmem>>
    %dma_start3A_937 = tpu.memref_squeeze %dma_start3A_936 : memref<1x576xi32, #tpu.memory_space<vmem>> -> memref<576xi32, #tpu.memory_space<vmem>>
    %dma_start3A_938 = arith.constant 0 : i32
    %dma_start3A_939 = tpu.memref_slice %dma_start3A_937[%dma_start3A_938] : memref<576xi32, #tpu.memory_space<vmem>> -> memref<576xi32, #tpu.memory_space<vmem>>
    %dma_start3A_940 = arith.constant 0 : i32
    %dma_start3A_941 = arith.constant 0 : i32
    %dma_start3A_942 = tpu.memref_slice %arg16[%dma_start3A_940, %dma_start3A_941] : memref<10008x64xf32, #tpu.memory_space<vmem_shared>> -> memref<10008x64xf32, #tpu.memory_space<vmem_shared>>
    tpu.enqueue_indirect_dma source(%dma_start3A_934 : memref<576x64xf32, #tpu.memory_space<vmem>>) target(%dma_start3A_942 : memref<10008x64xf32, #tpu.memory_space<vmem_shared>>) offsets(%dma_start3A_939 : memref<576xi32, #tpu.memory_space<vmem>>) semaphore(%arg20 : memref<!tpu.dma_semaphore, #tpu.memory_space<semaphore_mem>>) {add = true}
    %dma_wait3A_943 = arith.constant 1 : i32
    %dma_wait3A_944 = arith.constant 0 : i32
    %dma_wait3A_945 = arith.constant 0 : i32
    %dma_wait3A_946 = tpu.memref_slice %arg14[%dma_wait3A_944, %dma_wait3A_945] : memref<576x64xf32, #tpu.memory_space<vmem>> -> memref<576x64xf32, #tpu.memory_space<vmem>>
    %dma_wait3A_947 = arith.constant 0 : i32
    %dma_wait3A_948 = tpu.memref_slice %arg11[%dma_wait3A_943, %dma_wait3A_947] : memref<4x576xi32, #tpu.memory_space<vmem>> -> memref<1x576xi32, #tpu.memory_space<vmem>>
    %dma_wait3A_949 = tpu.memref_squeeze %dma_wait3A_948 : memref<1x576xi32, #tpu.memory_space<vmem>> -> memref<576xi32, #tpu.memory_space<vmem>>
    %dma_wait3A_950 = arith.constant 0 : i32
    %dma_wait3A_951 = tpu.memref_slice %dma_wait3A_949[%dma_wait3A_950] : memref<576xi32, #tpu.memory_space<vmem>> -> memref<576xi32, #tpu.memory_space<vmem>>
    %dma_wait3A_952 = arith.constant 0 : i32
    %dma_wait3A_953 = arith.constant 0 : i32
    %dma_wait3A_954 = tpu.memref_slice %arg16[%dma_wait3A_952, %dma_wait3A_953] : memref<10008x64xf32, #tpu.memory_space<vmem_shared>> -> memref<10008x64xf32, #tpu.memory_space<vmem_shared>>
    tpu.wait_indirect_dma semaphore(%arg20 : memref<!tpu.dma_semaphore, #tpu.memory_space<semaphore_mem>>) src(%dma_wait3A_946 : memref<576x64xf32, #tpu.memory_space<vmem>>) dst(%dma_wait3A_954 : memref<10008x64xf32, #tpu.memory_space<vmem_shared>>)
    %dma_wait3A_955 = arith.constant 0 : i32
    %dma_wait3A_956 = arith.constant 3 : i32
    %dma_wait3A_957 = arith.constant 0 : i32
    %dma_wait3A_958 = tpu.memref_slice %arg11[%dma_wait3A_956, %dma_wait3A_957] : memref<4x576xi32, #tpu.memory_space<vmem>> -> memref<1x576xi32, #tpu.memory_space<vmem>>
    %dma_wait3A_959 = tpu.memref_squeeze %dma_wait3A_958 : memref<1x576xi32, #tpu.memory_space<vmem>> -> memref<576xi32, #tpu.memory_space<vmem>>
    %dma_wait3A_960 = arith.constant 0 : i32
    %dma_wait3A_961 = tpu.memref_slice %dma_wait3A_959[%dma_wait3A_960] : memref<576xi32, #tpu.memory_space<vmem>> -> memref<576xi32, #tpu.memory_space<vmem>>
    %dma_wait3A_962 = arith.constant 0 : i32
    %dma_wait3A_963 = tpu.memref_slice %arg4[%dma_wait3A_955, %dma_wait3A_962] : memref<2x320000xi32, #tpu.memory_space<hbm>> -> memref<1x320000xi32, #tpu.memory_space<hbm>>
    %dma_wait3A_964 = tpu.memref_squeeze %dma_wait3A_963 : memref<1x320000xi32, #tpu.memory_space<hbm>> -> memref<320000xi32, #tpu.memory_space<hbm>>
    %dma_wait3A_965 = tpu.memref_slice %dma_wait3A_964[%mul3A_11] : memref<320000xi32, #tpu.memory_space<hbm>> -> memref<576xi32, #tpu.memory_space<hbm>>
    %dma_wait3A_966 = arith.constant 0 : i32
    %dma_wait3A_967 = tpu.memref_slice %arg11[%dma_wait3A_956, %dma_wait3A_966] : memref<4x576xi32, #tpu.memory_space<vmem>> -> memref<1x576xi32, #tpu.memory_space<vmem>>
    %dma_wait3A_968 = tpu.memref_squeeze %dma_wait3A_967 : memref<1x576xi32, #tpu.memory_space<vmem>> -> memref<576xi32, #tpu.memory_space<vmem>>
    %dma_wait3A_969 = arith.constant 0 : i32
    %dma_wait3A_970 = tpu.memref_slice %dma_wait3A_968[%dma_wait3A_969] : memref<576xi32, #tpu.memory_space<vmem>> -> memref<576xi32, #tpu.memory_space<vmem>>
    %dma_wait3A_971 = arith.constant 0 : i32
    %dma_wait3A_972 = tpu.memref_slice %arg4[%dma_wait3A_955, %dma_wait3A_971] : memref<2x320000xi32, #tpu.memory_space<hbm>> -> memref<1x320000xi32, #tpu.memory_space<hbm>>
    %dma_wait3A_973 = tpu.memref_squeeze %dma_wait3A_972 : memref<1x320000xi32, #tpu.memory_space<hbm>> -> memref<320000xi32, #tpu.memory_space<hbm>>
    %dma_wait3A_974 = tpu.memref_slice %dma_wait3A_973[%mul3A_11] : memref<320000xi32, #tpu.memory_space<hbm>> -> memref<576xi32, #tpu.memory_space<hbm>>
    tpu.wait_dma2 semaphore(%arg17 : memref<!tpu.dma_semaphore, #tpu.memory_space<semaphore_mem>>) src(%dma_wait3A_974 : memref<576xi32, #tpu.memory_space<hbm>>) dst(%dma_wait3A_970 : memref<576xi32, #tpu.memory_space<vmem>>)
    %dma_wait3A_975 = arith.constant 1 : i32
    %dma_wait3A_976 = arith.constant 3 : i32
    %dma_wait3A_977 = arith.constant 0 : i32
    %dma_wait3A_978 = tpu.memref_slice %arg12[%dma_wait3A_976, %dma_wait3A_977] : memref<4x576xi32, #tpu.memory_space<vmem>> -> memref<1x576xi32, #tpu.memory_space<vmem>>
    %dma_wait3A_979 = tpu.memref_squeeze %dma_wait3A_978 : memref<1x576xi32, #tpu.memory_space<vmem>> -> memref<576xi32, #tpu.memory_space<vmem>>
    %dma_wait3A_980 = arith.constant 0 : i32
    %dma_wait3A_981 = tpu.memref_slice %dma_wait3A_979[%dma_wait3A_980] : memref<576xi32, #tpu.memory_space<vmem>> -> memref<576xi32, #tpu.memory_space<vmem>>
    %dma_wait3A_982 = arith.constant 0 : i32
    %dma_wait3A_983 = tpu.memref_slice %arg4[%dma_wait3A_975, %dma_wait3A_982] : memref<2x320000xi32, #tpu.memory_space<hbm>> -> memref<1x320000xi32, #tpu.memory_space<hbm>>
    %dma_wait3A_984 = tpu.memref_squeeze %dma_wait3A_983 : memref<1x320000xi32, #tpu.memory_space<hbm>> -> memref<320000xi32, #tpu.memory_space<hbm>>
    %dma_wait3A_985 = tpu.memref_slice %dma_wait3A_984[%mul3A_11] : memref<320000xi32, #tpu.memory_space<hbm>> -> memref<576xi32, #tpu.memory_space<hbm>>
    %dma_wait3A_986 = arith.constant 0 : i32
    %dma_wait3A_987 = tpu.memref_slice %arg12[%dma_wait3A_976, %dma_wait3A_986] : memref<4x576xi32, #tpu.memory_space<vmem>> -> memref<1x576xi32, #tpu.memory_space<vmem>>
    %dma_wait3A_988 = tpu.memref_squeeze %dma_wait3A_987 : memref<1x576xi32, #tpu.memory_space<vmem>> -> memref<576xi32, #tpu.memory_space<vmem>>
    %dma_wait3A_989 = arith.constant 0 : i32
    %dma_wait3A_990 = tpu.memref_slice %dma_wait3A_988[%dma_wait3A_989] : memref<576xi32, #tpu.memory_space<vmem>> -> memref<576xi32, #tpu.memory_space<vmem>>
    %dma_wait3A_991 = arith.constant 0 : i32
    %dma_wait3A_992 = tpu.memref_slice %arg4[%dma_wait3A_975, %dma_wait3A_991] : memref<2x320000xi32, #tpu.memory_space<hbm>> -> memref<1x320000xi32, #tpu.memory_space<hbm>>
    %dma_wait3A_993 = tpu.memref_squeeze %dma_wait3A_992 : memref<1x320000xi32, #tpu.memory_space<hbm>> -> memref<320000xi32, #tpu.memory_space<hbm>>
    %dma_wait3A_994 = tpu.memref_slice %dma_wait3A_993[%mul3A_11] : memref<320000xi32, #tpu.memory_space<hbm>> -> memref<576xi32, #tpu.memory_space<hbm>>
    tpu.wait_dma2 semaphore(%arg17 : memref<!tpu.dma_semaphore, #tpu.memory_space<semaphore_mem>>) src(%dma_wait3A_994 : memref<576xi32, #tpu.memory_space<hbm>>) dst(%dma_wait3A_990 : memref<576xi32, #tpu.memory_space<vmem>>)
    %dma_start3A_995 = arith.constant 3 : i32
    %dma_start3A_996 = arith.constant 0 : i32
    %dma_start3A_997 = arith.constant 0 : i32
    %dma_start3A_998 = tpu.memref_slice %arg14[%dma_start3A_996, %dma_start3A_997] : memref<576x64xf32, #tpu.memory_space<vmem>> -> memref<576x64xf32, #tpu.memory_space<vmem>>
    %dma_start3A_999 = arith.constant 0 : i32
    %dma_start3A_1000 = tpu.memref_slice %arg12[%dma_start3A_995, %dma_start3A_999] : memref<4x576xi32, #tpu.memory_space<vmem>> -> memref<1x576xi32, #tpu.memory_space<vmem>>
    %dma_start3A_1001 = tpu.memref_squeeze %dma_start3A_1000 : memref<1x576xi32, #tpu.memory_space<vmem>> -> memref<576xi32, #tpu.memory_space<vmem>>
    %dma_start3A_1002 = arith.constant 0 : i32
    %dma_start3A_1003 = tpu.memref_slice %dma_start3A_1001[%dma_start3A_1002] : memref<576xi32, #tpu.memory_space<vmem>> -> memref<576xi32, #tpu.memory_space<vmem>>
    %dma_start3A_1004 = arith.constant 0 : i32
    %dma_start3A_1005 = arith.constant 0 : i32
    %dma_start3A_1006 = tpu.memref_slice %arg2[%dma_start3A_1004, %dma_start3A_1005] : memref<10000x64xf32, #tpu.memory_space<hbm>> -> memref<10000x64xf32, #tpu.memory_space<hbm>>
    tpu.enqueue_indirect_dma source(%dma_start3A_1006 : memref<10000x64xf32, #tpu.memory_space<hbm>>) target(%dma_start3A_998 : memref<576x64xf32, #tpu.memory_space<vmem>>) offsets(%dma_start3A_1003 : memref<576xi32, #tpu.memory_space<vmem>>) semaphore(%arg19 : memref<!tpu.dma_semaphore, #tpu.memory_space<semaphore_mem>>)
    %add3A_1007 = arith.constant 4608 : i32
    %add3A_1008 = arith.addi %mul3A_11, %add3A_1007 : i32
    %dma_start3A_1009 = arith.constant 0 : i32
    %dma_start3A_1010 = arith.constant 0 : i32
    %dma_start3A_1011 = arith.constant 0 : i32
    %dma_start3A_1012 = tpu.memref_slice %arg11[%dma_start3A_1010, %dma_start3A_1011] : memref<4x576xi32, #tpu.memory_space<vmem>> -> memref<1x576xi32, #tpu.memory_space<vmem>>
    %dma_start3A_1013 = tpu.memref_squeeze %dma_start3A_1012 : memref<1x576xi32, #tpu.memory_space<vmem>> -> memref<576xi32, #tpu.memory_space<vmem>>
    %dma_start3A_1014 = arith.constant 0 : i32
    %dma_start3A_1015 = tpu.memref_slice %dma_start3A_1013[%dma_start3A_1014] : memref<576xi32, #tpu.memory_space<vmem>> -> memref<576xi32, #tpu.memory_space<vmem>>
    %dma_start3A_1016 = arith.constant 0 : i32
    %dma_start3A_1017 = tpu.memref_slice %arg4[%dma_start3A_1009, %dma_start3A_1016] : memref<2x320000xi32, #tpu.memory_space<hbm>> -> memref<1x320000xi32, #tpu.memory_space<hbm>>
    %dma_start3A_1018 = tpu.memref_squeeze %dma_start3A_1017 : memref<1x320000xi32, #tpu.memory_space<hbm>> -> memref<320000xi32, #tpu.memory_space<hbm>>
    %dma_start3A_1019 = tpu.memref_slice %dma_start3A_1018[%add3A_1008] : memref<320000xi32, #tpu.memory_space<hbm>> -> memref<576xi32, #tpu.memory_space<hbm>>
    %dma_start3A_1020 = arith.constant 0 : i32
    %dma_start3A_1021 = tpu.memref_slice %arg11[%dma_start3A_1010, %dma_start3A_1020] : memref<4x576xi32, #tpu.memory_space<vmem>> -> memref<1x576xi32, #tpu.memory_space<vmem>>
    %dma_start3A_1022 = tpu.memref_squeeze %dma_start3A_1021 : memref<1x576xi32, #tpu.memory_space<vmem>> -> memref<576xi32, #tpu.memory_space<vmem>>
    %dma_start3A_1023 = arith.constant 0 : i32
    %dma_start3A_1024 = tpu.memref_slice %dma_start3A_1022[%dma_start3A_1023] : memref<576xi32, #tpu.memory_space<vmem>> -> memref<576xi32, #tpu.memory_space<vmem>>
    %dma_start3A_1025 = arith.constant 0 : i32
    %dma_start3A_1026 = tpu.memref_slice %arg4[%dma_start3A_1009, %dma_start3A_1025] : memref<2x320000xi32, #tpu.memory_space<hbm>> -> memref<1x320000xi32, #tpu.memory_space<hbm>>
    %dma_start3A_1027 = tpu.memref_squeeze %dma_start3A_1026 : memref<1x320000xi32, #tpu.memory_space<hbm>> -> memref<320000xi32, #tpu.memory_space<hbm>>
    %dma_start3A_1028 = tpu.memref_slice %dma_start3A_1027[%add3A_1008] : memref<320000xi32, #tpu.memory_space<hbm>> -> memref<576xi32, #tpu.memory_space<hbm>>
    tpu.enqueue_dma source(%dma_start3A_1028 : memref<576xi32, #tpu.memory_space<hbm>>) target(%dma_start3A_1024 : memref<576xi32, #tpu.memory_space<vmem>>) target_semaphore(%arg17 : memref<!tpu.dma_semaphore, #tpu.memory_space<semaphore_mem>>)
    %dma_start3A_1029 = arith.constant 1 : i32
    %dma_start3A_1030 = arith.constant 0 : i32
    %dma_start3A_1031 = arith.constant 0 : i32
    %dma_start3A_1032 = tpu.memref_slice %arg12[%dma_start3A_1030, %dma_start3A_1031] : memref<4x576xi32, #tpu.memory_space<vmem>> -> memref<1x576xi32, #tpu.memory_space<vmem>>
    %dma_start3A_1033 = tpu.memref_squeeze %dma_start3A_1032 : memref<1x576xi32, #tpu.memory_space<vmem>> -> memref<576xi32, #tpu.memory_space<vmem>>
    %dma_start3A_1034 = arith.constant 0 : i32
    %dma_start3A_1035 = tpu.memref_slice %dma_start3A_1033[%dma_start3A_1034] : memref<576xi32, #tpu.memory_space<vmem>> -> memref<576xi32, #tpu.memory_space<vmem>>
    %dma_start3A_1036 = arith.constant 0 : i32
    %dma_start3A_1037 = tpu.memref_slice %arg4[%dma_start3A_1029, %dma_start3A_1036] : memref<2x320000xi32, #tpu.memory_space<hbm>> -> memref<1x320000xi32, #tpu.memory_space<hbm>>
    %dma_start3A_1038 = tpu.memref_squeeze %dma_start3A_1037 : memref<1x320000xi32, #tpu.memory_space<hbm>> -> memref<320000xi32, #tpu.memory_space<hbm>>
    %dma_start3A_1039 = tpu.memref_slice %dma_start3A_1038[%add3A_1008] : memref<320000xi32, #tpu.memory_space<hbm>> -> memref<576xi32, #tpu.memory_space<hbm>>
    %dma_start3A_1040 = arith.constant 0 : i32
    %dma_start3A_1041 = tpu.memref_slice %arg12[%dma_start3A_1030, %dma_start3A_1040] : memref<4x576xi32, #tpu.memory_space<vmem>> -> memref<1x576xi32, #tpu.memory_space<vmem>>
    %dma_start3A_1042 = tpu.memref_squeeze %dma_start3A_1041 : memref<1x576xi32, #tpu.memory_space<vmem>> -> memref<576xi32, #tpu.memory_space<vmem>>
    %dma_start3A_1043 = arith.constant 0 : i32
    %dma_start3A_1044 = tpu.memref_slice %dma_start3A_1042[%dma_start3A_1043] : memref<576xi32, #tpu.memory_space<vmem>> -> memref<576xi32, #tpu.memory_space<vmem>>
    %dma_start3A_1045 = arith.constant 0 : i32
    %dma_start3A_1046 = tpu.memref_slice %arg4[%dma_start3A_1029, %dma_start3A_1045] : memref<2x320000xi32, #tpu.memory_space<hbm>> -> memref<1x320000xi32, #tpu.memory_space<hbm>>
    %dma_start3A_1047 = tpu.memref_squeeze %dma_start3A_1046 : memref<1x320000xi32, #tpu.memory_space<hbm>> -> memref<320000xi32, #tpu.memory_space<hbm>>
    %dma_start3A_1048 = tpu.memref_slice %dma_start3A_1047[%add3A_1008] : memref<320000xi32, #tpu.memory_space<hbm>> -> memref<576xi32, #tpu.memory_space<hbm>>
    tpu.enqueue_dma source(%dma_start3A_1048 : memref<576xi32, #tpu.memory_space<hbm>>) target(%dma_start3A_1044 : memref<576xi32, #tpu.memory_space<vmem>>) target_semaphore(%arg17 : memref<!tpu.dma_semaphore, #tpu.memory_space<semaphore_mem>>)
    %scan3A_1049 = arith.constant 0 : i32
    %scan3A_1050 = arith.constant 36 : i32
    %scan3A_1051 = arith.addi %scan3A_1049, %scan3A_1050 : i32
    %scan3A_1052 = arith.constant 1 : i32
    scf.for %scan3A_2467 = %scan3A_1049 to %scan3A_1051 step %scan3A_1052  : i32 {
      %mul3A_2468 = arith.constant 16 : i32
      %mul3A_2469 = arith.muli %scan3A_2467, %mul3A_2468 : i32
      %add3A_2470 = arith.constant 0 : i32
      %add3A_2471 = arith.addi %add3A_2470, %mul3A_2469 : i32
      %get3A = arith.constant 2 : i32
      %get3A_2472 = arith.constant 0 : i32
      %get3A_2473 = tpu.memref_slice %arg11[%get3A, %get3A_2472] : memref<4x576xi32, #tpu.memory_space<vmem>> -> memref<1x576xi32, #tpu.memory_space<vmem>>
      %get3A_2474 = tpu.memref_squeeze %get3A_2473 : memref<1x576xi32, #tpu.memory_space<vmem>> -> memref<576xi32, #tpu.memory_space<vmem>>
      %get3A_2475 = arith.index_cast %add3A_2471 : i32 to index
      %get3A_2476 = tpu.vector_load %get3A_2474[%get3A_2475] {strides = array<i32>} : memref<576xi32, #tpu.memory_space<vmem>>, vector<16xi32>,
      tpu.vector_store_idx %arg15[%get3A_2476], %broadcast_in_dim3A_9 {add = true} : memref<10000xf32, #tpu.memory_space<vmem>>[vector<16xi32>], vector<16xf32>,
    }
    %scan3A_1053 = arith.constant 36 : i32
    %dma_wait3A_1054 = arith.constant 2 : i32
    %dma_wait3A_1055 = arith.constant 0 : i32
    %dma_wait3A_1056 = arith.constant 0 : i32
    %dma_wait3A_1057 = tpu.memref_slice %arg13[%dma_wait3A_1055, %dma_wait3A_1056] : memref<576x64xf32, #tpu.memory_space<vmem>> -> memref<576x64xf32, #tpu.memory_space<vmem>>
    %dma_wait3A_1058 = arith.constant 0 : i32
    %dma_wait3A_1059 = tpu.memref_slice %arg12[%dma_wait3A_1054, %dma_wait3A_1058] : memref<4x576xi32, #tpu.memory_space<vmem>> -> memref<1x576xi32, #tpu.memory_space<vmem>>
    %dma_wait3A_1060 = tpu.memref_squeeze %dma_wait3A_1059 : memref<1x576xi32, #tpu.memory_space<vmem>> -> memref<576xi32, #tpu.memory_space<vmem>>
    %dma_wait3A_1061 = arith.constant 0 : i32
    %dma_wait3A_1062 = tpu.memref_slice %dma_wait3A_1060[%dma_wait3A_1061] : memref<576xi32, #tpu.memory_space<vmem>> -> memref<576xi32, #tpu.memory_space<vmem>>
    %dma_wait3A_1063 = arith.constant 0 : i32
    %dma_wait3A_1064 = arith.constant 0 : i32
    %dma_wait3A_1065 = tpu.memref_slice %arg2[%dma_wait3A_1063, %dma_wait3A_1064] : memref<10000x64xf32, #tpu.memory_space<hbm>> -> memref<10000x64xf32, #tpu.memory_space<hbm>>
    tpu.wait_indirect_dma semaphore(%arg18 : memref<!tpu.dma_semaphore, #tpu.memory_space<semaphore_mem>>) src(%dma_wait3A_1065 : memref<10000x64xf32, #tpu.memory_space<hbm>>) dst(%dma_wait3A_1057 : memref<576x64xf32, #tpu.memory_space<vmem>>)
    %dma_start3A_1066 = arith.constant 2 : i32
    %dma_start3A_1067 = arith.constant 0 : i32
    %dma_start3A_1068 = arith.constant 0 : i32
    %dma_start3A_1069 = tpu.memref_slice %arg13[%dma_start3A_1067, %dma_start3A_1068] : memref<576x64xf32, #tpu.memory_space<vmem>> -> memref<576x64xf32, #tpu.memory_space<vmem>>
    %dma_start3A_1070 = arith.constant 0 : i32
    %dma_start3A_1071 = tpu.memref_slice %arg11[%dma_start3A_1066, %dma_start3A_1070] : memref<4x576xi32, #tpu.memory_space<vmem>> -> memref<1x576xi32, #tpu.memory_space<vmem>>
    %dma_start3A_1072 = tpu.memref_squeeze %dma_start3A_1071 : memref<1x576xi32, #tpu.memory_space<vmem>> -> memref<576xi32, #tpu.memory_space<vmem>>
    %dma_start3A_1073 = arith.constant 0 : i32
    %dma_start3A_1074 = tpu.memref_slice %dma_start3A_1072[%dma_start3A_1073] : memref<576xi32, #tpu.memory_space<vmem>> -> memref<576xi32, #tpu.memory_space<vmem>>
    %dma_start3A_1075 = arith.constant 0 : i32
    %dma_start3A_1076 = arith.constant 0 : i32
    %dma_start3A_1077 = tpu.memref_slice %arg16[%dma_start3A_1075, %dma_start3A_1076] : memref<10008x64xf32, #tpu.memory_space<vmem_shared>> -> memref<10008x64xf32, #tpu.memory_space<vmem_shared>>
    tpu.enqueue_indirect_dma source(%dma_start3A_1069 : memref<576x64xf32, #tpu.memory_space<vmem>>) target(%dma_start3A_1077 : memref<10008x64xf32, #tpu.memory_space<vmem_shared>>) offsets(%dma_start3A_1074 : memref<576xi32, #tpu.memory_space<vmem>>) semaphore(%arg20 : memref<!tpu.dma_semaphore, #tpu.memory_space<semaphore_mem>>) {add = true}
    %dma_wait3A_1078 = arith.constant 2 : i32
    %dma_wait3A_1079 = arith.constant 0 : i32
    %dma_wait3A_1080 = arith.constant 0 : i32
    %dma_wait3A_1081 = tpu.memref_slice %arg13[%dma_wait3A_1079, %dma_wait3A_1080] : memref<576x64xf32, #tpu.memory_space<vmem>> -> memref<576x64xf32, #tpu.memory_space<vmem>>
    %dma_wait3A_1082 = arith.constant 0 : i32
    %dma_wait3A_1083 = tpu.memref_slice %arg11[%dma_wait3A_1078, %dma_wait3A_1082] : memref<4x576xi32, #tpu.memory_space<vmem>> -> memref<1x576xi32, #tpu.memory_space<vmem>>
    %dma_wait3A_1084 = tpu.memref_squeeze %dma_wait3A_1083 : memref<1x576xi32, #tpu.memory_space<vmem>> -> memref<576xi32, #tpu.memory_space<vmem>>
    %dma_wait3A_1085 = arith.constant 0 : i32
    %dma_wait3A_1086 = tpu.memref_slice %dma_wait3A_1084[%dma_wait3A_1085] : memref<576xi32, #tpu.memory_space<vmem>> -> memref<576xi32, #tpu.memory_space<vmem>>
    %dma_wait3A_1087 = arith.constant 0 : i32
    %dma_wait3A_1088 = arith.constant 0 : i32
    %dma_wait3A_1089 = tpu.memref_slice %arg16[%dma_wait3A_1087, %dma_wait3A_1088] : memref<10008x64xf32, #tpu.memory_space<vmem_shared>> -> memref<10008x64xf32, #tpu.memory_space<vmem_shared>>
    tpu.wait_indirect_dma semaphore(%arg20 : memref<!tpu.dma_semaphore, #tpu.memory_space<semaphore_mem>>) src(%dma_wait3A_1081 : memref<576x64xf32, #tpu.memory_space<vmem>>) dst(%dma_wait3A_1089 : memref<10008x64xf32, #tpu.memory_space<vmem_shared>>)
    %dma_wait3A_1090 = arith.constant 0 : i32
    %dma_wait3A_1091 = arith.constant 0 : i32
    %dma_wait3A_1092 = arith.constant 0 : i32
    %dma_wait3A_1093 = tpu.memref_slice %arg11[%dma_wait3A_1091, %dma_wait3A_1092] : memref<4x576xi32, #tpu.memory_space<vmem>> -> memref<1x576xi32, #tpu.memory_space<vmem>>
    %dma_wait3A_1094 = tpu.memref_squeeze %dma_wait3A_1093 : memref<1x576xi32, #tpu.memory_space<vmem>> -> memref<576xi32, #tpu.memory_space<vmem>>
    %dma_wait3A_1095 = arith.constant 0 : i32
    %dma_wait3A_1096 = tpu.memref_slice %dma_wait3A_1094[%dma_wait3A_1095] : memref<576xi32, #tpu.memory_space<vmem>> -> memref<576xi32, #tpu.memory_space<vmem>>
    %dma_wait3A_1097 = arith.constant 0 : i32
    %dma_wait3A_1098 = tpu.memref_slice %arg4[%dma_wait3A_1090, %dma_wait3A_1097] : memref<2x320000xi32, #tpu.memory_space<hbm>> -> memref<1x320000xi32, #tpu.memory_space<hbm>>
    %dma_wait3A_1099 = tpu.memref_squeeze %dma_wait3A_1098 : memref<1x320000xi32, #tpu.memory_space<hbm>> -> memref<320000xi32, #tpu.memory_space<hbm>>
    %dma_wait3A_1100 = tpu.memref_slice %dma_wait3A_1099[%mul3A_11] : memref<320000xi32, #tpu.memory_space<hbm>> -> memref<576xi32, #tpu.memory_space<hbm>>
    %dma_wait3A_1101 = arith.constant 0 : i32
    %dma_wait3A_1102 = tpu.memref_slice %arg11[%dma_wait3A_1091, %dma_wait3A_1101] : memref<4x576xi32, #tpu.memory_space<vmem>> -> memref<1x576xi32, #tpu.memory_space<vmem>>
    %dma_wait3A_1103 = tpu.memref_squeeze %dma_wait3A_1102 : memref<1x576xi32, #tpu.memory_space<vmem>> -> memref<576xi32, #tpu.memory_space<vmem>>
    %dma_wait3A_1104 = arith.constant 0 : i32
    %dma_wait3A_1105 = tpu.memref_slice %dma_wait3A_1103[%dma_wait3A_1104] : memref<576xi32, #tpu.memory_space<vmem>> -> memref<576xi32, #tpu.memory_space<vmem>>
    %dma_wait3A_1106 = arith.constant 0 : i32
    %dma_wait3A_1107 = tpu.memref_slice %arg4[%dma_wait3A_1090, %dma_wait3A_1106] : memref<2x320000xi32, #tpu.memory_space<hbm>> -> memref<1x320000xi32, #tpu.memory_space<hbm>>
    %dma_wait3A_1108 = tpu.memref_squeeze %dma_wait3A_1107 : memref<1x320000xi32, #tpu.memory_space<hbm>> -> memref<320000xi32, #tpu.memory_space<hbm>>
    %dma_wait3A_1109 = tpu.memref_slice %dma_wait3A_1108[%mul3A_11] : memref<320000xi32, #tpu.memory_space<hbm>> -> memref<576xi32, #tpu.memory_space<hbm>>
    tpu.wait_dma2 semaphore(%arg17 : memref<!tpu.dma_semaphore, #tpu.memory_space<semaphore_mem>>) src(%dma_wait3A_1109 : memref<576xi32, #tpu.memory_space<hbm>>) dst(%dma_wait3A_1105 : memref<576xi32, #tpu.memory_space<vmem>>)
    %dma_wait3A_1110 = arith.constant 1 : i32
    %dma_wait3A_1111 = arith.constant 0 : i32
    %dma_wait3A_1112 = arith.constant 0 : i32
    %dma_wait3A_1113 = tpu.memref_slice %arg12[%dma_wait3A_1111, %dma_wait3A_1112] : memref<4x576xi32, #tpu.memory_space<vmem>> -> memref<1x576xi32, #tpu.memory_space<vmem>>
    %dma_wait3A_1114 = tpu.memref_squeeze %dma_wait3A_1113 : memref<1x576xi32, #tpu.memory_space<vmem>> -> memref<576xi32, #tpu.memory_space<vmem>>
    %dma_wait3A_1115 = arith.constant 0 : i32
    %dma_wait3A_1116 = tpu.memref_slice %dma_wait3A_1114[%dma_wait3A_1115] : memref<576xi32, #tpu.memory_space<vmem>> -> memref<576xi32, #tpu.memory_space<vmem>>
    %dma_wait3A_1117 = arith.constant 0 : i32
    %dma_wait3A_1118 = tpu.memref_slice %arg4[%dma_wait3A_1110, %dma_wait3A_1117] : memref<2x320000xi32, #tpu.memory_space<hbm>> -> memref<1x320000xi32, #tpu.memory_space<hbm>>
    %dma_wait3A_1119 = tpu.memref_squeeze %dma_wait3A_1118 : memref<1x320000xi32, #tpu.memory_space<hbm>> -> memref<320000xi32, #tpu.memory_space<hbm>>
    %dma_wait3A_1120 = tpu.memref_slice %dma_wait3A_1119[%mul3A_11] : memref<320000xi32, #tpu.memory_space<hbm>> -> memref<576xi32, #tpu.memory_space<hbm>>
    %dma_wait3A_1121 = arith.constant 0 : i32
    %dma_wait3A_1122 = tpu.memref_slice %arg12[%dma_wait3A_1111, %dma_wait3A_1121] : memref<4x576xi32, #tpu.memory_space<vmem>> -> memref<1x576xi32, #tpu.memory_space<vmem>>
    %dma_wait3A_1123 = tpu.memref_squeeze %dma_wait3A_1122 : memref<1x576xi32, #tpu.memory_space<vmem>> -> memref<576xi32, #tpu.memory_space<vmem>>
    %dma_wait3A_1124 = arith.constant 0 : i32
    %dma_wait3A_1125 = tpu.memref_slice %dma_wait3A_1123[%dma_wait3A_1124] : memref<576xi32, #tpu.memory_space<vmem>> -> memref<576xi32, #tpu.memory_space<vmem>>
    %dma_wait3A_1126 = arith.constant 0 : i32
    %dma_wait3A_1127 = tpu.memref_slice %arg4[%dma_wait3A_1110, %dma_wait3A_1126] : memref<2x320000xi32, #tpu.memory_space<hbm>> -> memref<1x320000xi32, #tpu.memory_space<hbm>>
    %dma_wait3A_1128 = tpu.memref_squeeze %dma_wait3A_1127 : memref<1x320000xi32, #tpu.memory_space<hbm>> -> memref<320000xi32, #tpu.memory_space<hbm>>
    %dma_wait3A_1129 = tpu.memref_slice %dma_wait3A_1128[%mul3A_11] : memref<320000xi32, #tpu.memory_space<hbm>> -> memref<576xi32, #tpu.memory_space<hbm>>
    tpu.wait_dma2 semaphore(%arg17 : memref<!tpu.dma_semaphore, #tpu.memory_space<semaphore_mem>>) src(%dma_wait3A_1129 : memref<576xi32, #tpu.memory_space<hbm>>) dst(%dma_wait3A_1125 : memref<576xi32, #tpu.memory_space<vmem>>)
    %dma_start3A_1130 = arith.constant 0 : i32
    %dma_start3A_1131 = arith.constant 0 : i32
    %dma_start3A_1132 = arith.constant 0 : i32
    %dma_start3A_1133 = tpu.memref_slice %arg13[%dma_start3A_1131, %dma_start3A_1132] : memref<576x64xf32, #tpu.memory_space<vmem>> -> memref<576x64xf32, #tpu.memory_space<vmem>>
    %dma_start3A_1134 = arith.constant 0 : i32
    %dma_start3A_1135 = tpu.memref_slice %arg12[%dma_start3A_1130, %dma_start3A_1134] : memref<4x576xi32, #tpu.memory_space<vmem>> -> memref<1x576xi32, #tpu.memory_space<vmem>>
    %dma_start3A_1136 = tpu.memref_squeeze %dma_start3A_1135 : memref<1x576xi32, #tpu.memory_space<vmem>> -> memref<576xi32, #tpu.memory_space<vmem>>
    %dma_start3A_1137 = arith.constant 0 : i32
    %dma_start3A_1138 = tpu.memref_slice %dma_start3A_1136[%dma_start3A_1137] : memref<576xi32, #tpu.memory_space<vmem>> -> memref<576xi32, #tpu.memory_space<vmem>>
    %dma_start3A_1139 = arith.constant 0 : i32
    %dma_start3A_1140 = arith.constant 0 : i32
    %dma_start3A_1141 = tpu.memref_slice %arg2[%dma_start3A_1139, %dma_start3A_1140] : memref<10000x64xf32, #tpu.memory_space<hbm>> -> memref<10000x64xf32, #tpu.memory_space<hbm>>
    tpu.enqueue_indirect_dma source(%dma_start3A_1141 : memref<10000x64xf32, #tpu.memory_space<hbm>>) target(%dma_start3A_1133 : memref<576x64xf32, #tpu.memory_space<vmem>>) offsets(%dma_start3A_1138 : memref<576xi32, #tpu.memory_space<vmem>>) semaphore(%arg18 : memref<!tpu.dma_semaphore, #tpu.memory_space<semaphore_mem>>)
    %add3A_1142 = arith.constant 5184 : i32
    %add3A_1143 = arith.addi %mul3A_11, %add3A_1142 : i32
    %dma_start3A_1144 = arith.constant 0 : i32
    %dma_start3A_1145 = arith.constant 1 : i32
    %dma_start3A_1146 = arith.constant 0 : i32
    %dma_start3A_1147 = tpu.memref_slice %arg11[%dma_start3A_1145, %dma_start3A_1146] : memref<4x576xi32, #tpu.memory_space<vmem>> -> memref<1x576xi32, #tpu.memory_space<vmem>>
    %dma_start3A_1148 = tpu.memref_squeeze %dma_start3A_1147 : memref<1x576xi32, #tpu.memory_space<vmem>> -> memref<576xi32, #tpu.memory_space<vmem>>
    %dma_start3A_1149 = arith.constant 0 : i32
    %dma_start3A_1150 = tpu.memref_slice %dma_start3A_1148[%dma_start3A_1149] : memref<576xi32, #tpu.memory_space<vmem>> -> memref<576xi32, #tpu.memory_space<vmem>>
    %dma_start3A_1151 = arith.constant 0 : i32
    %dma_start3A_1152 = tpu.memref_slice %arg4[%dma_start3A_1144, %dma_start3A_1151] : memref<2x320000xi32, #tpu.memory_space<hbm>> -> memref<1x320000xi32, #tpu.memory_space<hbm>>
    %dma_start3A_1153 = tpu.memref_squeeze %dma_start3A_1152 : memref<1x320000xi32, #tpu.memory_space<hbm>> -> memref<320000xi32, #tpu.memory_space<hbm>>
    %dma_start3A_1154 = tpu.memref_slice %dma_start3A_1153[%add3A_1143] : memref<320000xi32, #tpu.memory_space<hbm>> -> memref<576xi32, #tpu.memory_space<hbm>>
    %dma_start3A_1155 = arith.constant 0 : i32
    %dma_start3A_1156 = tpu.memref_slice %arg11[%dma_start3A_1145, %dma_start3A_1155] : memref<4x576xi32, #tpu.memory_space<vmem>> -> memref<1x576xi32, #tpu.memory_space<vmem>>
    %dma_start3A_1157 = tpu.memref_squeeze %dma_start3A_1156 : memref<1x576xi32, #tpu.memory_space<vmem>> -> memref<576xi32, #tpu.memory_space<vmem>>
    %dma_start3A_1158 = arith.constant 0 : i32
    %dma_start3A_1159 = tpu.memref_slice %dma_start3A_1157[%dma_start3A_1158] : memref<576xi32, #tpu.memory_space<vmem>> -> memref<576xi32, #tpu.memory_space<vmem>>
    %dma_start3A_1160 = arith.constant 0 : i32
    %dma_start3A_1161 = tpu.memref_slice %arg4[%dma_start3A_1144, %dma_start3A_1160] : memref<2x320000xi32, #tpu.memory_space<hbm>> -> memref<1x320000xi32, #tpu.memory_space<hbm>>
    %dma_start3A_1162 = tpu.memref_squeeze %dma_start3A_1161 : memref<1x320000xi32, #tpu.memory_space<hbm>> -> memref<320000xi32, #tpu.memory_space<hbm>>
    %dma_start3A_1163 = tpu.memref_slice %dma_start3A_1162[%add3A_1143] : memref<320000xi32, #tpu.memory_space<hbm>> -> memref<576xi32, #tpu.memory_space<hbm>>
    tpu.enqueue_dma source(%dma_start3A_1163 : memref<576xi32, #tpu.memory_space<hbm>>) target(%dma_start3A_1159 : memref<576xi32, #tpu.memory_space<vmem>>) target_semaphore(%arg17 : memref<!tpu.dma_semaphore, #tpu.memory_space<semaphore_mem>>)
    %dma_start3A_1164 = arith.constant 1 : i32
    %dma_start3A_1165 = arith.constant 1 : i32
    %dma_start3A_1166 = arith.constant 0 : i32
    %dma_start3A_1167 = tpu.memref_slice %arg12[%dma_start3A_1165, %dma_start3A_1166] : memref<4x576xi32, #tpu.memory_space<vmem>> -> memref<1x576xi32, #tpu.memory_space<vmem>>
    %dma_start3A_1168 = tpu.memref_squeeze %dma_start3A_1167 : memref<1x576xi32, #tpu.memory_space<vmem>> -> memref<576xi32, #tpu.memory_space<vmem>>
    %dma_start3A_1169 = arith.constant 0 : i32
    %dma_start3A_1170 = tpu.memref_slice %dma_start3A_1168[%dma_start3A_1169] : memref<576xi32, #tpu.memory_space<vmem>> -> memref<576xi32, #tpu.memory_space<vmem>>
    %dma_start3A_1171 = arith.constant 0 : i32
    %dma_start3A_1172 = tpu.memref_slice %arg4[%dma_start3A_1164, %dma_start3A_1171] : memref<2x320000xi32, #tpu.memory_space<hbm>> -> memref<1x320000xi32, #tpu.memory_space<hbm>>
    %dma_start3A_1173 = tpu.memref_squeeze %dma_start3A_1172 : memref<1x320000xi32, #tpu.memory_space<hbm>> -> memref<320000xi32, #tpu.memory_space<hbm>>
    %dma_start3A_1174 = tpu.memref_slice %dma_start3A_1173[%add3A_1143] : memref<320000xi32, #tpu.memory_space<hbm>> -> memref<576xi32, #tpu.memory_space<hbm>>
    %dma_start3A_1175 = arith.constant 0 : i32
    %dma_start3A_1176 = tpu.memref_slice %arg12[%dma_start3A_1165, %dma_start3A_1175] : memref<4x576xi32, #tpu.memory_space<vmem>> -> memref<1x576xi32, #tpu.memory_space<vmem>>
    %dma_start3A_1177 = tpu.memref_squeeze %dma_start3A_1176 : memref<1x576xi32, #tpu.memory_space<vmem>> -> memref<576xi32, #tpu.memory_space<vmem>>
    %dma_start3A_1178 = arith.constant 0 : i32
    %dma_start3A_1179 = tpu.memref_slice %dma_start3A_1177[%dma_start3A_1178] : memref<576xi32, #tpu.memory_space<vmem>> -> memref<576xi32, #tpu.memory_space<vmem>>
    %dma_start3A_1180 = arith.constant 0 : i32
    %dma_start3A_1181 = tpu.memref_slice %arg4[%dma_start3A_1164, %dma_start3A_1180] : memref<2x320000xi32, #tpu.memory_space<hbm>> -> memref<1x320000xi32, #tpu.memory_space<hbm>>
    %dma_start3A_1182 = tpu.memref_squeeze %dma_start3A_1181 : memref<1x320000xi32, #tpu.memory_space<hbm>> -> memref<320000xi32, #tpu.memory_space<hbm>>
    %dma_start3A_1183 = tpu.memref_slice %dma_start3A_1182[%add3A_1143] : memref<320000xi32, #tpu.memory_space<hbm>> -> memref<576xi32, #tpu.memory_space<hbm>>
    tpu.enqueue_dma source(%dma_start3A_1183 : memref<576xi32, #tpu.memory_space<hbm>>) target(%dma_start3A_1179 : memref<576xi32, #tpu.memory_space<vmem>>) target_semaphore(%arg17 : memref<!tpu.dma_semaphore, #tpu.memory_space<semaphore_mem>>)
    %scan3A_1184 = arith.constant 0 : i32
    %scan3A_1185 = arith.constant 36 : i32
    %scan3A_1186 = arith.addi %scan3A_1184, %scan3A_1185 : i32
    %scan3A_1187 = arith.constant 1 : i32
    scf.for %scan3A_2467 = %scan3A_1184 to %scan3A_1186 step %scan3A_1187  : i32 {
      %mul3A_2468 = arith.constant 16 : i32
      %mul3A_2469 = arith.muli %scan3A_2467, %mul3A_2468 : i32
      %add3A_2470 = arith.constant 0 : i32
      %add3A_2471 = arith.addi %add3A_2470, %mul3A_2469 : i32
      %get3A = arith.constant 3 : i32
      %get3A_2472 = arith.constant 0 : i32
      %get3A_2473 = tpu.memref_slice %arg11[%get3A, %get3A_2472] : memref<4x576xi32, #tpu.memory_space<vmem>> -> memref<1x576xi32, #tpu.memory_space<vmem>>
      %get3A_2474 = tpu.memref_squeeze %get3A_2473 : memref<1x576xi32, #tpu.memory_space<vmem>> -> memref<576xi32, #tpu.memory_space<vmem>>
      %get3A_2475 = arith.index_cast %add3A_2471 : i32 to index
      %get3A_2476 = tpu.vector_load %get3A_2474[%get3A_2475] {strides = array<i32>} : memref<576xi32, #tpu.memory_space<vmem>>, vector<16xi32>,
      tpu.vector_store_idx %arg15[%get3A_2476], %broadcast_in_dim3A_9 {add = true} : memref<10000xf32, #tpu.memory_space<vmem>>[vector<16xi32>], vector<16xf32>,
    }
    %scan3A_1188 = arith.constant 36 : i32
    %dma_wait3A_1189 = arith.constant 3 : i32
    %dma_wait3A_1190 = arith.constant 0 : i32
    %dma_wait3A_1191 = arith.constant 0 : i32
    %dma_wait3A_1192 = tpu.memref_slice %arg14[%dma_wait3A_1190, %dma_wait3A_1191] : memref<576x64xf32, #tpu.memory_space<vmem>> -> memref<576x64xf32, #tpu.memory_space<vmem>>
    %dma_wait3A_1193 = arith.constant 0 : i32
    %dma_wait3A_1194 = tpu.memref_slice %arg12[%dma_wait3A_1189, %dma_wait3A_1193] : memref<4x576xi32, #tpu.memory_space<vmem>> -> memref<1x576xi32, #tpu.memory_space<vmem>>
    %dma_wait3A_1195 = tpu.memref_squeeze %dma_wait3A_1194 : memref<1x576xi32, #tpu.memory_space<vmem>> -> memref<576xi32, #tpu.memory_space<vmem>>
    %dma_wait3A_1196 = arith.constant 0 : i32
    %dma_wait3A_1197 = tpu.memref_slice %dma_wait3A_1195[%dma_wait3A_1196] : memref<576xi32, #tpu.memory_space<vmem>> -> memref<576xi32, #tpu.memory_space<vmem>>
    %dma_wait3A_1198 = arith.constant 0 : i32
    %dma_wait3A_1199 = arith.constant 0 : i32
    %dma_wait3A_1200 = tpu.memref_slice %arg2[%dma_wait3A_1198, %dma_wait3A_1199] : memref<10000x64xf32, #tpu.memory_space<hbm>> -> memref<10000x64xf32, #tpu.memory_space<hbm>>
    tpu.wait_indirect_dma semaphore(%arg19 : memref<!tpu.dma_semaphore, #tpu.memory_space<semaphore_mem>>) src(%dma_wait3A_1200 : memref<10000x64xf32, #tpu.memory_space<hbm>>) dst(%dma_wait3A_1192 : memref<576x64xf32, #tpu.memory_space<vmem>>)
    %dma_start3A_1201 = arith.constant 3 : i32
    %dma_start3A_1202 = arith.constant 0 : i32
    %dma_start3A_1203 = arith.constant 0 : i32
    %dma_start3A_1204 = tpu.memref_slice %arg14[%dma_start3A_1202, %dma_start3A_1203] : memref<576x64xf32, #tpu.memory_space<vmem>> -> memref<576x64xf32, #tpu.memory_space<vmem>>
    %dma_start3A_1205 = arith.constant 0 : i32
    %dma_start3A_1206 = tpu.memref_slice %arg11[%dma_start3A_1201, %dma_start3A_1205] : memref<4x576xi32, #tpu.memory_space<vmem>> -> memref<1x576xi32, #tpu.memory_space<vmem>>
    %dma_start3A_1207 = tpu.memref_squeeze %dma_start3A_1206 : memref<1x576xi32, #tpu.memory_space<vmem>> -> memref<576xi32, #tpu.memory_space<vmem>>
    %dma_start3A_1208 = arith.constant 0 : i32
    %dma_start3A_1209 = tpu.memref_slice %dma_start3A_1207[%dma_start3A_1208] : memref<576xi32, #tpu.memory_space<vmem>> -> memref<576xi32, #tpu.memory_space<vmem>>
    %dma_start3A_1210 = arith.constant 0 : i32
    %dma_start3A_1211 = arith.constant 0 : i32
    %dma_start3A_1212 = tpu.memref_slice %arg16[%dma_start3A_1210, %dma_start3A_1211] : memref<10008x64xf32, #tpu.memory_space<vmem_shared>> -> memref<10008x64xf32, #tpu.memory_space<vmem_shared>>
    tpu.enqueue_indirect_dma source(%dma_start3A_1204 : memref<576x64xf32, #tpu.memory_space<vmem>>) target(%dma_start3A_1212 : memref<10008x64xf32, #tpu.memory_space<vmem_shared>>) offsets(%dma_start3A_1209 : memref<576xi32, #tpu.memory_space<vmem>>) semaphore(%arg20 : memref<!tpu.dma_semaphore, #tpu.memory_space<semaphore_mem>>) {add = true}
    %dma_wait3A_1213 = arith.constant 3 : i32
    %dma_wait3A_1214 = arith.constant 0 : i32
    %dma_wait3A_1215 = arith.constant 0 : i32
    %dma_wait3A_1216 = tpu.memref_slice %arg14[%dma_wait3A_1214, %dma_wait3A_1215] : memref<576x64xf32, #tpu.memory_space<vmem>> -> memref<576x64xf32, #tpu.memory_space<vmem>>
    %dma_wait3A_1217 = arith.constant 0 : i32
    %dma_wait3A_1218 = tpu.memref_slice %arg11[%dma_wait3A_1213, %dma_wait3A_1217] : memref<4x576xi32, #tpu.memory_space<vmem>> -> memref<1x576xi32, #tpu.memory_space<vmem>>
    %dma_wait3A_1219 = tpu.memref_squeeze %dma_wait3A_1218 : memref<1x576xi32, #tpu.memory_space<vmem>> -> memref<576xi32, #tpu.memory_space<vmem>>
    %dma_wait3A_1220 = arith.constant 0 : i32
    %dma_wait3A_1221 = tpu.memref_slice %dma_wait3A_1219[%dma_wait3A_1220] : memref<576xi32, #tpu.memory_space<vmem>> -> memref<576xi32, #tpu.memory_space<vmem>>
    %dma_wait3A_1222 = arith.constant 0 : i32
    %dma_wait3A_1223 = arith.constant 0 : i32
    %dma_wait3A_1224 = tpu.memref_slice %arg16[%dma_wait3A_1222, %dma_wait3A_1223] : memref<10008x64xf32, #tpu.memory_space<vmem_shared>> -> memref<10008x64xf32, #tpu.memory_space<vmem_shared>>
    tpu.wait_indirect_dma semaphore(%arg20 : memref<!tpu.dma_semaphore, #tpu.memory_space<semaphore_mem>>) src(%dma_wait3A_1216 : memref<576x64xf32, #tpu.memory_space<vmem>>) dst(%dma_wait3A_1224 : memref<10008x64xf32, #tpu.memory_space<vmem_shared>>)
    %dma_wait3A_1225 = arith.constant 0 : i32
    %dma_wait3A_1226 = arith.constant 1 : i32
    %dma_wait3A_1227 = arith.constant 0 : i32
    %dma_wait3A_1228 = tpu.memref_slice %arg11[%dma_wait3A_1226, %dma_wait3A_1227] : memref<4x576xi32, #tpu.memory_space<vmem>> -> memref<1x576xi32, #tpu.memory_space<vmem>>
    %dma_wait3A_1229 = tpu.memref_squeeze %dma_wait3A_1228 : memref<1x576xi32, #tpu.memory_space<vmem>> -> memref<576xi32, #tpu.memory_space<vmem>>
    %dma_wait3A_1230 = arith.constant 0 : i32
    %dma_wait3A_1231 = tpu.memref_slice %dma_wait3A_1229[%dma_wait3A_1230] : memref<576xi32, #tpu.memory_space<vmem>> -> memref<576xi32, #tpu.memory_space<vmem>>
    %dma_wait3A_1232 = arith.constant 0 : i32
    %dma_wait3A_1233 = tpu.memref_slice %arg4[%dma_wait3A_1225, %dma_wait3A_1232] : memref<2x320000xi32, #tpu.memory_space<hbm>> -> memref<1x320000xi32, #tpu.memory_space<hbm>>
    %dma_wait3A_1234 = tpu.memref_squeeze %dma_wait3A_1233 : memref<1x320000xi32, #tpu.memory_space<hbm>> -> memref<320000xi32, #tpu.memory_space<hbm>>
    %dma_wait3A_1235 = tpu.memref_slice %dma_wait3A_1234[%mul3A_11] : memref<320000xi32, #tpu.memory_space<hbm>> -> memref<576xi32, #tpu.memory_space<hbm>>
    %dma_wait3A_1236 = arith.constant 0 : i32
    %dma_wait3A_1237 = tpu.memref_slice %arg11[%dma_wait3A_1226, %dma_wait3A_1236] : memref<4x576xi32, #tpu.memory_space<vmem>> -> memref<1x576xi32, #tpu.memory_space<vmem>>
    %dma_wait3A_1238 = tpu.memref_squeeze %dma_wait3A_1237 : memref<1x576xi32, #tpu.memory_space<vmem>> -> memref<576xi32, #tpu.memory_space<vmem>>
    %dma_wait3A_1239 = arith.constant 0 : i32
    %dma_wait3A_1240 = tpu.memref_slice %dma_wait3A_1238[%dma_wait3A_1239] : memref<576xi32, #tpu.memory_space<vmem>> -> memref<576xi32, #tpu.memory_space<vmem>>
    %dma_wait3A_1241 = arith.constant 0 : i32
    %dma_wait3A_1242 = tpu.memref_slice %arg4[%dma_wait3A_1225, %dma_wait3A_1241] : memref<2x320000xi32, #tpu.memory_space<hbm>> -> memref<1x320000xi32, #tpu.memory_space<hbm>>
    %dma_wait3A_1243 = tpu.memref_squeeze %dma_wait3A_1242 : memref<1x320000xi32, #tpu.memory_space<hbm>> -> memref<320000xi32, #tpu.memory_space<hbm>>
    %dma_wait3A_1244 = tpu.memref_slice %dma_wait3A_1243[%mul3A_11] : memref<320000xi32, #tpu.memory_space<hbm>> -> memref<576xi32, #tpu.memory_space<hbm>>
    tpu.wait_dma2 semaphore(%arg17 : memref<!tpu.dma_semaphore, #tpu.memory_space<semaphore_mem>>) src(%dma_wait3A_1244 : memref<576xi32, #tpu.memory_space<hbm>>) dst(%dma_wait3A_1240 : memref<576xi32, #tpu.memory_space<vmem>>)
    %dma_wait3A_1245 = arith.constant 1 : i32
    %dma_wait3A_1246 = arith.constant 1 : i32
    %dma_wait3A_1247 = arith.constant 0 : i32
    %dma_wait3A_1248 = tpu.memref_slice %arg12[%dma_wait3A_1246, %dma_wait3A_1247] : memref<4x576xi32, #tpu.memory_space<vmem>> -> memref<1x576xi32, #tpu.memory_space<vmem>>
    %dma_wait3A_1249 = tpu.memref_squeeze %dma_wait3A_1248 : memref<1x576xi32, #tpu.memory_space<vmem>> -> memref<576xi32, #tpu.memory_space<vmem>>
    %dma_wait3A_1250 = arith.constant 0 : i32
    %dma_wait3A_1251 = tpu.memref_slice %dma_wait3A_1249[%dma_wait3A_1250] : memref<576xi32, #tpu.memory_space<vmem>> -> memref<576xi32, #tpu.memory_space<vmem>>
    %dma_wait3A_1252 = arith.constant 0 : i32
    %dma_wait3A_1253 = tpu.memref_slice %arg4[%dma_wait3A_1245, %dma_wait3A_1252] : memref<2x320000xi32, #tpu.memory_space<hbm>> -> memref<1x320000xi32, #tpu.memory_space<hbm>>
    %dma_wait3A_1254 = tpu.memref_squeeze %dma_wait3A_1253 : memref<1x320000xi32, #tpu.memory_space<hbm>> -> memref<320000xi32, #tpu.memory_space<hbm>>
    %dma_wait3A_1255 = tpu.memref_slice %dma_wait3A_1254[%mul3A_11] : memref<320000xi32, #tpu.memory_space<hbm>> -> memref<576xi32, #tpu.memory_space<hbm>>
    %dma_wait3A_1256 = arith.constant 0 : i32
    %dma_wait3A_1257 = tpu.memref_slice %arg12[%dma_wait3A_1246, %dma_wait3A_1256] : memref<4x576xi32, #tpu.memory_space<vmem>> -> memref<1x576xi32, #tpu.memory_space<vmem>>
    %dma_wait3A_1258 = tpu.memref_squeeze %dma_wait3A_1257 : memref<1x576xi32, #tpu.memory_space<vmem>> -> memref<576xi32, #tpu.memory_space<vmem>>
    %dma_wait3A_1259 = arith.constant 0 : i32
    %dma_wait3A_1260 = tpu.memref_slice %dma_wait3A_1258[%dma_wait3A_1259] : memref<576xi32, #tpu.memory_space<vmem>> -> memref<576xi32, #tpu.memory_space<vmem>>
    %dma_wait3A_1261 = arith.constant 0 : i32
    %dma_wait3A_1262 = tpu.memref_slice %arg4[%dma_wait3A_1245, %dma_wait3A_1261] : memref<2x320000xi32, #tpu.memory_space<hbm>> -> memref<1x320000xi32, #tpu.memory_space<hbm>>
    %dma_wait3A_1263 = tpu.memref_squeeze %dma_wait3A_1262 : memref<1x320000xi32, #tpu.memory_space<hbm>> -> memref<320000xi32, #tpu.memory_space<hbm>>
    %dma_wait3A_1264 = tpu.memref_slice %dma_wait3A_1263[%mul3A_11] : memref<320000xi32, #tpu.memory_space<hbm>> -> memref<576xi32, #tpu.memory_space<hbm>>
    tpu.wait_dma2 semaphore(%arg17 : memref<!tpu.dma_semaphore, #tpu.memory_space<semaphore_mem>>) src(%dma_wait3A_1264 : memref<576xi32, #tpu.memory_space<hbm>>) dst(%dma_wait3A_1260 : memref<576xi32, #tpu.memory_space<vmem>>)
    %dma_start3A_1265 = arith.constant 1 : i32
    %dma_start3A_1266 = arith.constant 0 : i32
    %dma_start3A_1267 = arith.constant 0 : i32
    %dma_start3A_1268 = tpu.memref_slice %arg14[%dma_start3A_1266, %dma_start3A_1267] : memref<576x64xf32, #tpu.memory_space<vmem>> -> memref<576x64xf32, #tpu.memory_space<vmem>>
    %dma_start3A_1269 = arith.constant 0 : i32
    %dma_start3A_1270 = tpu.memref_slice %arg12[%dma_start3A_1265, %dma_start3A_1269] : memref<4x576xi32, #tpu.memory_space<vmem>> -> memref<1x576xi32, #tpu.memory_space<vmem>>
    %dma_start3A_1271 = tpu.memref_squeeze %dma_start3A_1270 : memref<1x576xi32, #tpu.memory_space<vmem>> -> memref<576xi32, #tpu.memory_space<vmem>>
    %dma_start3A_1272 = arith.constant 0 : i32
    %dma_start3A_1273 = tpu.memref_slice %dma_start3A_1271[%dma_start3A_1272] : memref<576xi32, #tpu.memory_space<vmem>> -> memref<576xi32, #tpu.memory_space<vmem>>
    %dma_start3A_1274 = arith.constant 0 : i32
    %dma_start3A_1275 = arith.constant 0 : i32
    %dma_start3A_1276 = tpu.memref_slice %arg2[%dma_start3A_1274, %dma_start3A_1275] : memref<10000x64xf32, #tpu.memory_space<hbm>> -> memref<10000x64xf32, #tpu.memory_space<hbm>>
    tpu.enqueue_indirect_dma source(%dma_start3A_1276 : memref<10000x64xf32, #tpu.memory_space<hbm>>) target(%dma_start3A_1268 : memref<576x64xf32, #tpu.memory_space<vmem>>) offsets(%dma_start3A_1273 : memref<576xi32, #tpu.memory_space<vmem>>) semaphore(%arg19 : memref<!tpu.dma_semaphore, #tpu.memory_space<semaphore_mem>>)
    %add3A_1277 = arith.constant 5760 : i32
    %add3A_1278 = arith.addi %mul3A_11, %add3A_1277 : i32
    %dma_start3A_1279 = arith.constant 0 : i32
    %dma_start3A_1280 = arith.constant 2 : i32
    %dma_start3A_1281 = arith.constant 0 : i32
    %dma_start3A_1282 = tpu.memref_slice %arg11[%dma_start3A_1280, %dma_start3A_1281] : memref<4x576xi32, #tpu.memory_space<vmem>> -> memref<1x576xi32, #tpu.memory_space<vmem>>
    %dma_start3A_1283 = tpu.memref_squeeze %dma_start3A_1282 : memref<1x576xi32, #tpu.memory_space<vmem>> -> memref<576xi32, #tpu.memory_space<vmem>>
    %dma_start3A_1284 = arith.constant 0 : i32
    %dma_start3A_1285 = tpu.memref_slice %dma_start3A_1283[%dma_start3A_1284] : memref<576xi32, #tpu.memory_space<vmem>> -> memref<576xi32, #tpu.memory_space<vmem>>
    %dma_start3A_1286 = arith.constant 0 : i32
    %dma_start3A_1287 = tpu.memref_slice %arg4[%dma_start3A_1279, %dma_start3A_1286] : memref<2x320000xi32, #tpu.memory_space<hbm>> -> memref<1x320000xi32, #tpu.memory_space<hbm>>
    %dma_start3A_1288 = tpu.memref_squeeze %dma_start3A_1287 : memref<1x320000xi32, #tpu.memory_space<hbm>> -> memref<320000xi32, #tpu.memory_space<hbm>>
    %dma_start3A_1289 = tpu.memref_slice %dma_start3A_1288[%add3A_1278] : memref<320000xi32, #tpu.memory_space<hbm>> -> memref<576xi32, #tpu.memory_space<hbm>>
    %dma_start3A_1290 = arith.constant 0 : i32
    %dma_start3A_1291 = tpu.memref_slice %arg11[%dma_start3A_1280, %dma_start3A_1290] : memref<4x576xi32, #tpu.memory_space<vmem>> -> memref<1x576xi32, #tpu.memory_space<vmem>>
    %dma_start3A_1292 = tpu.memref_squeeze %dma_start3A_1291 : memref<1x576xi32, #tpu.memory_space<vmem>> -> memref<576xi32, #tpu.memory_space<vmem>>
    %dma_start3A_1293 = arith.constant 0 : i32
    %dma_start3A_1294 = tpu.memref_slice %dma_start3A_1292[%dma_start3A_1293] : memref<576xi32, #tpu.memory_space<vmem>> -> memref<576xi32, #tpu.memory_space<vmem>>
    %dma_start3A_1295 = arith.constant 0 : i32
    %dma_start3A_1296 = tpu.memref_slice %arg4[%dma_start3A_1279, %dma_start3A_1295] : memref<2x320000xi32, #tpu.memory_space<hbm>> -> memref<1x320000xi32, #tpu.memory_space<hbm>>
    %dma_start3A_1297 = tpu.memref_squeeze %dma_start3A_1296 : memref<1x320000xi32, #tpu.memory_space<hbm>> -> memref<320000xi32, #tpu.memory_space<hbm>>
    %dma_start3A_1298 = tpu.memref_slice %dma_start3A_1297[%add3A_1278] : memref<320000xi32, #tpu.memory_space<hbm>> -> memref<576xi32, #tpu.memory_space<hbm>>
    tpu.enqueue_dma source(%dma_start3A_1298 : memref<576xi32, #tpu.memory_space<hbm>>) target(%dma_start3A_1294 : memref<576xi32, #tpu.memory_space<vmem>>) target_semaphore(%arg17 : memref<!tpu.dma_semaphore, #tpu.memory_space<semaphore_mem>>)
    %dma_start3A_1299 = arith.constant 1 : i32
    %dma_start3A_1300 = arith.constant 2 : i32
    %dma_start3A_1301 = arith.constant 0 : i32
    %dma_start3A_1302 = tpu.memref_slice %arg12[%dma_start3A_1300, %dma_start3A_1301] : memref<4x576xi32, #tpu.memory_space<vmem>> -> memref<1x576xi32, #tpu.memory_space<vmem>>
    %dma_start3A_1303 = tpu.memref_squeeze %dma_start3A_1302 : memref<1x576xi32, #tpu.memory_space<vmem>> -> memref<576xi32, #tpu.memory_space<vmem>>
    %dma_start3A_1304 = arith.constant 0 : i32
    %dma_start3A_1305 = tpu.memref_slice %dma_start3A_1303[%dma_start3A_1304] : memref<576xi32, #tpu.memory_space<vmem>> -> memref<576xi32, #tpu.memory_space<vmem>>
    %dma_start3A_1306 = arith.constant 0 : i32
    %dma_start3A_1307 = tpu.memref_slice %arg4[%dma_start3A_1299, %dma_start3A_1306] : memref<2x320000xi32, #tpu.memory_space<hbm>> -> memref<1x320000xi32, #tpu.memory_space<hbm>>
    %dma_start3A_1308 = tpu.memref_squeeze %dma_start3A_1307 : memref<1x320000xi32, #tpu.memory_space<hbm>> -> memref<320000xi32, #tpu.memory_space<hbm>>
    %dma_start3A_1309 = tpu.memref_slice %dma_start3A_1308[%add3A_1278] : memref<320000xi32, #tpu.memory_space<hbm>> -> memref<576xi32, #tpu.memory_space<hbm>>
    %dma_start3A_1310 = arith.constant 0 : i32
    %dma_start3A_1311 = tpu.memref_slice %arg12[%dma_start3A_1300, %dma_start3A_1310] : memref<4x576xi32, #tpu.memory_space<vmem>> -> memref<1x576xi32, #tpu.memory_space<vmem>>
    %dma_start3A_1312 = tpu.memref_squeeze %dma_start3A_1311 : memref<1x576xi32, #tpu.memory_space<vmem>> -> memref<576xi32, #tpu.memory_space<vmem>>
    %dma_start3A_1313 = arith.constant 0 : i32
    %dma_start3A_1314 = tpu.memref_slice %dma_start3A_1312[%dma_start3A_1313] : memref<576xi32, #tpu.memory_space<vmem>> -> memref<576xi32, #tpu.memory_space<vmem>>
    %dma_start3A_1315 = arith.constant 0 : i32
    %dma_start3A_1316 = tpu.memref_slice %arg4[%dma_start3A_1299, %dma_start3A_1315] : memref<2x320000xi32, #tpu.memory_space<hbm>> -> memref<1x320000xi32, #tpu.memory_space<hbm>>
    %dma_start3A_1317 = tpu.memref_squeeze %dma_start3A_1316 : memref<1x320000xi32, #tpu.memory_space<hbm>> -> memref<320000xi32, #tpu.memory_space<hbm>>
    %dma_start3A_1318 = tpu.memref_slice %dma_start3A_1317[%add3A_1278] : memref<320000xi32, #tpu.memory_space<hbm>> -> memref<576xi32, #tpu.memory_space<hbm>>
    tpu.enqueue_dma source(%dma_start3A_1318 : memref<576xi32, #tpu.memory_space<hbm>>) target(%dma_start3A_1314 : memref<576xi32, #tpu.memory_space<vmem>>) target_semaphore(%arg17 : memref<!tpu.dma_semaphore, #tpu.memory_space<semaphore_mem>>)
    %scan3A_1319 = arith.constant 0 : i32
    %scan3A_1320 = arith.constant 36 : i32
    %scan3A_1321 = arith.addi %scan3A_1319, %scan3A_1320 : i32
    %scan3A_1322 = arith.constant 1 : i32
    scf.for %scan3A_2467 = %scan3A_1319 to %scan3A_1321 step %scan3A_1322  : i32 {
      %mul3A_2468 = arith.constant 16 : i32
      %mul3A_2469 = arith.muli %scan3A_2467, %mul3A_2468 : i32
      %add3A_2470 = arith.constant 0 : i32
      %add3A_2471 = arith.addi %add3A_2470, %mul3A_2469 : i32
      %get3A = arith.constant 0 : i32
      %get3A_2472 = arith.constant 0 : i32
      %get3A_2473 = tpu.memref_slice %arg11[%get3A, %get3A_2472] : memref<4x576xi32, #tpu.memory_space<vmem>> -> memref<1x576xi32, #tpu.memory_space<vmem>>
      %get3A_2474 = tpu.memref_squeeze %get3A_2473 : memref<1x576xi32, #tpu.memory_space<vmem>> -> memref<576xi32, #tpu.memory_space<vmem>>
      %get3A_2475 = arith.index_cast %add3A_2471 : i32 to index
      %get3A_2476 = tpu.vector_load %get3A_2474[%get3A_2475] {strides = array<i32>} : memref<576xi32, #tpu.memory_space<vmem>>, vector<16xi32>,
      tpu.vector_store_idx %arg15[%get3A_2476], %broadcast_in_dim3A_9 {add = true} : memref<10000xf32, #tpu.memory_space<vmem>>[vector<16xi32>], vector<16xf32>,
    }
    %scan3A_1323 = arith.constant 36 : i32
    %dma_wait3A_1324 = arith.constant 0 : i32
    %dma_wait3A_1325 = arith.constant 0 : i32
    %dma_wait3A_1326 = arith.constant 0 : i32
    %dma_wait3A_1327 = tpu.memref_slice %arg13[%dma_wait3A_1325, %dma_wait3A_1326] : memref<576x64xf32, #tpu.memory_space<vmem>> -> memref<576x64xf32, #tpu.memory_space<vmem>>
    %dma_wait3A_1328 = arith.constant 0 : i32
    %dma_wait3A_1329 = tpu.memref_slice %arg12[%dma_wait3A_1324, %dma_wait3A_1328] : memref<4x576xi32, #tpu.memory_space<vmem>> -> memref<1x576xi32, #tpu.memory_space<vmem>>
    %dma_wait3A_1330 = tpu.memref_squeeze %dma_wait3A_1329 : memref<1x576xi32, #tpu.memory_space<vmem>> -> memref<576xi32, #tpu.memory_space<vmem>>
    %dma_wait3A_1331 = arith.constant 0 : i32
    %dma_wait3A_1332 = tpu.memref_slice %dma_wait3A_1330[%dma_wait3A_1331] : memref<576xi32, #tpu.memory_space<vmem>> -> memref<576xi32, #tpu.memory_space<vmem>>
    %dma_wait3A_1333 = arith.constant 0 : i32
    %dma_wait3A_1334 = arith.constant 0 : i32
    %dma_wait3A_1335 = tpu.memref_slice %arg2[%dma_wait3A_1333, %dma_wait3A_1334] : memref<10000x64xf32, #tpu.memory_space<hbm>> -> memref<10000x64xf32, #tpu.memory_space<hbm>>
    tpu.wait_indirect_dma semaphore(%arg18 : memref<!tpu.dma_semaphore, #tpu.memory_space<semaphore_mem>>) src(%dma_wait3A_1335 : memref<10000x64xf32, #tpu.memory_space<hbm>>) dst(%dma_wait3A_1327 : memref<576x64xf32, #tpu.memory_space<vmem>>)
    %dma_start3A_1336 = arith.constant 0 : i32
    %dma_start3A_1337 = arith.constant 0 : i32
    %dma_start3A_1338 = arith.constant 0 : i32
    %dma_start3A_1339 = tpu.memref_slice %arg13[%dma_start3A_1337, %dma_start3A_1338] : memref<576x64xf32, #tpu.memory_space<vmem>> -> memref<576x64xf32, #tpu.memory_space<vmem>>
    %dma_start3A_1340 = arith.constant 0 : i32
    %dma_start3A_1341 = tpu.memref_slice %arg11[%dma_start3A_1336, %dma_start3A_1340] : memref<4x576xi32, #tpu.memory_space<vmem>> -> memref<1x576xi32, #tpu.memory_space<vmem>>
    %dma_start3A_1342 = tpu.memref_squeeze %dma_start3A_1341 : memref<1x576xi32, #tpu.memory_space<vmem>> -> memref<576xi32, #tpu.memory_space<vmem>>
    %dma_start3A_1343 = arith.constant 0 : i32
    %dma_start3A_1344 = tpu.memref_slice %dma_start3A_1342[%dma_start3A_1343] : memref<576xi32, #tpu.memory_space<vmem>> -> memref<576xi32, #tpu.memory_space<vmem>>
    %dma_start3A_1345 = arith.constant 0 : i32
    %dma_start3A_1346 = arith.constant 0 : i32
    %dma_start3A_1347 = tpu.memref_slice %arg16[%dma_start3A_1345, %dma_start3A_1346] : memref<10008x64xf32, #tpu.memory_space<vmem_shared>> -> memref<10008x64xf32, #tpu.memory_space<vmem_shared>>
    tpu.enqueue_indirect_dma source(%dma_start3A_1339 : memref<576x64xf32, #tpu.memory_space<vmem>>) target(%dma_start3A_1347 : memref<10008x64xf32, #tpu.memory_space<vmem_shared>>) offsets(%dma_start3A_1344 : memref<576xi32, #tpu.memory_space<vmem>>) semaphore(%arg20 : memref<!tpu.dma_semaphore, #tpu.memory_space<semaphore_mem>>) {add = true}
    %dma_wait3A_1348 = arith.constant 0 : i32
    %dma_wait3A_1349 = arith.constant 0 : i32
    %dma_wait3A_1350 = arith.constant 0 : i32
    %dma_wait3A_1351 = tpu.memref_slice %arg13[%dma_wait3A_1349, %dma_wait3A_1350] : memref<576x64xf32, #tpu.memory_space<vmem>> -> memref<576x64xf32, #tpu.memory_space<vmem>>
    %dma_wait3A_1352 = arith.constant 0 : i32
    %dma_wait3A_1353 = tpu.memref_slice %arg11[%dma_wait3A_1348, %dma_wait3A_1352] : memref<4x576xi32, #tpu.memory_space<vmem>> -> memref<1x576xi32, #tpu.memory_space<vmem>>
    %dma_wait3A_1354 = tpu.memref_squeeze %dma_wait3A_1353 : memref<1x576xi32, #tpu.memory_space<vmem>> -> memref<576xi32, #tpu.memory_space<vmem>>
    %dma_wait3A_1355 = arith.constant 0 : i32
    %dma_wait3A_1356 = tpu.memref_slice %dma_wait3A_1354[%dma_wait3A_1355] : memref<576xi32, #tpu.memory_space<vmem>> -> memref<576xi32, #tpu.memory_space<vmem>>
    %dma_wait3A_1357 = arith.constant 0 : i32
    %dma_wait3A_1358 = arith.constant 0 : i32
    %dma_wait3A_1359 = tpu.memref_slice %arg16[%dma_wait3A_1357, %dma_wait3A_1358] : memref<10008x64xf32, #tpu.memory_space<vmem_shared>> -> memref<10008x64xf32, #tpu.memory_space<vmem_shared>>
    tpu.wait_indirect_dma semaphore(%arg20 : memref<!tpu.dma_semaphore, #tpu.memory_space<semaphore_mem>>) src(%dma_wait3A_1351 : memref<576x64xf32, #tpu.memory_space<vmem>>) dst(%dma_wait3A_1359 : memref<10008x64xf32, #tpu.memory_space<vmem_shared>>)
    %dma_wait3A_1360 = arith.constant 0 : i32
    %dma_wait3A_1361 = arith.constant 2 : i32
    %dma_wait3A_1362 = arith.constant 0 : i32
    %dma_wait3A_1363 = tpu.memref_slice %arg11[%dma_wait3A_1361, %dma_wait3A_1362] : memref<4x576xi32, #tpu.memory_space<vmem>> -> memref<1x576xi32, #tpu.memory_space<vmem>>
    %dma_wait3A_1364 = tpu.memref_squeeze %dma_wait3A_1363 : memref<1x576xi32, #tpu.memory_space<vmem>> -> memref<576xi32, #tpu.memory_space<vmem>>
    %dma_wait3A_1365 = arith.constant 0 : i32
    %dma_wait3A_1366 = tpu.memref_slice %dma_wait3A_1364[%dma_wait3A_1365] : memref<576xi32, #tpu.memory_space<vmem>> -> memref<576xi32, #tpu.memory_space<vmem>>
    %dma_wait3A_1367 = arith.constant 0 : i32
    %dma_wait3A_1368 = tpu.memref_slice %arg4[%dma_wait3A_1360, %dma_wait3A_1367] : memref<2x320000xi32, #tpu.memory_space<hbm>> -> memref<1x320000xi32, #tpu.memory_space<hbm>>
    %dma_wait3A_1369 = tpu.memref_squeeze %dma_wait3A_1368 : memref<1x320000xi32, #tpu.memory_space<hbm>> -> memref<320000xi32, #tpu.memory_space<hbm>>
    %dma_wait3A_1370 = tpu.memref_slice %dma_wait3A_1369[%mul3A_11] : memref<320000xi32, #tpu.memory_space<hbm>> -> memref<576xi32, #tpu.memory_space<hbm>>
    %dma_wait3A_1371 = arith.constant 0 : i32
    %dma_wait3A_1372 = tpu.memref_slice %arg11[%dma_wait3A_1361, %dma_wait3A_1371] : memref<4x576xi32, #tpu.memory_space<vmem>> -> memref<1x576xi32, #tpu.memory_space<vmem>>
    %dma_wait3A_1373 = tpu.memref_squeeze %dma_wait3A_1372 : memref<1x576xi32, #tpu.memory_space<vmem>> -> memref<576xi32, #tpu.memory_space<vmem>>
    %dma_wait3A_1374 = arith.constant 0 : i32
    %dma_wait3A_1375 = tpu.memref_slice %dma_wait3A_1373[%dma_wait3A_1374] : memref<576xi32, #tpu.memory_space<vmem>> -> memref<576xi32, #tpu.memory_space<vmem>>
    %dma_wait3A_1376 = arith.constant 0 : i32
    %dma_wait3A_1377 = tpu.memref_slice %arg4[%dma_wait3A_1360, %dma_wait3A_1376] : memref<2x320000xi32, #tpu.memory_space<hbm>> -> memref<1x320000xi32, #tpu.memory_space<hbm>>
    %dma_wait3A_1378 = tpu.memref_squeeze %dma_wait3A_1377 : memref<1x320000xi32, #tpu.memory_space<hbm>> -> memref<320000xi32, #tpu.memory_space<hbm>>
    %dma_wait3A_1379 = tpu.memref_slice %dma_wait3A_1378[%mul3A_11] : memref<320000xi32, #tpu.memory_space<hbm>> -> memref<576xi32, #tpu.memory_space<hbm>>
    tpu.wait_dma2 semaphore(%arg17 : memref<!tpu.dma_semaphore, #tpu.memory_space<semaphore_mem>>) src(%dma_wait3A_1379 : memref<576xi32, #tpu.memory_space<hbm>>) dst(%dma_wait3A_1375 : memref<576xi32, #tpu.memory_space<vmem>>)
    %dma_wait3A_1380 = arith.constant 1 : i32
    %dma_wait3A_1381 = arith.constant 2 : i32
    %dma_wait3A_1382 = arith.constant 0 : i32
    %dma_wait3A_1383 = tpu.memref_slice %arg12[%dma_wait3A_1381, %dma_wait3A_1382] : memref<4x576xi32, #tpu.memory_space<vmem>> -> memref<1x576xi32, #tpu.memory_space<vmem>>
    %dma_wait3A_1384 = tpu.memref_squeeze %dma_wait3A_1383 : memref<1x576xi32, #tpu.memory_space<vmem>> -> memref<576xi32, #tpu.memory_space<vmem>>
    %dma_wait3A_1385 = arith.constant 0 : i32
    %dma_wait3A_1386 = tpu.memref_slice %dma_wait3A_1384[%dma_wait3A_1385] : memref<576xi32, #tpu.memory_space<vmem>> -> memref<576xi32, #tpu.memory_space<vmem>>
    %dma_wait3A_1387 = arith.constant 0 : i32
    %dma_wait3A_1388 = tpu.memref_slice %arg4[%dma_wait3A_1380, %dma_wait3A_1387] : memref<2x320000xi32, #tpu.memory_space<hbm>> -> memref<1x320000xi32, #tpu.memory_space<hbm>>
    %dma_wait3A_1389 = tpu.memref_squeeze %dma_wait3A_1388 : memref<1x320000xi32, #tpu.memory_space<hbm>> -> memref<320000xi32, #tpu.memory_space<hbm>>
    %dma_wait3A_1390 = tpu.memref_slice %dma_wait3A_1389[%mul3A_11] : memref<320000xi32, #tpu.memory_space<hbm>> -> memref<576xi32, #tpu.memory_space<hbm>>
    %dma_wait3A_1391 = arith.constant 0 : i32
    %dma_wait3A_1392 = tpu.memref_slice %arg12[%dma_wait3A_1381, %dma_wait3A_1391] : memref<4x576xi32, #tpu.memory_space<vmem>> -> memref<1x576xi32, #tpu.memory_space<vmem>>
    %dma_wait3A_1393 = tpu.memref_squeeze %dma_wait3A_1392 : memref<1x576xi32, #tpu.memory_space<vmem>> -> memref<576xi32, #tpu.memory_space<vmem>>
    %dma_wait3A_1394 = arith.constant 0 : i32
    %dma_wait3A_1395 = tpu.memref_slice %dma_wait3A_1393[%dma_wait3A_1394] : memref<576xi32, #tpu.memory_space<vmem>> -> memref<576xi32, #tpu.memory_space<vmem>>
    %dma_wait3A_1396 = arith.constant 0 : i32
    %dma_wait3A_1397 = tpu.memref_slice %arg4[%dma_wait3A_1380, %dma_wait3A_1396] : memref<2x320000xi32, #tpu.memory_space<hbm>> -> memref<1x320000xi32, #tpu.memory_space<hbm>>
    %dma_wait3A_1398 = tpu.memref_squeeze %dma_wait3A_1397 : memref<1x320000xi32, #tpu.memory_space<hbm>> -> memref<320000xi32, #tpu.memory_space<hbm>>
    %dma_wait3A_1399 = tpu.memref_slice %dma_wait3A_1398[%mul3A_11] : memref<320000xi32, #tpu.memory_space<hbm>> -> memref<576xi32, #tpu.memory_space<hbm>>
    tpu.wait_dma2 semaphore(%arg17 : memref<!tpu.dma_semaphore, #tpu.memory_space<semaphore_mem>>) src(%dma_wait3A_1399 : memref<576xi32, #tpu.memory_space<hbm>>) dst(%dma_wait3A_1395 : memref<576xi32, #tpu.memory_space<vmem>>)
    %dma_start3A_1400 = arith.constant 2 : i32
    %dma_start3A_1401 = arith.constant 0 : i32
    %dma_start3A_1402 = arith.constant 0 : i32
    %dma_start3A_1403 = tpu.memref_slice %arg13[%dma_start3A_1401, %dma_start3A_1402] : memref<576x64xf32, #tpu.memory_space<vmem>> -> memref<576x64xf32, #tpu.memory_space<vmem>>
    %dma_start3A_1404 = arith.constant 0 : i32
    %dma_start3A_1405 = tpu.memref_slice %arg12[%dma_start3A_1400, %dma_start3A_1404] : memref<4x576xi32, #tpu.memory_space<vmem>> -> memref<1x576xi32, #tpu.memory_space<vmem>>
    %dma_start3A_1406 = tpu.memref_squeeze %dma_start3A_1405 : memref<1x576xi32, #tpu.memory_space<vmem>> -> memref<576xi32, #tpu.memory_space<vmem>>
    %dma_start3A_1407 = arith.constant 0 : i32
    %dma_start3A_1408 = tpu.memref_slice %dma_start3A_1406[%dma_start3A_1407] : memref<576xi32, #tpu.memory_space<vmem>> -> memref<576xi32, #tpu.memory_space<vmem>>
    %dma_start3A_1409 = arith.constant 0 : i32
    %dma_start3A_1410 = arith.constant 0 : i32
    %dma_start3A_1411 = tpu.memref_slice %arg2[%dma_start3A_1409, %dma_start3A_1410] : memref<10000x64xf32, #tpu.memory_space<hbm>> -> memref<10000x64xf32, #tpu.memory_space<hbm>>
    tpu.enqueue_indirect_dma source(%dma_start3A_1411 : memref<10000x64xf32, #tpu.memory_space<hbm>>) target(%dma_start3A_1403 : memref<576x64xf32, #tpu.memory_space<vmem>>) offsets(%dma_start3A_1408 : memref<576xi32, #tpu.memory_space<vmem>>) semaphore(%arg18 : memref<!tpu.dma_semaphore, #tpu.memory_space<semaphore_mem>>)
    %add3A_1412 = arith.constant 6336 : i32
    %add3A_1413 = arith.addi %mul3A_11, %add3A_1412 : i32
    %dma_start3A_1414 = arith.constant 0 : i32
    %dma_start3A_1415 = arith.constant 3 : i32
    %dma_start3A_1416 = arith.constant 0 : i32
    %dma_start3A_1417 = tpu.memref_slice %arg11[%dma_start3A_1415, %dma_start3A_1416] : memref<4x576xi32, #tpu.memory_space<vmem>> -> memref<1x576xi32, #tpu.memory_space<vmem>>
    %dma_start3A_1418 = tpu.memref_squeeze %dma_start3A_1417 : memref<1x576xi32, #tpu.memory_space<vmem>> -> memref<576xi32, #tpu.memory_space<vmem>>
    %dma_start3A_1419 = arith.constant 0 : i32
    %dma_start3A_1420 = tpu.memref_slice %dma_start3A_1418[%dma_start3A_1419] : memref<576xi32, #tpu.memory_space<vmem>> -> memref<576xi32, #tpu.memory_space<vmem>>
    %dma_start3A_1421 = arith.constant 0 : i32
    %dma_start3A_1422 = tpu.memref_slice %arg4[%dma_start3A_1414, %dma_start3A_1421] : memref<2x320000xi32, #tpu.memory_space<hbm>> -> memref<1x320000xi32, #tpu.memory_space<hbm>>
    %dma_start3A_1423 = tpu.memref_squeeze %dma_start3A_1422 : memref<1x320000xi32, #tpu.memory_space<hbm>> -> memref<320000xi32, #tpu.memory_space<hbm>>
    %dma_start3A_1424 = tpu.memref_slice %dma_start3A_1423[%add3A_1413] : memref<320000xi32, #tpu.memory_space<hbm>> -> memref<576xi32, #tpu.memory_space<hbm>>
    %dma_start3A_1425 = arith.constant 0 : i32
    %dma_start3A_1426 = tpu.memref_slice %arg11[%dma_start3A_1415, %dma_start3A_1425] : memref<4x576xi32, #tpu.memory_space<vmem>> -> memref<1x576xi32, #tpu.memory_space<vmem>>
    %dma_start3A_1427 = tpu.memref_squeeze %dma_start3A_1426 : memref<1x576xi32, #tpu.memory_space<vmem>> -> memref<576xi32, #tpu.memory_space<vmem>>
    %dma_start3A_1428 = arith.constant 0 : i32
    %dma_start3A_1429 = tpu.memref_slice %dma_start3A_1427[%dma_start3A_1428] : memref<576xi32, #tpu.memory_space<vmem>> -> memref<576xi32, #tpu.memory_space<vmem>>
    %dma_start3A_1430 = arith.constant 0 : i32
    %dma_start3A_1431 = tpu.memref_slice %arg4[%dma_start3A_1414, %dma_start3A_1430] : memref<2x320000xi32, #tpu.memory_space<hbm>> -> memref<1x320000xi32, #tpu.memory_space<hbm>>
    %dma_start3A_1432 = tpu.memref_squeeze %dma_start3A_1431 : memref<1x320000xi32, #tpu.memory_space<hbm>> -> memref<320000xi32, #tpu.memory_space<hbm>>
    %dma_start3A_1433 = tpu.memref_slice %dma_start3A_1432[%add3A_1413] : memref<320000xi32, #tpu.memory_space<hbm>> -> memref<576xi32, #tpu.memory_space<hbm>>
    tpu.enqueue_dma source(%dma_start3A_1433 : memref<576xi32, #tpu.memory_space<hbm>>) target(%dma_start3A_1429 : memref<576xi32, #tpu.memory_space<vmem>>) target_semaphore(%arg17 : memref<!tpu.dma_semaphore, #tpu.memory_space<semaphore_mem>>)
    %dma_start3A_1434 = arith.constant 1 : i32
    %dma_start3A_1435 = arith.constant 3 : i32
    %dma_start3A_1436 = arith.constant 0 : i32
    %dma_start3A_1437 = tpu.memref_slice %arg12[%dma_start3A_1435, %dma_start3A_1436] : memref<4x576xi32, #tpu.memory_space<vmem>> -> memref<1x576xi32, #tpu.memory_space<vmem>>
    %dma_start3A_1438 = tpu.memref_squeeze %dma_start3A_1437 : memref<1x576xi32, #tpu.memory_space<vmem>> -> memref<576xi32, #tpu.memory_space<vmem>>
    %dma_start3A_1439 = arith.constant 0 : i32
    %dma_start3A_1440 = tpu.memref_slice %dma_start3A_1438[%dma_start3A_1439] : memref<576xi32, #tpu.memory_space<vmem>> -> memref<576xi32, #tpu.memory_space<vmem>>
    %dma_start3A_1441 = arith.constant 0 : i32
    %dma_start3A_1442 = tpu.memref_slice %arg4[%dma_start3A_1434, %dma_start3A_1441] : memref<2x320000xi32, #tpu.memory_space<hbm>> -> memref<1x320000xi32, #tpu.memory_space<hbm>>
    %dma_start3A_1443 = tpu.memref_squeeze %dma_start3A_1442 : memref<1x320000xi32, #tpu.memory_space<hbm>> -> memref<320000xi32, #tpu.memory_space<hbm>>
    %dma_start3A_1444 = tpu.memref_slice %dma_start3A_1443[%add3A_1413] : memref<320000xi32, #tpu.memory_space<hbm>> -> memref<576xi32, #tpu.memory_space<hbm>>
    %dma_start3A_1445 = arith.constant 0 : i32
    %dma_start3A_1446 = tpu.memref_slice %arg12[%dma_start3A_1435, %dma_start3A_1445] : memref<4x576xi32, #tpu.memory_space<vmem>> -> memref<1x576xi32, #tpu.memory_space<vmem>>
    %dma_start3A_1447 = tpu.memref_squeeze %dma_start3A_1446 : memref<1x576xi32, #tpu.memory_space<vmem>> -> memref<576xi32, #tpu.memory_space<vmem>>
    %dma_start3A_1448 = arith.constant 0 : i32
    %dma_start3A_1449 = tpu.memref_slice %dma_start3A_1447[%dma_start3A_1448] : memref<576xi32, #tpu.memory_space<vmem>> -> memref<576xi32, #tpu.memory_space<vmem>>
    %dma_start3A_1450 = arith.constant 0 : i32
    %dma_start3A_1451 = tpu.memref_slice %arg4[%dma_start3A_1434, %dma_start3A_1450] : memref<2x320000xi32, #tpu.memory_space<hbm>> -> memref<1x320000xi32, #tpu.memory_space<hbm>>
    %dma_start3A_1452 = tpu.memref_squeeze %dma_start3A_1451 : memref<1x320000xi32, #tpu.memory_space<hbm>> -> memref<320000xi32, #tpu.memory_space<hbm>>
    %dma_start3A_1453 = tpu.memref_slice %dma_start3A_1452[%add3A_1413] : memref<320000xi32, #tpu.memory_space<hbm>> -> memref<576xi32, #tpu.memory_space<hbm>>
    tpu.enqueue_dma source(%dma_start3A_1453 : memref<576xi32, #tpu.memory_space<hbm>>) target(%dma_start3A_1449 : memref<576xi32, #tpu.memory_space<vmem>>) target_semaphore(%arg17 : memref<!tpu.dma_semaphore, #tpu.memory_space<semaphore_mem>>)
    %scan3A_1454 = arith.constant 0 : i32
    %scan3A_1455 = arith.constant 36 : i32
    %scan3A_1456 = arith.addi %scan3A_1454, %scan3A_1455 : i32
    %scan3A_1457 = arith.constant 1 : i32
    scf.for %scan3A_2467 = %scan3A_1454 to %scan3A_1456 step %scan3A_1457  : i32 {
      %mul3A_2468 = arith.constant 16 : i32
      %mul3A_2469 = arith.muli %scan3A_2467, %mul3A_2468 : i32
      %add3A_2470 = arith.constant 0 : i32
      %add3A_2471 = arith.addi %add3A_2470, %mul3A_2469 : i32
      %get3A = arith.constant 1 : i32
      %get3A_2472 = arith.constant 0 : i32
      %get3A_2473 = tpu.memref_slice %arg11[%get3A, %get3A_2472] : memref<4x576xi32, #tpu.memory_space<vmem>> -> memref<1x576xi32, #tpu.memory_space<vmem>>
      %get3A_2474 = tpu.memref_squeeze %get3A_2473 : memref<1x576xi32, #tpu.memory_space<vmem>> -> memref<576xi32, #tpu.memory_space<vmem>>
      %get3A_2475 = arith.index_cast %add3A_2471 : i32 to index
      %get3A_2476 = tpu.vector_load %get3A_2474[%get3A_2475] {strides = array<i32>} : memref<576xi32, #tpu.memory_space<vmem>>, vector<16xi32>,
      tpu.vector_store_idx %arg15[%get3A_2476], %broadcast_in_dim3A_9 {add = true} : memref<10000xf32, #tpu.memory_space<vmem>>[vector<16xi32>], vector<16xf32>,
    }
    %scan3A_1458 = arith.constant 36 : i32
    %dma_wait3A_1459 = arith.constant 1 : i32
    %dma_wait3A_1460 = arith.constant 0 : i32
    %dma_wait3A_1461 = arith.constant 0 : i32
    %dma_wait3A_1462 = tpu.memref_slice %arg14[%dma_wait3A_1460, %dma_wait3A_1461] : memref<576x64xf32, #tpu.memory_space<vmem>> -> memref<576x64xf32, #tpu.memory_space<vmem>>
    %dma_wait3A_1463 = arith.constant 0 : i32
    %dma_wait3A_1464 = tpu.memref_slice %arg12[%dma_wait3A_1459, %dma_wait3A_1463] : memref<4x576xi32, #tpu.memory_space<vmem>> -> memref<1x576xi32, #tpu.memory_space<vmem>>
    %dma_wait3A_1465 = tpu.memref_squeeze %dma_wait3A_1464 : memref<1x576xi32, #tpu.memory_space<vmem>> -> memref<576xi32, #tpu.memory_space<vmem>>
    %dma_wait3A_1466 = arith.constant 0 : i32
    %dma_wait3A_1467 = tpu.memref_slice %dma_wait3A_1465[%dma_wait3A_1466] : memref<576xi32, #tpu.memory_space<vmem>> -> memref<576xi32, #tpu.memory_space<vmem>>
    %dma_wait3A_1468 = arith.constant 0 : i32
    %dma_wait3A_1469 = arith.constant 0 : i32
    %dma_wait3A_1470 = tpu.memref_slice %arg2[%dma_wait3A_1468, %dma_wait3A_1469] : memref<10000x64xf32, #tpu.memory_space<hbm>> -> memref<10000x64xf32, #tpu.memory_space<hbm>>
    tpu.wait_indirect_dma semaphore(%arg19 : memref<!tpu.dma_semaphore, #tpu.memory_space<semaphore_mem>>) src(%dma_wait3A_1470 : memref<10000x64xf32, #tpu.memory_space<hbm>>) dst(%dma_wait3A_1462 : memref<576x64xf32, #tpu.memory_space<vmem>>)
    %dma_start3A_1471 = arith.constant 1 : i32
    %dma_start3A_1472 = arith.constant 0 : i32
    %dma_start3A_1473 = arith.constant 0 : i32
    %dma_start3A_1474 = tpu.memref_slice %arg14[%dma_start3A_1472, %dma_start3A_1473] : memref<576x64xf32, #tpu.memory_space<vmem>> -> memref<576x64xf32, #tpu.memory_space<vmem>>
    %dma_start3A_1475 = arith.constant 0 : i32
    %dma_start3A_1476 = tpu.memref_slice %arg11[%dma_start3A_1471, %dma_start3A_1475] : memref<4x576xi32, #tpu.memory_space<vmem>> -> memref<1x576xi32, #tpu.memory_space<vmem>>
    %dma_start3A_1477 = tpu.memref_squeeze %dma_start3A_1476 : memref<1x576xi32, #tpu.memory_space<vmem>> -> memref<576xi32, #tpu.memory_space<vmem>>
    %dma_start3A_1478 = arith.constant 0 : i32
    %dma_start3A_1479 = tpu.memref_slice %dma_start3A_1477[%dma_start3A_1478] : memref<576xi32, #tpu.memory_space<vmem>> -> memref<576xi32, #tpu.memory_space<vmem>>
    %dma_start3A_1480 = arith.constant 0 : i32
    %dma_start3A_1481 = arith.constant 0 : i32
    %dma_start3A_1482 = tpu.memref_slice %arg16[%dma_start3A_1480, %dma_start3A_1481] : memref<10008x64xf32, #tpu.memory_space<vmem_shared>> -> memref<10008x64xf32, #tpu.memory_space<vmem_shared>>
    tpu.enqueue_indirect_dma source(%dma_start3A_1474 : memref<576x64xf32, #tpu.memory_space<vmem>>) target(%dma_start3A_1482 : memref<10008x64xf32, #tpu.memory_space<vmem_shared>>) offsets(%dma_start3A_1479 : memref<576xi32, #tpu.memory_space<vmem>>) semaphore(%arg20 : memref<!tpu.dma_semaphore, #tpu.memory_space<semaphore_mem>>) {add = true}
    %dma_wait3A_1483 = arith.constant 1 : i32
    %dma_wait3A_1484 = arith.constant 0 : i32
    %dma_wait3A_1485 = arith.constant 0 : i32
    %dma_wait3A_1486 = tpu.memref_slice %arg14[%dma_wait3A_1484, %dma_wait3A_1485] : memref<576x64xf32, #tpu.memory_space<vmem>> -> memref<576x64xf32, #tpu.memory_space<vmem>>
    %dma_wait3A_1487 = arith.constant 0 : i32
    %dma_wait3A_1488 = tpu.memref_slice %arg11[%dma_wait3A_1483, %dma_wait3A_1487] : memref<4x576xi32, #tpu.memory_space<vmem>> -> memref<1x576xi32, #tpu.memory_space<vmem>>
    %dma_wait3A_1489 = tpu.memref_squeeze %dma_wait3A_1488 : memref<1x576xi32, #tpu.memory_space<vmem>> -> memref<576xi32, #tpu.memory_space<vmem>>
    %dma_wait3A_1490 = arith.constant 0 : i32
    %dma_wait3A_1491 = tpu.memref_slice %dma_wait3A_1489[%dma_wait3A_1490] : memref<576xi32, #tpu.memory_space<vmem>> -> memref<576xi32, #tpu.memory_space<vmem>>
    %dma_wait3A_1492 = arith.constant 0 : i32
    %dma_wait3A_1493 = arith.constant 0 : i32
    %dma_wait3A_1494 = tpu.memref_slice %arg16[%dma_wait3A_1492, %dma_wait3A_1493] : memref<10008x64xf32, #tpu.memory_space<vmem_shared>> -> memref<10008x64xf32, #tpu.memory_space<vmem_shared>>
    tpu.wait_indirect_dma semaphore(%arg20 : memref<!tpu.dma_semaphore, #tpu.memory_space<semaphore_mem>>) src(%dma_wait3A_1486 : memref<576x64xf32, #tpu.memory_space<vmem>>) dst(%dma_wait3A_1494 : memref<10008x64xf32, #tpu.memory_space<vmem_shared>>)
    %dma_wait3A_1495 = arith.constant 0 : i32
    %dma_wait3A_1496 = arith.constant 3 : i32
    %dma_wait3A_1497 = arith.constant 0 : i32
    %dma_wait3A_1498 = tpu.memref_slice %arg11[%dma_wait3A_1496, %dma_wait3A_1497] : memref<4x576xi32, #tpu.memory_space<vmem>> -> memref<1x576xi32, #tpu.memory_space<vmem>>
    %dma_wait3A_1499 = tpu.memref_squeeze %dma_wait3A_1498 : memref<1x576xi32, #tpu.memory_space<vmem>> -> memref<576xi32, #tpu.memory_space<vmem>>
    %dma_wait3A_1500 = arith.constant 0 : i32
    %dma_wait3A_1501 = tpu.memref_slice %dma_wait3A_1499[%dma_wait3A_1500] : memref<576xi32, #tpu.memory_space<vmem>> -> memref<576xi32, #tpu.memory_space<vmem>>
    %dma_wait3A_1502 = arith.constant 0 : i32
    %dma_wait3A_1503 = tpu.memref_slice %arg4[%dma_wait3A_1495, %dma_wait3A_1502] : memref<2x320000xi32, #tpu.memory_space<hbm>> -> memref<1x320000xi32, #tpu.memory_space<hbm>>
    %dma_wait3A_1504 = tpu.memref_squeeze %dma_wait3A_1503 : memref<1x320000xi32, #tpu.memory_space<hbm>> -> memref<320000xi32, #tpu.memory_space<hbm>>
    %dma_wait3A_1505 = tpu.memref_slice %dma_wait3A_1504[%mul3A_11] : memref<320000xi32, #tpu.memory_space<hbm>> -> memref<576xi32, #tpu.memory_space<hbm>>
    %dma_wait3A_1506 = arith.constant 0 : i32
    %dma_wait3A_1507 = tpu.memref_slice %arg11[%dma_wait3A_1496, %dma_wait3A_1506] : memref<4x576xi32, #tpu.memory_space<vmem>> -> memref<1x576xi32, #tpu.memory_space<vmem>>
    %dma_wait3A_1508 = tpu.memref_squeeze %dma_wait3A_1507 : memref<1x576xi32, #tpu.memory_space<vmem>> -> memref<576xi32, #tpu.memory_space<vmem>>
    %dma_wait3A_1509 = arith.constant 0 : i32
    %dma_wait3A_1510 = tpu.memref_slice %dma_wait3A_1508[%dma_wait3A_1509] : memref<576xi32, #tpu.memory_space<vmem>> -> memref<576xi32, #tpu.memory_space<vmem>>
    %dma_wait3A_1511 = arith.constant 0 : i32
    %dma_wait3A_1512 = tpu.memref_slice %arg4[%dma_wait3A_1495, %dma_wait3A_1511] : memref<2x320000xi32, #tpu.memory_space<hbm>> -> memref<1x320000xi32, #tpu.memory_space<hbm>>
    %dma_wait3A_1513 = tpu.memref_squeeze %dma_wait3A_1512 : memref<1x320000xi32, #tpu.memory_space<hbm>> -> memref<320000xi32, #tpu.memory_space<hbm>>
    %dma_wait3A_1514 = tpu.memref_slice %dma_wait3A_1513[%mul3A_11] : memref<320000xi32, #tpu.memory_space<hbm>> -> memref<576xi32, #tpu.memory_space<hbm>>
    tpu.wait_dma2 semaphore(%arg17 : memref<!tpu.dma_semaphore, #tpu.memory_space<semaphore_mem>>) src(%dma_wait3A_1514 : memref<576xi32, #tpu.memory_space<hbm>>) dst(%dma_wait3A_1510 : memref<576xi32, #tpu.memory_space<vmem>>)
    %dma_wait3A_1515 = arith.constant 1 : i32
    %dma_wait3A_1516 = arith.constant 3 : i32
    %dma_wait3A_1517 = arith.constant 0 : i32
    %dma_wait3A_1518 = tpu.memref_slice %arg12[%dma_wait3A_1516, %dma_wait3A_1517] : memref<4x576xi32, #tpu.memory_space<vmem>> -> memref<1x576xi32, #tpu.memory_space<vmem>>
    %dma_wait3A_1519 = tpu.memref_squeeze %dma_wait3A_1518 : memref<1x576xi32, #tpu.memory_space<vmem>> -> memref<576xi32, #tpu.memory_space<vmem>>
    %dma_wait3A_1520 = arith.constant 0 : i32
    %dma_wait3A_1521 = tpu.memref_slice %dma_wait3A_1519[%dma_wait3A_1520] : memref<576xi32, #tpu.memory_space<vmem>> -> memref<576xi32, #tpu.memory_space<vmem>>
    %dma_wait3A_1522 = arith.constant 0 : i32
    %dma_wait3A_1523 = tpu.memref_slice %arg4[%dma_wait3A_1515, %dma_wait3A_1522] : memref<2x320000xi32, #tpu.memory_space<hbm>> -> memref<1x320000xi32, #tpu.memory_space<hbm>>
    %dma_wait3A_1524 = tpu.memref_squeeze %dma_wait3A_1523 : memref<1x320000xi32, #tpu.memory_space<hbm>> -> memref<320000xi32, #tpu.memory_space<hbm>>
    %dma_wait3A_1525 = tpu.memref_slice %dma_wait3A_1524[%mul3A_11] : memref<320000xi32, #tpu.memory_space<hbm>> -> memref<576xi32, #tpu.memory_space<hbm>>
    %dma_wait3A_1526 = arith.constant 0 : i32
    %dma_wait3A_1527 = tpu.memref_slice %arg12[%dma_wait3A_1516, %dma_wait3A_1526] : memref<4x576xi32, #tpu.memory_space<vmem>> -> memref<1x576xi32, #tpu.memory_space<vmem>>
    %dma_wait3A_1528 = tpu.memref_squeeze %dma_wait3A_1527 : memref<1x576xi32, #tpu.memory_space<vmem>> -> memref<576xi32, #tpu.memory_space<vmem>>
    %dma_wait3A_1529 = arith.constant 0 : i32
    %dma_wait3A_1530 = tpu.memref_slice %dma_wait3A_1528[%dma_wait3A_1529] : memref<576xi32, #tpu.memory_space<vmem>> -> memref<576xi32, #tpu.memory_space<vmem>>
    %dma_wait3A_1531 = arith.constant 0 : i32
    %dma_wait3A_1532 = tpu.memref_slice %arg4[%dma_wait3A_1515, %dma_wait3A_1531] : memref<2x320000xi32, #tpu.memory_space<hbm>> -> memref<1x320000xi32, #tpu.memory_space<hbm>>
    %dma_wait3A_1533 = tpu.memref_squeeze %dma_wait3A_1532 : memref<1x320000xi32, #tpu.memory_space<hbm>> -> memref<320000xi32, #tpu.memory_space<hbm>>
    %dma_wait3A_1534 = tpu.memref_slice %dma_wait3A_1533[%mul3A_11] : memref<320000xi32, #tpu.memory_space<hbm>> -> memref<576xi32, #tpu.memory_space<hbm>>
    tpu.wait_dma2 semaphore(%arg17 : memref<!tpu.dma_semaphore, #tpu.memory_space<semaphore_mem>>) src(%dma_wait3A_1534 : memref<576xi32, #tpu.memory_space<hbm>>) dst(%dma_wait3A_1530 : memref<576xi32, #tpu.memory_space<vmem>>)
    %dma_start3A_1535 = arith.constant 3 : i32
    %dma_start3A_1536 = arith.constant 0 : i32
    %dma_start3A_1537 = arith.constant 0 : i32
    %dma_start3A_1538 = tpu.memref_slice %arg14[%dma_start3A_1536, %dma_start3A_1537] : memref<576x64xf32, #tpu.memory_space<vmem>> -> memref<576x64xf32, #tpu.memory_space<vmem>>
    %dma_start3A_1539 = arith.constant 0 : i32
    %dma_start3A_1540 = tpu.memref_slice %arg12[%dma_start3A_1535, %dma_start3A_1539] : memref<4x576xi32, #tpu.memory_space<vmem>> -> memref<1x576xi32, #tpu.memory_space<vmem>>
    %dma_start3A_1541 = tpu.memref_squeeze %dma_start3A_1540 : memref<1x576xi32, #tpu.memory_space<vmem>> -> memref<576xi32, #tpu.memory_space<vmem>>
    %dma_start3A_1542 = arith.constant 0 : i32
    %dma_start3A_1543 = tpu.memref_slice %dma_start3A_1541[%dma_start3A_1542] : memref<576xi32, #tpu.memory_space<vmem>> -> memref<576xi32, #tpu.memory_space<vmem>>
    %dma_start3A_1544 = arith.constant 0 : i32
    %dma_start3A_1545 = arith.constant 0 : i32
    %dma_start3A_1546 = tpu.memref_slice %arg2[%dma_start3A_1544, %dma_start3A_1545] : memref<10000x64xf32, #tpu.memory_space<hbm>> -> memref<10000x64xf32, #tpu.memory_space<hbm>>
    tpu.enqueue_indirect_dma source(%dma_start3A_1546 : memref<10000x64xf32, #tpu.memory_space<hbm>>) target(%dma_start3A_1538 : memref<576x64xf32, #tpu.memory_space<vmem>>) offsets(%dma_start3A_1543 : memref<576xi32, #tpu.memory_space<vmem>>) semaphore(%arg19 : memref<!tpu.dma_semaphore, #tpu.memory_space<semaphore_mem>>)
    %add3A_1547 = arith.constant 6912 : i32
    %add3A_1548 = arith.addi %mul3A_11, %add3A_1547 : i32
    %dma_start3A_1549 = arith.constant 0 : i32
    %dma_start3A_1550 = arith.constant 0 : i32
    %dma_start3A_1551 = arith.constant 0 : i32
    %dma_start3A_1552 = tpu.memref_slice %arg11[%dma_start3A_1550, %dma_start3A_1551] : memref<4x576xi32, #tpu.memory_space<vmem>> -> memref<1x576xi32, #tpu.memory_space<vmem>>
    %dma_start3A_1553 = tpu.memref_squeeze %dma_start3A_1552 : memref<1x576xi32, #tpu.memory_space<vmem>> -> memref<576xi32, #tpu.memory_space<vmem>>
    %dma_start3A_1554 = arith.constant 0 : i32
    %dma_start3A_1555 = tpu.memref_slice %dma_start3A_1553[%dma_start3A_1554] : memref<576xi32, #tpu.memory_space<vmem>> -> memref<576xi32, #tpu.memory_space<vmem>>
    %dma_start3A_1556 = arith.constant 0 : i32
    %dma_start3A_1557 = tpu.memref_slice %arg4[%dma_start3A_1549, %dma_start3A_1556] : memref<2x320000xi32, #tpu.memory_space<hbm>> -> memref<1x320000xi32, #tpu.memory_space<hbm>>
    %dma_start3A_1558 = tpu.memref_squeeze %dma_start3A_1557 : memref<1x320000xi32, #tpu.memory_space<hbm>> -> memref<320000xi32, #tpu.memory_space<hbm>>
    %dma_start3A_1559 = tpu.memref_slice %dma_start3A_1558[%add3A_1548] : memref<320000xi32, #tpu.memory_space<hbm>> -> memref<576xi32, #tpu.memory_space<hbm>>
    %dma_start3A_1560 = arith.constant 0 : i32
    %dma_start3A_1561 = tpu.memref_slice %arg11[%dma_start3A_1550, %dma_start3A_1560] : memref<4x576xi32, #tpu.memory_space<vmem>> -> memref<1x576xi32, #tpu.memory_space<vmem>>
    %dma_start3A_1562 = tpu.memref_squeeze %dma_start3A_1561 : memref<1x576xi32, #tpu.memory_space<vmem>> -> memref<576xi32, #tpu.memory_space<vmem>>
    %dma_start3A_1563 = arith.constant 0 : i32
    %dma_start3A_1564 = tpu.memref_slice %dma_start3A_1562[%dma_start3A_1563] : memref<576xi32, #tpu.memory_space<vmem>> -> memref<576xi32, #tpu.memory_space<vmem>>
    %dma_start3A_1565 = arith.constant 0 : i32
    %dma_start3A_1566 = tpu.memref_slice %arg4[%dma_start3A_1549, %dma_start3A_1565] : memref<2x320000xi32, #tpu.memory_space<hbm>> -> memref<1x320000xi32, #tpu.memory_space<hbm>>
    %dma_start3A_1567 = tpu.memref_squeeze %dma_start3A_1566 : memref<1x320000xi32, #tpu.memory_space<hbm>> -> memref<320000xi32, #tpu.memory_space<hbm>>
    %dma_start3A_1568 = tpu.memref_slice %dma_start3A_1567[%add3A_1548] : memref<320000xi32, #tpu.memory_space<hbm>> -> memref<576xi32, #tpu.memory_space<hbm>>
    tpu.enqueue_dma source(%dma_start3A_1568 : memref<576xi32, #tpu.memory_space<hbm>>) target(%dma_start3A_1564 : memref<576xi32, #tpu.memory_space<vmem>>) target_semaphore(%arg17 : memref<!tpu.dma_semaphore, #tpu.memory_space<semaphore_mem>>)
    %dma_start3A_1569 = arith.constant 1 : i32
    %dma_start3A_1570 = arith.constant 0 : i32
    %dma_start3A_1571 = arith.constant 0 : i32
    %dma_start3A_1572 = tpu.memref_slice %arg12[%dma_start3A_1570, %dma_start3A_1571] : memref<4x576xi32, #tpu.memory_space<vmem>> -> memref<1x576xi32, #tpu.memory_space<vmem>>
    %dma_start3A_1573 = tpu.memref_squeeze %dma_start3A_1572 : memref<1x576xi32, #tpu.memory_space<vmem>> -> memref<576xi32, #tpu.memory_space<vmem>>
    %dma_start3A_1574 = arith.constant 0 : i32
    %dma_start3A_1575 = tpu.memref_slice %dma_start3A_1573[%dma_start3A_1574] : memref<576xi32, #tpu.memory_space<vmem>> -> memref<576xi32, #tpu.memory_space<vmem>>
    %dma_start3A_1576 = arith.constant 0 : i32
    %dma_start3A_1577 = tpu.memref_slice %arg4[%dma_start3A_1569, %dma_start3A_1576] : memref<2x320000xi32, #tpu.memory_space<hbm>> -> memref<1x320000xi32, #tpu.memory_space<hbm>>
    %dma_start3A_1578 = tpu.memref_squeeze %dma_start3A_1577 : memref<1x320000xi32, #tpu.memory_space<hbm>> -> memref<320000xi32, #tpu.memory_space<hbm>>
    %dma_start3A_1579 = tpu.memref_slice %dma_start3A_1578[%add3A_1548] : memref<320000xi32, #tpu.memory_space<hbm>> -> memref<576xi32, #tpu.memory_space<hbm>>
    %dma_start3A_1580 = arith.constant 0 : i32
    %dma_start3A_1581 = tpu.memref_slice %arg12[%dma_start3A_1570, %dma_start3A_1580] : memref<4x576xi32, #tpu.memory_space<vmem>> -> memref<1x576xi32, #tpu.memory_space<vmem>>
    %dma_start3A_1582 = tpu.memref_squeeze %dma_start3A_1581 : memref<1x576xi32, #tpu.memory_space<vmem>> -> memref<576xi32, #tpu.memory_space<vmem>>
    %dma_start3A_1583 = arith.constant 0 : i32
    %dma_start3A_1584 = tpu.memref_slice %dma_start3A_1582[%dma_start3A_1583] : memref<576xi32, #tpu.memory_space<vmem>> -> memref<576xi32, #tpu.memory_space<vmem>>
    %dma_start3A_1585 = arith.constant 0 : i32
    %dma_start3A_1586 = tpu.memref_slice %arg4[%dma_start3A_1569, %dma_start3A_1585] : memref<2x320000xi32, #tpu.memory_space<hbm>> -> memref<1x320000xi32, #tpu.memory_space<hbm>>
    %dma_start3A_1587 = tpu.memref_squeeze %dma_start3A_1586 : memref<1x320000xi32, #tpu.memory_space<hbm>> -> memref<320000xi32, #tpu.memory_space<hbm>>
    %dma_start3A_1588 = tpu.memref_slice %dma_start3A_1587[%add3A_1548] : memref<320000xi32, #tpu.memory_space<hbm>> -> memref<576xi32, #tpu.memory_space<hbm>>
    tpu.enqueue_dma source(%dma_start3A_1588 : memref<576xi32, #tpu.memory_space<hbm>>) target(%dma_start3A_1584 : memref<576xi32, #tpu.memory_space<vmem>>) target_semaphore(%arg17 : memref<!tpu.dma_semaphore, #tpu.memory_space<semaphore_mem>>)
    %scan3A_1589 = arith.constant 0 : i32
    %scan3A_1590 = arith.constant 36 : i32
    %scan3A_1591 = arith.addi %scan3A_1589, %scan3A_1590 : i32
    %scan3A_1592 = arith.constant 1 : i32
    scf.for %scan3A_2467 = %scan3A_1589 to %scan3A_1591 step %scan3A_1592  : i32 {
      %mul3A_2468 = arith.constant 16 : i32
      %mul3A_2469 = arith.muli %scan3A_2467, %mul3A_2468 : i32
      %add3A_2470 = arith.constant 0 : i32
      %add3A_2471 = arith.addi %add3A_2470, %mul3A_2469 : i32
      %get3A = arith.constant 2 : i32
      %get3A_2472 = arith.constant 0 : i32
      %get3A_2473 = tpu.memref_slice %arg11[%get3A, %get3A_2472] : memref<4x576xi32, #tpu.memory_space<vmem>> -> memref<1x576xi32, #tpu.memory_space<vmem>>
      %get3A_2474 = tpu.memref_squeeze %get3A_2473 : memref<1x576xi32, #tpu.memory_space<vmem>> -> memref<576xi32, #tpu.memory_space<vmem>>
      %get3A_2475 = arith.index_cast %add3A_2471 : i32 to index
      %get3A_2476 = tpu.vector_load %get3A_2474[%get3A_2475] {strides = array<i32>} : memref<576xi32, #tpu.memory_space<vmem>>, vector<16xi32>,
      tpu.vector_store_idx %arg15[%get3A_2476], %broadcast_in_dim3A_9 {add = true} : memref<10000xf32, #tpu.memory_space<vmem>>[vector<16xi32>], vector<16xf32>,
    }
    %scan3A_1593 = arith.constant 36 : i32
    %dma_wait3A_1594 = arith.constant 2 : i32
    %dma_wait3A_1595 = arith.constant 0 : i32
    %dma_wait3A_1596 = arith.constant 0 : i32
    %dma_wait3A_1597 = tpu.memref_slice %arg13[%dma_wait3A_1595, %dma_wait3A_1596] : memref<576x64xf32, #tpu.memory_space<vmem>> -> memref<576x64xf32, #tpu.memory_space<vmem>>
    %dma_wait3A_1598 = arith.constant 0 : i32
    %dma_wait3A_1599 = tpu.memref_slice %arg12[%dma_wait3A_1594, %dma_wait3A_1598] : memref<4x576xi32, #tpu.memory_space<vmem>> -> memref<1x576xi32, #tpu.memory_space<vmem>>
    %dma_wait3A_1600 = tpu.memref_squeeze %dma_wait3A_1599 : memref<1x576xi32, #tpu.memory_space<vmem>> -> memref<576xi32, #tpu.memory_space<vmem>>
    %dma_wait3A_1601 = arith.constant 0 : i32
    %dma_wait3A_1602 = tpu.memref_slice %dma_wait3A_1600[%dma_wait3A_1601] : memref<576xi32, #tpu.memory_space<vmem>> -> memref<576xi32, #tpu.memory_space<vmem>>
    %dma_wait3A_1603 = arith.constant 0 : i32
    %dma_wait3A_1604 = arith.constant 0 : i32
    %dma_wait3A_1605 = tpu.memref_slice %arg2[%dma_wait3A_1603, %dma_wait3A_1604] : memref<10000x64xf32, #tpu.memory_space<hbm>> -> memref<10000x64xf32, #tpu.memory_space<hbm>>
    tpu.wait_indirect_dma semaphore(%arg18 : memref<!tpu.dma_semaphore, #tpu.memory_space<semaphore_mem>>) src(%dma_wait3A_1605 : memref<10000x64xf32, #tpu.memory_space<hbm>>) dst(%dma_wait3A_1597 : memref<576x64xf32, #tpu.memory_space<vmem>>)
    %dma_start3A_1606 = arith.constant 2 : i32
    %dma_start3A_1607 = arith.constant 0 : i32
    %dma_start3A_1608 = arith.constant 0 : i32
    %dma_start3A_1609 = tpu.memref_slice %arg13[%dma_start3A_1607, %dma_start3A_1608] : memref<576x64xf32, #tpu.memory_space<vmem>> -> memref<576x64xf32, #tpu.memory_space<vmem>>
    %dma_start3A_1610 = arith.constant 0 : i32
    %dma_start3A_1611 = tpu.memref_slice %arg11[%dma_start3A_1606, %dma_start3A_1610] : memref<4x576xi32, #tpu.memory_space<vmem>> -> memref<1x576xi32, #tpu.memory_space<vmem>>
    %dma_start3A_1612 = tpu.memref_squeeze %dma_start3A_1611 : memref<1x576xi32, #tpu.memory_space<vmem>> -> memref<576xi32, #tpu.memory_space<vmem>>
    %dma_start3A_1613 = arith.constant 0 : i32
    %dma_start3A_1614 = tpu.memref_slice %dma_start3A_1612[%dma_start3A_1613] : memref<576xi32, #tpu.memory_space<vmem>> -> memref<576xi32, #tpu.memory_space<vmem>>
    %dma_start3A_1615 = arith.constant 0 : i32
    %dma_start3A_1616 = arith.constant 0 : i32
    %dma_start3A_1617 = tpu.memref_slice %arg16[%dma_start3A_1615, %dma_start3A_1616] : memref<10008x64xf32, #tpu.memory_space<vmem_shared>> -> memref<10008x64xf32, #tpu.memory_space<vmem_shared>>
    tpu.enqueue_indirect_dma source(%dma_start3A_1609 : memref<576x64xf32, #tpu.memory_space<vmem>>) target(%dma_start3A_1617 : memref<10008x64xf32, #tpu.memory_space<vmem_shared>>) offsets(%dma_start3A_1614 : memref<576xi32, #tpu.memory_space<vmem>>) semaphore(%arg20 : memref<!tpu.dma_semaphore, #tpu.memory_space<semaphore_mem>>) {add = true}
    %dma_wait3A_1618 = arith.constant 2 : i32
    %dma_wait3A_1619 = arith.constant 0 : i32
    %dma_wait3A_1620 = arith.constant 0 : i32
    %dma_wait3A_1621 = tpu.memref_slice %arg13[%dma_wait3A_1619, %dma_wait3A_1620] : memref<576x64xf32, #tpu.memory_space<vmem>> -> memref<576x64xf32, #tpu.memory_space<vmem>>
    %dma_wait3A_1622 = arith.constant 0 : i32
    %dma_wait3A_1623 = tpu.memref_slice %arg11[%dma_wait3A_1618, %dma_wait3A_1622] : memref<4x576xi32, #tpu.memory_space<vmem>> -> memref<1x576xi32, #tpu.memory_space<vmem>>
    %dma_wait3A_1624 = tpu.memref_squeeze %dma_wait3A_1623 : memref<1x576xi32, #tpu.memory_space<vmem>> -> memref<576xi32, #tpu.memory_space<vmem>>
    %dma_wait3A_1625 = arith.constant 0 : i32
    %dma_wait3A_1626 = tpu.memref_slice %dma_wait3A_1624[%dma_wait3A_1625] : memref<576xi32, #tpu.memory_space<vmem>> -> memref<576xi32, #tpu.memory_space<vmem>>
    %dma_wait3A_1627 = arith.constant 0 : i32
    %dma_wait3A_1628 = arith.constant 0 : i32
    %dma_wait3A_1629 = tpu.memref_slice %arg16[%dma_wait3A_1627, %dma_wait3A_1628] : memref<10008x64xf32, #tpu.memory_space<vmem_shared>> -> memref<10008x64xf32, #tpu.memory_space<vmem_shared>>
    tpu.wait_indirect_dma semaphore(%arg20 : memref<!tpu.dma_semaphore, #tpu.memory_space<semaphore_mem>>) src(%dma_wait3A_1621 : memref<576x64xf32, #tpu.memory_space<vmem>>) dst(%dma_wait3A_1629 : memref<10008x64xf32, #tpu.memory_space<vmem_shared>>)
    %dma_wait3A_1630 = arith.constant 0 : i32
    %dma_wait3A_1631 = arith.constant 0 : i32
    %dma_wait3A_1632 = arith.constant 0 : i32
    %dma_wait3A_1633 = tpu.memref_slice %arg11[%dma_wait3A_1631, %dma_wait3A_1632] : memref<4x576xi32, #tpu.memory_space<vmem>> -> memref<1x576xi32, #tpu.memory_space<vmem>>
    %dma_wait3A_1634 = tpu.memref_squeeze %dma_wait3A_1633 : memref<1x576xi32, #tpu.memory_space<vmem>> -> memref<576xi32, #tpu.memory_space<vmem>>
    %dma_wait3A_1635 = arith.constant 0 : i32
    %dma_wait3A_1636 = tpu.memref_slice %dma_wait3A_1634[%dma_wait3A_1635] : memref<576xi32, #tpu.memory_space<vmem>> -> memref<576xi32, #tpu.memory_space<vmem>>
    %dma_wait3A_1637 = arith.constant 0 : i32
    %dma_wait3A_1638 = tpu.memref_slice %arg4[%dma_wait3A_1630, %dma_wait3A_1637] : memref<2x320000xi32, #tpu.memory_space<hbm>> -> memref<1x320000xi32, #tpu.memory_space<hbm>>
    %dma_wait3A_1639 = tpu.memref_squeeze %dma_wait3A_1638 : memref<1x320000xi32, #tpu.memory_space<hbm>> -> memref<320000xi32, #tpu.memory_space<hbm>>
    %dma_wait3A_1640 = tpu.memref_slice %dma_wait3A_1639[%mul3A_11] : memref<320000xi32, #tpu.memory_space<hbm>> -> memref<576xi32, #tpu.memory_space<hbm>>
    %dma_wait3A_1641 = arith.constant 0 : i32
    %dma_wait3A_1642 = tpu.memref_slice %arg11[%dma_wait3A_1631, %dma_wait3A_1641] : memref<4x576xi32, #tpu.memory_space<vmem>> -> memref<1x576xi32, #tpu.memory_space<vmem>>
    %dma_wait3A_1643 = tpu.memref_squeeze %dma_wait3A_1642 : memref<1x576xi32, #tpu.memory_space<vmem>> -> memref<576xi32, #tpu.memory_space<vmem>>
    %dma_wait3A_1644 = arith.constant 0 : i32
    %dma_wait3A_1645 = tpu.memref_slice %dma_wait3A_1643[%dma_wait3A_1644] : memref<576xi32, #tpu.memory_space<vmem>> -> memref<576xi32, #tpu.memory_space<vmem>>
    %dma_wait3A_1646 = arith.constant 0 : i32
    %dma_wait3A_1647 = tpu.memref_slice %arg4[%dma_wait3A_1630, %dma_wait3A_1646] : memref<2x320000xi32, #tpu.memory_space<hbm>> -> memref<1x320000xi32, #tpu.memory_space<hbm>>
    %dma_wait3A_1648 = tpu.memref_squeeze %dma_wait3A_1647 : memref<1x320000xi32, #tpu.memory_space<hbm>> -> memref<320000xi32, #tpu.memory_space<hbm>>
    %dma_wait3A_1649 = tpu.memref_slice %dma_wait3A_1648[%mul3A_11] : memref<320000xi32, #tpu.memory_space<hbm>> -> memref<576xi32, #tpu.memory_space<hbm>>
    tpu.wait_dma2 semaphore(%arg17 : memref<!tpu.dma_semaphore, #tpu.memory_space<semaphore_mem>>) src(%dma_wait3A_1649 : memref<576xi32, #tpu.memory_space<hbm>>) dst(%dma_wait3A_1645 : memref<576xi32, #tpu.memory_space<vmem>>)
    %dma_wait3A_1650 = arith.constant 1 : i32
    %dma_wait3A_1651 = arith.constant 0 : i32
    %dma_wait3A_1652 = arith.constant 0 : i32
    %dma_wait3A_1653 = tpu.memref_slice %arg12[%dma_wait3A_1651, %dma_wait3A_1652] : memref<4x576xi32, #tpu.memory_space<vmem>> -> memref<1x576xi32, #tpu.memory_space<vmem>>
    %dma_wait3A_1654 = tpu.memref_squeeze %dma_wait3A_1653 : memref<1x576xi32, #tpu.memory_space<vmem>> -> memref<576xi32, #tpu.memory_space<vmem>>
    %dma_wait3A_1655 = arith.constant 0 : i32
    %dma_wait3A_1656 = tpu.memref_slice %dma_wait3A_1654[%dma_wait3A_1655] : memref<576xi32, #tpu.memory_space<vmem>> -> memref<576xi32, #tpu.memory_space<vmem>>
    %dma_wait3A_1657 = arith.constant 0 : i32
    %dma_wait3A_1658 = tpu.memref_slice %arg4[%dma_wait3A_1650, %dma_wait3A_1657] : memref<2x320000xi32, #tpu.memory_space<hbm>> -> memref<1x320000xi32, #tpu.memory_space<hbm>>
    %dma_wait3A_1659 = tpu.memref_squeeze %dma_wait3A_1658 : memref<1x320000xi32, #tpu.memory_space<hbm>> -> memref<320000xi32, #tpu.memory_space<hbm>>
    %dma_wait3A_1660 = tpu.memref_slice %dma_wait3A_1659[%mul3A_11] : memref<320000xi32, #tpu.memory_space<hbm>> -> memref<576xi32, #tpu.memory_space<hbm>>
    %dma_wait3A_1661 = arith.constant 0 : i32
    %dma_wait3A_1662 = tpu.memref_slice %arg12[%dma_wait3A_1651, %dma_wait3A_1661] : memref<4x576xi32, #tpu.memory_space<vmem>> -> memref<1x576xi32, #tpu.memory_space<vmem>>
    %dma_wait3A_1663 = tpu.memref_squeeze %dma_wait3A_1662 : memref<1x576xi32, #tpu.memory_space<vmem>> -> memref<576xi32, #tpu.memory_space<vmem>>
    %dma_wait3A_1664 = arith.constant 0 : i32
    %dma_wait3A_1665 = tpu.memref_slice %dma_wait3A_1663[%dma_wait3A_1664] : memref<576xi32, #tpu.memory_space<vmem>> -> memref<576xi32, #tpu.memory_space<vmem>>
    %dma_wait3A_1666 = arith.constant 0 : i32
    %dma_wait3A_1667 = tpu.memref_slice %arg4[%dma_wait3A_1650, %dma_wait3A_1666] : memref<2x320000xi32, #tpu.memory_space<hbm>> -> memref<1x320000xi32, #tpu.memory_space<hbm>>
    %dma_wait3A_1668 = tpu.memref_squeeze %dma_wait3A_1667 : memref<1x320000xi32, #tpu.memory_space<hbm>> -> memref<320000xi32, #tpu.memory_space<hbm>>
    %dma_wait3A_1669 = tpu.memref_slice %dma_wait3A_1668[%mul3A_11] : memref<320000xi32, #tpu.memory_space<hbm>> -> memref<576xi32, #tpu.memory_space<hbm>>
    tpu.wait_dma2 semaphore(%arg17 : memref<!tpu.dma_semaphore, #tpu.memory_space<semaphore_mem>>) src(%dma_wait3A_1669 : memref<576xi32, #tpu.memory_space<hbm>>) dst(%dma_wait3A_1665 : memref<576xi32, #tpu.memory_space<vmem>>)
    %dma_start3A_1670 = arith.constant 0 : i32
    %dma_start3A_1671 = arith.constant 0 : i32
    %dma_start3A_1672 = arith.constant 0 : i32
    %dma_start3A_1673 = tpu.memref_slice %arg13[%dma_start3A_1671, %dma_start3A_1672] : memref<576x64xf32, #tpu.memory_space<vmem>> -> memref<576x64xf32, #tpu.memory_space<vmem>>
    %dma_start3A_1674 = arith.constant 0 : i32
    %dma_start3A_1675 = tpu.memref_slice %arg12[%dma_start3A_1670, %dma_start3A_1674] : memref<4x576xi32, #tpu.memory_space<vmem>> -> memref<1x576xi32, #tpu.memory_space<vmem>>
    %dma_start3A_1676 = tpu.memref_squeeze %dma_start3A_1675 : memref<1x576xi32, #tpu.memory_space<vmem>> -> memref<576xi32, #tpu.memory_space<vmem>>
    %dma_start3A_1677 = arith.constant 0 : i32
    %dma_start3A_1678 = tpu.memref_slice %dma_start3A_1676[%dma_start3A_1677] : memref<576xi32, #tpu.memory_space<vmem>> -> memref<576xi32, #tpu.memory_space<vmem>>
    %dma_start3A_1679 = arith.constant 0 : i32
    %dma_start3A_1680 = arith.constant 0 : i32
    %dma_start3A_1681 = tpu.memref_slice %arg2[%dma_start3A_1679, %dma_start3A_1680] : memref<10000x64xf32, #tpu.memory_space<hbm>> -> memref<10000x64xf32, #tpu.memory_space<hbm>>
    tpu.enqueue_indirect_dma source(%dma_start3A_1681 : memref<10000x64xf32, #tpu.memory_space<hbm>>) target(%dma_start3A_1673 : memref<576x64xf32, #tpu.memory_space<vmem>>) offsets(%dma_start3A_1678 : memref<576xi32, #tpu.memory_space<vmem>>) semaphore(%arg18 : memref<!tpu.dma_semaphore, #tpu.memory_space<semaphore_mem>>)
    %add3A_1682 = arith.constant 7488 : i32
    %add3A_1683 = arith.addi %mul3A_11, %add3A_1682 : i32
    %dma_start3A_1684 = arith.constant 0 : i32
    %dma_start3A_1685 = arith.constant 1 : i32
    %dma_start3A_1686 = arith.constant 0 : i32
    %dma_start3A_1687 = tpu.memref_slice %arg11[%dma_start3A_1685, %dma_start3A_1686] : memref<4x576xi32, #tpu.memory_space<vmem>> -> memref<1x576xi32, #tpu.memory_space<vmem>>
    %dma_start3A_1688 = tpu.memref_squeeze %dma_start3A_1687 : memref<1x576xi32, #tpu.memory_space<vmem>> -> memref<576xi32, #tpu.memory_space<vmem>>
    %dma_start3A_1689 = arith.constant 0 : i32
    %dma_start3A_1690 = tpu.memref_slice %dma_start3A_1688[%dma_start3A_1689] : memref<576xi32, #tpu.memory_space<vmem>> -> memref<576xi32, #tpu.memory_space<vmem>>
    %dma_start3A_1691 = arith.constant 0 : i32
    %dma_start3A_1692 = tpu.memref_slice %arg4[%dma_start3A_1684, %dma_start3A_1691] : memref<2x320000xi32, #tpu.memory_space<hbm>> -> memref<1x320000xi32, #tpu.memory_space<hbm>>
    %dma_start3A_1693 = tpu.memref_squeeze %dma_start3A_1692 : memref<1x320000xi32, #tpu.memory_space<hbm>> -> memref<320000xi32, #tpu.memory_space<hbm>>
    %dma_start3A_1694 = tpu.memref_slice %dma_start3A_1693[%add3A_1683] : memref<320000xi32, #tpu.memory_space<hbm>> -> memref<576xi32, #tpu.memory_space<hbm>>
    %dma_start3A_1695 = arith.constant 0 : i32
    %dma_start3A_1696 = tpu.memref_slice %arg11[%dma_start3A_1685, %dma_start3A_1695] : memref<4x576xi32, #tpu.memory_space<vmem>> -> memref<1x576xi32, #tpu.memory_space<vmem>>
    %dma_start3A_1697 = tpu.memref_squeeze %dma_start3A_1696 : memref<1x576xi32, #tpu.memory_space<vmem>> -> memref<576xi32, #tpu.memory_space<vmem>>
    %dma_start3A_1698 = arith.constant 0 : i32
    %dma_start3A_1699 = tpu.memref_slice %dma_start3A_1697[%dma_start3A_1698] : memref<576xi32, #tpu.memory_space<vmem>> -> memref<576xi32, #tpu.memory_space<vmem>>
    %dma_start3A_1700 = arith.constant 0 : i32
    %dma_start3A_1701 = tpu.memref_slice %arg4[%dma_start3A_1684, %dma_start3A_1700] : memref<2x320000xi32, #tpu.memory_space<hbm>> -> memref<1x320000xi32, #tpu.memory_space<hbm>>
    %dma_start3A_1702 = tpu.memref_squeeze %dma_start3A_1701 : memref<1x320000xi32, #tpu.memory_space<hbm>> -> memref<320000xi32, #tpu.memory_space<hbm>>
    %dma_start3A_1703 = tpu.memref_slice %dma_start3A_1702[%add3A_1683] : memref<320000xi32, #tpu.memory_space<hbm>> -> memref<576xi32, #tpu.memory_space<hbm>>
    tpu.enqueue_dma source(%dma_start3A_1703 : memref<576xi32, #tpu.memory_space<hbm>>) target(%dma_start3A_1699 : memref<576xi32, #tpu.memory_space<vmem>>) target_semaphore(%arg17 : memref<!tpu.dma_semaphore, #tpu.memory_space<semaphore_mem>>)
    %dma_start3A_1704 = arith.constant 1 : i32
    %dma_start3A_1705 = arith.constant 1 : i32
    %dma_start3A_1706 = arith.constant 0 : i32
    %dma_start3A_1707 = tpu.memref_slice %arg12[%dma_start3A_1705, %dma_start3A_1706] : memref<4x576xi32, #tpu.memory_space<vmem>> -> memref<1x576xi32, #tpu.memory_space<vmem>>
    %dma_start3A_1708 = tpu.memref_squeeze %dma_start3A_1707 : memref<1x576xi32, #tpu.memory_space<vmem>> -> memref<576xi32, #tpu.memory_space<vmem>>
    %dma_start3A_1709 = arith.constant 0 : i32
    %dma_start3A_1710 = tpu.memref_slice %dma_start3A_1708[%dma_start3A_1709] : memref<576xi32, #tpu.memory_space<vmem>> -> memref<576xi32, #tpu.memory_space<vmem>>
    %dma_start3A_1711 = arith.constant 0 : i32
    %dma_start3A_1712 = tpu.memref_slice %arg4[%dma_start3A_1704, %dma_start3A_1711] : memref<2x320000xi32, #tpu.memory_space<hbm>> -> memref<1x320000xi32, #tpu.memory_space<hbm>>
    %dma_start3A_1713 = tpu.memref_squeeze %dma_start3A_1712 : memref<1x320000xi32, #tpu.memory_space<hbm>> -> memref<320000xi32, #tpu.memory_space<hbm>>
    %dma_start3A_1714 = tpu.memref_slice %dma_start3A_1713[%add3A_1683] : memref<320000xi32, #tpu.memory_space<hbm>> -> memref<576xi32, #tpu.memory_space<hbm>>
    %dma_start3A_1715 = arith.constant 0 : i32
    %dma_start3A_1716 = tpu.memref_slice %arg12[%dma_start3A_1705, %dma_start3A_1715] : memref<4x576xi32, #tpu.memory_space<vmem>> -> memref<1x576xi32, #tpu.memory_space<vmem>>
    %dma_start3A_1717 = tpu.memref_squeeze %dma_start3A_1716 : memref<1x576xi32, #tpu.memory_space<vmem>> -> memref<576xi32, #tpu.memory_space<vmem>>
    %dma_start3A_1718 = arith.constant 0 : i32
    %dma_start3A_1719 = tpu.memref_slice %dma_start3A_1717[%dma_start3A_1718] : memref<576xi32, #tpu.memory_space<vmem>> -> memref<576xi32, #tpu.memory_space<vmem>>
    %dma_start3A_1720 = arith.constant 0 : i32
    %dma_start3A_1721 = tpu.memref_slice %arg4[%dma_start3A_1704, %dma_start3A_1720] : memref<2x320000xi32, #tpu.memory_space<hbm>> -> memref<1x320000xi32, #tpu.memory_space<hbm>>
    %dma_start3A_1722 = tpu.memref_squeeze %dma_start3A_1721 : memref<1x320000xi32, #tpu.memory_space<hbm>> -> memref<320000xi32, #tpu.memory_space<hbm>>
    %dma_start3A_1723 = tpu.memref_slice %dma_start3A_1722[%add3A_1683] : memref<320000xi32, #tpu.memory_space<hbm>> -> memref<576xi32, #tpu.memory_space<hbm>>
    tpu.enqueue_dma source(%dma_start3A_1723 : memref<576xi32, #tpu.memory_space<hbm>>) target(%dma_start3A_1719 : memref<576xi32, #tpu.memory_space<vmem>>) target_semaphore(%arg17 : memref<!tpu.dma_semaphore, #tpu.memory_space<semaphore_mem>>)
    %scan3A_1724 = arith.constant 0 : i32
    %scan3A_1725 = arith.constant 36 : i32
    %scan3A_1726 = arith.addi %scan3A_1724, %scan3A_1725 : i32
    %scan3A_1727 = arith.constant 1 : i32
    scf.for %scan3A_2467 = %scan3A_1724 to %scan3A_1726 step %scan3A_1727  : i32 {
      %mul3A_2468 = arith.constant 16 : i32
      %mul3A_2469 = arith.muli %scan3A_2467, %mul3A_2468 : i32
      %add3A_2470 = arith.constant 0 : i32
      %add3A_2471 = arith.addi %add3A_2470, %mul3A_2469 : i32
      %get3A = arith.constant 3 : i32
      %get3A_2472 = arith.constant 0 : i32
      %get3A_2473 = tpu.memref_slice %arg11[%get3A, %get3A_2472] : memref<4x576xi32, #tpu.memory_space<vmem>> -> memref<1x576xi32, #tpu.memory_space<vmem>>
      %get3A_2474 = tpu.memref_squeeze %get3A_2473 : memref<1x576xi32, #tpu.memory_space<vmem>> -> memref<576xi32, #tpu.memory_space<vmem>>
      %get3A_2475 = arith.index_cast %add3A_2471 : i32 to index
      %get3A_2476 = tpu.vector_load %get3A_2474[%get3A_2475] {strides = array<i32>} : memref<576xi32, #tpu.memory_space<vmem>>, vector<16xi32>,
      tpu.vector_store_idx %arg15[%get3A_2476], %broadcast_in_dim3A_9 {add = true} : memref<10000xf32, #tpu.memory_space<vmem>>[vector<16xi32>], vector<16xf32>,
    }
    %scan3A_1728 = arith.constant 36 : i32
    %dma_wait3A_1729 = arith.constant 3 : i32
    %dma_wait3A_1730 = arith.constant 0 : i32
    %dma_wait3A_1731 = arith.constant 0 : i32
    %dma_wait3A_1732 = tpu.memref_slice %arg14[%dma_wait3A_1730, %dma_wait3A_1731] : memref<576x64xf32, #tpu.memory_space<vmem>> -> memref<576x64xf32, #tpu.memory_space<vmem>>
    %dma_wait3A_1733 = arith.constant 0 : i32
    %dma_wait3A_1734 = tpu.memref_slice %arg12[%dma_wait3A_1729, %dma_wait3A_1733] : memref<4x576xi32, #tpu.memory_space<vmem>> -> memref<1x576xi32, #tpu.memory_space<vmem>>
    %dma_wait3A_1735 = tpu.memref_squeeze %dma_wait3A_1734 : memref<1x576xi32, #tpu.memory_space<vmem>> -> memref<576xi32, #tpu.memory_space<vmem>>
    %dma_wait3A_1736 = arith.constant 0 : i32
    %dma_wait3A_1737 = tpu.memref_slice %dma_wait3A_1735[%dma_wait3A_1736] : memref<576xi32, #tpu.memory_space<vmem>> -> memref<576xi32, #tpu.memory_space<vmem>>
    %dma_wait3A_1738 = arith.constant 0 : i32
    %dma_wait3A_1739 = arith.constant 0 : i32
    %dma_wait3A_1740 = tpu.memref_slice %arg2[%dma_wait3A_1738, %dma_wait3A_1739] : memref<10000x64xf32, #tpu.memory_space<hbm>> -> memref<10000x64xf32, #tpu.memory_space<hbm>>
    tpu.wait_indirect_dma semaphore(%arg19 : memref<!tpu.dma_semaphore, #tpu.memory_space<semaphore_mem>>) src(%dma_wait3A_1740 : memref<10000x64xf32, #tpu.memory_space<hbm>>) dst(%dma_wait3A_1732 : memref<576x64xf32, #tpu.memory_space<vmem>>)
    %dma_start3A_1741 = arith.constant 3 : i32
    %dma_start3A_1742 = arith.constant 0 : i32
    %dma_start3A_1743 = arith.constant 0 : i32
    %dma_start3A_1744 = tpu.memref_slice %arg14[%dma_start3A_1742, %dma_start3A_1743] : memref<576x64xf32, #tpu.memory_space<vmem>> -> memref<576x64xf32, #tpu.memory_space<vmem>>
    %dma_start3A_1745 = arith.constant 0 : i32
    %dma_start3A_1746 = tpu.memref_slice %arg11[%dma_start3A_1741, %dma_start3A_1745] : memref<4x576xi32, #tpu.memory_space<vmem>> -> memref<1x576xi32, #tpu.memory_space<vmem>>
    %dma_start3A_1747 = tpu.memref_squeeze %dma_start3A_1746 : memref<1x576xi32, #tpu.memory_space<vmem>> -> memref<576xi32, #tpu.memory_space<vmem>>
    %dma_start3A_1748 = arith.constant 0 : i32
    %dma_start3A_1749 = tpu.memref_slice %dma_start3A_1747[%dma_start3A_1748] : memref<576xi32, #tpu.memory_space<vmem>> -> memref<576xi32, #tpu.memory_space<vmem>>
    %dma_start3A_1750 = arith.constant 0 : i32
    %dma_start3A_1751 = arith.constant 0 : i32
    %dma_start3A_1752 = tpu.memref_slice %arg16[%dma_start3A_1750, %dma_start3A_1751] : memref<10008x64xf32, #tpu.memory_space<vmem_shared>> -> memref<10008x64xf32, #tpu.memory_space<vmem_shared>>
    tpu.enqueue_indirect_dma source(%dma_start3A_1744 : memref<576x64xf32, #tpu.memory_space<vmem>>) target(%dma_start3A_1752 : memref<10008x64xf32, #tpu.memory_space<vmem_shared>>) offsets(%dma_start3A_1749 : memref<576xi32, #tpu.memory_space<vmem>>) semaphore(%arg20 : memref<!tpu.dma_semaphore, #tpu.memory_space<semaphore_mem>>) {add = true}
    %dma_wait3A_1753 = arith.constant 3 : i32
    %dma_wait3A_1754 = arith.constant 0 : i32
    %dma_wait3A_1755 = arith.constant 0 : i32
    %dma_wait3A_1756 = tpu.memref_slice %arg14[%dma_wait3A_1754, %dma_wait3A_1755] : memref<576x64xf32, #tpu.memory_space<vmem>> -> memref<576x64xf32, #tpu.memory_space<vmem>>
    %dma_wait3A_1757 = arith.constant 0 : i32
    %dma_wait3A_1758 = tpu.memref_slice %arg11[%dma_wait3A_1753, %dma_wait3A_1757] : memref<4x576xi32, #tpu.memory_space<vmem>> -> memref<1x576xi32, #tpu.memory_space<vmem>>
    %dma_wait3A_1759 = tpu.memref_squeeze %dma_wait3A_1758 : memref<1x576xi32, #tpu.memory_space<vmem>> -> memref<576xi32, #tpu.memory_space<vmem>>
    %dma_wait3A_1760 = arith.constant 0 : i32
    %dma_wait3A_1761 = tpu.memref_slice %dma_wait3A_1759[%dma_wait3A_1760] : memref<576xi32, #tpu.memory_space<vmem>> -> memref<576xi32, #tpu.memory_space<vmem>>
    %dma_wait3A_1762 = arith.constant 0 : i32
    %dma_wait3A_1763 = arith.constant 0 : i32
    %dma_wait3A_1764 = tpu.memref_slice %arg16[%dma_wait3A_1762, %dma_wait3A_1763] : memref<10008x64xf32, #tpu.memory_space<vmem_shared>> -> memref<10008x64xf32, #tpu.memory_space<vmem_shared>>
    tpu.wait_indirect_dma semaphore(%arg20 : memref<!tpu.dma_semaphore, #tpu.memory_space<semaphore_mem>>) src(%dma_wait3A_1756 : memref<576x64xf32, #tpu.memory_space<vmem>>) dst(%dma_wait3A_1764 : memref<10008x64xf32, #tpu.memory_space<vmem_shared>>)
    %dma_wait3A_1765 = arith.constant 0 : i32
    %dma_wait3A_1766 = arith.constant 1 : i32
    %dma_wait3A_1767 = arith.constant 0 : i32
    %dma_wait3A_1768 = tpu.memref_slice %arg11[%dma_wait3A_1766, %dma_wait3A_1767] : memref<4x576xi32, #tpu.memory_space<vmem>> -> memref<1x576xi32, #tpu.memory_space<vmem>>
    %dma_wait3A_1769 = tpu.memref_squeeze %dma_wait3A_1768 : memref<1x576xi32, #tpu.memory_space<vmem>> -> memref<576xi32, #tpu.memory_space<vmem>>
    %dma_wait3A_1770 = arith.constant 0 : i32
    %dma_wait3A_1771 = tpu.memref_slice %dma_wait3A_1769[%dma_wait3A_1770] : memref<576xi32, #tpu.memory_space<vmem>> -> memref<576xi32, #tpu.memory_space<vmem>>
    %dma_wait3A_1772 = arith.constant 0 : i32
    %dma_wait3A_1773 = tpu.memref_slice %arg4[%dma_wait3A_1765, %dma_wait3A_1772] : memref<2x320000xi32, #tpu.memory_space<hbm>> -> memref<1x320000xi32, #tpu.memory_space<hbm>>
    %dma_wait3A_1774 = tpu.memref_squeeze %dma_wait3A_1773 : memref<1x320000xi32, #tpu.memory_space<hbm>> -> memref<320000xi32, #tpu.memory_space<hbm>>
    %dma_wait3A_1775 = tpu.memref_slice %dma_wait3A_1774[%mul3A_11] : memref<320000xi32, #tpu.memory_space<hbm>> -> memref<576xi32, #tpu.memory_space<hbm>>
    %dma_wait3A_1776 = arith.constant 0 : i32
    %dma_wait3A_1777 = tpu.memref_slice %arg11[%dma_wait3A_1766, %dma_wait3A_1776] : memref<4x576xi32, #tpu.memory_space<vmem>> -> memref<1x576xi32, #tpu.memory_space<vmem>>
    %dma_wait3A_1778 = tpu.memref_squeeze %dma_wait3A_1777 : memref<1x576xi32, #tpu.memory_space<vmem>> -> memref<576xi32, #tpu.memory_space<vmem>>
    %dma_wait3A_1779 = arith.constant 0 : i32
    %dma_wait3A_1780 = tpu.memref_slice %dma_wait3A_1778[%dma_wait3A_1779] : memref<576xi32, #tpu.memory_space<vmem>> -> memref<576xi32, #tpu.memory_space<vmem>>
    %dma_wait3A_1781 = arith.constant 0 : i32
    %dma_wait3A_1782 = tpu.memref_slice %arg4[%dma_wait3A_1765, %dma_wait3A_1781] : memref<2x320000xi32, #tpu.memory_space<hbm>> -> memref<1x320000xi32, #tpu.memory_space<hbm>>
    %dma_wait3A_1783 = tpu.memref_squeeze %dma_wait3A_1782 : memref<1x320000xi32, #tpu.memory_space<hbm>> -> memref<320000xi32, #tpu.memory_space<hbm>>
    %dma_wait3A_1784 = tpu.memref_slice %dma_wait3A_1783[%mul3A_11] : memref<320000xi32, #tpu.memory_space<hbm>> -> memref<576xi32, #tpu.memory_space<hbm>>
    tpu.wait_dma2 semaphore(%arg17 : memref<!tpu.dma_semaphore, #tpu.memory_space<semaphore_mem>>) src(%dma_wait3A_1784 : memref<576xi32, #tpu.memory_space<hbm>>) dst(%dma_wait3A_1780 : memref<576xi32, #tpu.memory_space<vmem>>)
    %dma_wait3A_1785 = arith.constant 1 : i32
    %dma_wait3A_1786 = arith.constant 1 : i32
    %dma_wait3A_1787 = arith.constant 0 : i32
    %dma_wait3A_1788 = tpu.memref_slice %arg12[%dma_wait3A_1786, %dma_wait3A_1787] : memref<4x576xi32, #tpu.memory_space<vmem>> -> memref<1x576xi32, #tpu.memory_space<vmem>>
    %dma_wait3A_1789 = tpu.memref_squeeze %dma_wait3A_1788 : memref<1x576xi32, #tpu.memory_space<vmem>> -> memref<576xi32, #tpu.memory_space<vmem>>
    %dma_wait3A_1790 = arith.constant 0 : i32
    %dma_wait3A_1791 = tpu.memref_slice %dma_wait3A_1789[%dma_wait3A_1790] : memref<576xi32, #tpu.memory_space<vmem>> -> memref<576xi32, #tpu.memory_space<vmem>>
    %dma_wait3A_1792 = arith.constant 0 : i32
    %dma_wait3A_1793 = tpu.memref_slice %arg4[%dma_wait3A_1785, %dma_wait3A_1792] : memref<2x320000xi32, #tpu.memory_space<hbm>> -> memref<1x320000xi32, #tpu.memory_space<hbm>>
    %dma_wait3A_1794 = tpu.memref_squeeze %dma_wait3A_1793 : memref<1x320000xi32, #tpu.memory_space<hbm>> -> memref<320000xi32, #tpu.memory_space<hbm>>
    %dma_wait3A_1795 = tpu.memref_slice %dma_wait3A_1794[%mul3A_11] : memref<320000xi32, #tpu.memory_space<hbm>> -> memref<576xi32, #tpu.memory_space<hbm>>
    %dma_wait3A_1796 = arith.constant 0 : i32
    %dma_wait3A_1797 = tpu.memref_slice %arg12[%dma_wait3A_1786, %dma_wait3A_1796] : memref<4x576xi32, #tpu.memory_space<vmem>> -> memref<1x576xi32, #tpu.memory_space<vmem>>
    %dma_wait3A_1798 = tpu.memref_squeeze %dma_wait3A_1797 : memref<1x576xi32, #tpu.memory_space<vmem>> -> memref<576xi32, #tpu.memory_space<vmem>>
    %dma_wait3A_1799 = arith.constant 0 : i32
    %dma_wait3A_1800 = tpu.memref_slice %dma_wait3A_1798[%dma_wait3A_1799] : memref<576xi32, #tpu.memory_space<vmem>> -> memref<576xi32, #tpu.memory_space<vmem>>
    %dma_wait3A_1801 = arith.constant 0 : i32
    %dma_wait3A_1802 = tpu.memref_slice %arg4[%dma_wait3A_1785, %dma_wait3A_1801] : memref<2x320000xi32, #tpu.memory_space<hbm>> -> memref<1x320000xi32, #tpu.memory_space<hbm>>
    %dma_wait3A_1803 = tpu.memref_squeeze %dma_wait3A_1802 : memref<1x320000xi32, #tpu.memory_space<hbm>> -> memref<320000xi32, #tpu.memory_space<hbm>>
    %dma_wait3A_1804 = tpu.memref_slice %dma_wait3A_1803[%mul3A_11] : memref<320000xi32, #tpu.memory_space<hbm>> -> memref<576xi32, #tpu.memory_space<hbm>>
    tpu.wait_dma2 semaphore(%arg17 : memref<!tpu.dma_semaphore, #tpu.memory_space<semaphore_mem>>) src(%dma_wait3A_1804 : memref<576xi32, #tpu.memory_space<hbm>>) dst(%dma_wait3A_1800 : memref<576xi32, #tpu.memory_space<vmem>>)
    %dma_start3A_1805 = arith.constant 1 : i32
    %dma_start3A_1806 = arith.constant 0 : i32
    %dma_start3A_1807 = arith.constant 0 : i32
    %dma_start3A_1808 = tpu.memref_slice %arg14[%dma_start3A_1806, %dma_start3A_1807] : memref<576x64xf32, #tpu.memory_space<vmem>> -> memref<576x64xf32, #tpu.memory_space<vmem>>
    %dma_start3A_1809 = arith.constant 0 : i32
    %dma_start3A_1810 = tpu.memref_slice %arg12[%dma_start3A_1805, %dma_start3A_1809] : memref<4x576xi32, #tpu.memory_space<vmem>> -> memref<1x576xi32, #tpu.memory_space<vmem>>
    %dma_start3A_1811 = tpu.memref_squeeze %dma_start3A_1810 : memref<1x576xi32, #tpu.memory_space<vmem>> -> memref<576xi32, #tpu.memory_space<vmem>>
    %dma_start3A_1812 = arith.constant 0 : i32
    %dma_start3A_1813 = tpu.memref_slice %dma_start3A_1811[%dma_start3A_1812] : memref<576xi32, #tpu.memory_space<vmem>> -> memref<576xi32, #tpu.memory_space<vmem>>
    %dma_start3A_1814 = arith.constant 0 : i32
    %dma_start3A_1815 = arith.constant 0 : i32
    %dma_start3A_1816 = tpu.memref_slice %arg2[%dma_start3A_1814, %dma_start3A_1815] : memref<10000x64xf32, #tpu.memory_space<hbm>> -> memref<10000x64xf32, #tpu.memory_space<hbm>>
    tpu.enqueue_indirect_dma source(%dma_start3A_1816 : memref<10000x64xf32, #tpu.memory_space<hbm>>) target(%dma_start3A_1808 : memref<576x64xf32, #tpu.memory_space<vmem>>) offsets(%dma_start3A_1813 : memref<576xi32, #tpu.memory_space<vmem>>) semaphore(%arg19 : memref<!tpu.dma_semaphore, #tpu.memory_space<semaphore_mem>>)
    %add3A_1817 = arith.constant 8064 : i32
    %add3A_1818 = arith.addi %mul3A_11, %add3A_1817 : i32
    %dma_start3A_1819 = arith.constant 0 : i32
    %dma_start3A_1820 = arith.constant 2 : i32
    %dma_start3A_1821 = arith.constant 0 : i32
    %dma_start3A_1822 = tpu.memref_slice %arg11[%dma_start3A_1820, %dma_start3A_1821] : memref<4x576xi32, #tpu.memory_space<vmem>> -> memref<1x576xi32, #tpu.memory_space<vmem>>
    %dma_start3A_1823 = tpu.memref_squeeze %dma_start3A_1822 : memref<1x576xi32, #tpu.memory_space<vmem>> -> memref<576xi32, #tpu.memory_space<vmem>>
    %dma_start3A_1824 = arith.constant 0 : i32
    %dma_start3A_1825 = tpu.memref_slice %dma_start3A_1823[%dma_start3A_1824] : memref<576xi32, #tpu.memory_space<vmem>> -> memref<576xi32, #tpu.memory_space<vmem>>
    %dma_start3A_1826 = arith.constant 0 : i32
    %dma_start3A_1827 = tpu.memref_slice %arg4[%dma_start3A_1819, %dma_start3A_1826] : memref<2x320000xi32, #tpu.memory_space<hbm>> -> memref<1x320000xi32, #tpu.memory_space<hbm>>
    %dma_start3A_1828 = tpu.memref_squeeze %dma_start3A_1827 : memref<1x320000xi32, #tpu.memory_space<hbm>> -> memref<320000xi32, #tpu.memory_space<hbm>>
    %dma_start3A_1829 = tpu.memref_slice %dma_start3A_1828[%add3A_1818] : memref<320000xi32, #tpu.memory_space<hbm>> -> memref<576xi32, #tpu.memory_space<hbm>>
    %dma_start3A_1830 = arith.constant 0 : i32
    %dma_start3A_1831 = tpu.memref_slice %arg11[%dma_start3A_1820, %dma_start3A_1830] : memref<4x576xi32, #tpu.memory_space<vmem>> -> memref<1x576xi32, #tpu.memory_space<vmem>>
    %dma_start3A_1832 = tpu.memref_squeeze %dma_start3A_1831 : memref<1x576xi32, #tpu.memory_space<vmem>> -> memref<576xi32, #tpu.memory_space<vmem>>
    %dma_start3A_1833 = arith.constant 0 : i32
    %dma_start3A_1834 = tpu.memref_slice %dma_start3A_1832[%dma_start3A_1833] : memref<576xi32, #tpu.memory_space<vmem>> -> memref<576xi32, #tpu.memory_space<vmem>>
    %dma_start3A_1835 = arith.constant 0 : i32
    %dma_start3A_1836 = tpu.memref_slice %arg4[%dma_start3A_1819, %dma_start3A_1835] : memref<2x320000xi32, #tpu.memory_space<hbm>> -> memref<1x320000xi32, #tpu.memory_space<hbm>>
    %dma_start3A_1837 = tpu.memref_squeeze %dma_start3A_1836 : memref<1x320000xi32, #tpu.memory_space<hbm>> -> memref<320000xi32, #tpu.memory_space<hbm>>
    %dma_start3A_1838 = tpu.memref_slice %dma_start3A_1837[%add3A_1818] : memref<320000xi32, #tpu.memory_space<hbm>> -> memref<576xi32, #tpu.memory_space<hbm>>
    tpu.enqueue_dma source(%dma_start3A_1838 : memref<576xi32, #tpu.memory_space<hbm>>) target(%dma_start3A_1834 : memref<576xi32, #tpu.memory_space<vmem>>) target_semaphore(%arg17 : memref<!tpu.dma_semaphore, #tpu.memory_space<semaphore_mem>>)
    %dma_start3A_1839 = arith.constant 1 : i32
    %dma_start3A_1840 = arith.constant 2 : i32
    %dma_start3A_1841 = arith.constant 0 : i32
    %dma_start3A_1842 = tpu.memref_slice %arg12[%dma_start3A_1840, %dma_start3A_1841] : memref<4x576xi32, #tpu.memory_space<vmem>> -> memref<1x576xi32, #tpu.memory_space<vmem>>
    %dma_start3A_1843 = tpu.memref_squeeze %dma_start3A_1842 : memref<1x576xi32, #tpu.memory_space<vmem>> -> memref<576xi32, #tpu.memory_space<vmem>>
    %dma_start3A_1844 = arith.constant 0 : i32
    %dma_start3A_1845 = tpu.memref_slice %dma_start3A_1843[%dma_start3A_1844] : memref<576xi32, #tpu.memory_space<vmem>> -> memref<576xi32, #tpu.memory_space<vmem>>
    %dma_start3A_1846 = arith.constant 0 : i32
    %dma_start3A_1847 = tpu.memref_slice %arg4[%dma_start3A_1839, %dma_start3A_1846] : memref<2x320000xi32, #tpu.memory_space<hbm>> -> memref<1x320000xi32, #tpu.memory_space<hbm>>
    %dma_start3A_1848 = tpu.memref_squeeze %dma_start3A_1847 : memref<1x320000xi32, #tpu.memory_space<hbm>> -> memref<320000xi32, #tpu.memory_space<hbm>>
    %dma_start3A_1849 = tpu.memref_slice %dma_start3A_1848[%add3A_1818] : memref<320000xi32, #tpu.memory_space<hbm>> -> memref<576xi32, #tpu.memory_space<hbm>>
    %dma_start3A_1850 = arith.constant 0 : i32
    %dma_start3A_1851 = tpu.memref_slice %arg12[%dma_start3A_1840, %dma_start3A_1850] : memref<4x576xi32, #tpu.memory_space<vmem>> -> memref<1x576xi32, #tpu.memory_space<vmem>>
    %dma_start3A_1852 = tpu.memref_squeeze %dma_start3A_1851 : memref<1x576xi32, #tpu.memory_space<vmem>> -> memref<576xi32, #tpu.memory_space<vmem>>
    %dma_start3A_1853 = arith.constant 0 : i32
    %dma_start3A_1854 = tpu.memref_slice %dma_start3A_1852[%dma_start3A_1853] : memref<576xi32, #tpu.memory_space<vmem>> -> memref<576xi32, #tpu.memory_space<vmem>>
    %dma_start3A_1855 = arith.constant 0 : i32
    %dma_start3A_1856 = tpu.memref_slice %arg4[%dma_start3A_1839, %dma_start3A_1855] : memref<2x320000xi32, #tpu.memory_space<hbm>> -> memref<1x320000xi32, #tpu.memory_space<hbm>>
    %dma_start3A_1857 = tpu.memref_squeeze %dma_start3A_1856 : memref<1x320000xi32, #tpu.memory_space<hbm>> -> memref<320000xi32, #tpu.memory_space<hbm>>
    %dma_start3A_1858 = tpu.memref_slice %dma_start3A_1857[%add3A_1818] : memref<320000xi32, #tpu.memory_space<hbm>> -> memref<576xi32, #tpu.memory_space<hbm>>
    tpu.enqueue_dma source(%dma_start3A_1858 : memref<576xi32, #tpu.memory_space<hbm>>) target(%dma_start3A_1854 : memref<576xi32, #tpu.memory_space<vmem>>) target_semaphore(%arg17 : memref<!tpu.dma_semaphore, #tpu.memory_space<semaphore_mem>>)
    %scan3A_1859 = arith.constant 0 : i32
    %scan3A_1860 = arith.constant 36 : i32
    %scan3A_1861 = arith.addi %scan3A_1859, %scan3A_1860 : i32
    %scan3A_1862 = arith.constant 1 : i32
    scf.for %scan3A_2467 = %scan3A_1859 to %scan3A_1861 step %scan3A_1862  : i32 {
      %mul3A_2468 = arith.constant 16 : i32
      %mul3A_2469 = arith.muli %scan3A_2467, %mul3A_2468 : i32
      %add3A_2470 = arith.constant 0 : i32
      %add3A_2471 = arith.addi %add3A_2470, %mul3A_2469 : i32
      %get3A = arith.constant 0 : i32
      %get3A_2472 = arith.constant 0 : i32
      %get3A_2473 = tpu.memref_slice %arg11[%get3A, %get3A_2472] : memref<4x576xi32, #tpu.memory_space<vmem>> -> memref<1x576xi32, #tpu.memory_space<vmem>>
      %get3A_2474 = tpu.memref_squeeze %get3A_2473 : memref<1x576xi32, #tpu.memory_space<vmem>> -> memref<576xi32, #tpu.memory_space<vmem>>
      %get3A_2475 = arith.index_cast %add3A_2471 : i32 to index
      %get3A_2476 = tpu.vector_load %get3A_2474[%get3A_2475] {strides = array<i32>} : memref<576xi32, #tpu.memory_space<vmem>>, vector<16xi32>,
      tpu.vector_store_idx %arg15[%get3A_2476], %broadcast_in_dim3A_9 {add = true} : memref<10000xf32, #tpu.memory_space<vmem>>[vector<16xi32>], vector<16xf32>,
    }
    %scan3A_1863 = arith.constant 36 : i32
    %dma_wait3A_1864 = arith.constant 0 : i32
    %dma_wait3A_1865 = arith.constant 0 : i32
    %dma_wait3A_1866 = arith.constant 0 : i32
    %dma_wait3A_1867 = tpu.memref_slice %arg13[%dma_wait3A_1865, %dma_wait3A_1866] : memref<576x64xf32, #tpu.memory_space<vmem>> -> memref<576x64xf32, #tpu.memory_space<vmem>>
    %dma_wait3A_1868 = arith.constant 0 : i32
    %dma_wait3A_1869 = tpu.memref_slice %arg12[%dma_wait3A_1864, %dma_wait3A_1868] : memref<4x576xi32, #tpu.memory_space<vmem>> -> memref<1x576xi32, #tpu.memory_space<vmem>>
    %dma_wait3A_1870 = tpu.memref_squeeze %dma_wait3A_1869 : memref<1x576xi32, #tpu.memory_space<vmem>> -> memref<576xi32, #tpu.memory_space<vmem>>
    %dma_wait3A_1871 = arith.constant 0 : i32
    %dma_wait3A_1872 = tpu.memref_slice %dma_wait3A_1870[%dma_wait3A_1871] : memref<576xi32, #tpu.memory_space<vmem>> -> memref<576xi32, #tpu.memory_space<vmem>>
    %dma_wait3A_1873 = arith.constant 0 : i32
    %dma_wait3A_1874 = arith.constant 0 : i32
    %dma_wait3A_1875 = tpu.memref_slice %arg2[%dma_wait3A_1873, %dma_wait3A_1874] : memref<10000x64xf32, #tpu.memory_space<hbm>> -> memref<10000x64xf32, #tpu.memory_space<hbm>>
    tpu.wait_indirect_dma semaphore(%arg18 : memref<!tpu.dma_semaphore, #tpu.memory_space<semaphore_mem>>) src(%dma_wait3A_1875 : memref<10000x64xf32, #tpu.memory_space<hbm>>) dst(%dma_wait3A_1867 : memref<576x64xf32, #tpu.memory_space<vmem>>)
    %dma_start3A_1876 = arith.constant 0 : i32
    %dma_start3A_1877 = arith.constant 0 : i32
    %dma_start3A_1878 = arith.constant 0 : i32
    %dma_start3A_1879 = tpu.memref_slice %arg13[%dma_start3A_1877, %dma_start3A_1878] : memref<576x64xf32, #tpu.memory_space<vmem>> -> memref<576x64xf32, #tpu.memory_space<vmem>>
    %dma_start3A_1880 = arith.constant 0 : i32
    %dma_start3A_1881 = tpu.memref_slice %arg11[%dma_start3A_1876, %dma_start3A_1880] : memref<4x576xi32, #tpu.memory_space<vmem>> -> memref<1x576xi32, #tpu.memory_space<vmem>>
    %dma_start3A_1882 = tpu.memref_squeeze %dma_start3A_1881 : memref<1x576xi32, #tpu.memory_space<vmem>> -> memref<576xi32, #tpu.memory_space<vmem>>
    %dma_start3A_1883 = arith.constant 0 : i32
    %dma_start3A_1884 = tpu.memref_slice %dma_start3A_1882[%dma_start3A_1883] : memref<576xi32, #tpu.memory_space<vmem>> -> memref<576xi32, #tpu.memory_space<vmem>>
    %dma_start3A_1885 = arith.constant 0 : i32
    %dma_start3A_1886 = arith.constant 0 : i32
    %dma_start3A_1887 = tpu.memref_slice %arg16[%dma_start3A_1885, %dma_start3A_1886] : memref<10008x64xf32, #tpu.memory_space<vmem_shared>> -> memref<10008x64xf32, #tpu.memory_space<vmem_shared>>
    tpu.enqueue_indirect_dma source(%dma_start3A_1879 : memref<576x64xf32, #tpu.memory_space<vmem>>) target(%dma_start3A_1887 : memref<10008x64xf32, #tpu.memory_space<vmem_shared>>) offsets(%dma_start3A_1884 : memref<576xi32, #tpu.memory_space<vmem>>) semaphore(%arg20 : memref<!tpu.dma_semaphore, #tpu.memory_space<semaphore_mem>>) {add = true}
    %dma_wait3A_1888 = arith.constant 0 : i32
    %dma_wait3A_1889 = arith.constant 0 : i32
    %dma_wait3A_1890 = arith.constant 0 : i32
    %dma_wait3A_1891 = tpu.memref_slice %arg13[%dma_wait3A_1889, %dma_wait3A_1890] : memref<576x64xf32, #tpu.memory_space<vmem>> -> memref<576x64xf32, #tpu.memory_space<vmem>>
    %dma_wait3A_1892 = arith.constant 0 : i32
    %dma_wait3A_1893 = tpu.memref_slice %arg11[%dma_wait3A_1888, %dma_wait3A_1892] : memref<4x576xi32, #tpu.memory_space<vmem>> -> memref<1x576xi32, #tpu.memory_space<vmem>>
    %dma_wait3A_1894 = tpu.memref_squeeze %dma_wait3A_1893 : memref<1x576xi32, #tpu.memory_space<vmem>> -> memref<576xi32, #tpu.memory_space<vmem>>
    %dma_wait3A_1895 = arith.constant 0 : i32
    %dma_wait3A_1896 = tpu.memref_slice %dma_wait3A_1894[%dma_wait3A_1895] : memref<576xi32, #tpu.memory_space<vmem>> -> memref<576xi32, #tpu.memory_space<vmem>>
    %dma_wait3A_1897 = arith.constant 0 : i32
    %dma_wait3A_1898 = arith.constant 0 : i32
    %dma_wait3A_1899 = tpu.memref_slice %arg16[%dma_wait3A_1897, %dma_wait3A_1898] : memref<10008x64xf32, #tpu.memory_space<vmem_shared>> -> memref<10008x64xf32, #tpu.memory_space<vmem_shared>>
    tpu.wait_indirect_dma semaphore(%arg20 : memref<!tpu.dma_semaphore, #tpu.memory_space<semaphore_mem>>) src(%dma_wait3A_1891 : memref<576x64xf32, #tpu.memory_space<vmem>>) dst(%dma_wait3A_1899 : memref<10008x64xf32, #tpu.memory_space<vmem_shared>>)
    %dma_wait3A_1900 = arith.constant 0 : i32
    %dma_wait3A_1901 = arith.constant 2 : i32
    %dma_wait3A_1902 = arith.constant 0 : i32
    %dma_wait3A_1903 = tpu.memref_slice %arg11[%dma_wait3A_1901, %dma_wait3A_1902] : memref<4x576xi32, #tpu.memory_space<vmem>> -> memref<1x576xi32, #tpu.memory_space<vmem>>
    %dma_wait3A_1904 = tpu.memref_squeeze %dma_wait3A_1903 : memref<1x576xi32, #tpu.memory_space<vmem>> -> memref<576xi32, #tpu.memory_space<vmem>>
    %dma_wait3A_1905 = arith.constant 0 : i32
    %dma_wait3A_1906 = tpu.memref_slice %dma_wait3A_1904[%dma_wait3A_1905] : memref<576xi32, #tpu.memory_space<vmem>> -> memref<576xi32, #tpu.memory_space<vmem>>
    %dma_wait3A_1907 = arith.constant 0 : i32
    %dma_wait3A_1908 = tpu.memref_slice %arg4[%dma_wait3A_1900, %dma_wait3A_1907] : memref<2x320000xi32, #tpu.memory_space<hbm>> -> memref<1x320000xi32, #tpu.memory_space<hbm>>
    %dma_wait3A_1909 = tpu.memref_squeeze %dma_wait3A_1908 : memref<1x320000xi32, #tpu.memory_space<hbm>> -> memref<320000xi32, #tpu.memory_space<hbm>>
    %dma_wait3A_1910 = tpu.memref_slice %dma_wait3A_1909[%mul3A_11] : memref<320000xi32, #tpu.memory_space<hbm>> -> memref<576xi32, #tpu.memory_space<hbm>>
    %dma_wait3A_1911 = arith.constant 0 : i32
    %dma_wait3A_1912 = tpu.memref_slice %arg11[%dma_wait3A_1901, %dma_wait3A_1911] : memref<4x576xi32, #tpu.memory_space<vmem>> -> memref<1x576xi32, #tpu.memory_space<vmem>>
    %dma_wait3A_1913 = tpu.memref_squeeze %dma_wait3A_1912 : memref<1x576xi32, #tpu.memory_space<vmem>> -> memref<576xi32, #tpu.memory_space<vmem>>
    %dma_wait3A_1914 = arith.constant 0 : i32
    %dma_wait3A_1915 = tpu.memref_slice %dma_wait3A_1913[%dma_wait3A_1914] : memref<576xi32, #tpu.memory_space<vmem>> -> memref<576xi32, #tpu.memory_space<vmem>>
    %dma_wait3A_1916 = arith.constant 0 : i32
    %dma_wait3A_1917 = tpu.memref_slice %arg4[%dma_wait3A_1900, %dma_wait3A_1916] : memref<2x320000xi32, #tpu.memory_space<hbm>> -> memref<1x320000xi32, #tpu.memory_space<hbm>>
    %dma_wait3A_1918 = tpu.memref_squeeze %dma_wait3A_1917 : memref<1x320000xi32, #tpu.memory_space<hbm>> -> memref<320000xi32, #tpu.memory_space<hbm>>
    %dma_wait3A_1919 = tpu.memref_slice %dma_wait3A_1918[%mul3A_11] : memref<320000xi32, #tpu.memory_space<hbm>> -> memref<576xi32, #tpu.memory_space<hbm>>
    tpu.wait_dma2 semaphore(%arg17 : memref<!tpu.dma_semaphore, #tpu.memory_space<semaphore_mem>>) src(%dma_wait3A_1919 : memref<576xi32, #tpu.memory_space<hbm>>) dst(%dma_wait3A_1915 : memref<576xi32, #tpu.memory_space<vmem>>)
    %dma_wait3A_1920 = arith.constant 1 : i32
    %dma_wait3A_1921 = arith.constant 2 : i32
    %dma_wait3A_1922 = arith.constant 0 : i32
    %dma_wait3A_1923 = tpu.memref_slice %arg12[%dma_wait3A_1921, %dma_wait3A_1922] : memref<4x576xi32, #tpu.memory_space<vmem>> -> memref<1x576xi32, #tpu.memory_space<vmem>>
    %dma_wait3A_1924 = tpu.memref_squeeze %dma_wait3A_1923 : memref<1x576xi32, #tpu.memory_space<vmem>> -> memref<576xi32, #tpu.memory_space<vmem>>
    %dma_wait3A_1925 = arith.constant 0 : i32
    %dma_wait3A_1926 = tpu.memref_slice %dma_wait3A_1924[%dma_wait3A_1925] : memref<576xi32, #tpu.memory_space<vmem>> -> memref<576xi32, #tpu.memory_space<vmem>>
    %dma_wait3A_1927 = arith.constant 0 : i32
    %dma_wait3A_1928 = tpu.memref_slice %arg4[%dma_wait3A_1920, %dma_wait3A_1927] : memref<2x320000xi32, #tpu.memory_space<hbm>> -> memref<1x320000xi32, #tpu.memory_space<hbm>>
    %dma_wait3A_1929 = tpu.memref_squeeze %dma_wait3A_1928 : memref<1x320000xi32, #tpu.memory_space<hbm>> -> memref<320000xi32, #tpu.memory_space<hbm>>
    %dma_wait3A_1930 = tpu.memref_slice %dma_wait3A_1929[%mul3A_11] : memref<320000xi32, #tpu.memory_space<hbm>> -> memref<576xi32, #tpu.memory_space<hbm>>
    %dma_wait3A_1931 = arith.constant 0 : i32
    %dma_wait3A_1932 = tpu.memref_slice %arg12[%dma_wait3A_1921, %dma_wait3A_1931] : memref<4x576xi32, #tpu.memory_space<vmem>> -> memref<1x576xi32, #tpu.memory_space<vmem>>
    %dma_wait3A_1933 = tpu.memref_squeeze %dma_wait3A_1932 : memref<1x576xi32, #tpu.memory_space<vmem>> -> memref<576xi32, #tpu.memory_space<vmem>>
    %dma_wait3A_1934 = arith.constant 0 : i32
    %dma_wait3A_1935 = tpu.memref_slice %dma_wait3A_1933[%dma_wait3A_1934] : memref<576xi32, #tpu.memory_space<vmem>> -> memref<576xi32, #tpu.memory_space<vmem>>
    %dma_wait3A_1936 = arith.constant 0 : i32
    %dma_wait3A_1937 = tpu.memref_slice %arg4[%dma_wait3A_1920, %dma_wait3A_1936] : memref<2x320000xi32, #tpu.memory_space<hbm>> -> memref<1x320000xi32, #tpu.memory_space<hbm>>
    %dma_wait3A_1938 = tpu.memref_squeeze %dma_wait3A_1937 : memref<1x320000xi32, #tpu.memory_space<hbm>> -> memref<320000xi32, #tpu.memory_space<hbm>>
    %dma_wait3A_1939 = tpu.memref_slice %dma_wait3A_1938[%mul3A_11] : memref<320000xi32, #tpu.memory_space<hbm>> -> memref<576xi32, #tpu.memory_space<hbm>>
    tpu.wait_dma2 semaphore(%arg17 : memref<!tpu.dma_semaphore, #tpu.memory_space<semaphore_mem>>) src(%dma_wait3A_1939 : memref<576xi32, #tpu.memory_space<hbm>>) dst(%dma_wait3A_1935 : memref<576xi32, #tpu.memory_space<vmem>>)
    %dma_start3A_1940 = arith.constant 2 : i32
    %dma_start3A_1941 = arith.constant 0 : i32
    %dma_start3A_1942 = arith.constant 0 : i32
    %dma_start3A_1943 = tpu.memref_slice %arg13[%dma_start3A_1941, %dma_start3A_1942] : memref<576x64xf32, #tpu.memory_space<vmem>> -> memref<576x64xf32, #tpu.memory_space<vmem>>
    %dma_start3A_1944 = arith.constant 0 : i32
    %dma_start3A_1945 = tpu.memref_slice %arg12[%dma_start3A_1940, %dma_start3A_1944] : memref<4x576xi32, #tpu.memory_space<vmem>> -> memref<1x576xi32, #tpu.memory_space<vmem>>
    %dma_start3A_1946 = tpu.memref_squeeze %dma_start3A_1945 : memref<1x576xi32, #tpu.memory_space<vmem>> -> memref<576xi32, #tpu.memory_space<vmem>>
    %dma_start3A_1947 = arith.constant 0 : i32
    %dma_start3A_1948 = tpu.memref_slice %dma_start3A_1946[%dma_start3A_1947] : memref<576xi32, #tpu.memory_space<vmem>> -> memref<576xi32, #tpu.memory_space<vmem>>
    %dma_start3A_1949 = arith.constant 0 : i32
    %dma_start3A_1950 = arith.constant 0 : i32
    %dma_start3A_1951 = tpu.memref_slice %arg2[%dma_start3A_1949, %dma_start3A_1950] : memref<10000x64xf32, #tpu.memory_space<hbm>> -> memref<10000x64xf32, #tpu.memory_space<hbm>>
    tpu.enqueue_indirect_dma source(%dma_start3A_1951 : memref<10000x64xf32, #tpu.memory_space<hbm>>) target(%dma_start3A_1943 : memref<576x64xf32, #tpu.memory_space<vmem>>) offsets(%dma_start3A_1948 : memref<576xi32, #tpu.memory_space<vmem>>) semaphore(%arg18 : memref<!tpu.dma_semaphore, #tpu.memory_space<semaphore_mem>>)
    %add3A_1952 = arith.constant 8640 : i32
    %add3A_1953 = arith.addi %mul3A_11, %add3A_1952 : i32
    %dma_start3A_1954 = arith.constant 0 : i32
    %dma_start3A_1955 = arith.constant 3 : i32
    %dma_start3A_1956 = arith.constant 0 : i32
    %dma_start3A_1957 = tpu.memref_slice %arg11[%dma_start3A_1955, %dma_start3A_1956] : memref<4x576xi32, #tpu.memory_space<vmem>> -> memref<1x576xi32, #tpu.memory_space<vmem>>
    %dma_start3A_1958 = tpu.memref_squeeze %dma_start3A_1957 : memref<1x576xi32, #tpu.memory_space<vmem>> -> memref<576xi32, #tpu.memory_space<vmem>>
    %dma_start3A_1959 = arith.constant 0 : i32
    %dma_start3A_1960 = tpu.memref_slice %dma_start3A_1958[%dma_start3A_1959] : memref<576xi32, #tpu.memory_space<vmem>> -> memref<576xi32, #tpu.memory_space<vmem>>
    %dma_start3A_1961 = arith.constant 0 : i32
    %dma_start3A_1962 = tpu.memref_slice %arg4[%dma_start3A_1954, %dma_start3A_1961] : memref<2x320000xi32, #tpu.memory_space<hbm>> -> memref<1x320000xi32, #tpu.memory_space<hbm>>
    %dma_start3A_1963 = tpu.memref_squeeze %dma_start3A_1962 : memref<1x320000xi32, #tpu.memory_space<hbm>> -> memref<320000xi32, #tpu.memory_space<hbm>>
    %dma_start3A_1964 = tpu.memref_slice %dma_start3A_1963[%add3A_1953] : memref<320000xi32, #tpu.memory_space<hbm>> -> memref<576xi32, #tpu.memory_space<hbm>>
    %dma_start3A_1965 = arith.constant 0 : i32
    %dma_start3A_1966 = tpu.memref_slice %arg11[%dma_start3A_1955, %dma_start3A_1965] : memref<4x576xi32, #tpu.memory_space<vmem>> -> memref<1x576xi32, #tpu.memory_space<vmem>>
    %dma_start3A_1967 = tpu.memref_squeeze %dma_start3A_1966 : memref<1x576xi32, #tpu.memory_space<vmem>> -> memref<576xi32, #tpu.memory_space<vmem>>
    %dma_start3A_1968 = arith.constant 0 : i32
    %dma_start3A_1969 = tpu.memref_slice %dma_start3A_1967[%dma_start3A_1968] : memref<576xi32, #tpu.memory_space<vmem>> -> memref<576xi32, #tpu.memory_space<vmem>>
    %dma_start3A_1970 = arith.constant 0 : i32
    %dma_start3A_1971 = tpu.memref_slice %arg4[%dma_start3A_1954, %dma_start3A_1970] : memref<2x320000xi32, #tpu.memory_space<hbm>> -> memref<1x320000xi32, #tpu.memory_space<hbm>>
    %dma_start3A_1972 = tpu.memref_squeeze %dma_start3A_1971 : memref<1x320000xi32, #tpu.memory_space<hbm>> -> memref<320000xi32, #tpu.memory_space<hbm>>
    %dma_start3A_1973 = tpu.memref_slice %dma_start3A_1972[%add3A_1953] : memref<320000xi32, #tpu.memory_space<hbm>> -> memref<576xi32, #tpu.memory_space<hbm>>
    tpu.enqueue_dma source(%dma_start3A_1973 : memref<576xi32, #tpu.memory_space<hbm>>) target(%dma_start3A_1969 : memref<576xi32, #tpu.memory_space<vmem>>) target_semaphore(%arg17 : memref<!tpu.dma_semaphore, #tpu.memory_space<semaphore_mem>>)
    %dma_start3A_1974 = arith.constant 1 : i32
    %dma_start3A_1975 = arith.constant 3 : i32
    %dma_start3A_1976 = arith.constant 0 : i32
    %dma_start3A_1977 = tpu.memref_slice %arg12[%dma_start3A_1975, %dma_start3A_1976] : memref<4x576xi32, #tpu.memory_space<vmem>> -> memref<1x576xi32, #tpu.memory_space<vmem>>
    %dma_start3A_1978 = tpu.memref_squeeze %dma_start3A_1977 : memref<1x576xi32, #tpu.memory_space<vmem>> -> memref<576xi32, #tpu.memory_space<vmem>>
    %dma_start3A_1979 = arith.constant 0 : i32
    %dma_start3A_1980 = tpu.memref_slice %dma_start3A_1978[%dma_start3A_1979] : memref<576xi32, #tpu.memory_space<vmem>> -> memref<576xi32, #tpu.memory_space<vmem>>
    %dma_start3A_1981 = arith.constant 0 : i32
    %dma_start3A_1982 = tpu.memref_slice %arg4[%dma_start3A_1974, %dma_start3A_1981] : memref<2x320000xi32, #tpu.memory_space<hbm>> -> memref<1x320000xi32, #tpu.memory_space<hbm>>
    %dma_start3A_1983 = tpu.memref_squeeze %dma_start3A_1982 : memref<1x320000xi32, #tpu.memory_space<hbm>> -> memref<320000xi32, #tpu.memory_space<hbm>>
    %dma_start3A_1984 = tpu.memref_slice %dma_start3A_1983[%add3A_1953] : memref<320000xi32, #tpu.memory_space<hbm>> -> memref<576xi32, #tpu.memory_space<hbm>>
    %dma_start3A_1985 = arith.constant 0 : i32
    %dma_start3A_1986 = tpu.memref_slice %arg12[%dma_start3A_1975, %dma_start3A_1985] : memref<4x576xi32, #tpu.memory_space<vmem>> -> memref<1x576xi32, #tpu.memory_space<vmem>>
    %dma_start3A_1987 = tpu.memref_squeeze %dma_start3A_1986 : memref<1x576xi32, #tpu.memory_space<vmem>> -> memref<576xi32, #tpu.memory_space<vmem>>
    %dma_start3A_1988 = arith.constant 0 : i32
    %dma_start3A_1989 = tpu.memref_slice %dma_start3A_1987[%dma_start3A_1988] : memref<576xi32, #tpu.memory_space<vmem>> -> memref<576xi32, #tpu.memory_space<vmem>>
    %dma_start3A_1990 = arith.constant 0 : i32
    %dma_start3A_1991 = tpu.memref_slice %arg4[%dma_start3A_1974, %dma_start3A_1990] : memref<2x320000xi32, #tpu.memory_space<hbm>> -> memref<1x320000xi32, #tpu.memory_space<hbm>>
    %dma_start3A_1992 = tpu.memref_squeeze %dma_start3A_1991 : memref<1x320000xi32, #tpu.memory_space<hbm>> -> memref<320000xi32, #tpu.memory_space<hbm>>
    %dma_start3A_1993 = tpu.memref_slice %dma_start3A_1992[%add3A_1953] : memref<320000xi32, #tpu.memory_space<hbm>> -> memref<576xi32, #tpu.memory_space<hbm>>
    tpu.enqueue_dma source(%dma_start3A_1993 : memref<576xi32, #tpu.memory_space<hbm>>) target(%dma_start3A_1989 : memref<576xi32, #tpu.memory_space<vmem>>) target_semaphore(%arg17 : memref<!tpu.dma_semaphore, #tpu.memory_space<semaphore_mem>>)
    %scan3A_1994 = arith.constant 0 : i32
    %scan3A_1995 = arith.constant 36 : i32
    %scan3A_1996 = arith.addi %scan3A_1994, %scan3A_1995 : i32
    %scan3A_1997 = arith.constant 1 : i32
    scf.for %scan3A_2467 = %scan3A_1994 to %scan3A_1996 step %scan3A_1997  : i32 {
      %mul3A_2468 = arith.constant 16 : i32
      %mul3A_2469 = arith.muli %scan3A_2467, %mul3A_2468 : i32
      %add3A_2470 = arith.constant 0 : i32
      %add3A_2471 = arith.addi %add3A_2470, %mul3A_2469 : i32
      %get3A = arith.constant 1 : i32
      %get3A_2472 = arith.constant 0 : i32
      %get3A_2473 = tpu.memref_slice %arg11[%get3A, %get3A_2472] : memref<4x576xi32, #tpu.memory_space<vmem>> -> memref<1x576xi32, #tpu.memory_space<vmem>>
      %get3A_2474 = tpu.memref_squeeze %get3A_2473 : memref<1x576xi32, #tpu.memory_space<vmem>> -> memref<576xi32, #tpu.memory_space<vmem>>
      %get3A_2475 = arith.index_cast %add3A_2471 : i32 to index
      %get3A_2476 = tpu.vector_load %get3A_2474[%get3A_2475] {strides = array<i32>} : memref<576xi32, #tpu.memory_space<vmem>>, vector<16xi32>,
      tpu.vector_store_idx %arg15[%get3A_2476], %broadcast_in_dim3A_9 {add = true} : memref<10000xf32, #tpu.memory_space<vmem>>[vector<16xi32>], vector<16xf32>,
    }
    %scan3A_1998 = arith.constant 36 : i32
    %dma_wait3A_1999 = arith.constant 1 : i32
    %dma_wait3A_2000 = arith.constant 0 : i32
    %dma_wait3A_2001 = arith.constant 0 : i32
    %dma_wait3A_2002 = tpu.memref_slice %arg14[%dma_wait3A_2000, %dma_wait3A_2001] : memref<576x64xf32, #tpu.memory_space<vmem>> -> memref<576x64xf32, #tpu.memory_space<vmem>>
    %dma_wait3A_2003 = arith.constant 0 : i32
    %dma_wait3A_2004 = tpu.memref_slice %arg12[%dma_wait3A_1999, %dma_wait3A_2003] : memref<4x576xi32, #tpu.memory_space<vmem>> -> memref<1x576xi32, #tpu.memory_space<vmem>>
    %dma_wait3A_2005 = tpu.memref_squeeze %dma_wait3A_2004 : memref<1x576xi32, #tpu.memory_space<vmem>> -> memref<576xi32, #tpu.memory_space<vmem>>
    %dma_wait3A_2006 = arith.constant 0 : i32
    %dma_wait3A_2007 = tpu.memref_slice %dma_wait3A_2005[%dma_wait3A_2006] : memref<576xi32, #tpu.memory_space<vmem>> -> memref<576xi32, #tpu.memory_space<vmem>>
    %dma_wait3A_2008 = arith.constant 0 : i32
    %dma_wait3A_2009 = arith.constant 0 : i32
    %dma_wait3A_2010 = tpu.memref_slice %arg2[%dma_wait3A_2008, %dma_wait3A_2009] : memref<10000x64xf32, #tpu.memory_space<hbm>> -> memref<10000x64xf32, #tpu.memory_space<hbm>>
    tpu.wait_indirect_dma semaphore(%arg19 : memref<!tpu.dma_semaphore, #tpu.memory_space<semaphore_mem>>) src(%dma_wait3A_2010 : memref<10000x64xf32, #tpu.memory_space<hbm>>) dst(%dma_wait3A_2002 : memref<576x64xf32, #tpu.memory_space<vmem>>)
    %dma_start3A_2011 = arith.constant 1 : i32
    %dma_start3A_2012 = arith.constant 0 : i32
    %dma_start3A_2013 = arith.constant 0 : i32
    %dma_start3A_2014 = tpu.memref_slice %arg14[%dma_start3A_2012, %dma_start3A_2013] : memref<576x64xf32, #tpu.memory_space<vmem>> -> memref<576x64xf32, #tpu.memory_space<vmem>>
    %dma_start3A_2015 = arith.constant 0 : i32
    %dma_start3A_2016 = tpu.memref_slice %arg11[%dma_start3A_2011, %dma_start3A_2015] : memref<4x576xi32, #tpu.memory_space<vmem>> -> memref<1x576xi32, #tpu.memory_space<vmem>>
    %dma_start3A_2017 = tpu.memref_squeeze %dma_start3A_2016 : memref<1x576xi32, #tpu.memory_space<vmem>> -> memref<576xi32, #tpu.memory_space<vmem>>
    %dma_start3A_2018 = arith.constant 0 : i32
    %dma_start3A_2019 = tpu.memref_slice %dma_start3A_2017[%dma_start3A_2018] : memref<576xi32, #tpu.memory_space<vmem>> -> memref<576xi32, #tpu.memory_space<vmem>>
    %dma_start3A_2020 = arith.constant 0 : i32
    %dma_start3A_2021 = arith.constant 0 : i32
    %dma_start3A_2022 = tpu.memref_slice %arg16[%dma_start3A_2020, %dma_start3A_2021] : memref<10008x64xf32, #tpu.memory_space<vmem_shared>> -> memref<10008x64xf32, #tpu.memory_space<vmem_shared>>
    tpu.enqueue_indirect_dma source(%dma_start3A_2014 : memref<576x64xf32, #tpu.memory_space<vmem>>) target(%dma_start3A_2022 : memref<10008x64xf32, #tpu.memory_space<vmem_shared>>) offsets(%dma_start3A_2019 : memref<576xi32, #tpu.memory_space<vmem>>) semaphore(%arg20 : memref<!tpu.dma_semaphore, #tpu.memory_space<semaphore_mem>>) {add = true}
    %dma_wait3A_2023 = arith.constant 1 : i32
    %dma_wait3A_2024 = arith.constant 0 : i32
    %dma_wait3A_2025 = arith.constant 0 : i32
    %dma_wait3A_2026 = tpu.memref_slice %arg14[%dma_wait3A_2024, %dma_wait3A_2025] : memref<576x64xf32, #tpu.memory_space<vmem>> -> memref<576x64xf32, #tpu.memory_space<vmem>>
    %dma_wait3A_2027 = arith.constant 0 : i32
    %dma_wait3A_2028 = tpu.memref_slice %arg11[%dma_wait3A_2023, %dma_wait3A_2027] : memref<4x576xi32, #tpu.memory_space<vmem>> -> memref<1x576xi32, #tpu.memory_space<vmem>>
    %dma_wait3A_2029 = tpu.memref_squeeze %dma_wait3A_2028 : memref<1x576xi32, #tpu.memory_space<vmem>> -> memref<576xi32, #tpu.memory_space<vmem>>
    %dma_wait3A_2030 = arith.constant 0 : i32
    %dma_wait3A_2031 = tpu.memref_slice %dma_wait3A_2029[%dma_wait3A_2030] : memref<576xi32, #tpu.memory_space<vmem>> -> memref<576xi32, #tpu.memory_space<vmem>>
    %dma_wait3A_2032 = arith.constant 0 : i32
    %dma_wait3A_2033 = arith.constant 0 : i32
    %dma_wait3A_2034 = tpu.memref_slice %arg16[%dma_wait3A_2032, %dma_wait3A_2033] : memref<10008x64xf32, #tpu.memory_space<vmem_shared>> -> memref<10008x64xf32, #tpu.memory_space<vmem_shared>>
    tpu.wait_indirect_dma semaphore(%arg20 : memref<!tpu.dma_semaphore, #tpu.memory_space<semaphore_mem>>) src(%dma_wait3A_2026 : memref<576x64xf32, #tpu.memory_space<vmem>>) dst(%dma_wait3A_2034 : memref<10008x64xf32, #tpu.memory_space<vmem_shared>>)
    %dma_wait3A_2035 = arith.constant 0 : i32
    %dma_wait3A_2036 = arith.constant 3 : i32
    %dma_wait3A_2037 = arith.constant 0 : i32
    %dma_wait3A_2038 = tpu.memref_slice %arg11[%dma_wait3A_2036, %dma_wait3A_2037] : memref<4x576xi32, #tpu.memory_space<vmem>> -> memref<1x576xi32, #tpu.memory_space<vmem>>
    %dma_wait3A_2039 = tpu.memref_squeeze %dma_wait3A_2038 : memref<1x576xi32, #tpu.memory_space<vmem>> -> memref<576xi32, #tpu.memory_space<vmem>>
    %dma_wait3A_2040 = arith.constant 0 : i32
    %dma_wait3A_2041 = tpu.memref_slice %dma_wait3A_2039[%dma_wait3A_2040] : memref<576xi32, #tpu.memory_space<vmem>> -> memref<576xi32, #tpu.memory_space<vmem>>
    %dma_wait3A_2042 = arith.constant 0 : i32
    %dma_wait3A_2043 = tpu.memref_slice %arg4[%dma_wait3A_2035, %dma_wait3A_2042] : memref<2x320000xi32, #tpu.memory_space<hbm>> -> memref<1x320000xi32, #tpu.memory_space<hbm>>
    %dma_wait3A_2044 = tpu.memref_squeeze %dma_wait3A_2043 : memref<1x320000xi32, #tpu.memory_space<hbm>> -> memref<320000xi32, #tpu.memory_space<hbm>>
    %dma_wait3A_2045 = tpu.memref_slice %dma_wait3A_2044[%mul3A_11] : memref<320000xi32, #tpu.memory_space<hbm>> -> memref<576xi32, #tpu.memory_space<hbm>>
    %dma_wait3A_2046 = arith.constant 0 : i32
    %dma_wait3A_2047 = tpu.memref_slice %arg11[%dma_wait3A_2036, %dma_wait3A_2046] : memref<4x576xi32, #tpu.memory_space<vmem>> -> memref<1x576xi32, #tpu.memory_space<vmem>>
    %dma_wait3A_2048 = tpu.memref_squeeze %dma_wait3A_2047 : memref<1x576xi32, #tpu.memory_space<vmem>> -> memref<576xi32, #tpu.memory_space<vmem>>
    %dma_wait3A_2049 = arith.constant 0 : i32
    %dma_wait3A_2050 = tpu.memref_slice %dma_wait3A_2048[%dma_wait3A_2049] : memref<576xi32, #tpu.memory_space<vmem>> -> memref<576xi32, #tpu.memory_space<vmem>>
    %dma_wait3A_2051 = arith.constant 0 : i32
    %dma_wait3A_2052 = tpu.memref_slice %arg4[%dma_wait3A_2035, %dma_wait3A_2051] : memref<2x320000xi32, #tpu.memory_space<hbm>> -> memref<1x320000xi32, #tpu.memory_space<hbm>>
    %dma_wait3A_2053 = tpu.memref_squeeze %dma_wait3A_2052 : memref<1x320000xi32, #tpu.memory_space<hbm>> -> memref<320000xi32, #tpu.memory_space<hbm>>
    %dma_wait3A_2054 = tpu.memref_slice %dma_wait3A_2053[%mul3A_11] : memref<320000xi32, #tpu.memory_space<hbm>> -> memref<576xi32, #tpu.memory_space<hbm>>
    tpu.wait_dma2 semaphore(%arg17 : memref<!tpu.dma_semaphore, #tpu.memory_space<semaphore_mem>>) src(%dma_wait3A_2054 : memref<576xi32, #tpu.memory_space<hbm>>) dst(%dma_wait3A_2050 : memref<576xi32, #tpu.memory_space<vmem>>)
    %dma_wait3A_2055 = arith.constant 1 : i32
    %dma_wait3A_2056 = arith.constant 3 : i32
    %dma_wait3A_2057 = arith.constant 0 : i32
    %dma_wait3A_2058 = tpu.memref_slice %arg12[%dma_wait3A_2056, %dma_wait3A_2057] : memref<4x576xi32, #tpu.memory_space<vmem>> -> memref<1x576xi32, #tpu.memory_space<vmem>>
    %dma_wait3A_2059 = tpu.memref_squeeze %dma_wait3A_2058 : memref<1x576xi32, #tpu.memory_space<vmem>> -> memref<576xi32, #tpu.memory_space<vmem>>
    %dma_wait3A_2060 = arith.constant 0 : i32
    %dma_wait3A_2061 = tpu.memref_slice %dma_wait3A_2059[%dma_wait3A_2060] : memref<576xi32, #tpu.memory_space<vmem>> -> memref<576xi32, #tpu.memory_space<vmem>>
    %dma_wait3A_2062 = arith.constant 0 : i32
    %dma_wait3A_2063 = tpu.memref_slice %arg4[%dma_wait3A_2055, %dma_wait3A_2062] : memref<2x320000xi32, #tpu.memory_space<hbm>> -> memref<1x320000xi32, #tpu.memory_space<hbm>>
    %dma_wait3A_2064 = tpu.memref_squeeze %dma_wait3A_2063 : memref<1x320000xi32, #tpu.memory_space<hbm>> -> memref<320000xi32, #tpu.memory_space<hbm>>
    %dma_wait3A_2065 = tpu.memref_slice %dma_wait3A_2064[%mul3A_11] : memref<320000xi32, #tpu.memory_space<hbm>> -> memref<576xi32, #tpu.memory_space<hbm>>
    %dma_wait3A_2066 = arith.constant 0 : i32
    %dma_wait3A_2067 = tpu.memref_slice %arg12[%dma_wait3A_2056, %dma_wait3A_2066] : memref<4x576xi32, #tpu.memory_space<vmem>> -> memref<1x576xi32, #tpu.memory_space<vmem>>
    %dma_wait3A_2068 = tpu.memref_squeeze %dma_wait3A_2067 : memref<1x576xi32, #tpu.memory_space<vmem>> -> memref<576xi32, #tpu.memory_space<vmem>>
    %dma_wait3A_2069 = arith.constant 0 : i32
    %dma_wait3A_2070 = tpu.memref_slice %dma_wait3A_2068[%dma_wait3A_2069] : memref<576xi32, #tpu.memory_space<vmem>> -> memref<576xi32, #tpu.memory_space<vmem>>
    %dma_wait3A_2071 = arith.constant 0 : i32
    %dma_wait3A_2072 = tpu.memref_slice %arg4[%dma_wait3A_2055, %dma_wait3A_2071] : memref<2x320000xi32, #tpu.memory_space<hbm>> -> memref<1x320000xi32, #tpu.memory_space<hbm>>
    %dma_wait3A_2073 = tpu.memref_squeeze %dma_wait3A_2072 : memref<1x320000xi32, #tpu.memory_space<hbm>> -> memref<320000xi32, #tpu.memory_space<hbm>>
    %dma_wait3A_2074 = tpu.memref_slice %dma_wait3A_2073[%mul3A_11] : memref<320000xi32, #tpu.memory_space<hbm>> -> memref<576xi32, #tpu.memory_space<hbm>>
    tpu.wait_dma2 semaphore(%arg17 : memref<!tpu.dma_semaphore, #tpu.memory_space<semaphore_mem>>) src(%dma_wait3A_2074 : memref<576xi32, #tpu.memory_space<hbm>>) dst(%dma_wait3A_2070 : memref<576xi32, #tpu.memory_space<vmem>>)
    %dma_start3A_2075 = arith.constant 3 : i32
    %dma_start3A_2076 = arith.constant 0 : i32
    %dma_start3A_2077 = arith.constant 0 : i32
    %dma_start3A_2078 = tpu.memref_slice %arg14[%dma_start3A_2076, %dma_start3A_2077] : memref<576x64xf32, #tpu.memory_space<vmem>> -> memref<576x64xf32, #tpu.memory_space<vmem>>
    %dma_start3A_2079 = arith.constant 0 : i32
    %dma_start3A_2080 = tpu.memref_slice %arg12[%dma_start3A_2075, %dma_start3A_2079] : memref<4x576xi32, #tpu.memory_space<vmem>> -> memref<1x576xi32, #tpu.memory_space<vmem>>
    %dma_start3A_2081 = tpu.memref_squeeze %dma_start3A_2080 : memref<1x576xi32, #tpu.memory_space<vmem>> -> memref<576xi32, #tpu.memory_space<vmem>>
    %dma_start3A_2082 = arith.constant 0 : i32
    %dma_start3A_2083 = tpu.memref_slice %dma_start3A_2081[%dma_start3A_2082] : memref<576xi32, #tpu.memory_space<vmem>> -> memref<576xi32, #tpu.memory_space<vmem>>
    %dma_start3A_2084 = arith.constant 0 : i32
    %dma_start3A_2085 = arith.constant 0 : i32
    %dma_start3A_2086 = tpu.memref_slice %arg2[%dma_start3A_2084, %dma_start3A_2085] : memref<10000x64xf32, #tpu.memory_space<hbm>> -> memref<10000x64xf32, #tpu.memory_space<hbm>>
    tpu.enqueue_indirect_dma source(%dma_start3A_2086 : memref<10000x64xf32, #tpu.memory_space<hbm>>) target(%dma_start3A_2078 : memref<576x64xf32, #tpu.memory_space<vmem>>) offsets(%dma_start3A_2083 : memref<576xi32, #tpu.memory_space<vmem>>) semaphore(%arg19 : memref<!tpu.dma_semaphore, #tpu.memory_space<semaphore_mem>>)
    %add3A_2087 = arith.constant 9216 : i32
    %add3A_2088 = arith.addi %mul3A_11, %add3A_2087 : i32
    %dma_start3A_2089 = arith.constant 0 : i32
    %dma_start3A_2090 = arith.constant 0 : i32
    %dma_start3A_2091 = arith.constant 0 : i32
    %dma_start3A_2092 = tpu.memref_slice %arg11[%dma_start3A_2090, %dma_start3A_2091] : memref<4x576xi32, #tpu.memory_space<vmem>> -> memref<1x576xi32, #tpu.memory_space<vmem>>
    %dma_start3A_2093 = tpu.memref_squeeze %dma_start3A_2092 : memref<1x576xi32, #tpu.memory_space<vmem>> -> memref<576xi32, #tpu.memory_space<vmem>>
    %dma_start3A_2094 = arith.constant 0 : i32
    %dma_start3A_2095 = tpu.memref_slice %dma_start3A_2093[%dma_start3A_2094] : memref<576xi32, #tpu.memory_space<vmem>> -> memref<576xi32, #tpu.memory_space<vmem>>
    %dma_start3A_2096 = arith.constant 0 : i32
    %dma_start3A_2097 = tpu.memref_slice %arg4[%dma_start3A_2089, %dma_start3A_2096] : memref<2x320000xi32, #tpu.memory_space<hbm>> -> memref<1x320000xi32, #tpu.memory_space<hbm>>
    %dma_start3A_2098 = tpu.memref_squeeze %dma_start3A_2097 : memref<1x320000xi32, #tpu.memory_space<hbm>> -> memref<320000xi32, #tpu.memory_space<hbm>>
    %dma_start3A_2099 = tpu.memref_slice %dma_start3A_2098[%add3A_2088] : memref<320000xi32, #tpu.memory_space<hbm>> -> memref<576xi32, #tpu.memory_space<hbm>>
    %dma_start3A_2100 = arith.constant 0 : i32
    %dma_start3A_2101 = tpu.memref_slice %arg11[%dma_start3A_2090, %dma_start3A_2100] : memref<4x576xi32, #tpu.memory_space<vmem>> -> memref<1x576xi32, #tpu.memory_space<vmem>>
    %dma_start3A_2102 = tpu.memref_squeeze %dma_start3A_2101 : memref<1x576xi32, #tpu.memory_space<vmem>> -> memref<576xi32, #tpu.memory_space<vmem>>
    %dma_start3A_2103 = arith.constant 0 : i32
    %dma_start3A_2104 = tpu.memref_slice %dma_start3A_2102[%dma_start3A_2103] : memref<576xi32, #tpu.memory_space<vmem>> -> memref<576xi32, #tpu.memory_space<vmem>>
    %dma_start3A_2105 = arith.constant 0 : i32
    %dma_start3A_2106 = tpu.memref_slice %arg4[%dma_start3A_2089, %dma_start3A_2105] : memref<2x320000xi32, #tpu.memory_space<hbm>> -> memref<1x320000xi32, #tpu.memory_space<hbm>>
    %dma_start3A_2107 = tpu.memref_squeeze %dma_start3A_2106 : memref<1x320000xi32, #tpu.memory_space<hbm>> -> memref<320000xi32, #tpu.memory_space<hbm>>
    %dma_start3A_2108 = tpu.memref_slice %dma_start3A_2107[%add3A_2088] : memref<320000xi32, #tpu.memory_space<hbm>> -> memref<576xi32, #tpu.memory_space<hbm>>
    tpu.enqueue_dma source(%dma_start3A_2108 : memref<576xi32, #tpu.memory_space<hbm>>) target(%dma_start3A_2104 : memref<576xi32, #tpu.memory_space<vmem>>) target_semaphore(%arg17 : memref<!tpu.dma_semaphore, #tpu.memory_space<semaphore_mem>>)
    %dma_start3A_2109 = arith.constant 1 : i32
    %dma_start3A_2110 = arith.constant 0 : i32
    %dma_start3A_2111 = arith.constant 0 : i32
    %dma_start3A_2112 = tpu.memref_slice %arg12[%dma_start3A_2110, %dma_start3A_2111] : memref<4x576xi32, #tpu.memory_space<vmem>> -> memref<1x576xi32, #tpu.memory_space<vmem>>
    %dma_start3A_2113 = tpu.memref_squeeze %dma_start3A_2112 : memref<1x576xi32, #tpu.memory_space<vmem>> -> memref<576xi32, #tpu.memory_space<vmem>>
    %dma_start3A_2114 = arith.constant 0 : i32
    %dma_start3A_2115 = tpu.memref_slice %dma_start3A_2113[%dma_start3A_2114] : memref<576xi32, #tpu.memory_space<vmem>> -> memref<576xi32, #tpu.memory_space<vmem>>
    %dma_start3A_2116 = arith.constant 0 : i32
    %dma_start3A_2117 = tpu.memref_slice %arg4[%dma_start3A_2109, %dma_start3A_2116] : memref<2x320000xi32, #tpu.memory_space<hbm>> -> memref<1x320000xi32, #tpu.memory_space<hbm>>
    %dma_start3A_2118 = tpu.memref_squeeze %dma_start3A_2117 : memref<1x320000xi32, #tpu.memory_space<hbm>> -> memref<320000xi32, #tpu.memory_space<hbm>>
    %dma_start3A_2119 = tpu.memref_slice %dma_start3A_2118[%add3A_2088] : memref<320000xi32, #tpu.memory_space<hbm>> -> memref<576xi32, #tpu.memory_space<hbm>>
    %dma_start3A_2120 = arith.constant 0 : i32
    %dma_start3A_2121 = tpu.memref_slice %arg12[%dma_start3A_2110, %dma_start3A_2120] : memref<4x576xi32, #tpu.memory_space<vmem>> -> memref<1x576xi32, #tpu.memory_space<vmem>>
    %dma_start3A_2122 = tpu.memref_squeeze %dma_start3A_2121 : memref<1x576xi32, #tpu.memory_space<vmem>> -> memref<576xi32, #tpu.memory_space<vmem>>
    %dma_start3A_2123 = arith.constant 0 : i32
    %dma_start3A_2124 = tpu.memref_slice %dma_start3A_2122[%dma_start3A_2123] : memref<576xi32, #tpu.memory_space<vmem>> -> memref<576xi32, #tpu.memory_space<vmem>>
    %dma_start3A_2125 = arith.constant 0 : i32
    %dma_start3A_2126 = tpu.memref_slice %arg4[%dma_start3A_2109, %dma_start3A_2125] : memref<2x320000xi32, #tpu.memory_space<hbm>> -> memref<1x320000xi32, #tpu.memory_space<hbm>>
    %dma_start3A_2127 = tpu.memref_squeeze %dma_start3A_2126 : memref<1x320000xi32, #tpu.memory_space<hbm>> -> memref<320000xi32, #tpu.memory_space<hbm>>
    %dma_start3A_2128 = tpu.memref_slice %dma_start3A_2127[%add3A_2088] : memref<320000xi32, #tpu.memory_space<hbm>> -> memref<576xi32, #tpu.memory_space<hbm>>
    tpu.enqueue_dma source(%dma_start3A_2128 : memref<576xi32, #tpu.memory_space<hbm>>) target(%dma_start3A_2124 : memref<576xi32, #tpu.memory_space<vmem>>) target_semaphore(%arg17 : memref<!tpu.dma_semaphore, #tpu.memory_space<semaphore_mem>>)
    %scan3A_2129 = arith.constant 0 : i32
    %scan3A_2130 = arith.constant 36 : i32
    %scan3A_2131 = arith.addi %scan3A_2129, %scan3A_2130 : i32
    %scan3A_2132 = arith.constant 1 : i32
    scf.for %scan3A_2467 = %scan3A_2129 to %scan3A_2131 step %scan3A_2132  : i32 {
      %mul3A_2468 = arith.constant 16 : i32
      %mul3A_2469 = arith.muli %scan3A_2467, %mul3A_2468 : i32
      %add3A_2470 = arith.constant 0 : i32
      %add3A_2471 = arith.addi %add3A_2470, %mul3A_2469 : i32
      %get3A = arith.constant 2 : i32
      %get3A_2472 = arith.constant 0 : i32
      %get3A_2473 = tpu.memref_slice %arg11[%get3A, %get3A_2472] : memref<4x576xi32, #tpu.memory_space<vmem>> -> memref<1x576xi32, #tpu.memory_space<vmem>>
      %get3A_2474 = tpu.memref_squeeze %get3A_2473 : memref<1x576xi32, #tpu.memory_space<vmem>> -> memref<576xi32, #tpu.memory_space<vmem>>
      %get3A_2475 = arith.index_cast %add3A_2471 : i32 to index
      %get3A_2476 = tpu.vector_load %get3A_2474[%get3A_2475] {strides = array<i32>} : memref<576xi32, #tpu.memory_space<vmem>>, vector<16xi32>,
      tpu.vector_store_idx %arg15[%get3A_2476], %broadcast_in_dim3A_9 {add = true} : memref<10000xf32, #tpu.memory_space<vmem>>[vector<16xi32>], vector<16xf32>,
    }
    %scan3A_2133 = arith.constant 36 : i32
    %dma_wait3A_2134 = arith.constant 2 : i32
    %dma_wait3A_2135 = arith.constant 0 : i32
    %dma_wait3A_2136 = arith.constant 0 : i32
    %dma_wait3A_2137 = tpu.memref_slice %arg13[%dma_wait3A_2135, %dma_wait3A_2136] : memref<576x64xf32, #tpu.memory_space<vmem>> -> memref<576x64xf32, #tpu.memory_space<vmem>>
    %dma_wait3A_2138 = arith.constant 0 : i32
    %dma_wait3A_2139 = tpu.memref_slice %arg12[%dma_wait3A_2134, %dma_wait3A_2138] : memref<4x576xi32, #tpu.memory_space<vmem>> -> memref<1x576xi32, #tpu.memory_space<vmem>>
    %dma_wait3A_2140 = tpu.memref_squeeze %dma_wait3A_2139 : memref<1x576xi32, #tpu.memory_space<vmem>> -> memref<576xi32, #tpu.memory_space<vmem>>
    %dma_wait3A_2141 = arith.constant 0 : i32
    %dma_wait3A_2142 = tpu.memref_slice %dma_wait3A_2140[%dma_wait3A_2141] : memref<576xi32, #tpu.memory_space<vmem>> -> memref<576xi32, #tpu.memory_space<vmem>>
    %dma_wait3A_2143 = arith.constant 0 : i32
    %dma_wait3A_2144 = arith.constant 0 : i32
    %dma_wait3A_2145 = tpu.memref_slice %arg2[%dma_wait3A_2143, %dma_wait3A_2144] : memref<10000x64xf32, #tpu.memory_space<hbm>> -> memref<10000x64xf32, #tpu.memory_space<hbm>>
    tpu.wait_indirect_dma semaphore(%arg18 : memref<!tpu.dma_semaphore, #tpu.memory_space<semaphore_mem>>) src(%dma_wait3A_2145 : memref<10000x64xf32, #tpu.memory_space<hbm>>) dst(%dma_wait3A_2137 : memref<576x64xf32, #tpu.memory_space<vmem>>)
    %dma_start3A_2146 = arith.constant 2 : i32
    %dma_start3A_2147 = arith.constant 0 : i32
    %dma_start3A_2148 = arith.constant 0 : i32
    %dma_start3A_2149 = tpu.memref_slice %arg13[%dma_start3A_2147, %dma_start3A_2148] : memref<576x64xf32, #tpu.memory_space<vmem>> -> memref<576x64xf32, #tpu.memory_space<vmem>>
    %dma_start3A_2150 = arith.constant 0 : i32
    %dma_start3A_2151 = tpu.memref_slice %arg11[%dma_start3A_2146, %dma_start3A_2150] : memref<4x576xi32, #tpu.memory_space<vmem>> -> memref<1x576xi32, #tpu.memory_space<vmem>>
    %dma_start3A_2152 = tpu.memref_squeeze %dma_start3A_2151 : memref<1x576xi32, #tpu.memory_space<vmem>> -> memref<576xi32, #tpu.memory_space<vmem>>
    %dma_start3A_2153 = arith.constant 0 : i32
    %dma_start3A_2154 = tpu.memref_slice %dma_start3A_2152[%dma_start3A_2153] : memref<576xi32, #tpu.memory_space<vmem>> -> memref<576xi32, #tpu.memory_space<vmem>>
    %dma_start3A_2155 = arith.constant 0 : i32
    %dma_start3A_2156 = arith.constant 0 : i32
    %dma_start3A_2157 = tpu.memref_slice %arg16[%dma_start3A_2155, %dma_start3A_2156] : memref<10008x64xf32, #tpu.memory_space<vmem_shared>> -> memref<10008x64xf32, #tpu.memory_space<vmem_shared>>
    tpu.enqueue_indirect_dma source(%dma_start3A_2149 : memref<576x64xf32, #tpu.memory_space<vmem>>) target(%dma_start3A_2157 : memref<10008x64xf32, #tpu.memory_space<vmem_shared>>) offsets(%dma_start3A_2154 : memref<576xi32, #tpu.memory_space<vmem>>) semaphore(%arg20 : memref<!tpu.dma_semaphore, #tpu.memory_space<semaphore_mem>>) {add = true}
    %dma_wait3A_2158 = arith.constant 2 : i32
    %dma_wait3A_2159 = arith.constant 0 : i32
    %dma_wait3A_2160 = arith.constant 0 : i32
    %dma_wait3A_2161 = tpu.memref_slice %arg13[%dma_wait3A_2159, %dma_wait3A_2160] : memref<576x64xf32, #tpu.memory_space<vmem>> -> memref<576x64xf32, #tpu.memory_space<vmem>>
    %dma_wait3A_2162 = arith.constant 0 : i32
    %dma_wait3A_2163 = tpu.memref_slice %arg11[%dma_wait3A_2158, %dma_wait3A_2162] : memref<4x576xi32, #tpu.memory_space<vmem>> -> memref<1x576xi32, #tpu.memory_space<vmem>>
    %dma_wait3A_2164 = tpu.memref_squeeze %dma_wait3A_2163 : memref<1x576xi32, #tpu.memory_space<vmem>> -> memref<576xi32, #tpu.memory_space<vmem>>
    %dma_wait3A_2165 = arith.constant 0 : i32
    %dma_wait3A_2166 = tpu.memref_slice %dma_wait3A_2164[%dma_wait3A_2165] : memref<576xi32, #tpu.memory_space<vmem>> -> memref<576xi32, #tpu.memory_space<vmem>>
    %dma_wait3A_2167 = arith.constant 0 : i32
    %dma_wait3A_2168 = arith.constant 0 : i32
    %dma_wait3A_2169 = tpu.memref_slice %arg16[%dma_wait3A_2167, %dma_wait3A_2168] : memref<10008x64xf32, #tpu.memory_space<vmem_shared>> -> memref<10008x64xf32, #tpu.memory_space<vmem_shared>>
    tpu.wait_indirect_dma semaphore(%arg20 : memref<!tpu.dma_semaphore, #tpu.memory_space<semaphore_mem>>) src(%dma_wait3A_2161 : memref<576x64xf32, #tpu.memory_space<vmem>>) dst(%dma_wait3A_2169 : memref<10008x64xf32, #tpu.memory_space<vmem_shared>>)
    %dma_wait3A_2170 = arith.constant 0 : i32
    %dma_wait3A_2171 = arith.constant 0 : i32
    %dma_wait3A_2172 = arith.constant 0 : i32
    %dma_wait3A_2173 = tpu.memref_slice %arg11[%dma_wait3A_2171, %dma_wait3A_2172] : memref<4x576xi32, #tpu.memory_space<vmem>> -> memref<1x576xi32, #tpu.memory_space<vmem>>
    %dma_wait3A_2174 = tpu.memref_squeeze %dma_wait3A_2173 : memref<1x576xi32, #tpu.memory_space<vmem>> -> memref<576xi32, #tpu.memory_space<vmem>>
    %dma_wait3A_2175 = arith.constant 0 : i32
    %dma_wait3A_2176 = tpu.memref_slice %dma_wait3A_2174[%dma_wait3A_2175] : memref<576xi32, #tpu.memory_space<vmem>> -> memref<576xi32, #tpu.memory_space<vmem>>
    %dma_wait3A_2177 = arith.constant 0 : i32
    %dma_wait3A_2178 = tpu.memref_slice %arg4[%dma_wait3A_2170, %dma_wait3A_2177] : memref<2x320000xi32, #tpu.memory_space<hbm>> -> memref<1x320000xi32, #tpu.memory_space<hbm>>
    %dma_wait3A_2179 = tpu.memref_squeeze %dma_wait3A_2178 : memref<1x320000xi32, #tpu.memory_space<hbm>> -> memref<320000xi32, #tpu.memory_space<hbm>>
    %dma_wait3A_2180 = tpu.memref_slice %dma_wait3A_2179[%mul3A_11] : memref<320000xi32, #tpu.memory_space<hbm>> -> memref<576xi32, #tpu.memory_space<hbm>>
    %dma_wait3A_2181 = arith.constant 0 : i32
    %dma_wait3A_2182 = tpu.memref_slice %arg11[%dma_wait3A_2171, %dma_wait3A_2181] : memref<4x576xi32, #tpu.memory_space<vmem>> -> memref<1x576xi32, #tpu.memory_space<vmem>>
    %dma_wait3A_2183 = tpu.memref_squeeze %dma_wait3A_2182 : memref<1x576xi32, #tpu.memory_space<vmem>> -> memref<576xi32, #tpu.memory_space<vmem>>
    %dma_wait3A_2184 = arith.constant 0 : i32
    %dma_wait3A_2185 = tpu.memref_slice %dma_wait3A_2183[%dma_wait3A_2184] : memref<576xi32, #tpu.memory_space<vmem>> -> memref<576xi32, #tpu.memory_space<vmem>>
    %dma_wait3A_2186 = arith.constant 0 : i32
    %dma_wait3A_2187 = tpu.memref_slice %arg4[%dma_wait3A_2170, %dma_wait3A_2186] : memref<2x320000xi32, #tpu.memory_space<hbm>> -> memref<1x320000xi32, #tpu.memory_space<hbm>>
    %dma_wait3A_2188 = tpu.memref_squeeze %dma_wait3A_2187 : memref<1x320000xi32, #tpu.memory_space<hbm>> -> memref<320000xi32, #tpu.memory_space<hbm>>
    %dma_wait3A_2189 = tpu.memref_slice %dma_wait3A_2188[%mul3A_11] : memref<320000xi32, #tpu.memory_space<hbm>> -> memref<576xi32, #tpu.memory_space<hbm>>
    tpu.wait_dma2 semaphore(%arg17 : memref<!tpu.dma_semaphore, #tpu.memory_space<semaphore_mem>>) src(%dma_wait3A_2189 : memref<576xi32, #tpu.memory_space<hbm>>) dst(%dma_wait3A_2185 : memref<576xi32, #tpu.memory_space<vmem>>)
    %dma_wait3A_2190 = arith.constant 1 : i32
    %dma_wait3A_2191 = arith.constant 0 : i32
    %dma_wait3A_2192 = arith.constant 0 : i32
    %dma_wait3A_2193 = tpu.memref_slice %arg12[%dma_wait3A_2191, %dma_wait3A_2192] : memref<4x576xi32, #tpu.memory_space<vmem>> -> memref<1x576xi32, #tpu.memory_space<vmem>>
    %dma_wait3A_2194 = tpu.memref_squeeze %dma_wait3A_2193 : memref<1x576xi32, #tpu.memory_space<vmem>> -> memref<576xi32, #tpu.memory_space<vmem>>
    %dma_wait3A_2195 = arith.constant 0 : i32
    %dma_wait3A_2196 = tpu.memref_slice %dma_wait3A_2194[%dma_wait3A_2195] : memref<576xi32, #tpu.memory_space<vmem>> -> memref<576xi32, #tpu.memory_space<vmem>>
    %dma_wait3A_2197 = arith.constant 0 : i32
    %dma_wait3A_2198 = tpu.memref_slice %arg4[%dma_wait3A_2190, %dma_wait3A_2197] : memref<2x320000xi32, #tpu.memory_space<hbm>> -> memref<1x320000xi32, #tpu.memory_space<hbm>>
    %dma_wait3A_2199 = tpu.memref_squeeze %dma_wait3A_2198 : memref<1x320000xi32, #tpu.memory_space<hbm>> -> memref<320000xi32, #tpu.memory_space<hbm>>
    %dma_wait3A_2200 = tpu.memref_slice %dma_wait3A_2199[%mul3A_11] : memref<320000xi32, #tpu.memory_space<hbm>> -> memref<576xi32, #tpu.memory_space<hbm>>
    %dma_wait3A_2201 = arith.constant 0 : i32
    %dma_wait3A_2202 = tpu.memref_slice %arg12[%dma_wait3A_2191, %dma_wait3A_2201] : memref<4x576xi32, #tpu.memory_space<vmem>> -> memref<1x576xi32, #tpu.memory_space<vmem>>
    %dma_wait3A_2203 = tpu.memref_squeeze %dma_wait3A_2202 : memref<1x576xi32, #tpu.memory_space<vmem>> -> memref<576xi32, #tpu.memory_space<vmem>>
    %dma_wait3A_2204 = arith.constant 0 : i32
    %dma_wait3A_2205 = tpu.memref_slice %dma_wait3A_2203[%dma_wait3A_2204] : memref<576xi32, #tpu.memory_space<vmem>> -> memref<576xi32, #tpu.memory_space<vmem>>
    %dma_wait3A_2206 = arith.constant 0 : i32
    %dma_wait3A_2207 = tpu.memref_slice %arg4[%dma_wait3A_2190, %dma_wait3A_2206] : memref<2x320000xi32, #tpu.memory_space<hbm>> -> memref<1x320000xi32, #tpu.memory_space<hbm>>
    %dma_wait3A_2208 = tpu.memref_squeeze %dma_wait3A_2207 : memref<1x320000xi32, #tpu.memory_space<hbm>> -> memref<320000xi32, #tpu.memory_space<hbm>>
    %dma_wait3A_2209 = tpu.memref_slice %dma_wait3A_2208[%mul3A_11] : memref<320000xi32, #tpu.memory_space<hbm>> -> memref<576xi32, #tpu.memory_space<hbm>>
    tpu.wait_dma2 semaphore(%arg17 : memref<!tpu.dma_semaphore, #tpu.memory_space<semaphore_mem>>) src(%dma_wait3A_2209 : memref<576xi32, #tpu.memory_space<hbm>>) dst(%dma_wait3A_2205 : memref<576xi32, #tpu.memory_space<vmem>>)
    %dma_start3A_2210 = arith.constant 0 : i32
    %dma_start3A_2211 = arith.constant 0 : i32
    %dma_start3A_2212 = arith.constant 0 : i32
    %dma_start3A_2213 = tpu.memref_slice %arg13[%dma_start3A_2211, %dma_start3A_2212] : memref<576x64xf32, #tpu.memory_space<vmem>> -> memref<576x64xf32, #tpu.memory_space<vmem>>
    %dma_start3A_2214 = arith.constant 0 : i32
    %dma_start3A_2215 = tpu.memref_slice %arg12[%dma_start3A_2210, %dma_start3A_2214] : memref<4x576xi32, #tpu.memory_space<vmem>> -> memref<1x576xi32, #tpu.memory_space<vmem>>
    %dma_start3A_2216 = tpu.memref_squeeze %dma_start3A_2215 : memref<1x576xi32, #tpu.memory_space<vmem>> -> memref<576xi32, #tpu.memory_space<vmem>>
    %dma_start3A_2217 = arith.constant 0 : i32
    %dma_start3A_2218 = tpu.memref_slice %dma_start3A_2216[%dma_start3A_2217] : memref<576xi32, #tpu.memory_space<vmem>> -> memref<576xi32, #tpu.memory_space<vmem>>
    %dma_start3A_2219 = arith.constant 0 : i32
    %dma_start3A_2220 = arith.constant 0 : i32
    %dma_start3A_2221 = tpu.memref_slice %arg2[%dma_start3A_2219, %dma_start3A_2220] : memref<10000x64xf32, #tpu.memory_space<hbm>> -> memref<10000x64xf32, #tpu.memory_space<hbm>>
    tpu.enqueue_indirect_dma source(%dma_start3A_2221 : memref<10000x64xf32, #tpu.memory_space<hbm>>) target(%dma_start3A_2213 : memref<576x64xf32, #tpu.memory_space<vmem>>) offsets(%dma_start3A_2218 : memref<576xi32, #tpu.memory_space<vmem>>) semaphore(%arg18 : memref<!tpu.dma_semaphore, #tpu.memory_space<semaphore_mem>>)
    %add3A_2222 = arith.constant 9792 : i32
    %add3A_2223 = arith.addi %mul3A_11, %add3A_2222 : i32
    %dma_start3A_2224 = arith.constant 0 : i32
    %dma_start3A_2225 = arith.constant 1 : i32
    %dma_start3A_2226 = arith.constant 0 : i32
    %dma_start3A_2227 = tpu.memref_slice %arg11[%dma_start3A_2225, %dma_start3A_2226] : memref<4x576xi32, #tpu.memory_space<vmem>> -> memref<1x576xi32, #tpu.memory_space<vmem>>
    %dma_start3A_2228 = tpu.memref_squeeze %dma_start3A_2227 : memref<1x576xi32, #tpu.memory_space<vmem>> -> memref<576xi32, #tpu.memory_space<vmem>>
    %dma_start3A_2229 = arith.constant 0 : i32
    %dma_start3A_2230 = tpu.memref_slice %dma_start3A_2228[%dma_start3A_2229] : memref<576xi32, #tpu.memory_space<vmem>> -> memref<208xi32, #tpu.memory_space<vmem>>
    %dma_start3A_2231 = arith.constant 0 : i32
    %dma_start3A_2232 = tpu.memref_slice %arg4[%dma_start3A_2224, %dma_start3A_2231] : memref<2x320000xi32, #tpu.memory_space<hbm>> -> memref<1x320000xi32, #tpu.memory_space<hbm>>
    %dma_start3A_2233 = tpu.memref_squeeze %dma_start3A_2232 : memref<1x320000xi32, #tpu.memory_space<hbm>> -> memref<320000xi32, #tpu.memory_space<hbm>>
    %dma_start3A_2234 = tpu.memref_slice %dma_start3A_2233[%add3A_2223] : memref<320000xi32, #tpu.memory_space<hbm>> -> memref<208xi32, #tpu.memory_space<hbm>>
    %dma_start3A_2235 = arith.constant 0 : i32
    %dma_start3A_2236 = tpu.memref_slice %arg11[%dma_start3A_2225, %dma_start3A_2235] : memref<4x576xi32, #tpu.memory_space<vmem>> -> memref<1x576xi32, #tpu.memory_space<vmem>>
    %dma_start3A_2237 = tpu.memref_squeeze %dma_start3A_2236 : memref<1x576xi32, #tpu.memory_space<vmem>> -> memref<576xi32, #tpu.memory_space<vmem>>
    %dma_start3A_2238 = arith.constant 0 : i32
    %dma_start3A_2239 = tpu.memref_slice %dma_start3A_2237[%dma_start3A_2238] : memref<576xi32, #tpu.memory_space<vmem>> -> memref<208xi32, #tpu.memory_space<vmem>>
    %dma_start3A_2240 = arith.constant 0 : i32
    %dma_start3A_2241 = tpu.memref_slice %arg4[%dma_start3A_2224, %dma_start3A_2240] : memref<2x320000xi32, #tpu.memory_space<hbm>> -> memref<1x320000xi32, #tpu.memory_space<hbm>>
    %dma_start3A_2242 = tpu.memref_squeeze %dma_start3A_2241 : memref<1x320000xi32, #tpu.memory_space<hbm>> -> memref<320000xi32, #tpu.memory_space<hbm>>
    %dma_start3A_2243 = tpu.memref_slice %dma_start3A_2242[%add3A_2223] : memref<320000xi32, #tpu.memory_space<hbm>> -> memref<208xi32, #tpu.memory_space<hbm>>
    tpu.enqueue_dma source(%dma_start3A_2243 : memref<208xi32, #tpu.memory_space<hbm>>) target(%dma_start3A_2239 : memref<208xi32, #tpu.memory_space<vmem>>) target_semaphore(%arg17 : memref<!tpu.dma_semaphore, #tpu.memory_space<semaphore_mem>>)
    %dma_start3A_2244 = arith.constant 1 : i32
    %dma_start3A_2245 = arith.constant 1 : i32
    %dma_start3A_2246 = arith.constant 0 : i32
    %dma_start3A_2247 = tpu.memref_slice %arg12[%dma_start3A_2245, %dma_start3A_2246] : memref<4x576xi32, #tpu.memory_space<vmem>> -> memref<1x576xi32, #tpu.memory_space<vmem>>
    %dma_start3A_2248 = tpu.memref_squeeze %dma_start3A_2247 : memref<1x576xi32, #tpu.memory_space<vmem>> -> memref<576xi32, #tpu.memory_space<vmem>>
    %dma_start3A_2249 = arith.constant 0 : i32
    %dma_start3A_2250 = tpu.memref_slice %dma_start3A_2248[%dma_start3A_2249] : memref<576xi32, #tpu.memory_space<vmem>> -> memref<208xi32, #tpu.memory_space<vmem>>
    %dma_start3A_2251 = arith.constant 0 : i32
    %dma_start3A_2252 = tpu.memref_slice %arg4[%dma_start3A_2244, %dma_start3A_2251] : memref<2x320000xi32, #tpu.memory_space<hbm>> -> memref<1x320000xi32, #tpu.memory_space<hbm>>
    %dma_start3A_2253 = tpu.memref_squeeze %dma_start3A_2252 : memref<1x320000xi32, #tpu.memory_space<hbm>> -> memref<320000xi32, #tpu.memory_space<hbm>>
    %dma_start3A_2254 = tpu.memref_slice %dma_start3A_2253[%add3A_2223] : memref<320000xi32, #tpu.memory_space<hbm>> -> memref<208xi32, #tpu.memory_space<hbm>>
    %dma_start3A_2255 = arith.constant 0 : i32
    %dma_start3A_2256 = tpu.memref_slice %arg12[%dma_start3A_2245, %dma_start3A_2255] : memref<4x576xi32, #tpu.memory_space<vmem>> -> memref<1x576xi32, #tpu.memory_space<vmem>>
    %dma_start3A_2257 = tpu.memref_squeeze %dma_start3A_2256 : memref<1x576xi32, #tpu.memory_space<vmem>> -> memref<576xi32, #tpu.memory_space<vmem>>
    %dma_start3A_2258 = arith.constant 0 : i32
    %dma_start3A_2259 = tpu.memref_slice %dma_start3A_2257[%dma_start3A_2258] : memref<576xi32, #tpu.memory_space<vmem>> -> memref<208xi32, #tpu.memory_space<vmem>>
    %dma_start3A_2260 = arith.constant 0 : i32
    %dma_start3A_2261 = tpu.memref_slice %arg4[%dma_start3A_2244, %dma_start3A_2260] : memref<2x320000xi32, #tpu.memory_space<hbm>> -> memref<1x320000xi32, #tpu.memory_space<hbm>>
    %dma_start3A_2262 = tpu.memref_squeeze %dma_start3A_2261 : memref<1x320000xi32, #tpu.memory_space<hbm>> -> memref<320000xi32, #tpu.memory_space<hbm>>
    %dma_start3A_2263 = tpu.memref_slice %dma_start3A_2262[%add3A_2223] : memref<320000xi32, #tpu.memory_space<hbm>> -> memref<208xi32, #tpu.memory_space<hbm>>
    tpu.enqueue_dma source(%dma_start3A_2263 : memref<208xi32, #tpu.memory_space<hbm>>) target(%dma_start3A_2259 : memref<208xi32, #tpu.memory_space<vmem>>) target_semaphore(%arg17 : memref<!tpu.dma_semaphore, #tpu.memory_space<semaphore_mem>>)
    %scan3A_2264 = arith.constant 0 : i32
    %scan3A_2265 = arith.constant 36 : i32
    %scan3A_2266 = arith.addi %scan3A_2264, %scan3A_2265 : i32
    %scan3A_2267 = arith.constant 1 : i32
    scf.for %scan3A_2467 = %scan3A_2264 to %scan3A_2266 step %scan3A_2267  : i32 {
      %mul3A_2468 = arith.constant 16 : i32
      %mul3A_2469 = arith.muli %scan3A_2467, %mul3A_2468 : i32
      %add3A_2470 = arith.constant 0 : i32
      %add3A_2471 = arith.addi %add3A_2470, %mul3A_2469 : i32
      %get3A = arith.constant 3 : i32
      %get3A_2472 = arith.constant 0 : i32
      %get3A_2473 = tpu.memref_slice %arg11[%get3A, %get3A_2472] : memref<4x576xi32, #tpu.memory_space<vmem>> -> memref<1x576xi32, #tpu.memory_space<vmem>>
      %get3A_2474 = tpu.memref_squeeze %get3A_2473 : memref<1x576xi32, #tpu.memory_space<vmem>> -> memref<576xi32, #tpu.memory_space<vmem>>
      %get3A_2475 = arith.index_cast %add3A_2471 : i32 to index
      %get3A_2476 = tpu.vector_load %get3A_2474[%get3A_2475] {strides = array<i32>} : memref<576xi32, #tpu.memory_space<vmem>>, vector<16xi32>,
      tpu.vector_store_idx %arg15[%get3A_2476], %broadcast_in_dim3A_9 {add = true} : memref<10000xf32, #tpu.memory_space<vmem>>[vector<16xi32>], vector<16xf32>,
    }
    %scan3A_2268 = arith.constant 36 : i32
    %dma_wait3A_2269 = arith.constant 3 : i32
    %dma_wait3A_2270 = arith.constant 0 : i32
    %dma_wait3A_2271 = arith.constant 0 : i32
    %dma_wait3A_2272 = tpu.memref_slice %arg14[%dma_wait3A_2270, %dma_wait3A_2271] : memref<576x64xf32, #tpu.memory_space<vmem>> -> memref<576x64xf32, #tpu.memory_space<vmem>>
    %dma_wait3A_2273 = arith.constant 0 : i32
    %dma_wait3A_2274 = tpu.memref_slice %arg12[%dma_wait3A_2269, %dma_wait3A_2273] : memref<4x576xi32, #tpu.memory_space<vmem>> -> memref<1x576xi32, #tpu.memory_space<vmem>>
    %dma_wait3A_2275 = tpu.memref_squeeze %dma_wait3A_2274 : memref<1x576xi32, #tpu.memory_space<vmem>> -> memref<576xi32, #tpu.memory_space<vmem>>
    %dma_wait3A_2276 = arith.constant 0 : i32
    %dma_wait3A_2277 = tpu.memref_slice %dma_wait3A_2275[%dma_wait3A_2276] : memref<576xi32, #tpu.memory_space<vmem>> -> memref<576xi32, #tpu.memory_space<vmem>>
    %dma_wait3A_2278 = arith.constant 0 : i32
    %dma_wait3A_2279 = arith.constant 0 : i32
    %dma_wait3A_2280 = tpu.memref_slice %arg2[%dma_wait3A_2278, %dma_wait3A_2279] : memref<10000x64xf32, #tpu.memory_space<hbm>> -> memref<10000x64xf32, #tpu.memory_space<hbm>>
    tpu.wait_indirect_dma semaphore(%arg19 : memref<!tpu.dma_semaphore, #tpu.memory_space<semaphore_mem>>) src(%dma_wait3A_2280 : memref<10000x64xf32, #tpu.memory_space<hbm>>) dst(%dma_wait3A_2272 : memref<576x64xf32, #tpu.memory_space<vmem>>)
    %dma_start3A_2281 = arith.constant 3 : i32
    %dma_start3A_2282 = arith.constant 0 : i32
    %dma_start3A_2283 = arith.constant 0 : i32
    %dma_start3A_2284 = tpu.memref_slice %arg14[%dma_start3A_2282, %dma_start3A_2283] : memref<576x64xf32, #tpu.memory_space<vmem>> -> memref<576x64xf32, #tpu.memory_space<vmem>>
    %dma_start3A_2285 = arith.constant 0 : i32
    %dma_start3A_2286 = tpu.memref_slice %arg11[%dma_start3A_2281, %dma_start3A_2285] : memref<4x576xi32, #tpu.memory_space<vmem>> -> memref<1x576xi32, #tpu.memory_space<vmem>>
    %dma_start3A_2287 = tpu.memref_squeeze %dma_start3A_2286 : memref<1x576xi32, #tpu.memory_space<vmem>> -> memref<576xi32, #tpu.memory_space<vmem>>
    %dma_start3A_2288 = arith.constant 0 : i32
    %dma_start3A_2289 = tpu.memref_slice %dma_start3A_2287[%dma_start3A_2288] : memref<576xi32, #tpu.memory_space<vmem>> -> memref<576xi32, #tpu.memory_space<vmem>>
    %dma_start3A_2290 = arith.constant 0 : i32
    %dma_start3A_2291 = arith.constant 0 : i32
    %dma_start3A_2292 = tpu.memref_slice %arg16[%dma_start3A_2290, %dma_start3A_2291] : memref<10008x64xf32, #tpu.memory_space<vmem_shared>> -> memref<10008x64xf32, #tpu.memory_space<vmem_shared>>
    tpu.enqueue_indirect_dma source(%dma_start3A_2284 : memref<576x64xf32, #tpu.memory_space<vmem>>) target(%dma_start3A_2292 : memref<10008x64xf32, #tpu.memory_space<vmem_shared>>) offsets(%dma_start3A_2289 : memref<576xi32, #tpu.memory_space<vmem>>) semaphore(%arg20 : memref<!tpu.dma_semaphore, #tpu.memory_space<semaphore_mem>>) {add = true}
    %dma_wait3A_2293 = arith.constant 3 : i32
    %dma_wait3A_2294 = arith.constant 0 : i32
    %dma_wait3A_2295 = arith.constant 0 : i32
    %dma_wait3A_2296 = tpu.memref_slice %arg14[%dma_wait3A_2294, %dma_wait3A_2295] : memref<576x64xf32, #tpu.memory_space<vmem>> -> memref<576x64xf32, #tpu.memory_space<vmem>>
    %dma_wait3A_2297 = arith.constant 0 : i32
    %dma_wait3A_2298 = tpu.memref_slice %arg11[%dma_wait3A_2293, %dma_wait3A_2297] : memref<4x576xi32, #tpu.memory_space<vmem>> -> memref<1x576xi32, #tpu.memory_space<vmem>>
    %dma_wait3A_2299 = tpu.memref_squeeze %dma_wait3A_2298 : memref<1x576xi32, #tpu.memory_space<vmem>> -> memref<576xi32, #tpu.memory_space<vmem>>
    %dma_wait3A_2300 = arith.constant 0 : i32
    %dma_wait3A_2301 = tpu.memref_slice %dma_wait3A_2299[%dma_wait3A_2300] : memref<576xi32, #tpu.memory_space<vmem>> -> memref<576xi32, #tpu.memory_space<vmem>>
    %dma_wait3A_2302 = arith.constant 0 : i32
    %dma_wait3A_2303 = arith.constant 0 : i32
    %dma_wait3A_2304 = tpu.memref_slice %arg16[%dma_wait3A_2302, %dma_wait3A_2303] : memref<10008x64xf32, #tpu.memory_space<vmem_shared>> -> memref<10008x64xf32, #tpu.memory_space<vmem_shared>>
    tpu.wait_indirect_dma semaphore(%arg20 : memref<!tpu.dma_semaphore, #tpu.memory_space<semaphore_mem>>) src(%dma_wait3A_2296 : memref<576x64xf32, #tpu.memory_space<vmem>>) dst(%dma_wait3A_2304 : memref<10008x64xf32, #tpu.memory_space<vmem_shared>>)
    %dma_wait3A_2305 = arith.constant 0 : i32
    %dma_wait3A_2306 = arith.constant 1 : i32
    %dma_wait3A_2307 = arith.constant 0 : i32
    %dma_wait3A_2308 = tpu.memref_slice %arg11[%dma_wait3A_2306, %dma_wait3A_2307] : memref<4x576xi32, #tpu.memory_space<vmem>> -> memref<1x576xi32, #tpu.memory_space<vmem>>
    %dma_wait3A_2309 = tpu.memref_squeeze %dma_wait3A_2308 : memref<1x576xi32, #tpu.memory_space<vmem>> -> memref<576xi32, #tpu.memory_space<vmem>>
    %dma_wait3A_2310 = arith.constant 0 : i32
    %dma_wait3A_2311 = tpu.memref_slice %dma_wait3A_2309[%dma_wait3A_2310] : memref<576xi32, #tpu.memory_space<vmem>> -> memref<208xi32, #tpu.memory_space<vmem>>
    %dma_wait3A_2312 = arith.constant 0 : i32
    %dma_wait3A_2313 = tpu.memref_slice %arg4[%dma_wait3A_2305, %dma_wait3A_2312] : memref<2x320000xi32, #tpu.memory_space<hbm>> -> memref<1x320000xi32, #tpu.memory_space<hbm>>
    %dma_wait3A_2314 = tpu.memref_squeeze %dma_wait3A_2313 : memref<1x320000xi32, #tpu.memory_space<hbm>> -> memref<320000xi32, #tpu.memory_space<hbm>>
    %dma_wait3A_2315 = tpu.memref_slice %dma_wait3A_2314[%mul3A_11] : memref<320000xi32, #tpu.memory_space<hbm>> -> memref<208xi32, #tpu.memory_space<hbm>>
    %dma_wait3A_2316 = arith.constant 0 : i32
    %dma_wait3A_2317 = tpu.memref_slice %arg11[%dma_wait3A_2306, %dma_wait3A_2316] : memref<4x576xi32, #tpu.memory_space<vmem>> -> memref<1x576xi32, #tpu.memory_space<vmem>>
    %dma_wait3A_2318 = tpu.memref_squeeze %dma_wait3A_2317 : memref<1x576xi32, #tpu.memory_space<vmem>> -> memref<576xi32, #tpu.memory_space<vmem>>
    %dma_wait3A_2319 = arith.constant 0 : i32
    %dma_wait3A_2320 = tpu.memref_slice %dma_wait3A_2318[%dma_wait3A_2319] : memref<576xi32, #tpu.memory_space<vmem>> -> memref<208xi32, #tpu.memory_space<vmem>>
    %dma_wait3A_2321 = arith.constant 0 : i32
    %dma_wait3A_2322 = tpu.memref_slice %arg4[%dma_wait3A_2305, %dma_wait3A_2321] : memref<2x320000xi32, #tpu.memory_space<hbm>> -> memref<1x320000xi32, #tpu.memory_space<hbm>>
    %dma_wait3A_2323 = tpu.memref_squeeze %dma_wait3A_2322 : memref<1x320000xi32, #tpu.memory_space<hbm>> -> memref<320000xi32, #tpu.memory_space<hbm>>
    %dma_wait3A_2324 = tpu.memref_slice %dma_wait3A_2323[%mul3A_11] : memref<320000xi32, #tpu.memory_space<hbm>> -> memref<208xi32, #tpu.memory_space<hbm>>
    tpu.wait_dma2 semaphore(%arg17 : memref<!tpu.dma_semaphore, #tpu.memory_space<semaphore_mem>>) src(%dma_wait3A_2324 : memref<208xi32, #tpu.memory_space<hbm>>) dst(%dma_wait3A_2320 : memref<208xi32, #tpu.memory_space<vmem>>)
    %dma_wait3A_2325 = arith.constant 1 : i32
    %dma_wait3A_2326 = arith.constant 1 : i32
    %dma_wait3A_2327 = arith.constant 0 : i32
    %dma_wait3A_2328 = tpu.memref_slice %arg12[%dma_wait3A_2326, %dma_wait3A_2327] : memref<4x576xi32, #tpu.memory_space<vmem>> -> memref<1x576xi32, #tpu.memory_space<vmem>>
    %dma_wait3A_2329 = tpu.memref_squeeze %dma_wait3A_2328 : memref<1x576xi32, #tpu.memory_space<vmem>> -> memref<576xi32, #tpu.memory_space<vmem>>
    %dma_wait3A_2330 = arith.constant 0 : i32
    %dma_wait3A_2331 = tpu.memref_slice %dma_wait3A_2329[%dma_wait3A_2330] : memref<576xi32, #tpu.memory_space<vmem>> -> memref<208xi32, #tpu.memory_space<vmem>>
    %dma_wait3A_2332 = arith.constant 0 : i32
    %dma_wait3A_2333 = tpu.memref_slice %arg4[%dma_wait3A_2325, %dma_wait3A_2332] : memref<2x320000xi32, #tpu.memory_space<hbm>> -> memref<1x320000xi32, #tpu.memory_space<hbm>>
    %dma_wait3A_2334 = tpu.memref_squeeze %dma_wait3A_2333 : memref<1x320000xi32, #tpu.memory_space<hbm>> -> memref<320000xi32, #tpu.memory_space<hbm>>
    %dma_wait3A_2335 = tpu.memref_slice %dma_wait3A_2334[%mul3A_11] : memref<320000xi32, #tpu.memory_space<hbm>> -> memref<208xi32, #tpu.memory_space<hbm>>
    %dma_wait3A_2336 = arith.constant 0 : i32
    %dma_wait3A_2337 = tpu.memref_slice %arg12[%dma_wait3A_2326, %dma_wait3A_2336] : memref<4x576xi32, #tpu.memory_space<vmem>> -> memref<1x576xi32, #tpu.memory_space<vmem>>
    %dma_wait3A_2338 = tpu.memref_squeeze %dma_wait3A_2337 : memref<1x576xi32, #tpu.memory_space<vmem>> -> memref<576xi32, #tpu.memory_space<vmem>>
    %dma_wait3A_2339 = arith.constant 0 : i32
    %dma_wait3A_2340 = tpu.memref_slice %dma_wait3A_2338[%dma_wait3A_2339] : memref<576xi32, #tpu.memory_space<vmem>> -> memref<208xi32, #tpu.memory_space<vmem>>
    %dma_wait3A_2341 = arith.constant 0 : i32
    %dma_wait3A_2342 = tpu.memref_slice %arg4[%dma_wait3A_2325, %dma_wait3A_2341] : memref<2x320000xi32, #tpu.memory_space<hbm>> -> memref<1x320000xi32, #tpu.memory_space<hbm>>
    %dma_wait3A_2343 = tpu.memref_squeeze %dma_wait3A_2342 : memref<1x320000xi32, #tpu.memory_space<hbm>> -> memref<320000xi32, #tpu.memory_space<hbm>>
    %dma_wait3A_2344 = tpu.memref_slice %dma_wait3A_2343[%mul3A_11] : memref<320000xi32, #tpu.memory_space<hbm>> -> memref<208xi32, #tpu.memory_space<hbm>>
    tpu.wait_dma2 semaphore(%arg17 : memref<!tpu.dma_semaphore, #tpu.memory_space<semaphore_mem>>) src(%dma_wait3A_2344 : memref<208xi32, #tpu.memory_space<hbm>>) dst(%dma_wait3A_2340 : memref<208xi32, #tpu.memory_space<vmem>>)
    %dma_start3A_2345 = arith.constant 1 : i32
    %dma_start3A_2346 = arith.constant 0 : i32
    %dma_start3A_2347 = arith.constant 0 : i32
    %dma_start3A_2348 = tpu.memref_slice %arg14[%dma_start3A_2346, %dma_start3A_2347] : memref<576x64xf32, #tpu.memory_space<vmem>> -> memref<208x64xf32, #tpu.memory_space<vmem>>
    %dma_start3A_2349 = arith.constant 0 : i32
    %dma_start3A_2350 = tpu.memref_slice %arg12[%dma_start3A_2345, %dma_start3A_2349] : memref<4x576xi32, #tpu.memory_space<vmem>> -> memref<1x576xi32, #tpu.memory_space<vmem>>
    %dma_start3A_2351 = tpu.memref_squeeze %dma_start3A_2350 : memref<1x576xi32, #tpu.memory_space<vmem>> -> memref<576xi32, #tpu.memory_space<vmem>>
    %dma_start3A_2352 = arith.constant 0 : i32
    %dma_start3A_2353 = tpu.memref_slice %dma_start3A_2351[%dma_start3A_2352] : memref<576xi32, #tpu.memory_space<vmem>> -> memref<208xi32, #tpu.memory_space<vmem>>
    %dma_start3A_2354 = arith.constant 0 : i32
    %dma_start3A_2355 = arith.constant 0 : i32
    %dma_start3A_2356 = tpu.memref_slice %arg2[%dma_start3A_2354, %dma_start3A_2355] : memref<10000x64xf32, #tpu.memory_space<hbm>> -> memref<10000x64xf32, #tpu.memory_space<hbm>>
    tpu.enqueue_indirect_dma source(%dma_start3A_2356 : memref<10000x64xf32, #tpu.memory_space<hbm>>) target(%dma_start3A_2348 : memref<208x64xf32, #tpu.memory_space<vmem>>) offsets(%dma_start3A_2353 : memref<208xi32, #tpu.memory_space<vmem>>) semaphore(%arg19 : memref<!tpu.dma_semaphore, #tpu.memory_space<semaphore_mem>>)
    %scan3A_2357 = arith.constant 0 : i32
    %scan3A_2358 = arith.constant 36 : i32
    %scan3A_2359 = arith.addi %scan3A_2357, %scan3A_2358 : i32
    %scan3A_2360 = arith.constant 1 : i32
    scf.for %scan3A_2467 = %scan3A_2357 to %scan3A_2359 step %scan3A_2360  : i32 {
      %mul3A_2468 = arith.constant 16 : i32
      %mul3A_2469 = arith.muli %scan3A_2467, %mul3A_2468 : i32
      %add3A_2470 = arith.constant 0 : i32
      %add3A_2471 = arith.addi %add3A_2470, %mul3A_2469 : i32
      %get3A = arith.constant 0 : i32
      %get3A_2472 = arith.constant 0 : i32
      %get3A_2473 = tpu.memref_slice %arg11[%get3A, %get3A_2472] : memref<4x576xi32, #tpu.memory_space<vmem>> -> memref<1x576xi32, #tpu.memory_space<vmem>>
      %get3A_2474 = tpu.memref_squeeze %get3A_2473 : memref<1x576xi32, #tpu.memory_space<vmem>> -> memref<576xi32, #tpu.memory_space<vmem>>
      %get3A_2475 = arith.index_cast %add3A_2471 : i32 to index
      %get3A_2476 = tpu.vector_load %get3A_2474[%get3A_2475] {strides = array<i32>} : memref<576xi32, #tpu.memory_space<vmem>>, vector<16xi32>,
      tpu.vector_store_idx %arg15[%get3A_2476], %broadcast_in_dim3A_9 {add = true} : memref<10000xf32, #tpu.memory_space<vmem>>[vector<16xi32>], vector<16xf32>,
    }
    %scan3A_2361 = arith.constant 36 : i32
    %dma_wait3A_2362 = arith.constant 0 : i32
    %dma_wait3A_2363 = arith.constant 0 : i32
    %dma_wait3A_2364 = arith.constant 0 : i32
    %dma_wait3A_2365 = tpu.memref_slice %arg13[%dma_wait3A_2363, %dma_wait3A_2364] : memref<576x64xf32, #tpu.memory_space<vmem>> -> memref<576x64xf32, #tpu.memory_space<vmem>>
    %dma_wait3A_2366 = arith.constant 0 : i32
    %dma_wait3A_2367 = tpu.memref_slice %arg12[%dma_wait3A_2362, %dma_wait3A_2366] : memref<4x576xi32, #tpu.memory_space<vmem>> -> memref<1x576xi32, #tpu.memory_space<vmem>>
    %dma_wait3A_2368 = tpu.memref_squeeze %dma_wait3A_2367 : memref<1x576xi32, #tpu.memory_space<vmem>> -> memref<576xi32, #tpu.memory_space<vmem>>
    %dma_wait3A_2369 = arith.constant 0 : i32
    %dma_wait3A_2370 = tpu.memref_slice %dma_wait3A_2368[%dma_wait3A_2369] : memref<576xi32, #tpu.memory_space<vmem>> -> memref<576xi32, #tpu.memory_space<vmem>>
    %dma_wait3A_2371 = arith.constant 0 : i32
    %dma_wait3A_2372 = arith.constant 0 : i32
    %dma_wait3A_2373 = tpu.memref_slice %arg2[%dma_wait3A_2371, %dma_wait3A_2372] : memref<10000x64xf32, #tpu.memory_space<hbm>> -> memref<10000x64xf32, #tpu.memory_space<hbm>>
    tpu.wait_indirect_dma semaphore(%arg18 : memref<!tpu.dma_semaphore, #tpu.memory_space<semaphore_mem>>) src(%dma_wait3A_2373 : memref<10000x64xf32, #tpu.memory_space<hbm>>) dst(%dma_wait3A_2365 : memref<576x64xf32, #tpu.memory_space<vmem>>)
    %dma_start3A_2374 = arith.constant 0 : i32
    %dma_start3A_2375 = arith.constant 0 : i32
    %dma_start3A_2376 = arith.constant 0 : i32
    %dma_start3A_2377 = tpu.memref_slice %arg13[%dma_start3A_2375, %dma_start3A_2376] : memref<576x64xf32, #tpu.memory_space<vmem>> -> memref<576x64xf32, #tpu.memory_space<vmem>>
    %dma_start3A_2378 = arith.constant 0 : i32
    %dma_start3A_2379 = tpu.memref_slice %arg11[%dma_start3A_2374, %dma_start3A_2378] : memref<4x576xi32, #tpu.memory_space<vmem>> -> memref<1x576xi32, #tpu.memory_space<vmem>>
    %dma_start3A_2380 = tpu.memref_squeeze %dma_start3A_2379 : memref<1x576xi32, #tpu.memory_space<vmem>> -> memref<576xi32, #tpu.memory_space<vmem>>
    %dma_start3A_2381 = arith.constant 0 : i32
    %dma_start3A_2382 = tpu.memref_slice %dma_start3A_2380[%dma_start3A_2381] : memref<576xi32, #tpu.memory_space<vmem>> -> memref<576xi32, #tpu.memory_space<vmem>>
    %dma_start3A_2383 = arith.constant 0 : i32
    %dma_start3A_2384 = arith.constant 0 : i32
    %dma_start3A_2385 = tpu.memref_slice %arg16[%dma_start3A_2383, %dma_start3A_2384] : memref<10008x64xf32, #tpu.memory_space<vmem_shared>> -> memref<10008x64xf32, #tpu.memory_space<vmem_shared>>
    tpu.enqueue_indirect_dma source(%dma_start3A_2377 : memref<576x64xf32, #tpu.memory_space<vmem>>) target(%dma_start3A_2385 : memref<10008x64xf32, #tpu.memory_space<vmem_shared>>) offsets(%dma_start3A_2382 : memref<576xi32, #tpu.memory_space<vmem>>) semaphore(%arg20 : memref<!tpu.dma_semaphore, #tpu.memory_space<semaphore_mem>>) {add = true}
    %dma_wait3A_2386 = arith.constant 0 : i32
    %dma_wait3A_2387 = arith.constant 0 : i32
    %dma_wait3A_2388 = arith.constant 0 : i32
    %dma_wait3A_2389 = tpu.memref_slice %arg13[%dma_wait3A_2387, %dma_wait3A_2388] : memref<576x64xf32, #tpu.memory_space<vmem>> -> memref<576x64xf32, #tpu.memory_space<vmem>>
    %dma_wait3A_2390 = arith.constant 0 : i32
    %dma_wait3A_2391 = tpu.memref_slice %arg11[%dma_wait3A_2386, %dma_wait3A_2390] : memref<4x576xi32, #tpu.memory_space<vmem>> -> memref<1x576xi32, #tpu.memory_space<vmem>>
    %dma_wait3A_2392 = tpu.memref_squeeze %dma_wait3A_2391 : memref<1x576xi32, #tpu.memory_space<vmem>> -> memref<576xi32, #tpu.memory_space<vmem>>
    %dma_wait3A_2393 = arith.constant 0 : i32
    %dma_wait3A_2394 = tpu.memref_slice %dma_wait3A_2392[%dma_wait3A_2393] : memref<576xi32, #tpu.memory_space<vmem>> -> memref<576xi32, #tpu.memory_space<vmem>>
    %dma_wait3A_2395 = arith.constant 0 : i32
    %dma_wait3A_2396 = arith.constant 0 : i32
    %dma_wait3A_2397 = tpu.memref_slice %arg16[%dma_wait3A_2395, %dma_wait3A_2396] : memref<10008x64xf32, #tpu.memory_space<vmem_shared>> -> memref<10008x64xf32, #tpu.memory_space<vmem_shared>>
    tpu.wait_indirect_dma semaphore(%arg20 : memref<!tpu.dma_semaphore, #tpu.memory_space<semaphore_mem>>) src(%dma_wait3A_2389 : memref<576x64xf32, #tpu.memory_space<vmem>>) dst(%dma_wait3A_2397 : memref<10008x64xf32, #tpu.memory_space<vmem_shared>>)
    %scan3A_2398 = arith.constant 0 : i32
    %scan3A_2399 = arith.constant 13 : i32
    %scan3A_2400 = arith.addi %scan3A_2398, %scan3A_2399 : i32
    %scan3A_2401 = arith.constant 1 : i32
    scf.for %scan3A_2467 = %scan3A_2398 to %scan3A_2400 step %scan3A_2401  : i32 {
      %mul3A_2468 = arith.constant 16 : i32
      %mul3A_2469 = arith.muli %scan3A_2467, %mul3A_2468 : i32
      %add3A_2470 = arith.constant 0 : i32
      %add3A_2471 = arith.addi %add3A_2470, %mul3A_2469 : i32
      %get3A = arith.constant 1 : i32
      %get3A_2472 = arith.constant 0 : i32
      %get3A_2473 = tpu.memref_slice %arg11[%get3A, %get3A_2472] : memref<4x576xi32, #tpu.memory_space<vmem>> -> memref<1x576xi32, #tpu.memory_space<vmem>>
      %get3A_2474 = tpu.memref_squeeze %get3A_2473 : memref<1x576xi32, #tpu.memory_space<vmem>> -> memref<576xi32, #tpu.memory_space<vmem>>
      %get3A_2475 = arith.index_cast %add3A_2471 : i32 to index
      %get3A_2476 = tpu.vector_load %get3A_2474[%get3A_2475] {strides = array<i32>} : memref<576xi32, #tpu.memory_space<vmem>>, vector<16xi32>,
      tpu.vector_store_idx %arg15[%get3A_2476], %broadcast_in_dim3A_9 {add = true} : memref<10000xf32, #tpu.memory_space<vmem>>[vector<16xi32>], vector<16xf32>,
    }
    %scan3A_2402 = arith.constant 13 : i32
    %dma_wait3A_2403 = arith.constant 1 : i32
    %dma_wait3A_2404 = arith.constant 0 : i32
    %dma_wait3A_2405 = arith.constant 0 : i32
    %dma_wait3A_2406 = tpu.memref_slice %arg14[%dma_wait3A_2404, %dma_wait3A_2405] : memref<576x64xf32, #tpu.memory_space<vmem>> -> memref<208x64xf32, #tpu.memory_space<vmem>>
    %dma_wait3A_2407 = arith.constant 0 : i32
    %dma_wait3A_2408 = tpu.memref_slice %arg12[%dma_wait3A_2403, %dma_wait3A_2407] : memref<4x576xi32, #tpu.memory_space<vmem>> -> memref<1x576xi32, #tpu.memory_space<vmem>>
    %dma_wait3A_2409 = tpu.memref_squeeze %dma_wait3A_2408 : memref<1x576xi32, #tpu.memory_space<vmem>> -> memref<576xi32, #tpu.memory_space<vmem>>
    %dma_wait3A_2410 = arith.constant 0 : i32
    %dma_wait3A_2411 = tpu.memref_slice %dma_wait3A_2409[%dma_wait3A_2410] : memref<576xi32, #tpu.memory_space<vmem>> -> memref<208xi32, #tpu.memory_space<vmem>>
    %dma_wait3A_2412 = arith.constant 0 : i32
    %dma_wait3A_2413 = arith.constant 0 : i32
    %dma_wait3A_2414 = tpu.memref_slice %arg2[%dma_wait3A_2412, %dma_wait3A_2413] : memref<10000x64xf32, #tpu.memory_space<hbm>> -> memref<10000x64xf32, #tpu.memory_space<hbm>>
    tpu.wait_indirect_dma semaphore(%arg19 : memref<!tpu.dma_semaphore, #tpu.memory_space<semaphore_mem>>) src(%dma_wait3A_2414 : memref<10000x64xf32, #tpu.memory_space<hbm>>) dst(%dma_wait3A_2406 : memref<208x64xf32, #tpu.memory_space<vmem>>)
    %dma_start3A_2415 = arith.constant 1 : i32
    %dma_start3A_2416 = arith.constant 0 : i32
    %dma_start3A_2417 = arith.constant 0 : i32
    %dma_start3A_2418 = tpu.memref_slice %arg14[%dma_start3A_2416, %dma_start3A_2417] : memref<576x64xf32, #tpu.memory_space<vmem>> -> memref<208x64xf32, #tpu.memory_space<vmem>>
    %dma_start3A_2419 = arith.constant 0 : i32
    %dma_start3A_2420 = tpu.memref_slice %arg11[%dma_start3A_2415, %dma_start3A_2419] : memref<4x576xi32, #tpu.memory_space<vmem>> -> memref<1x576xi32, #tpu.memory_space<vmem>>
    %dma_start3A_2421 = tpu.memref_squeeze %dma_start3A_2420 : memref<1x576xi32, #tpu.memory_space<vmem>> -> memref<576xi32, #tpu.memory_space<vmem>>
    %dma_start3A_2422 = arith.constant 0 : i32
    %dma_start3A_2423 = tpu.memref_slice %dma_start3A_2421[%dma_start3A_2422] : memref<576xi32, #tpu.memory_space<vmem>> -> memref<208xi32, #tpu.memory_space<vmem>>
    %dma_start3A_2424 = arith.constant 0 : i32
    %dma_start3A_2425 = arith.constant 0 : i32
    %dma_start3A_2426 = tpu.memref_slice %arg16[%dma_start3A_2424, %dma_start3A_2425] : memref<10008x64xf32, #tpu.memory_space<vmem_shared>> -> memref<10008x64xf32, #tpu.memory_space<vmem_shared>>
    tpu.enqueue_indirect_dma source(%dma_start3A_2418 : memref<208x64xf32, #tpu.memory_space<vmem>>) target(%dma_start3A_2426 : memref<10008x64xf32, #tpu.memory_space<vmem_shared>>) offsets(%dma_start3A_2423 : memref<208xi32, #tpu.memory_space<vmem>>) semaphore(%arg20 : memref<!tpu.dma_semaphore, #tpu.memory_space<semaphore_mem>>) {add = true}
    %dma_wait3A_2427 = arith.constant 1 : i32
    %dma_wait3A_2428 = arith.constant 0 : i32
    %dma_wait3A_2429 = arith.constant 0 : i32
    %dma_wait3A_2430 = tpu.memref_slice %arg14[%dma_wait3A_2428, %dma_wait3A_2429] : memref<576x64xf32, #tpu.memory_space<vmem>> -> memref<208x64xf32, #tpu.memory_space<vmem>>
    %dma_wait3A_2431 = arith.constant 0 : i32
    %dma_wait3A_2432 = tpu.memref_slice %arg11[%dma_wait3A_2427, %dma_wait3A_2431] : memref<4x576xi32, #tpu.memory_space<vmem>> -> memref<1x576xi32, #tpu.memory_space<vmem>>
    %dma_wait3A_2433 = tpu.memref_squeeze %dma_wait3A_2432 : memref<1x576xi32, #tpu.memory_space<vmem>> -> memref<576xi32, #tpu.memory_space<vmem>>
    %dma_wait3A_2434 = arith.constant 0 : i32
    %dma_wait3A_2435 = tpu.memref_slice %dma_wait3A_2433[%dma_wait3A_2434] : memref<576xi32, #tpu.memory_space<vmem>> -> memref<208xi32, #tpu.memory_space<vmem>>
    %dma_wait3A_2436 = arith.constant 0 : i32
    %dma_wait3A_2437 = arith.constant 0 : i32
    %dma_wait3A_2438 = tpu.memref_slice %arg16[%dma_wait3A_2436, %dma_wait3A_2437] : memref<10008x64xf32, #tpu.memory_space<vmem_shared>> -> memref<10008x64xf32, #tpu.memory_space<vmem_shared>>
    tpu.wait_indirect_dma semaphore(%arg20 : memref<!tpu.dma_semaphore, #tpu.memory_space<semaphore_mem>>) src(%dma_wait3A_2430 : memref<208x64xf32, #tpu.memory_space<vmem>>) dst(%dma_wait3A_2438 : memref<10008x64xf32, #tpu.memory_space<vmem_shared>>)
    %barrier3A_2439 = arith.constant 0 : index
    tpu.barrier barrier_id(%barrier3A_2439)
    %lt3A_2440 = arith.constant 15 : i32
    %lt3A_2441 = arith.cmpi slt, %arg1, %lt3A_2440 : i32
    %convert_element_type3A_2442 = arith.extui %lt3A_2441 : i1 to i32
    %cond3A_2443 = arith.constant 0 : i32
    %cond3A_2444 = arith.cmpi ne, %convert_element_type3A_2442, %cond3A_2443 : i32
    scf.if %cond3A_2444 {
      %dma_start3A_2467 = arith.constant 0 : i32
      %dma_start3A_2468 = arith.constant 0 : i32
      %dma_start3A_2469 = tpu.memref_slice %arg8[%arg0, %dma_start3A_2467, %dma_start3A_2468] : memref<2x10000x64xf32, #tpu.memory_space<hbm>> -> memref<1x10000x64xf32, #tpu.memory_space<hbm>>
      %dma_start3A_2470 = tpu.memref_squeeze %dma_start3A_2469 : memref<1x10000x64xf32, #tpu.memory_space<hbm>> -> memref<10000x64xf32, #tpu.memory_space<hbm>>
      %dma_start3A_2471 = arith.constant 0 : i32
      %dma_start3A_2472 = tpu.memref_slice %dma_start3A_2470[%mul3A_2, %dma_start3A_2471] : memref<10000x64xf32, #tpu.memory_space<hbm>> -> memref<624x64xf32, #tpu.memory_space<hbm>>
      %dma_start3A_2473 = arith.constant 0 : i32
      %dma_start3A_2474 = tpu.memref_slice %arg16[%mul3A_2, %dma_start3A_2473] : memref<10008x64xf32, #tpu.memory_space<vmem_shared>> -> memref<624x64xf32, #tpu.memory_space<vmem_shared>>
      tpu.enqueue_dma source(%dma_start3A_2474 : memref<624x64xf32, #tpu.memory_space<vmem_shared>>) target(%dma_start3A_2472 : memref<624x64xf32, #tpu.memory_space<hbm>>) target_semaphore(%arg18 : memref<!tpu.dma_semaphore, #tpu.memory_space<semaphore_mem>>)
      %dma_start3A_2475 = arith.constant 0 : i32
      %dma_start3A_2476 = tpu.memref_slice %arg9[%add3A, %dma_start3A_2475] : memref<32x10000xf32, #tpu.memory_space<hbm>> -> memref<1x10000xf32, #tpu.memory_space<hbm>>
      %dma_start3A_2477 = tpu.memref_squeeze %dma_start3A_2476 : memref<1x10000xf32, #tpu.memory_space<hbm>> -> memref<10000xf32, #tpu.memory_space<hbm>>
      %dma_start3A_2478 = arith.constant 0 : i32
      %dma_start3A_2479 = tpu.memref_slice %arg9[%add3A, %dma_start3A_2478] : memref<32x10000xf32, #tpu.memory_space<hbm>> -> memref<1x10000xf32, #tpu.memory_space<hbm>>
      %dma_start3A_2480 = tpu.memref_squeeze %dma_start3A_2479 : memref<1x10000xf32, #tpu.memory_space<hbm>> -> memref<10000xf32, #tpu.memory_space<hbm>>
      tpu.enqueue_dma source(%arg15 : memref<10000xf32, #tpu.memory_space<vmem>>) target(%dma_start3A_2480 : memref<10000xf32, #tpu.memory_space<hbm>>) target_semaphore(%arg19 : memref<!tpu.dma_semaphore, #tpu.memory_space<semaphore_mem>>)
      %dma_wait3A_2481 = arith.constant 0 : i32
      %dma_wait3A_2482 = arith.constant 0 : i32
      %dma_wait3A_2483 = tpu.memref_slice %arg8[%arg0, %dma_wait3A_2481, %dma_wait3A_2482] : memref<2x10000x64xf32, #tpu.memory_space<hbm>> -> memref<1x10000x64xf32, #tpu.memory_space<hbm>>
      %dma_wait3A_2484 = tpu.memref_squeeze %dma_wait3A_2483 : memref<1x10000x64xf32, #tpu.memory_space<hbm>> -> memref<10000x64xf32, #tpu.memory_space<hbm>>
      %dma_wait3A_2485 = arith.constant 0 : i32
      %dma_wait3A_2486 = tpu.memref_slice %dma_wait3A_2484[%mul3A_2, %dma_wait3A_2485] : memref<10000x64xf32, #tpu.memory_space<hbm>> -> memref<624x64xf32, #tpu.memory_space<hbm>>
      %dma_wait3A_2487 = arith.constant 0 : i32
      %dma_wait3A_2488 = tpu.memref_slice %arg16[%mul3A_2, %dma_wait3A_2487] : memref<10008x64xf32, #tpu.memory_space<vmem_shared>> -> memref<624x64xf32, #tpu.memory_space<vmem_shared>>
      tpu.wait_dma2 semaphore(%arg18 : memref<!tpu.dma_semaphore, #tpu.memory_space<semaphore_mem>>) src(%dma_wait3A_2488 : memref<624x64xf32, #tpu.memory_space<vmem_shared>>) dst(%dma_wait3A_2486 : memref<624x64xf32, #tpu.memory_space<hbm>>)
      %dma_start3A_2489 = arith.constant 0 : i32
      %dma_start3A_2490 = tpu.memref_slice %arg16[%mul3A_2, %dma_start3A_2489] : memref<10008x64xf32, #tpu.memory_space<vmem_shared>> -> memref<624x64xf32, #tpu.memory_space<vmem_shared>>
      %dma_start3A_2491 = arith.constant 0 : i32
      %dma_start3A_2492 = arith.constant 0 : i32
      %dma_start3A_2493 = tpu.memref_slice %arg7[%dma_start3A_2491, %dma_start3A_2492] : memref<640x64xf32, #tpu.memory_space<hbm>> -> memref<624x64xf32, #tpu.memory_space<hbm>>
      tpu.enqueue_dma source(%dma_start3A_2493 : memref<624x64xf32, #tpu.memory_space<hbm>>) target(%dma_start3A_2490 : memref<624x64xf32, #tpu.memory_space<vmem_shared>>) target_semaphore(%arg20 : memref<!tpu.dma_semaphore, #tpu.memory_space<semaphore_mem>>)
      %dma_wait3A_2494 = arith.constant 0 : i32
      %dma_wait3A_2495 = tpu.memref_slice %arg9[%add3A, %dma_wait3A_2494] : memref<32x10000xf32, #tpu.memory_space<hbm>> -> memref<1x10000xf32, #tpu.memory_space<hbm>>
      %dma_wait3A_2496 = tpu.memref_squeeze %dma_wait3A_2495 : memref<1x10000xf32, #tpu.memory_space<hbm>> -> memref<10000xf32, #tpu.memory_space<hbm>>
      %dma_wait3A_2497 = arith.constant 0 : i32
      %dma_wait3A_2498 = tpu.memref_slice %arg9[%add3A, %dma_wait3A_2497] : memref<32x10000xf32, #tpu.memory_space<hbm>> -> memref<1x10000xf32, #tpu.memory_space<hbm>>
      %dma_wait3A_2499 = tpu.memref_squeeze %dma_wait3A_2498 : memref<1x10000xf32, #tpu.memory_space<hbm>> -> memref<10000xf32, #tpu.memory_space<hbm>>
      tpu.wait_dma2 semaphore(%arg19 : memref<!tpu.dma_semaphore, #tpu.memory_space<semaphore_mem>>) src(%arg15 : memref<10000xf32, #tpu.memory_space<vmem>>) dst(%dma_wait3A_2499 : memref<10000xf32, #tpu.memory_space<hbm>>)
      %dma_wait3A_2500 = arith.constant 0 : i32
      %dma_wait3A_2501 = tpu.memref_slice %arg16[%mul3A_2, %dma_wait3A_2500] : memref<10008x64xf32, #tpu.memory_space<vmem_shared>> -> memref<624x64xf32, #tpu.memory_space<vmem_shared>>
      %dma_wait3A_2502 = arith.constant 0 : i32
      %dma_wait3A_2503 = arith.constant 0 : i32
      %dma_wait3A_2504 = tpu.memref_slice %arg7[%dma_wait3A_2502, %dma_wait3A_2503] : memref<640x64xf32, #tpu.memory_space<hbm>> -> memref<624x64xf32, #tpu.memory_space<hbm>>
      tpu.wait_dma2 semaphore(%arg20 : memref<!tpu.dma_semaphore, #tpu.memory_space<semaphore_mem>>) src(%dma_wait3A_2504 : memref<624x64xf32, #tpu.memory_space<hbm>>) dst(%dma_wait3A_2501 : memref<624x64xf32, #tpu.memory_space<vmem_shared>>)
    } else {
    }
    %eq3A_2445 = arith.constant 15 : i32
    %eq3A_2446 = arith.cmpi eq, %arg1, %eq3A_2445 : i32
    %convert_element_type3A_2447 = arith.extui %eq3A_2446 : i1 to i32
    %cond3A_2448 = arith.constant 0 : i32
    %cond3A_2449 = arith.cmpi ne, %convert_element_type3A_2447, %cond3A_2448 : i32
    scf.if %cond3A_2449 {
      %dma_start3A_2467 = arith.constant 0 : i32
      %dma_start3A_2468 = arith.constant 0 : i32
      %dma_start3A_2469 = tpu.memref_slice %arg8[%arg0, %dma_start3A_2467, %dma_start3A_2468] : memref<2x10000x64xf32, #tpu.memory_space<hbm>> -> memref<1x10000x64xf32, #tpu.memory_space<hbm>>
      %dma_start3A_2470 = tpu.memref_squeeze %dma_start3A_2469 : memref<1x10000x64xf32, #tpu.memory_space<hbm>> -> memref<10000x64xf32, #tpu.memory_space<hbm>>
      %dma_start3A_2471 = arith.constant 0 : i32
      %dma_start3A_2472 = tpu.memref_slice %dma_start3A_2470[%mul3A_2, %dma_start3A_2471] : memref<10000x64xf32, #tpu.memory_space<hbm>> -> memref<640x64xf32, #tpu.memory_space<hbm>>
      %dma_start3A_2473 = arith.constant 0 : i32
      %dma_start3A_2474 = tpu.memref_slice %arg16[%mul3A_2, %dma_start3A_2473] : memref<10008x64xf32, #tpu.memory_space<vmem_shared>> -> memref<640x64xf32, #tpu.memory_space<vmem_shared>>
      tpu.enqueue_dma source(%dma_start3A_2474 : memref<640x64xf32, #tpu.memory_space<vmem_shared>>) target(%dma_start3A_2472 : memref<640x64xf32, #tpu.memory_space<hbm>>) target_semaphore(%arg18 : memref<!tpu.dma_semaphore, #tpu.memory_space<semaphore_mem>>)
      %dma_start3A_2475 = arith.constant 0 : i32
      %dma_start3A_2476 = tpu.memref_slice %arg9[%add3A, %dma_start3A_2475] : memref<32x10000xf32, #tpu.memory_space<hbm>> -> memref<1x10000xf32, #tpu.memory_space<hbm>>
      %dma_start3A_2477 = tpu.memref_squeeze %dma_start3A_2476 : memref<1x10000xf32, #tpu.memory_space<hbm>> -> memref<10000xf32, #tpu.memory_space<hbm>>
      %dma_start3A_2478 = arith.constant 0 : i32
      %dma_start3A_2479 = tpu.memref_slice %arg9[%add3A, %dma_start3A_2478] : memref<32x10000xf32, #tpu.memory_space<hbm>> -> memref<1x10000xf32, #tpu.memory_space<hbm>>
      %dma_start3A_2480 = tpu.memref_squeeze %dma_start3A_2479 : memref<1x10000xf32, #tpu.memory_space<hbm>> -> memref<10000xf32, #tpu.memory_space<hbm>>
      tpu.enqueue_dma source(%arg15 : memref<10000xf32, #tpu.memory_space<vmem>>) target(%dma_start3A_2480 : memref<10000xf32, #tpu.memory_space<hbm>>) target_semaphore(%arg19 : memref<!tpu.dma_semaphore, #tpu.memory_space<semaphore_mem>>)
      %dma_wait3A_2481 = arith.constant 0 : i32
      %dma_wait3A_2482 = arith.constant 0 : i32
      %dma_wait3A_2483 = tpu.memref_slice %arg8[%arg0, %dma_wait3A_2481, %dma_wait3A_2482] : memref<2x10000x64xf32, #tpu.memory_space<hbm>> -> memref<1x10000x64xf32, #tpu.memory_space<hbm>>
      %dma_wait3A_2484 = tpu.memref_squeeze %dma_wait3A_2483 : memref<1x10000x64xf32, #tpu.memory_space<hbm>> -> memref<10000x64xf32, #tpu.memory_space<hbm>>
      %dma_wait3A_2485 = arith.constant 0 : i32
      %dma_wait3A_2486 = tpu.memref_slice %dma_wait3A_2484[%mul3A_2, %dma_wait3A_2485] : memref<10000x64xf32, #tpu.memory_space<hbm>> -> memref<640x64xf32, #tpu.memory_space<hbm>>
      %dma_wait3A_2487 = arith.constant 0 : i32
      %dma_wait3A_2488 = tpu.memref_slice %arg16[%mul3A_2, %dma_wait3A_2487] : memref<10008x64xf32, #tpu.memory_space<vmem_shared>> -> memref<640x64xf32, #tpu.memory_space<vmem_shared>>
      tpu.wait_dma2 semaphore(%arg18 : memref<!tpu.dma_semaphore, #tpu.memory_space<semaphore_mem>>) src(%dma_wait3A_2488 : memref<640x64xf32, #tpu.memory_space<vmem_shared>>) dst(%dma_wait3A_2486 : memref<640x64xf32, #tpu.memory_space<hbm>>)
      %dma_start3A_2489 = arith.constant 0 : i32
      %dma_start3A_2490 = tpu.memref_slice %arg16[%mul3A_2, %dma_start3A_2489] : memref<10008x64xf32, #tpu.memory_space<vmem_shared>> -> memref<640x64xf32, #tpu.memory_space<vmem_shared>>
      %dma_start3A_2491 = arith.constant 0 : i32
      %dma_start3A_2492 = arith.constant 0 : i32
      %dma_start3A_2493 = tpu.memref_slice %arg7[%dma_start3A_2491, %dma_start3A_2492] : memref<640x64xf32, #tpu.memory_space<hbm>> -> memref<640x64xf32, #tpu.memory_space<hbm>>
      tpu.enqueue_dma source(%dma_start3A_2493 : memref<640x64xf32, #tpu.memory_space<hbm>>) target(%dma_start3A_2490 : memref<640x64xf32, #tpu.memory_space<vmem_shared>>) target_semaphore(%arg20 : memref<!tpu.dma_semaphore, #tpu.memory_space<semaphore_mem>>)
      %dma_wait3A_2494 = arith.constant 0 : i32
      %dma_wait3A_2495 = tpu.memref_slice %arg9[%add3A, %dma_wait3A_2494] : memref<32x10000xf32, #tpu.memory_space<hbm>> -> memref<1x10000xf32, #tpu.memory_space<hbm>>
      %dma_wait3A_2496 = tpu.memref_squeeze %dma_wait3A_2495 : memref<1x10000xf32, #tpu.memory_space<hbm>> -> memref<10000xf32, #tpu.memory_space<hbm>>
      %dma_wait3A_2497 = arith.constant 0 : i32
      %dma_wait3A_2498 = tpu.memref_slice %arg9[%add3A, %dma_wait3A_2497] : memref<32x10000xf32, #tpu.memory_space<hbm>> -> memref<1x10000xf32, #tpu.memory_space<hbm>>
      %dma_wait3A_2499 = tpu.memref_squeeze %dma_wait3A_2498 : memref<1x10000xf32, #tpu.memory_space<hbm>> -> memref<10000xf32, #tpu.memory_space<hbm>>
      tpu.wait_dma2 semaphore(%arg19 : memref<!tpu.dma_semaphore, #tpu.memory_space<semaphore_mem>>) src(%arg15 : memref<10000xf32, #tpu.memory_space<vmem>>) dst(%dma_wait3A_2499 : memref<10000xf32, #tpu.memory_space<hbm>>)
      %dma_wait3A_2500 = arith.constant 0 : i32
      %dma_wait3A_2501 = tpu.memref_slice %arg16[%mul3A_2, %dma_wait3A_2500] : memref<10008x64xf32, #tpu.memory_space<vmem_shared>> -> memref<640x64xf32, #tpu.memory_space<vmem_shared>>
      %dma_wait3A_2502 = arith.constant 0 : i32
      %dma_wait3A_2503 = arith.constant 0 : i32
      %dma_wait3A_2504 = tpu.memref_slice %arg7[%dma_wait3A_2502, %dma_wait3A_2503] : memref<640x64xf32, #tpu.memory_space<hbm>> -> memref<640x64xf32, #tpu.memory_space<hbm>>
      tpu.wait_dma2 semaphore(%arg20 : memref<!tpu.dma_semaphore, #tpu.memory_space<semaphore_mem>>) src(%dma_wait3A_2504 : memref<640x64xf32, #tpu.memory_space<hbm>>) dst(%dma_wait3A_2501 : memref<640x64xf32, #tpu.memory_space<vmem_shared>>)
    } else {
    }
    %barrier3A_2450 = arith.constant 0 : index
    tpu.barrier barrier_id(%barrier3A_2450)
    %lt3A_2451 = arith.constant 10 : i32
    %lt3A_2452 = arith.cmpi slt, %add3A, %lt3A_2451 : i32
    %convert_element_type3A_2453 = arith.extui %lt3A_2452 : i1 to i32
    %cond3A_2454 = arith.constant 0 : i32
    %cond3A_2455 = arith.cmpi ne, %convert_element_type3A_2453, %cond3A_2454 : i32
    scf.if %cond3A_2455 {
      %mul3A_2467 = arith.constant 512 : i32
      %mul3A_2468 = arith.muli %add3A, %mul3A_2467 : i32
      %run_scoped3A = arith.constant 0 : i32
      "tpu.region"() ({
        %run_scoped3A_2495 = tpu.sem_alloc : memref<!tpu.dma_semaphore, #tpu.memory_space<semaphore_mem>>
        %dma_start3A_2496 = arith.constant 0 : i32
        %dma_start3A_2497 = tpu.memref_slice %arg11[%run_scoped3A, %dma_start3A_2496] : memref<4x576xi32, #tpu.memory_space<vmem>> -> memref<1x576xi32, #tpu.memory_space<vmem>>
        %dma_start3A_2498 = tpu.memref_squeeze %dma_start3A_2497 : memref<1x576xi32, #tpu.memory_space<vmem>> -> memref<576xi32, #tpu.memory_space<vmem>>
        %dma_start3A_2499 = arith.constant 0 : i32
        %dma_start3A_2500 = tpu.memref_slice %dma_start3A_2498[%dma_start3A_2499] : memref<576xi32, #tpu.memory_space<vmem>> -> memref<512xi32, #tpu.memory_space<vmem>>
        %dma_start3A_2501 = tpu.memref_slice %arg5[%mul3A_2468] : memref<5120xi32, #tpu.memory_space<hbm>> -> memref<512xi32, #tpu.memory_space<hbm>>
        %dma_start3A_2502 = arith.constant 0 : i32
        %dma_start3A_2503 = tpu.memref_slice %arg11[%run_scoped3A, %dma_start3A_2502] : memref<4x576xi32, #tpu.memory_space<vmem>> -> memref<1x576xi32, #tpu.memory_space<vmem>>
        %dma_start3A_2504 = tpu.memref_squeeze %dma_start3A_2503 : memref<1x576xi32, #tpu.memory_space<vmem>> -> memref<576xi32, #tpu.memory_space<vmem>>
        %dma_start3A_2505 = arith.constant 0 : i32
        %dma_start3A_2506 = tpu.memref_slice %dma_start3A_2504[%dma_start3A_2505] : memref<576xi32, #tpu.memory_space<vmem>> -> memref<512xi32, #tpu.memory_space<vmem>>
        %dma_start3A_2507 = tpu.memref_slice %arg5[%mul3A_2468] : memref<5120xi32, #tpu.memory_space<hbm>> -> memref<512xi32, #tpu.memory_space<hbm>>
        tpu.enqueue_dma source(%dma_start3A_2507 : memref<512xi32, #tpu.memory_space<hbm>>) target(%dma_start3A_2506 : memref<512xi32, #tpu.memory_space<vmem>>) target_semaphore(%run_scoped3A_2495 : memref<!tpu.dma_semaphore, #tpu.memory_space<semaphore_mem>>)
        %dma_wait3A_2508 = arith.constant 0 : i32
        %dma_wait3A_2509 = tpu.memref_slice %arg11[%run_scoped3A, %dma_wait3A_2508] : memref<4x576xi32, #tpu.memory_space<vmem>> -> memref<1x576xi32, #tpu.memory_space<vmem>>
        %dma_wait3A_2510 = tpu.memref_squeeze %dma_wait3A_2509 : memref<1x576xi32, #tpu.memory_space<vmem>> -> memref<576xi32, #tpu.memory_space<vmem>>
        %dma_wait3A_2511 = arith.constant 0 : i32
        %dma_wait3A_2512 = tpu.memref_slice %dma_wait3A_2510[%dma_wait3A_2511] : memref<576xi32, #tpu.memory_space<vmem>> -> memref<512xi32, #tpu.memory_space<vmem>>
        %dma_wait3A_2513 = tpu.memref_slice %arg5[%mul3A_2468] : memref<5120xi32, #tpu.memory_space<hbm>> -> memref<512xi32, #tpu.memory_space<hbm>>
        %dma_wait3A_2514 = arith.constant 0 : i32
        %dma_wait3A_2515 = tpu.memref_slice %arg11[%run_scoped3A, %dma_wait3A_2514] : memref<4x576xi32, #tpu.memory_space<vmem>> -> memref<1x576xi32, #tpu.memory_space<vmem>>
        %dma_wait3A_2516 = tpu.memref_squeeze %dma_wait3A_2515 : memref<1x576xi32, #tpu.memory_space<vmem>> -> memref<576xi32, #tpu.memory_space<vmem>>
        %dma_wait3A_2517 = arith.constant 0 : i32
        %dma_wait3A_2518 = tpu.memref_slice %dma_wait3A_2516[%dma_wait3A_2517] : memref<576xi32, #tpu.memory_space<vmem>> -> memref<512xi32, #tpu.memory_space<vmem>>
        %dma_wait3A_2519 = tpu.memref_slice %arg5[%mul3A_2468] : memref<5120xi32, #tpu.memory_space<hbm>> -> memref<512xi32, #tpu.memory_space<hbm>>
        tpu.wait_dma2 semaphore(%run_scoped3A_2495 : memref<!tpu.dma_semaphore, #tpu.memory_space<semaphore_mem>>) src(%dma_wait3A_2519 : memref<512xi32, #tpu.memory_space<hbm>>) dst(%dma_wait3A_2518 : memref<512xi32, #tpu.memory_space<vmem>>)
        tpu.yield
      }) : () -> ()
      %run_scoped3A_2469 = arith.constant 1 : i32
      "tpu.region"() ({
        %run_scoped3A_2495 = tpu.sem_alloc : memref<!tpu.dma_semaphore, #tpu.memory_space<semaphore_mem>>
        %dma_start3A_2496 = arith.constant 0 : i32
        %dma_start3A_2497 = tpu.memref_slice %arg11[%run_scoped3A_2469, %dma_start3A_2496] : memref<4x576xi32, #tpu.memory_space<vmem>> -> memref<1x576xi32, #tpu.memory_space<vmem>>
        %dma_start3A_2498 = tpu.memref_squeeze %dma_start3A_2497 : memref<1x576xi32, #tpu.memory_space<vmem>> -> memref<576xi32, #tpu.memory_space<vmem>>
        %dma_start3A_2499 = arith.constant 0 : i32
        %dma_start3A_2500 = tpu.memref_slice %dma_start3A_2498[%dma_start3A_2499] : memref<576xi32, #tpu.memory_space<vmem>> -> memref<512xi32, #tpu.memory_space<vmem>>
        %dma_start3A_2501 = tpu.memref_slice %arg6[%mul3A_2468] : memref<5120xi32, #tpu.memory_space<hbm>> -> memref<512xi32, #tpu.memory_space<hbm>>
        %dma_start3A_2502 = arith.constant 0 : i32
        %dma_start3A_2503 = tpu.memref_slice %arg11[%run_scoped3A_2469, %dma_start3A_2502] : memref<4x576xi32, #tpu.memory_space<vmem>> -> memref<1x576xi32, #tpu.memory_space<vmem>>
        %dma_start3A_2504 = tpu.memref_squeeze %dma_start3A_2503 : memref<1x576xi32, #tpu.memory_space<vmem>> -> memref<576xi32, #tpu.memory_space<vmem>>
        %dma_start3A_2505 = arith.constant 0 : i32
        %dma_start3A_2506 = tpu.memref_slice %dma_start3A_2504[%dma_start3A_2505] : memref<576xi32, #tpu.memory_space<vmem>> -> memref<512xi32, #tpu.memory_space<vmem>>
        %dma_start3A_2507 = tpu.memref_slice %arg6[%mul3A_2468] : memref<5120xi32, #tpu.memory_space<hbm>> -> memref<512xi32, #tpu.memory_space<hbm>>
        tpu.enqueue_dma source(%dma_start3A_2507 : memref<512xi32, #tpu.memory_space<hbm>>) target(%dma_start3A_2506 : memref<512xi32, #tpu.memory_space<vmem>>) target_semaphore(%run_scoped3A_2495 : memref<!tpu.dma_semaphore, #tpu.memory_space<semaphore_mem>>)
        %dma_wait3A_2508 = arith.constant 0 : i32
        %dma_wait3A_2509 = tpu.memref_slice %arg11[%run_scoped3A_2469, %dma_wait3A_2508] : memref<4x576xi32, #tpu.memory_space<vmem>> -> memref<1x576xi32, #tpu.memory_space<vmem>>
        %dma_wait3A_2510 = tpu.memref_squeeze %dma_wait3A_2509 : memref<1x576xi32, #tpu.memory_space<vmem>> -> memref<576xi32, #tpu.memory_space<vmem>>
        %dma_wait3A_2511 = arith.constant 0 : i32
        %dma_wait3A_2512 = tpu.memref_slice %dma_wait3A_2510[%dma_wait3A_2511] : memref<576xi32, #tpu.memory_space<vmem>> -> memref<512xi32, #tpu.memory_space<vmem>>
        %dma_wait3A_2513 = tpu.memref_slice %arg6[%mul3A_2468] : memref<5120xi32, #tpu.memory_space<hbm>> -> memref<512xi32, #tpu.memory_space<hbm>>
        %dma_wait3A_2514 = arith.constant 0 : i32
        %dma_wait3A_2515 = tpu.memref_slice %arg11[%run_scoped3A_2469, %dma_wait3A_2514] : memref<4x576xi32, #tpu.memory_space<vmem>> -> memref<1x576xi32, #tpu.memory_space<vmem>>
        %dma_wait3A_2516 = tpu.memref_squeeze %dma_wait3A_2515 : memref<1x576xi32, #tpu.memory_space<vmem>> -> memref<576xi32, #tpu.memory_space<vmem>>
        %dma_wait3A_2517 = arith.constant 0 : i32
        %dma_wait3A_2518 = tpu.memref_slice %dma_wait3A_2516[%dma_wait3A_2517] : memref<576xi32, #tpu.memory_space<vmem>> -> memref<512xi32, #tpu.memory_space<vmem>>
        %dma_wait3A_2519 = tpu.memref_slice %arg6[%mul3A_2468] : memref<5120xi32, #tpu.memory_space<hbm>> -> memref<512xi32, #tpu.memory_space<hbm>>
        tpu.wait_dma2 semaphore(%run_scoped3A_2495 : memref<!tpu.dma_semaphore, #tpu.memory_space<semaphore_mem>>) src(%dma_wait3A_2519 : memref<512xi32, #tpu.memory_space<hbm>>) dst(%dma_wait3A_2518 : memref<512xi32, #tpu.memory_space<vmem>>)
        tpu.yield
      }) : () -> ()
      %dma_start3A_2470 = arith.constant 0 : i32
      %dma_start3A_2471 = arith.constant 0 : i32
      %dma_start3A_2472 = arith.constant 0 : i32
      %dma_start3A_2473 = tpu.memref_slice %arg13[%dma_start3A_2471, %dma_start3A_2472] : memref<576x64xf32, #tpu.memory_space<vmem>> -> memref<512x64xf32, #tpu.memory_space<vmem>>
      %dma_start3A_2474 = arith.constant 0 : i32
      %dma_start3A_2475 = tpu.memref_slice %arg11[%dma_start3A_2470, %dma_start3A_2474] : memref<4x576xi32, #tpu.memory_space<vmem>> -> memref<1x576xi32, #tpu.memory_space<vmem>>
      %dma_start3A_2476 = tpu.memref_squeeze %dma_start3A_2475 : memref<1x576xi32, #tpu.memory_space<vmem>> -> memref<576xi32, #tpu.memory_space<vmem>>
      %dma_start3A_2477 = arith.constant 0 : i32
      %dma_start3A_2478 = tpu.memref_slice %dma_start3A_2476[%dma_start3A_2477] : memref<576xi32, #tpu.memory_space<vmem>> -> memref<512xi32, #tpu.memory_space<vmem>>
      %dma_start3A_2479 = arith.constant 0 : i32
      %dma_start3A_2480 = arith.constant 0 : i32
      %dma_start3A_2481 = tpu.memref_slice %arg3[%dma_start3A_2479, %dma_start3A_2480] : memref<10000x64xf32, #tpu.memory_space<hbm>> -> memref<10000x64xf32, #tpu.memory_space<hbm>>
      tpu.enqueue_indirect_dma source(%dma_start3A_2481 : memref<10000x64xf32, #tpu.memory_space<hbm>>) target(%dma_start3A_2473 : memref<512x64xf32, #tpu.memory_space<vmem>>) offsets(%dma_start3A_2478 : memref<512xi32, #tpu.memory_space<vmem>>) semaphore(%arg18 : memref<!tpu.dma_semaphore, #tpu.memory_space<semaphore_mem>>)
      %dma_wait3A_2482 = arith.constant 0 : i32
      %dma_wait3A_2483 = arith.constant 0 : i32
      %dma_wait3A_2484 = arith.constant 0 : i32
      %dma_wait3A_2485 = tpu.memref_slice %arg13[%dma_wait3A_2483, %dma_wait3A_2484] : memref<576x64xf32, #tpu.memory_space<vmem>> -> memref<512x64xf32, #tpu.memory_space<vmem>>
      %dma_wait3A_2486 = arith.constant 0 : i32
      %dma_wait3A_2487 = tpu.memref_slice %arg11[%dma_wait3A_2482, %dma_wait3A_2486] : memref<4x576xi32, #tpu.memory_space<vmem>> -> memref<1x576xi32, #tpu.memory_space<vmem>>
      %dma_wait3A_2488 = tpu.memref_squeeze %dma_wait3A_2487 : memref<1x576xi32, #tpu.memory_space<vmem>> -> memref<576xi32, #tpu.memory_space<vmem>>
      %dma_wait3A_2489 = arith.constant 0 : i32
      %dma_wait3A_2490 = tpu.memref_slice %dma_wait3A_2488[%dma_wait3A_2489] : memref<576xi32, #tpu.memory_space<vmem>> -> memref<512xi32, #tpu.memory_space<vmem>>
      %dma_wait3A_2491 = arith.constant 0 : i32
      %dma_wait3A_2492 = arith.constant 0 : i32
      %dma_wait3A_2493 = tpu.memref_slice %arg3[%dma_wait3A_2491, %dma_wait3A_2492] : memref<10000x64xf32, #tpu.memory_space<hbm>> -> memref<10000x64xf32, #tpu.memory_space<hbm>>
      tpu.wait_indirect_dma semaphore(%arg18 : memref<!tpu.dma_semaphore, #tpu.memory_space<semaphore_mem>>) src(%dma_wait3A_2493 : memref<10000x64xf32, #tpu.memory_space<hbm>>) dst(%dma_wait3A_2485 : memref<512x64xf32, #tpu.memory_space<vmem>>)
      %run_scoped3A_2494 = arith.constant 1 : i32
      "tpu.region"() ({
        %run_scoped3A_2495 = tpu.sem_alloc : memref<!tpu.dma_semaphore, #tpu.memory_space<semaphore_mem>>
        %dma_start3A_2496 = arith.constant 0 : i32
        %dma_start3A_2497 = arith.constant 0 : i32
        %dma_start3A_2498 = tpu.memref_slice %arg13[%dma_start3A_2496, %dma_start3A_2497] : memref<576x64xf32, #tpu.memory_space<vmem>> -> memref<512x64xf32, #tpu.memory_space<vmem>>
        %dma_start3A_2499 = arith.constant 0 : i32
        %dma_start3A_2500 = tpu.memref_slice %arg11[%run_scoped3A_2494, %dma_start3A_2499] : memref<4x576xi32, #tpu.memory_space<vmem>> -> memref<1x576xi32, #tpu.memory_space<vmem>>
        %dma_start3A_2501 = tpu.memref_squeeze %dma_start3A_2500 : memref<1x576xi32, #tpu.memory_space<vmem>> -> memref<576xi32, #tpu.memory_space<vmem>>
        %dma_start3A_2502 = arith.constant 0 : i32
        %dma_start3A_2503 = tpu.memref_slice %dma_start3A_2501[%dma_start3A_2502] : memref<576xi32, #tpu.memory_space<vmem>> -> memref<512xi32, #tpu.memory_space<vmem>>
        %dma_start3A_2504 = arith.constant 0 : i32
        %dma_start3A_2505 = arith.constant 0 : i32
        %dma_start3A_2506 = tpu.memref_slice %arg16[%dma_start3A_2504, %dma_start3A_2505] : memref<10008x64xf32, #tpu.memory_space<vmem_shared>> -> memref<10008x64xf32, #tpu.memory_space<vmem_shared>>
        tpu.enqueue_indirect_dma source(%dma_start3A_2498 : memref<512x64xf32, #tpu.memory_space<vmem>>) target(%dma_start3A_2506 : memref<10008x64xf32, #tpu.memory_space<vmem_shared>>) offsets(%dma_start3A_2503 : memref<512xi32, #tpu.memory_space<vmem>>) semaphore(%run_scoped3A_2495 : memref<!tpu.dma_semaphore, #tpu.memory_space<semaphore_mem>>) {add = true}
        %dma_wait3A_2507 = arith.constant 0 : i32
        %dma_wait3A_2508 = arith.constant 0 : i32
        %dma_wait3A_2509 = tpu.memref_slice %arg13[%dma_wait3A_2507, %dma_wait3A_2508] : memref<576x64xf32, #tpu.memory_space<vmem>> -> memref<512x64xf32, #tpu.memory_space<vmem>>
        %dma_wait3A_2510 = arith.constant 0 : i32
        %dma_wait3A_2511 = tpu.memref_slice %arg11[%run_scoped3A_2494, %dma_wait3A_2510] : memref<4x576xi32, #tpu.memory_space<vmem>> -> memref<1x576xi32, #tpu.memory_space<vmem>>
        %dma_wait3A_2512 = tpu.memref_squeeze %dma_wait3A_2511 : memref<1x576xi32, #tpu.memory_space<vmem>> -> memref<576xi32, #tpu.memory_space<vmem>>
        %dma_wait3A_2513 = arith.constant 0 : i32
        %dma_wait3A_2514 = tpu.memref_slice %dma_wait3A_2512[%dma_wait3A_2513] : memref<576xi32, #tpu.memory_space<vmem>> -> memref<512xi32, #tpu.memory_space<vmem>>
        %dma_wait3A_2515 = arith.constant 0 : i32
        %dma_wait3A_2516 = arith.constant 0 : i32
        %dma_wait3A_2517 = tpu.memref_slice %arg16[%dma_wait3A_2515, %dma_wait3A_2516] : memref<10008x64xf32, #tpu.memory_space<vmem_shared>> -> memref<10008x64xf32, #tpu.memory_space<vmem_shared>>
        tpu.wait_indirect_dma semaphore(%run_scoped3A_2495 : memref<!tpu.dma_semaphore, #tpu.memory_space<semaphore_mem>>) src(%dma_wait3A_2509 : memref<512x64xf32, #tpu.memory_space<vmem>>) dst(%dma_wait3A_2517 : memref<10008x64xf32, #tpu.memory_space<vmem_shared>>)
        tpu.yield
      }) : () -> ()
    } else {
    }
    %barrier3A_2456 = arith.constant 0 : index
    tpu.barrier barrier_id(%barrier3A_2456)
    %lt3A_2457 = arith.constant 15 : i32
    %lt3A_2458 = arith.cmpi slt, %arg1, %lt3A_2457 : i32
    %convert_element_type3A_2459 = arith.extui %lt3A_2458 : i1 to i32
    %cond3A_2460 = arith.constant 0 : i32
    %cond3A_2461 = arith.cmpi ne, %convert_element_type3A_2459, %cond3A_2460 : i32
    scf.if %cond3A_2461 {
      "tpu.region"() ({
        %run_scoped3A = tpu.sem_alloc : memref<!tpu.dma_semaphore, #tpu.memory_space<semaphore_mem>>
        %dma_start3A_2467 = arith.constant 0 : i32
        %dma_start3A_2468 = arith.constant 0 : i32
        %dma_start3A_2469 = tpu.memref_slice %arg10[%arg0, %dma_start3A_2467, %dma_start3A_2468] : memref<2x10000x64xf32, #tpu.memory_space<hbm>> -> memref<1x10000x64xf32, #tpu.memory_space<hbm>>
        %dma_start3A_2470 = tpu.memref_squeeze %dma_start3A_2469 : memref<1x10000x64xf32, #tpu.memory_space<hbm>> -> memref<10000x64xf32, #tpu.memory_space<hbm>>
        %dma_start3A_2471 = arith.constant 0 : i32
        %dma_start3A_2472 = tpu.memref_slice %dma_start3A_2470[%mul3A_2, %dma_start3A_2471] : memref<10000x64xf32, #tpu.memory_space<hbm>> -> memref<624x64xf32, #tpu.memory_space<hbm>>
        %dma_start3A_2473 = arith.constant 0 : i32
        %dma_start3A_2474 = tpu.memref_slice %arg16[%mul3A_2, %dma_start3A_2473] : memref<10008x64xf32, #tpu.memory_space<vmem_shared>> -> memref<624x64xf32, #tpu.memory_space<vmem_shared>>
        tpu.enqueue_dma source(%dma_start3A_2474 : memref<624x64xf32, #tpu.memory_space<vmem_shared>>) target(%dma_start3A_2472 : memref<624x64xf32, #tpu.memory_space<hbm>>) target_semaphore(%run_scoped3A : memref<!tpu.dma_semaphore, #tpu.memory_space<semaphore_mem>>)
        %dma_wait3A_2475 = arith.constant 0 : i32
        %dma_wait3A_2476 = arith.constant 0 : i32
        %dma_wait3A_2477 = tpu.memref_slice %arg10[%arg0, %dma_wait3A_2475, %dma_wait3A_2476] : memref<2x10000x64xf32, #tpu.memory_space<hbm>> -> memref<1x10000x64xf32, #tpu.memory_space<hbm>>
        %dma_wait3A_2478 = tpu.memref_squeeze %dma_wait3A_2477 : memref<1x10000x64xf32, #tpu.memory_space<hbm>> -> memref<10000x64xf32, #tpu.memory_space<hbm>>
        %dma_wait3A_2479 = arith.constant 0 : i32
        %dma_wait3A_2480 = tpu.memref_slice %dma_wait3A_2478[%mul3A_2, %dma_wait3A_2479] : memref<10000x64xf32, #tpu.memory_space<hbm>> -> memref<624x64xf32, #tpu.memory_space<hbm>>
        %dma_wait3A_2481 = arith.constant 0 : i32
        %dma_wait3A_2482 = tpu.memref_slice %arg16[%mul3A_2, %dma_wait3A_2481] : memref<10008x64xf32, #tpu.memory_space<vmem_shared>> -> memref<624x64xf32, #tpu.memory_space<vmem_shared>>
        tpu.wait_dma2 semaphore(%run_scoped3A : memref<!tpu.dma_semaphore, #tpu.memory_space<semaphore_mem>>) src(%dma_wait3A_2482 : memref<624x64xf32, #tpu.memory_space<vmem_shared>>) dst(%dma_wait3A_2480 : memref<624x64xf32, #tpu.memory_space<hbm>>)
        tpu.yield
      }) : () -> ()
    } else {
    }
    %eq3A_2462 = arith.constant 15 : i32
    %eq3A_2463 = arith.cmpi eq, %arg1, %eq3A_2462 : i32
    %convert_element_type3A_2464 = arith.extui %eq3A_2463 : i1 to i32
    %cond3A_2465 = arith.constant 0 : i32
    %cond3A_2466 = arith.cmpi ne, %convert_element_type3A_2464, %cond3A_2465 : i32
    scf.if %cond3A_2466 {
      "tpu.region"() ({
        %run_scoped3A = tpu.sem_alloc : memref<!tpu.dma_semaphore, #tpu.memory_space<semaphore_mem>>
        %dma_start3A_2467 = arith.constant 0 : i32
        %dma_start3A_2468 = arith.constant 0 : i32
        %dma_start3A_2469 = tpu.memref_slice %arg10[%arg0, %dma_start3A_2467, %dma_start3A_2468] : memref<2x10000x64xf32, #tpu.memory_space<hbm>> -> memref<1x10000x64xf32, #tpu.memory_space<hbm>>
        %dma_start3A_2470 = tpu.memref_squeeze %dma_start3A_2469 : memref<1x10000x64xf32, #tpu.memory_space<hbm>> -> memref<10000x64xf32, #tpu.memory_space<hbm>>
        %dma_start3A_2471 = arith.constant 0 : i32
        %dma_start3A_2472 = tpu.memref_slice %dma_start3A_2470[%mul3A_2, %dma_start3A_2471] : memref<10000x64xf32, #tpu.memory_space<hbm>> -> memref<640x64xf32, #tpu.memory_space<hbm>>
        %dma_start3A_2473 = arith.constant 0 : i32
        %dma_start3A_2474 = tpu.memref_slice %arg16[%mul3A_2, %dma_start3A_2473] : memref<10008x64xf32, #tpu.memory_space<vmem_shared>> -> memref<640x64xf32, #tpu.memory_space<vmem_shared>>
        tpu.enqueue_dma source(%dma_start3A_2474 : memref<640x64xf32, #tpu.memory_space<vmem_shared>>) target(%dma_start3A_2472 : memref<640x64xf32, #tpu.memory_space<hbm>>) target_semaphore(%run_scoped3A : memref<!tpu.dma_semaphore, #tpu.memory_space<semaphore_mem>>)
        %dma_wait3A_2475 = arith.constant 0 : i32
        %dma_wait3A_2476 = arith.constant 0 : i32
        %dma_wait3A_2477 = tpu.memref_slice %arg10[%arg0, %dma_wait3A_2475, %dma_wait3A_2476] : memref<2x10000x64xf32, #tpu.memory_space<hbm>> -> memref<1x10000x64xf32, #tpu.memory_space<hbm>>
        %dma_wait3A_2478 = tpu.memref_squeeze %dma_wait3A_2477 : memref<1x10000x64xf32, #tpu.memory_space<hbm>> -> memref<10000x64xf32, #tpu.memory_space<hbm>>
        %dma_wait3A_2479 = arith.constant 0 : i32
        %dma_wait3A_2480 = tpu.memref_slice %dma_wait3A_2478[%mul3A_2, %dma_wait3A_2479] : memref<10000x64xf32, #tpu.memory_space<hbm>> -> memref<640x64xf32, #tpu.memory_space<hbm>>
        %dma_wait3A_2481 = arith.constant 0 : i32
        %dma_wait3A_2482 = tpu.memref_slice %arg16[%mul3A_2, %dma_wait3A_2481] : memref<10008x64xf32, #tpu.memory_space<vmem_shared>> -> memref<640x64xf32, #tpu.memory_space<vmem_shared>>
        tpu.wait_dma2 semaphore(%run_scoped3A : memref<!tpu.dma_semaphore, #tpu.memory_space<semaphore_mem>>) src(%dma_wait3A_2482 : memref<640x64xf32, #tpu.memory_space<vmem_shared>>) dst(%dma_wait3A_2480 : memref<640x64xf32, #tpu.memory_space<hbm>>)
        tpu.yield
      }) : () -> ()
    } else {
    }
    return
  }
}

module attributes {stable_mosaic.version = 14 : i64} {
  func.func @_proj_body(%arg0: i32, %arg1: memref<1000x128xf32, #tpu.memory_space<vmem>>, %arg2: memref<128x64xf32, #tpu.memory_space<vmem>>, %arg3: memref<128x64xf32, #tpu.memory_space<vmem>>, %arg4: memref<128x64xf32, #tpu.memory_space<vmem>>, %arg5: memref<1000x64xf32, #tpu.memory_space<vmem>>, %arg6: memref<1000x64xf32, #tpu.memory_space<vmem>>, %arg7: memref<1000x64xf32, #tpu.memory_space<vmem>>) attributes {dimension_semantics = [#tpu.dimension_semantics<arbitrary>], iteration_bounds = array<i64: 10>, scalar_prefetch = 0 : i64, scratch_operands = 0 : i64, tpu.core_type = #tpu.core_type<tc>, window_params = [{transform_indices = @transform_0, window_bounds = array<i64: 1000, 128>}, {pipeline_mode = #tpu.pipeline_mode<synchronous>, transform_indices = @transform_1, window_bounds = array<i64: 128, 64>}, {pipeline_mode = #tpu.pipeline_mode<synchronous>, transform_indices = @transform_2, window_bounds = array<i64: 128, 64>}, {pipeline_mode = #tpu.pipeline_mode<synchronous>, transform_indices = @transform_3, window_bounds = array<i64: 128, 64>}, {transform_indices = @transform_4, window_bounds = array<i64: 1000, 64>}, {transform_indices = @transform_5, window_bounds = array<i64: 1000, 64>}, {transform_indices = @transform_6, window_bounds = array<i64: 1000, 64>}]} {
    %get3A = arith.constant 0 : index
    %get3A_0 = arith.constant 0 : index
    %get3A_1 = vector.load %arg1[%get3A, %get3A_0] : memref<1000x128xf32, #tpu.memory_space<vmem>>, vector<1000x128xf32>
    %get3A_2 = arith.constant 0 : index
    %get3A_3 = arith.constant 0 : index
    %get3A_4 = vector.load %arg2[%get3A_2, %get3A_3] : memref<128x64xf32, #tpu.memory_space<vmem>>, vector<128x64xf32>
    %dot_general3A = arith.constant dense<0.000000e+00> : vector<1000x64xf32>
    %dot_general3A_5 = tpu.matmul %get3A_1, %get3A_4, %dot_general3A {dimension_numbers = #tpu.dot_dimension_numbers<[1], [0], [0], [1], [0, 0, 1, 1], [], []>, transpose_lhs_hint = false} : vector<1000x128xf32>, vector<128x64xf32>, vector<1000x64xf32> -> vector<1000x64xf32>
    %swap3A = arith.constant 0 : index
    %swap3A_6 = arith.constant 0 : index
    %swap3A_7 = vector.load %arg5[%swap3A, %swap3A_6] : memref<1000x64xf32, #tpu.memory_space<vmem>>, vector<1000x64xf32>
    tpu.vector_store %arg5[%swap3A, %swap3A_6], %dot_general3A_5 {strides = array<i32>} : memref<1000x64xf32, #tpu.memory_space<vmem>>, vector<1000x64xf32>,
    %get3A_8 = arith.constant 0 : index
    %get3A_9 = arith.constant 0 : index
    %get3A_10 = vector.load %arg3[%get3A_8, %get3A_9] : memref<128x64xf32, #tpu.memory_space<vmem>>, vector<128x64xf32>
    %dot_general3A_11 = arith.constant dense<0.000000e+00> : vector<1000x64xf32>
    %dot_general3A_12 = tpu.matmul %get3A_1, %get3A_10, %dot_general3A_11 {dimension_numbers = #tpu.dot_dimension_numbers<[1], [0], [0], [1], [0, 0, 1, 1], [], []>, transpose_lhs_hint = false} : vector<1000x128xf32>, vector<128x64xf32>, vector<1000x64xf32> -> vector<1000x64xf32>
    %swap3A_13 = arith.constant 0 : index
    %swap3A_14 = arith.constant 0 : index
    %swap3A_15 = vector.load %arg6[%swap3A_13, %swap3A_14] : memref<1000x64xf32, #tpu.memory_space<vmem>>, vector<1000x64xf32>
    tpu.vector_store %arg6[%swap3A_13, %swap3A_14], %dot_general3A_12 {strides = array<i32>} : memref<1000x64xf32, #tpu.memory_space<vmem>>, vector<1000x64xf32>,
    %get3A_16 = arith.constant 0 : index
    %get3A_17 = arith.constant 0 : index
    %get3A_18 = vector.load %arg4[%get3A_16, %get3A_17] : memref<128x64xf32, #tpu.memory_space<vmem>>, vector<128x64xf32>
    %dot_general3A_19 = arith.constant dense<0.000000e+00> : vector<1000x64xf32>
    %dot_general3A_20 = tpu.matmul %get3A_1, %get3A_18, %dot_general3A_19 {dimension_numbers = #tpu.dot_dimension_numbers<[1], [0], [0], [1], [0, 0, 1, 1], [], []>, transpose_lhs_hint = false} : vector<1000x128xf32>, vector<128x64xf32>, vector<1000x64xf32> -> vector<1000x64xf32>
    %swap3A_21 = arith.constant 0 : index
    %swap3A_22 = arith.constant 0 : index
    %swap3A_23 = vector.load %arg7[%swap3A_21, %swap3A_22] : memref<1000x64xf32, #tpu.memory_space<vmem>>, vector<1000x64xf32>
    tpu.vector_store %arg7[%swap3A_21, %swap3A_22], %dot_general3A_20 {strides = array<i32>} : memref<1000x64xf32, #tpu.memory_space<vmem>>, vector<1000x64xf32>,
    return
  }
  func.func @transform_0(%arg0: i32) -> (i32, i32) {
    %c0_i32 = arith.constant 0 : i32
    %c0_i32_0 = arith.constant 0 : i32
    return %arg0, %c0_i32 : i32, i32
  }
  func.func @transform_1(%arg0: i32) -> (i32, i32) {
    %c0_i32 = arith.constant 0 : i32
    %c0_i32_0 = arith.constant 0 : i32
    %c0_i32_1 = arith.constant 0 : i32
    return %c0_i32, %c0_i32_0 : i32, i32
  }
  func.func @transform_2(%arg0: i32) -> (i32, i32) {
    %c0_i32 = arith.constant 0 : i32
    %c0_i32_0 = arith.constant 0 : i32
    %c0_i32_1 = arith.constant 0 : i32
    return %c0_i32, %c0_i32_0 : i32, i32
  }
  func.func @transform_3(%arg0: i32) -> (i32, i32) {
    %c0_i32 = arith.constant 0 : i32
    %c0_i32_0 = arith.constant 0 : i32
    %c0_i32_1 = arith.constant 0 : i32
    return %c0_i32, %c0_i32_0 : i32, i32
  }
  func.func @transform_4(%arg0: i32) -> (i32, i32) {
    %c0_i32 = arith.constant 0 : i32
    %c0_i32_0 = arith.constant 0 : i32
    return %arg0, %c0_i32 : i32, i32
  }
  func.func @transform_5(%arg0: i32) -> (i32, i32) {
    %c0_i32 = arith.constant 0 : i32
    %c0_i32_0 = arith.constant 0 : i32
    return %arg0, %c0_i32 : i32, i32
  }
  func.func @transform_6(%arg0: i32) -> (i32, i32) {
    %c0_i32 = arith.constant 0 : i32
    %c0_i32_0 = arith.constant 0 : i32
    return %arg0, %c0_i32 : i32, i32
  }
}

module attributes {stable_mosaic.version = 14 : i64} {
  func.func @_combine_body(%arg0: i32, %arg1: memref<1000x64xf32, #tpu.memory_space<vmem>>, %arg2: memref<2x1000x64xf32, #tpu.memory_space<vmem>>, %arg3: memref<1000x32xf32, #tpu.memory_space<vmem>>, %arg4: memref<2x1000x64xf32, #tpu.memory_space<vmem>>, %arg5: memref<1x128xf32, #tpu.memory_space<vmem>>, %arg6: memref<1000x128xf32, #tpu.memory_space<vmem>>) attributes {dimension_semantics = [#tpu.dimension_semantics<arbitrary>], iteration_bounds = array<i64: 10>, scalar_prefetch = 0 : i64, scratch_operands = 0 : i64, tpu.core_type = #tpu.core_type<tc>, window_params = [{transform_indices = @transform_0, window_bounds = array<i64: 1000, 64>}, {transform_indices = @transform_1, window_bounds = array<i64: 2, 1000, 64>}, {transform_indices = @transform_2, window_bounds = array<i64: 1000, 32>}, {transform_indices = @transform_3, window_bounds = array<i64: 2, 1000, 64>}, {pipeline_mode = #tpu.pipeline_mode<synchronous>, transform_indices = @transform_4, window_bounds = array<i64: 1, 128>}, {transform_indices = @transform_5, window_bounds = array<i64: 1000, 128>}]} {
    %get3A = arith.constant 0 : index
    %get3A_0 = arith.constant 0 : index
    %get3A_1 = vector.load %arg1[%get3A, %get3A_0] : memref<1000x64xf32, #tpu.memory_space<vmem>>, vector<1000x64xf32>
    %get3A_2 = arith.constant 0 : index
    %get3A_3 = arith.constant 0 : index
    %get3A_4 = arith.constant 0 : index
    %get3A_5 = vector.load %arg4[%get3A_2, %get3A_3, %get3A_4] : memref<2x1000x64xf32, #tpu.memory_space<vmem>>, vector<1x1000x64xf32>
    %get3A_6 = vector.shape_cast %get3A_5 : vector<1x1000x64xf32> to vector<1000x64xf32>
    %add3A = arith.addf %get3A_1, %get3A_6 : vector<1000x64xf32>
    %get3A_7 = arith.constant 1 : index
    %get3A_8 = arith.constant 0 : index
    %get3A_9 = arith.constant 0 : index
    %get3A_10 = vector.load %arg4[%get3A_7, %get3A_8, %get3A_9] : memref<2x1000x64xf32, #tpu.memory_space<vmem>>, vector<1x1000x64xf32>
    %get3A_11 = vector.shape_cast %get3A_10 : vector<1x1000x64xf32> to vector<1000x64xf32>
    %add3A_12 = arith.addf %add3A, %get3A_11 : vector<1000x64xf32>
    %get3A_13 = arith.constant 0 : index
    %get3A_14 = arith.constant 0 : index
    %get3A_15 = vector.load %arg3[%get3A_13, %get3A_14] : memref<1000x32xf32, #tpu.memory_space<vmem>>, vector<1000x32xf32>
    %reduce_sum3A = arith.constant dense<0.000000e+00> : vector<1000xf32>
    %reduce_sum3A_16 = vector.multi_reduction <add>, %get3A_15, %reduce_sum3A [1] : vector<1000x32xf32> to vector<1000xf32>
    %get3A_17 = arith.constant 0 : index
    %get3A_18 = arith.constant 0 : index
    %get3A_19 = arith.constant 0 : index
    %get3A_20 = vector.load %arg2[%get3A_17, %get3A_18, %get3A_19] : memref<2x1000x64xf32, #tpu.memory_space<vmem>>, vector<1x1000x64xf32>
    %get3A_21 = vector.shape_cast %get3A_20 : vector<1x1000x64xf32> to vector<1000x64xf32>
    %get3A_22 = arith.constant 1 : index
    %get3A_23 = arith.constant 0 : index
    %get3A_24 = arith.constant 0 : index
    %get3A_25 = vector.load %arg2[%get3A_22, %get3A_23, %get3A_24] : memref<2x1000x64xf32, #tpu.memory_space<vmem>>, vector<1x1000x64xf32>
    %get3A_26 = vector.shape_cast %get3A_25 : vector<1x1000x64xf32> to vector<1000x64xf32>
    %add3A_27 = arith.addf %get3A_21, %get3A_26 : vector<1000x64xf32>
    %broadcast_in_dim3A = vector.shape_cast %reduce_sum3A_16 : vector<1000xf32> to vector<1000x1xf32>
    %max3A = arith.constant 1.000000e+00 : f32
    %max3A_28 = vector.broadcast %max3A : f32 to vector<1000x1xf32>
    %max3A_29 = arith.maximumf %broadcast_in_dim3A, %max3A_28 : vector<1000x1xf32>
    %div3A = vector.broadcast %max3A_29 : vector<1000x1xf32> to vector<1000x64xf32>
    %div3A_30 = arith.divf %add3A_27, %div3A : vector<1000x64xf32>
    %get3A_31 = arith.constant 0 : index
    %get3A_32 = arith.constant 0 : index
    %get3A_33 = vector.load %arg5[%get3A_31, %get3A_32] : memref<1x128xf32, #tpu.memory_space<vmem>>, vector<1x128xf32>
    %slice3A = vector.extract_strided_slice %get3A_33 {offsets = [0, 0], sizes = [1, 64], strides = [1, 1]} : vector<1x128xf32> to vector<1x64xf32>
    %squeeze3A = vector.shape_cast %slice3A : vector<1x64xf32> to vector<64xf32>
    %broadcast_in_dim3A_34 = vector.shape_cast %squeeze3A : vector<64xf32> to vector<1x64xf32>
    %add3A_35 = vector.broadcast %broadcast_in_dim3A_34 : vector<1x64xf32> to vector<1000x64xf32>
    %add3A_36 = arith.addf %add3A_12, %add3A_35 : vector<1000x64xf32>
    %max3A_37 = arith.constant 0.000000e+00 : f32
    %max3A_38 = vector.broadcast %max3A_37 : f32 to vector<1000x64xf32>
    %max3A_39 = arith.maximumf %add3A_36, %max3A_38 : vector<1000x64xf32>
    %swap3A = arith.constant 0 : index
    %swap3A_40 = arith.constant 0 : index
    %swap3A_41 = vector.load %arg6[%swap3A, %swap3A_40] : memref<1000x128xf32, #tpu.memory_space<vmem>>, vector<1000x64xf32>
    tpu.vector_store %arg6[%swap3A, %swap3A_40], %max3A_39 {strides = array<i32>} : memref<1000x128xf32, #tpu.memory_space<vmem>>, vector<1000x64xf32>,
    %slice3A_42 = vector.extract_strided_slice %get3A_33 {offsets = [0, 64], sizes = [1, 64], strides = [1, 1]} : vector<1x128xf32> to vector<1x64xf32>
    %squeeze3A_43 = vector.shape_cast %slice3A_42 : vector<1x64xf32> to vector<64xf32>
    %broadcast_in_dim3A_44 = vector.shape_cast %squeeze3A_43 : vector<64xf32> to vector<1x64xf32>
    %add3A_45 = vector.broadcast %broadcast_in_dim3A_44 : vector<1x64xf32> to vector<1000x64xf32>
    %add3A_46 = arith.addf %div3A_30, %add3A_45 : vector<1000x64xf32>
    %max3A_47 = arith.constant 0.000000e+00 : f32
    %max3A_48 = vector.broadcast %max3A_47 : f32 to vector<1000x64xf32>
    %max3A_49 = arith.maximumf %add3A_46, %max3A_48 : vector<1000x64xf32>
    %swap3A_50 = arith.constant 0 : index
    %swap3A_51 = arith.constant 64 : index
    %swap3A_52 = vector.load %arg6[%swap3A_50, %swap3A_51] : memref<1000x128xf32, #tpu.memory_space<vmem>>, vector<1000x64xf32>
    tpu.vector_store %arg6[%swap3A_50, %swap3A_51], %max3A_49 {strides = array<i32>} : memref<1000x128xf32, #tpu.memory_space<vmem>>, vector<1000x64xf32>,
    return
  }
  func.func @transform_0(%arg0: i32) -> (i32, i32) {
    %c0_i32 = arith.constant 0 : i32
    %c0_i32_0 = arith.constant 0 : i32
    return %arg0, %c0_i32 : i32, i32
  }
  func.func @transform_1(%arg0: i32) -> (i32, i32, i32) {
    %c0_i32 = arith.constant 0 : i32
    %c0_i32_0 = arith.constant 0 : i32
    %c0_i32_1 = arith.constant 0 : i32
    return %c0_i32, %arg0, %c0_i32_0 : i32, i32, i32
  }
  func.func @transform_2(%arg0: i32) -> (i32, i32) {
    %c0_i32 = arith.constant 0 : i32
    %c0_i32_0 = arith.constant 0 : i32
    return %arg0, %c0_i32 : i32, i32
  }
  func.func @transform_3(%arg0: i32) -> (i32, i32, i32) {
    %c0_i32 = arith.constant 0 : i32
    %c0_i32_0 = arith.constant 0 : i32
    %c0_i32_1 = arith.constant 0 : i32
    return %c0_i32, %arg0, %c0_i32_0 : i32, i32, i32
  }
  func.func @transform_4(%arg0: i32) -> (i32, i32) {
    %c0_i32 = arith.constant 0 : i32
    %c0_i32_0 = arith.constant 0 : i32
    %c0_i32_1 = arith.constant 0 : i32
    return %c0_i32, %c0_i32_0 : i32, i32
  }
  func.func @transform_5(%arg0: i32) -> (i32, i32) {
    %c0_i32 = arith.constant 0 : i32
    %c0_i32_0 = arith.constant 0 : i32
    return %arg0, %c0_i32 : i32, i32
  }
}

</mosaic_0001>

<sc_bundles>
// kernel: kernel.5.cloned.1.call-start
scs
__scs_entry_jumppad:
0x0: {  	(pc) =	sbr.rel $0x88, $3  }
0x1: {  	(tag) =	ssettag $0x0;
	lr =	simm.s32 $0x1  }
0x2: {  	[smem:$0x3F9A] =	sst lr;
	_ =	strace $0xD0000000  }
0x3: {  	_ = 	snop  }
0x4: {  	_ = 	snop  }
0x5: {  	_ = 	snop  }
0x6: {  	_ = 	snop  }
0x7: {  	_ = 	snop  }
__scs_overlays_trampoline_lowered:
0x8: {  	[smem:$0x3FA9] =	sst s0  }
0x9: {  	[smem:$0x3FAA] =	sst s1  }
0xa: {  	[smem:$0x3FAB] =	sst s2  }
0xb: {  	[smem:$0x3FAC] =	sst s3  }
0xc: {  	[smem:$0x3FAD] =	sst s4  }
0xd: {  	[smem:$0x3FAE] =	sst s5  }
0xe: {  	[smem:$0x3FAF] =	sst s6  }
0xf: {  	[smem:$0x3FB0] =	sst s7  }
0x10: {  	[smem:$0x3FB1] =	sst s8  }
0x11: {  	[smem:$0x3FB2] =	sst s9;
	s0 =	simm.s32 @!p0 $0x0  }
0x12: {  	s1 =	sld [smem:$0x3F98];
	s0 =	simm.s32 @p0 $0x1  }
0x13: {  	[smem:$0x3FB3] =	sst s0;
	s0 =	simm.s32 @!p1 $0x0  }
0x14: {  	s2 =	sld [smem:$0x3F97];
	s0 =	simm.s32 @p1 $0x1  }
0x15: {  	[smem:$0x3FB4] =	sst s0;
	s0 =	simm.s32 @!p2 $0x0  }
0x16: {  	s3 =	sld [smem:$0x3FDB];
	s0 =	simm.s32 @p2 $0x1  }
0x17: {  	s4 =	simm.s32 $0x1BF5;
	[smem:$0x3FB6] =	sst s0  }
0x18: {  	s0 =	sld [smem:$0x3F99];
	_ =	swait.ge [sflag:s4], $0x0  }
0x19: {  	s7 =	sld [smem:$0x3F9A]  }
0x1a: {  	s8 =	sadd.s32 $0xFFFFE003, lr  }
0x1b: {  	s9 =	sadd.s32 $0xFFFFFEF7, lr;
	s5 =	simm.s32 $0xFFFFFFFF;
	p2 =	slt.u32 s8, $0xFFFFF086  }
0x1c: {  	p1 =	slt.u32 s9, $0xF7A;
	s5 =	simm.s32 @!p2 $0x0  }
0x1d: {  	s5 =	simm.s32 @p1 $0x1;
	p0 =	seq.s32 s7, s2  }
0x1e: {  	s7 =	smul.u32 @!p0 $0xF7A, s2;
	p2 =	seq.s32 @!p0 s5, $0x0  }
0x1f: {  	s9 =	smul.u32 $0xF7A, s1;
	s8 =	simm.s32 @!p0 $0x1BF5;
	p2 =	por !p2, p0  }
0x20: {  	[sflag:s8] =	ssyncset.s32 @!p0 $0xFFFFF086;
	s6 =	sadd.s32 @!p0 s3, s7;
	s7 =	simm.s32 @!p0 $0x108  }
0x21: {  	s3 =	sadd.s32 s3, s9;
	s6 =	sadd.s32 @!p0 $0x88, s6;
	s7 =	simm.s32 @p2 $0x1082  }
0x22: {  	[simem:s7], [sflag:s8] =	dma.local @!p0 [hbm:s6], $0xF7A  }
0x23: {  	s9 =	sor.u32 $0xD0000000, s2;
	s6 =	simm.s32 $0x108;
	_ =	swait.ge @!p0 [sflag:s8], $0x0  }
0x24: {  	s3 =	sadd.s32 $0x88, s3;
	s6 =	simm.s32 @!p1 $0x1082;
	[sflag:s4] =	ssyncset.s32 $0xFFFFF086  }
0x25: {  	[simem:s6], [sflag:s4] =	dma.local [hbm:s3], $0xF7A  }
0x26: {  	[smem:$0x3F9A] =	sst s1;
	(tag) =	ssettag s2;
	_ =	strace s9  }
0x27: {  	s1 =	sld [smem:$0x3FAA]  }
0x28: {  	s2 =	sld [smem:$0x3FAB]  }
0x29: {  	s4 =	sld [smem:$0x3FAD]  }
0x2a: {  	p0 =	seq.s32 s5, $0x0;
	s5 =	sld [smem:$0x3FAE]  }
0x2b: {  	s6 =	sld [smem:$0x3FAF]  }
0x2c: {  	s7 =	sld [smem:$0x3FB0]  }
0x2d: {  	s3 =	simm.s32 $0x108;
	s8 =	sld [smem:$0x3FB1]  }
0x2e: {  	s3 =	simm.s32 @!p0 $0x1082;
	s9 =	sld [smem:$0x3FB2]  }
0x2f: {  	lr =	sadd.s32 s0, s3;
	s0 =	sld [smem:$0x3FA9]  }
0x30: {  	s3 =	sld [smem:$0x3FAC]  }
0x31: {  	[smem:$0x3FB5] =	sst s10  }
0x32: {  	s10 =	sld [smem:$0x3FB3];
	_ =	sdelay $0x3  }
0x33: {  	p0 =	seq.s32 s10, $0x1;
	s10 =	sld [smem:$0x3FB5];
	_ =	sdelay $0x3  }
0x34: {  	[smem:$0x3FB5] =	sst s10  }
0x35: {  	s10 =	sld [smem:$0x3FB4];
	_ =	sdelay $0x3  }
0x36: {  	p1 =	seq.s32 s10, $0x1;
	s10 =	sld [smem:$0x3FB5];
	_ =	sdelay $0x3  }
0x37: {  	[smem:$0x3FB5] =	sst s10  }
0x38: {  	s10 =	sld [smem:$0x3FB6]  }
0x39: {  	_ = 	snop;
	(pc) =	sbr.ind lr, $3  }
0x3a: {  	_ = 	snop  }
0x3b: {  	_ = 	snop  }
0x3c: {  	p2 =	seq.s32 s10, $0x1;
	s10 =	sld [smem:$0x3FB5]  }
0x3d: {  	_ =	shalt  }
0x3e: {  	_ =	shalt  }
0x3f: {  	_ =	shalt  }
0x40: {  	_ =	shalt  }
0x41: {  	_ =	shalt  }
0x42: {  	_ =	shalt  }
0x43: {  	_ =	shalt  }
0x44: {  	_ =	shalt  }
0x45: {  	_ =	shalt  }
0x46: {  	_ =	shalt  }
0x47: {  	_ =	shalt  }
0x48: {  	_ =	shalt  }
0x49: {  	_ =	shalt  }
0x4a: {  	_ =	shalt  }
0x4b: {  	_ =	shalt  }
0x4c: {  	_ =	shalt  }
0x4d: {  	_ =	shalt  }
0x4e: {  	_ =	shalt  }
0x4f: {  	_ =	shalt  }
0x50: {  	_ =	shalt  }
0x51: {  	_ =	shalt  }
0x52: {  	_ =	shalt  }
0x53: {  	_ =	shalt  }
0x54: {  	_ =	shalt  }
0x55: {  	_ =	shalt  }
0x56: {  	_ =	shalt  }
0x57: {  	_ =	shalt  }
0x58: {  	_ =	shalt  }
0x59: {  	_ =	shalt  }
0x5a: {  	_ =	shalt  }
0x5b: {  	_ =	shalt  }
0x5c: {  	_ =	shalt  }
0x5d: {  	_ =	shalt  }
0x5e: {  	_ =	shalt  }
0x5f: {  	_ =	shalt  }
0x60: {  	_ =	shalt  }
0x61: {  	_ =	shalt  }
0x62: {  	_ =	shalt  }
0x63: {  	_ =	shalt  }
0x64: {  	_ =	shalt  }
0x65: {  	_ =	shalt  }
0x66: {  	_ =	shalt  }
0x67: {  	_ =	shalt  }
0x68: {  	_ =	shalt  }
0x69: {  	_ =	shalt  }
0x6a: {  	_ =	shalt  }
0x6b: {  	_ =	shalt  }
0x6c: {  	_ =	shalt  }
0x6d: {  	_ =	shalt  }
0x6e: {  	_ =	shalt  }
0x6f: {  	_ =	shalt  }
0x70: {  	_ =	shalt  }
0x71: {  	_ =	shalt  }
0x72: {  	_ =	shalt  }
0x73: {  	_ =	shalt  }
0x74: {  	_ =	shalt  }
0x75: {  	_ =	shalt  }
0x76: {  	_ =	shalt  }
0x77: {  	_ =	shalt  }
0x78: {  	_ =	shalt  }
0x79: {  	_ =	shalt  }
0x7a: {  	_ =	shalt  }
0x7b: {  	_ =	shalt  }
0x7c: {  	_ =	shalt  }
0x7d: {  	_ =	shalt  }
0x7e: {  	_ =	shalt  }
0x7f: {  	_ =	shalt  }
0x80: {  	_ =	shalt  }
0x81: {  	_ =	shalt  }
0x82: {  	_ =	shalt  }
0x83: {  	_ =	shalt  }
0x84: {  	_ =	shalt  }
0x85: {  	_ =	shalt  }
0x86: {  	_ =	shalt  }
0x87: {  	_ =	shalt  }
.Lfunc_end0:
.L_simem_size_0:
called_computation_lowered:
.L_overlay_start_0:
0x88: {  	s2 =	sld [smem:$0x3FD9]  }
0x89: {  	s3 =	sld [smem:$0x3FFE];
	_ =	sdelay $0x1  }
0x8a: {  	s1 =	srdreg.scid  }
0x8b: {  	s0 =	sand.u32 $0x1, s1  }
0x8c: {  	s17 =	sshll.u32 s0, $0xA;
	s2 =	sadd.s32 s3, s2  }
0x8d: {  	s2 =	sadd.s32 s2, s17  }
0x8e: {  	[smem:$0x3FC1] =	sst s2  }
0x8f: {  	_ = 	snop  }
0x90: {  	s2 =	sld [smem:$0x3FD0];
	(tm) =	ssettm $0x1  }
0x91: {  	s18 =	sld [smem:$0x3FFB];
	_ =	sdelay $0x3  }
0x92: {  	_ =	strace s18  }
0x93: {  	s3 =	sld [smem:$0x3FFC];
	_ =	sdelay $0x3  }
0x94: {  	_ =	strace s3  }
0x95: {  	s3 =	sld [smem:$0x3FFD];
	_ =	sdelay $0x3  }
0x96: {  	_ =	strace s3  }
0x97: {  	_ =	strace $0x8FFFFFFF  }
0x98: {  	s19 =	sld [smem:$0x3FDB];
	_ =	sdelay $0x1  }
0x99: {  	s4 =	simm.s32 $_scs_section_size  }
0x9a: {  	s5 =	simm.s32 $_size__tile_overlayer_lowered;
	s6 =	simm.s32 $_tile_overlayer_lowered  }
0x9b: {  	s22 =	simm.s32 $0x1BFF;
	s21 =	sshll.u32 s6, $0x1;
	s3 =	sadd.s32 s4, s19  }
0x9c: {  	s7 =	simm.s32 $0x0;
	s20 =	sshll.u32 s5, $0x1;
	s5 =	sadd.s32 s21, s3  }
0x9d: {  	[timem:s7], [sflag:s22] =	dma.local [hbm:s5], s20  }
0x9e: {  	_ =	swait.ge [sflag:s22], s20  }
0x9f: {  	s4 =	ssub.s32 $0x0, s20;
	[sflag:s22] =	ssyncset.done $0x0  }
0xa0: {  	[sflag:s22] =	ssyncadd.s32 s4;
	_ =	sdelay $0x1  }
0xa1: {  	s23 =	simm.s32 $0x1B8B  }
0xa2: {  	_ =	swait.ge [sflag:s23], $0x1  }
0xa3: {  	[sflag:s23] =	ssyncset.done $0x0  }
0xa4: {  	s25 =	simm.s32 $0x1B8E;
	s24 =	sld [smem:$0x3FFE];
	[sflag:s23] =	ssyncadd.s32 $0xFFFFFFFF  }
0xa5: {  	s26 =	simm.s32 $execute0_lowered;
	[smem:$0x3FD2] =	sst s25  }
0xa6: {  	s5 =	sshll.u32 s26, $0x1;
	_ =	strace $0x80000046;
	[dreg:$0x1] =	wrdreg $0xFFFFFFFF  }
0xa7: {  	s28 =	simm.s32 $_size_execute0_lowered;
	s3 =	sadd.s32 s3, s5;
	[dreg:$0x0] =	wrdreg $0x0  }
0xa8: {  	s5 =	sshll.u32 s28, $0x1;
	[dreg:$0x2] =	wrdreg s3  }
0xa9: {  	[dreg:$0x3] =	wrdreg s5  }
0xaa: {  	[dreg:$0x4] =	wrdreg $0xC0  }
0xab: {  	_ =	task [dreg:s7], $0x5FFFF  }
0xac: {  	[dreg:$0x1] =	wrdreg $0xFFFFFFFF  }
0xad: {  	[dreg:$0x0] =	wrdreg $0x60  }
0xae: {  	[dreg:$0x2] =	wrdreg s24  }
0xaf: {  	[dreg:$0x3] =	wrdreg s2  }
0xb0: {  	[dreg:$0x4] =	wrdreg $0x159100  }
0xb1: {  	[dreg:$0x5] =	wrdreg $0x9  }
0xb2: {  	_ =	task.clear_ibuf [dreg:s7], $0x6FFFF;
	_ =	strace $0x90000046  }
0xb3: {  	s29 =	simm.s32 $0x9;
	_ =	strace $0x80000048  }
0xb4: {  	_ =	swait.ge [sflag:s29], $0x1  }
0xb5: {  	[sflag:s29] =	ssyncadd.s32 $0xFFFFFFFF  }
0xb6: {  	_ =	strace $0x90000048  }
0xb7: {  	_ =	sfence  }
0xb8: {  	s30 =	sld [smem:$0x0];
	_ =	sdelay $0x2  }
0xb9: {  	s31 =	sshll.u32 s1, $0xD;
	s1 =	sshrl.u32 s1, $0x2  }
0xba: {  	s3 =	sand.u32 $0x4000, s31;
	s1 =	sadd.s32 s1, s30  }
0xbb: {  	s0 =	sor.u32 s3, s0;
	s1 =	sshll.u32 s1, $0x11  }
0xbc: {  	s0 =	sor.u32 s1, s0  }
0xbd: {  	s0 =	sadd.s32 $0x8F2B, s0  }
0xbe: {  	[sflag:s0] =	ssyncadd.remote.s32 $0x1  }
0xbf: {  	_ =	sfence.sel $0xFFFF  }
0xc0: {  	[dreg:$0x0] =	wrdreg $0xFFFFFFFF;
	(pc) =	sbr.abs _section_cstart, $3  }
0xc1: {  	[dreg:$0x1] =	wrdreg $0xFFFFFFFF  }
0xc2: {  	_ =	task.clear_ibuf [dreg:s7], $0x2FFFF;
	_ =	strace $0x9FFFFFFF  }
0xc3: {  	(tm) =	ssettm $0x7FFFFFFF  }
tec
execute0_lowered:
.L_overlay_start_1:
0x0: {  	(tag) =	ssettag $0x1  }
0x1: {  	s0 =	rddreg [dreg:$0x0]  }
0x2: {  	s1 =	rddreg [dreg:$0x1]  }
0x3: {  	s2 =	rddreg [dreg:$0x2]  }
0x4: {  	s3 =	simm.s32 $0x0;
	s4 =	srdreg.scid;
	s16 =	stileid.u32  }
0x5: {  	[smem:$0x7FF] =	sst s3;
	s5 =	sand.u32 $0x1, s4;
	s20 =	sshll.u32 s16, $0x1  }
0x6: {  	s7 =	sadd.s32 $0x29000, s0;
	s6 =	sor.u32 s5, s20;
	s10 =	smul.u32 $0x13880, s5  }
0x7: {  	s8 =	sadd.s32 $0x1C00, s0;
	_ =	strace $0x80000047;
	s21 =	smul.u32 $0x2710, s6  }
0x8: {  	[dreg:$0x4] =	wrdreg s7;
	s6 =	sshll.u32 s6, $0x6;
	s1 =	sadd.s32 s1, s10  }
0x9: {  	s11 =	sadd.s32 s6, s0;
	s6 =	sshrl.u32 s21, $0x3;
	[dreg:$0xf] =	wrdreg s1  }
0xa: {  	s4 =	sadd.s32 $0x15600, s0;
	s22 =	sadd.s32 s8, s6;
	[dreg:$0x5] =	wrdreg s6  }
0xb: {  	s9 =	smul.u32 $0x27000, s16;
	s23 =	sadd.s32 $0x48, s6;
	[dreg:$0x6] =	wrdreg s22  }
0xc: {  	s7 =	sadd.s32 $0x3CA00, s0;
	s15 =	sadd.s32 $0x90, s6;
	[dreg:$0x7] =	wrdreg s23  }
0xd: {  	s5 =	ssub.s32 $0x2, s5;
	s25 =	sadd.s32 $0xD8, s6;
	[dreg:$0x8] =	wrdreg s15  }
0xe: {  	s14 =	sshrl.u32 s5, $0x1;
	s26 =	sadd.s32 $0x120, s6;
	[dreg:$0xb] =	wrdreg s25  }
0xf: {  	s9 =	sshrl.u32 s9, $0x2;
	s31 =	sadd.s32 $0x168, s6;
	[dreg:$0xd] =	wrdreg s26  }
0x10: {  	s13 =	sadd.s32 s10, s0;
	s10 =	sadd.s32 $0x1B0, s6;
	[dreg:$0xe] =	wrdreg s31  }
0x11: {  	s5 =	ssub.s32 s5, s14;
	s17 =	sadd.s32 $0x240, s6;
	[dreg:$0x12] =	wrdreg s10  }
0x12: {  	s14 =	sadd.s32 s9, s2;
	s20 =	sadd.s32 $0x288, s6;
	[dreg:$0x14] =	wrdreg s17  }
0x13: {  	s9 =	sadd.s32 $0xB840, s0;
	s21 =	sadd.s32 $0x2D0, s6;
	[dreg:$0x18] =	wrdreg s20  }
0x14: {  	s12 =	sadd.s32 s6, s0;
	s0 =	sadd.s32 s8, s23;
	[dreg:$0x19] =	wrdreg s21  }
0x15: {  	s24 =	sadd.s32 s8, s15;
	[dreg:$0x9] =	wrdreg s0  }
0x16: {  	s1 =	sadd.s32 s8, s31;
	[dreg:$0xa] =	wrdreg s24  }
0x17: {  	s15 =	sadd.s32 $0x1F8, s6;
	[dreg:$0x11] =	wrdreg s1  }
0x18: {  	s19 =	sadd.s32 s8, s17;
	[dreg:$0x13] =	wrdreg s15  }
0x19: {  	s23 =	sadd.s32 s8, s21;
	[dreg:$0x17] =	wrdreg s19  }
0x1a: {  	s22 =	sadd.s32 $0x318, s6;
	[dreg:$0x1c] =	wrdreg s23  }
0x1b: {  	s31 =	sadd.s32 $0x3F0, s6;
	[dreg:$0x1a] =	wrdreg s22  }
0x1c: {  	s17 =	sadd.s32 $0x438, s6;
	[smem:$0x7F0] =	sst s31  }
0x1d: {  	s21 =	sadd.s32 $0x4C8, s6;
	[smem:$0x7F2] =	sst s17  }
0x1e: {  	s28 =	simm.s32 $0x6C0;
	s0 =	sadd.s32 s8, s25;
	[smem:$0x7F6] =	sst s21  }
0x1f: {  	s29 =	simm.s32 $0xFC0;
	s18 =	sadd.s32 s8, s15;
	[dreg:$0xc] =	wrdreg s0  }
0x20: {  	s30 =	simm.s32 $0x3;
	s24 =	sadd.s32 s8, s22;
	[dreg:$0x16] =	wrdreg s18  }
0x21: {  	p0 =	seq.s32 s16, $0xF;
	s25 =	sadd.s32 $0x360, s6;
	[dreg:$0x1d] =	wrdreg s24  }
0x22: {  	p1 =	sgt.u32 @!p0 s16, $0x4;
	s15 =	sadd.s32 s8, s31;
	[dreg:$0x1e] =	wrdreg s25  }
0x23: {  	p1 =	por p1, p0;
	s22 =	sadd.s32 $0x1800, s11;
	[smem:$0x7F1] =	sst s15  }
0x24: {  	s19 =	smul.u32 $0x9C00, s16;
	s23 =	sadd.s32 $0x1400, s11;
	[smem:$0x7F9] =	sst s22  }
0x25: {  	s31 =	sadd.s32 $0x92400, s2;
	s11 =	simm.s32 $0x1;
	[smem:$0x7FA] =	sst s23  }
0x26: {  	s16 =	simm.s32 $0xA200;
	s0 =	sadd.s32 s8, s26;
	[smem:$0x7FD] =	sst s31  }
0x27: {  	s26 =	sadd.s32 $0x3A8, s6;
	s18 =	sadd.s32 $0x480, s6;
	[dreg:$0x10] =	wrdreg s0  }
0x28: {  	s15 =	sadd.s32 $0x3DE00, s12;
	s24 =	smax.u32 s5, $0x1;
	[dreg:$0x1f] =	wrdreg s26  }
0x29: {  	s22 =	simm.s32 $0x13200;
	s23 =	simm.s32 $0x2;
	[smem:$0x7F4] =	sst s18  }
0x2a: {  	s5 =	simm.s32 $0x0;
	s0 =	sadd.s32 s8, s10;
	[smem:$0x7FB] =	sst s24  }
0x2b: {  	s1 =	sadd.s32 s8, s26;
	s26 =	sadd.s32 $0x47C00, s13;
	[dreg:$0x15] =	wrdreg s0  }
0x2c: {  	s10 =	simm.s32 $0xB40;
	s0 =	sadd.s32 s8, s20;
	[smem:$0x7EF] =	sst s1  }
0x2d: {  	s1 =	sadd.s32 s8, s17;
	s20 =	sadd.s32 s8, s18;
	[dreg:$0x1b] =	wrdreg s0  }
0x2e: {  	s17 =	simm.s32 $0x480;
	s0 =	sadd.s32 s8, s25;
	[smem:$0x7F3] =	sst s1  }
.Ltmp0:
0x2f: {  	[smem:$0x7F5] =	sst s20;
	s1 =	sadd.s32 s8, s21;
	(pc) =	sbr.rel .LBB2_1-.Ltmp0, $4  }
0x30: {  	s25 =	sshrl.u32 s14, $0x3;
	s14 =	simm.s32 $0x1200;
	[smem:$0x7EE] =	sst s0  }
0x31: {  	s21 =	simm.s32 $0xD80;
	[smem:$0x7F7] =	sst s1;
	s1 =	sshrl.u32 s19, $0x3  }
0x32: {  	s0 =	sadd.s32 s19, s2;
	[smem:$0x7FC] =	sst s25;
	s19 =	simm.s32 $0x4  }
0x33: {  	v0 =	vimm.f32 $0.0e+00;
	v1 =	vimm.f32 $1.000000000e+00;
	s25 =	simm.s32 $0x900;
	[smem:$0x7F8] =	sst s0;
	s0 =	simm.s32 $0x240  }
.LBB2_7:
0x34: {  	[tilespmem:s12+$0x13200] =	vst v0  }
0x35: {  	_ =	swait.ge [sflag:s19], $0x1400  }
0x36: {  	[sflag:s19] =	ssyncset.done $0x0  }
0x37: {  	[sflag:s19] =	ssyncadd.s32 $0xFFFFEC00  }
.LBB2_8:
0x38: {  	[bflag:$0x0] =	sbarrier.arrive $0xFFFF  }
0x39: {  	s6 =	rddreg [dreg:$0x6]  }
0x3a: {  	s24 =	rddreg [dreg:$0x5]  }
0x3b: {  	[tilespmem:s3], [sflag:$0x1] =	stream.linear.gather [hbm4b:s6+s3], $0x240, $0x38;
	[tilespmem:$0x1F570] =	vst v63  }
0x3c: {  	s31 =	rddreg [dreg:$0x9];
	s8 =	sadd.s32 s24, s9  }
0x3d: {  	[tilespmem:s25], [sflag:$0x1] =	stream.linear.gather [hbm4b:s8+s3], $0x240, $0x38;
	[tilespmem:$0x1F570] =	vst v63  }
0x3e: {  	s8 =	rddreg [dreg:$0x7]  }
0x3f: {  	[tilespmem:s0], [sflag:$0x1] =	stream.linear.gather [hbm4b:s31+s3], $0x240, $0x38;
	[tilespmem:$0x1F570] =	vst v63  }
0x40: {  	s12 =	sadd.s32 s8, s9  }
0x41: {  	[tilespmem:s10], [sflag:$0x1] =	stream.linear.gather [hbm4b:s12+s3], $0x240, $0x38;
	[tilespmem:$0x1F570] =	vst v63  }
0x42: {  	_ =	swait.ge [sflag:s11], $0x240  }
0x43: {  	[sflag:s11] =	ssyncset.done $0x0  }
0x44: {  	[sflag:s11] =	ssyncadd.s32 $0xFFFFFDC0  }
0x45: {  	_ =	swait.ge [sflag:s11], $0x240  }
0x46: {  	[sflag:s11] =	ssyncset.done $0x0  }
0x47: {  	[sflag:s11] =	ssyncadd.s32 $0xFFFFFDC0  }
0x48: {  	[tilespmem:s14], [sflag:$0x2] =	stream.indirect.gather [hbm4b:s4+s0], $0x40, s25, s0, $0xb8;
	[tilespmem:$0x1F570] =	vst v63  }
0x49: {  	_ =	swait.ge [sflag:s11], $0x240  }
0x4a: {  	[sflag:s11] =	ssyncset.done $0x0  }
0x4b: {  	[sflag:s11] =	ssyncadd.s32 $0xFFFFFDC0  }
0x4c: {  	_ =	swait.ge [sflag:s11], $0x240  }
0x4d: {  	[sflag:s11] =	ssyncset.done $0x0  }
0x4e: {  	s13 =	rddreg [dreg:$0xa];
	[sflag:s11] =	ssyncadd.s32 $0xFFFFFDC0  }
0x4f: {  	[tilespmem:s16], [sflag:$0x3] =	stream.indirect.gather [hbm4b:s4+s0], $0x40, s10, s0, $0xb8;
	[tilespmem:$0x1F570] =	vst v63  }
0x50: {  	s18 =	rddreg [dreg:$0x8]  }
0x51: {  	[tilespmem:s17], [sflag:$0x1] =	stream.linear.gather [hbm4b:s13+s3], $0x240, $0x38;
	[tilespmem:$0x1F570] =	vst v63  }
0x52: {  	s20 =	sadd.s32 s18, s9  }
0x53: {  	[tilespmem:s21], [sflag:$0x1] =	stream.linear.gather [hbm4b:s20+s3], $0x240, $0x38;
	[tilespmem:$0x1F570] =	vst v63  }
0x54: {  	v2 =	vld [tilespmem:$0x0];
	_ =	sdelay $0x7  }
0x55: {  	[tilespmem:v2+s22+$0x0] =	vst.idx.add.f32.msk $0xffff, v1  }
0x56: {  	v2 =	vld [tilespmem:$0x10];
	_ =	sdelay $0x7  }
0x57: {  	[tilespmem:v2+s22+$0x0] =	vst.idx.add.f32.msk $0xffff, v1  }
0x58: {  	v2 =	vld [tilespmem:$0x20];
	_ =	sdelay $0x7  }
0x59: {  	[tilespmem:v2+s22+$0x0] =	vst.idx.add.f32.msk $0xffff, v1  }
0x5a: {  	v2 =	vld [tilespmem:$0x30];
	_ =	sdelay $0x7  }
0x5b: {  	[tilespmem:v2+s22+$0x0] =	vst.idx.add.f32.msk $0xffff, v1  }
0x5c: {  	v2 =	vld [tilespmem:$0x40];
	_ =	sdelay $0x7  }
0x5d: {  	[tilespmem:v2+s22+$0x0] =	vst.idx.add.f32.msk $0xffff, v1  }
0x5e: {  	v2 =	vld [tilespmem:$0x50];
	_ =	sdelay $0x7  }
0x5f: {  	[tilespmem:v2+s22+$0x0] =	vst.idx.add.f32.msk $0xffff, v1  }
0x60: {  	v2 =	vld [tilespmem:$0x60];
	_ =	sdelay $0x7  }
0x61: {  	[tilespmem:v2+s22+$0x0] =	vst.idx.add.f32.msk $0xffff, v1  }
0x62: {  	v2 =	vld [tilespmem:$0x70];
	_ =	sdelay $0x7  }
0x63: {  	[tilespmem:v2+s22+$0x0] =	vst.idx.add.f32.msk $0xffff, v1  }
0x64: {  	v2 =	vld [tilespmem:$0x80];
	_ =	sdelay $0x7  }
0x65: {  	[tilespmem:v2+s22+$0x0] =	vst.idx.add.f32.msk $0xffff, v1  }
0x66: {  	v2 =	vld [tilespmem:$0x90];
	_ =	sdelay $0x7  }
0x67: {  	[tilespmem:v2+s22+$0x0] =	vst.idx.add.f32.msk $0xffff, v1  }
0x68: {  	v2 =	vld [tilespmem:$0xA0];
	_ =	sdelay $0x7  }
0x69: {  	[tilespmem:v2+s22+$0x0] =	vst.idx.add.f32.msk $0xffff, v1  }
0x6a: {  	v2 =	vld [tilespmem:$0xB0];
	_ =	sdelay $0x7  }
0x6b: {  	[tilespmem:v2+s22+$0x0] =	vst.idx.add.f32.msk $0xffff, v1  }
0x6c: {  	v2 =	vld [tilespmem:$0xC0];
	_ =	sdelay $0x7  }
0x6d: {  	[tilespmem:v2+s22+$0x0] =	vst.idx.add.f32.msk $0xffff, v1  }
0x6e: {  	v2 =	vld [tilespmem:$0xD0];
	_ =	sdelay $0x7  }
0x6f: {  	[tilespmem:v2+s22+$0x0] =	vst.idx.add.f32.msk $0xffff, v1  }
0x70: {  	v2 =	vld [tilespmem:$0xE0];
	_ =	sdelay $0x7  }
0x71: {  	[tilespmem:v2+s22+$0x0] =	vst.idx.add.f32.msk $0xffff, v1  }
0x72: {  	v2 =	vld [tilespmem:$0xF0];
	_ =	sdelay $0x7  }
0x73: {  	[tilespmem:v2+s22+$0x0] =	vst.idx.add.f32.msk $0xffff, v1  }
0x74: {  	v2 =	vld [tilespmem:$0x100];
	_ =	sdelay $0x7  }
0x75: {  	[tilespmem:v2+s22+$0x0] =	vst.idx.add.f32.msk $0xffff, v1  }
0x76: {  	v2 =	vld [tilespmem:$0x110];
	_ =	sdelay $0x7  }
0x77: {  	[tilespmem:v2+s22+$0x0] =	vst.idx.add.f32.msk $0xffff, v1  }
0x78: {  	v2 =	vld [tilespmem:$0x120];
	_ =	sdelay $0x7  }
0x79: {  	[tilespmem:v2+s22+$0x0] =	vst.idx.add.f32.msk $0xffff, v1  }
0x7a: {  	v2 =	vld [tilespmem:$0x130];
	_ =	sdelay $0x7  }
0x7b: {  	[tilespmem:v2+s22+$0x0] =	vst.idx.add.f32.msk $0xffff, v1  }
0x7c: {  	v2 =	vld [tilespmem:$0x140];
	_ =	sdelay $0x7  }
0x7d: {  	[tilespmem:v2+s22+$0x0] =	vst.idx.add.f32.msk $0xffff, v1  }
0x7e: {  	v2 =	vld [tilespmem:$0x150];
	_ =	sdelay $0x7  }
0x7f: {  	[tilespmem:v2+s22+$0x0] =	vst.idx.add.f32.msk $0xffff, v1  }
0x80: {  	v2 =	vld [tilespmem:$0x160];
	_ =	sdelay $0x7  }
0x81: {  	[tilespmem:v2+s22+$0x0] =	vst.idx.add.f32.msk $0xffff, v1  }
0x82: {  	v2 =	vld [tilespmem:$0x170];
	_ =	sdelay $0x7  }
0x83: {  	[tilespmem:v2+s22+$0x0] =	vst.idx.add.f32.msk $0xffff, v1  }
0x84: {  	v2 =	vld [tilespmem:$0x180];
	_ =	sdelay $0x7  }
0x85: {  	[tilespmem:v2+s22+$0x0] =	vst.idx.add.f32.msk $0xffff, v1  }
0x86: {  	v2 =	vld [tilespmem:$0x190];
	_ =	sdelay $0x7  }
0x87: {  	[tilespmem:v2+s22+$0x0] =	vst.idx.add.f32.msk $0xffff, v1  }
0x88: {  	v2 =	vld [tilespmem:$0x1A0];
	_ =	sdelay $0x7  }
0x89: {  	[tilespmem:v2+s22+$0x0] =	vst.idx.add.f32.msk $0xffff, v1  }
0x8a: {  	v2 =	vld [tilespmem:$0x1B0];
	_ =	sdelay $0x7  }
0x8b: {  	[tilespmem:v2+s22+$0x0] =	vst.idx.add.f32.msk $0xffff, v1  }
0x8c: {  	v2 =	vld [tilespmem:$0x1C0];
	_ =	sdelay $0x7  }
0x8d: {  	[tilespmem:v2+s22+$0x0] =	vst.idx.add.f32.msk $0xffff, v1  }
0x8e: {  	v2 =	vld [tilespmem:$0x1D0];
	_ =	sdelay $0x7  }
0x8f: {  	[tilespmem:v2+s22+$0x0] =	vst.idx.add.f32.msk $0xffff, v1  }
0x90: {  	v2 =	vld [tilespmem:$0x1E0];
	_ =	sdelay $0x7  }
0x91: {  	[tilespmem:v2+s22+$0x0] =	vst.idx.add.f32.msk $0xffff, v1  }
0x92: {  	v2 =	vld [tilespmem:$0x1F0];
	_ =	sdelay $0x7  }
0x93: {  	[tilespmem:v2+s22+$0x0] =	vst.idx.add.f32.msk $0xffff, v1  }
0x94: {  	v2 =	vld [tilespmem:$0x200];
	_ =	sdelay $0x7  }
0x95: {  	[tilespmem:v2+s22+$0x0] =	vst.idx.add.f32.msk $0xffff, v1  }
0x96: {  	v2 =	vld [tilespmem:$0x210];
	_ =	sdelay $0x7  }
0x97: {  	[tilespmem:v2+s22+$0x0] =	vst.idx.add.f32.msk $0xffff, v1  }
0x98: {  	v2 =	vld [tilespmem:$0x220];
	_ =	sdelay $0x7  }
0x99: {  	[tilespmem:v2+s22+$0x0] =	vst.idx.add.f32.msk $0xffff, v1  }
0x9a: {  	v2 =	vld [tilespmem:$0x230];
	_ =	sdelay $0x7  }
0x9b: {  	[tilespmem:v2+s22+$0x0] =	vst.idx.add.f32.msk $0xffff, v1  }
0x9c: {  	_ =	swait.ge [sflag:s23], $0x9000  }
0x9d: {  	[sflag:s23] =	ssyncset.done $0x0  }
0x9e: {  	[sflag:s23] =	ssyncadd.s32 $0xFFFF7000  }
0x9f: {  	[spmem:s2] =	stream.indirect.scatter.add.f32 [tilespmem:s14], [sflag:$0x4], $0x40, s3, s0, $0xb8;
	[tilespmem:$0x1F570] =	vst v63  }
0xa0: {  	_ =	swait.ge [sflag:s19], $0x9000  }
0xa1: {  	[sflag:s19] =	ssyncset.done $0x0  }
0xa2: {  	[sflag:s19] =	ssyncadd.s32 $0xFFFF7000  }
0xa3: {  	_ =	swait.ge [sflag:s11], $0x240  }
0xa4: {  	[sflag:s11] =	ssyncset.done $0x0  }
0xa5: {  	[sflag:s11] =	ssyncadd.s32 $0xFFFFFDC0  }
0xa6: {  	_ =	swait.ge [sflag:s11], $0x240  }
0xa7: {  	[sflag:s11] =	ssyncset.done $0x0  }
0xa8: {  	s24 =	rddreg [dreg:$0xc];
	[sflag:s11] =	ssyncadd.s32 $0xFFFFFDC0  }
0xa9: {  	[tilespmem:s14], [sflag:$0x2] =	stream.indirect.gather [hbm4b:s4+s0], $0x40, s21, s0, $0xb8;
	[tilespmem:$0x1F570] =	vst v63  }
0xaa: {  	s31 =	rddreg [dreg:$0xb]  }
0xab: {  	[tilespmem:s28], [sflag:$0x1] =	stream.linear.gather [hbm4b:s24+s3], $0x240, $0x38;
	[tilespmem:$0x1F570] =	vst v63  }
0xac: {  	s6 =	sadd.s32 s31, s9  }
0xad: {  	[tilespmem:s29], [sflag:$0x1] =	stream.linear.gather [hbm4b:s6+s3], $0x240, $0x38;
	[tilespmem:$0x1F570] =	vst v63  }
0xae: {  	v2 =	vld [tilespmem:$0x240];
	_ =	sdelay $0x7  }
0xaf: {  	[tilespmem:v2+s22+$0x0] =	vst.idx.add.f32.msk $0xffff, v1  }
0xb0: {  	v2 =	vld [tilespmem:$0x250];
	_ =	sdelay $0x7  }
0xb1: {  	[tilespmem:v2+s22+$0x0] =	vst.idx.add.f32.msk $0xffff, v1  }
0xb2: {  	v2 =	vld [tilespmem:$0x260];
	_ =	sdelay $0x7  }
0xb3: {  	[tilespmem:v2+s22+$0x0] =	vst.idx.add.f32.msk $0xffff, v1  }
0xb4: {  	v2 =	vld [tilespmem:$0x270];
	_ =	sdelay $0x7  }
0xb5: {  	[tilespmem:v2+s22+$0x0] =	vst.idx.add.f32.msk $0xffff, v1  }
0xb6: {  	v2 =	vld [tilespmem:$0x280];
	_ =	sdelay $0x7  }
0xb7: {  	[tilespmem:v2+s22+$0x0] =	vst.idx.add.f32.msk $0xffff, v1  }
0xb8: {  	v2 =	vld [tilespmem:$0x290];
	_ =	sdelay $0x7  }
0xb9: {  	[tilespmem:v2+s22+$0x0] =	vst.idx.add.f32.msk $0xffff, v1  }
0xba: {  	v2 =	vld [tilespmem:$0x2A0];
	_ =	sdelay $0x7  }
0xbb: {  	[tilespmem:v2+s22+$0x0] =	vst.idx.add.f32.msk $0xffff, v1  }
0xbc: {  	v2 =	vld [tilespmem:$0x2B0];
	_ =	sdelay $0x7  }
0xbd: {  	[tilespmem:v2+s22+$0x0] =	vst.idx.add.f32.msk $0xffff, v1  }
0xbe: {  	v2 =	vld [tilespmem:$0x2C0];
	_ =	sdelay $0x7  }
0xbf: {  	[tilespmem:v2+s22+$0x0] =	vst.idx.add.f32.msk $0xffff, v1  }
0xc0: {  	v2 =	vld [tilespmem:$0x2D0];
	_ =	sdelay $0x7  }
0xc1: {  	[tilespmem:v2+s22+$0x0] =	vst.idx.add.f32.msk $0xffff, v1  }
0xc2: {  	v2 =	vld [tilespmem:$0x2E0];
	_ =	sdelay $0x7  }
0xc3: {  	[tilespmem:v2+s22+$0x0] =	vst.idx.add.f32.msk $0xffff, v1  }
0xc4: {  	v2 =	vld [tilespmem:$0x2F0];
	_ =	sdelay $0x7  }
0xc5: {  	[tilespmem:v2+s22+$0x0] =	vst.idx.add.f32.msk $0xffff, v1  }
0xc6: {  	v2 =	vld [tilespmem:$0x300];
	_ =	sdelay $0x7  }
0xc7: {  	[tilespmem:v2+s22+$0x0] =	vst.idx.add.f32.msk $0xffff, v1  }
0xc8: {  	v2 =	vld [tilespmem:$0x310];
	_ =	sdelay $0x7  }
0xc9: {  	[tilespmem:v2+s22+$0x0] =	vst.idx.add.f32.msk $0xffff, v1  }
0xca: {  	v2 =	vld [tilespmem:$0x320];
	_ =	sdelay $0x7  }
0xcb: {  	[tilespmem:v2+s22+$0x0] =	vst.idx.add.f32.msk $0xffff, v1  }
0xcc: {  	v2 =	vld [tilespmem:$0x330];
	_ =	sdelay $0x7  }
0xcd: {  	[tilespmem:v2+s22+$0x0] =	vst.idx.add.f32.msk $0xffff, v1  }
0xce: {  	v2 =	vld [tilespmem:$0x340];
	_ =	sdelay $0x7  }
0xcf: {  	[tilespmem:v2+s22+$0x0] =	vst.idx.add.f32.msk $0xffff, v1  }
0xd0: {  	v2 =	vld [tilespmem:$0x350];
	_ =	sdelay $0x7  }
0xd1: {  	[tilespmem:v2+s22+$0x0] =	vst.idx.add.f32.msk $0xffff, v1  }
0xd2: {  	v2 =	vld [tilespmem:$0x360];
	_ =	sdelay $0x7  }
0xd3: {  	[tilespmem:v2+s22+$0x0] =	vst.idx.add.f32.msk $0xffff, v1  }
0xd4: {  	v2 =	vld [tilespmem:$0x370];
	_ =	sdelay $0x7  }
0xd5: {  	[tilespmem:v2+s22+$0x0] =	vst.idx.add.f32.msk $0xffff, v1  }
0xd6: {  	v2 =	vld [tilespmem:$0x380];
	_ =	sdelay $0x7  }
0xd7: {  	[tilespmem:v2+s22+$0x0] =	vst.idx.add.f32.msk $0xffff, v1  }
0xd8: {  	v2 =	vld [tilespmem:$0x390];
	_ =	sdelay $0x7  }
0xd9: {  	[tilespmem:v2+s22+$0x0] =	vst.idx.add.f32.msk $0xffff, v1  }
0xda: {  	v2 =	vld [tilespmem:$0x3A0];
	_ =	sdelay $0x7  }
0xdb: {  	[tilespmem:v2+s22+$0x0] =	vst.idx.add.f32.msk $0xffff, v1  }
0xdc: {  	v2 =	vld [tilespmem:$0x3B0];
	_ =	sdelay $0x7  }
0xdd: {  	[tilespmem:v2+s22+$0x0] =	vst.idx.add.f32.msk $0xffff, v1  }
0xde: {  	v2 =	vld [tilespmem:$0x3C0];
	_ =	sdelay $0x7  }
0xdf: {  	[tilespmem:v2+s22+$0x0] =	vst.idx.add.f32.msk $0xffff, v1  }
0xe0: {  	v2 =	vld [tilespmem:$0x3D0];
	_ =	sdelay $0x7  }
0xe1: {  	[tilespmem:v2+s22+$0x0] =	vst.idx.add.f32.msk $0xffff, v1  }
0xe2: {  	v2 =	vld [tilespmem:$0x3E0];
	_ =	sdelay $0x7  }
0xe3: {  	[tilespmem:v2+s22+$0x0] =	vst.idx.add.f32.msk $0xffff, v1  }
0xe4: {  	v2 =	vld [tilespmem:$0x3F0];
	_ =	sdelay $0x7  }
0xe5: {  	[tilespmem:v2+s22+$0x0] =	vst.idx.add.f32.msk $0xffff, v1  }
0xe6: {  	v2 =	vld [tilespmem:$0x400];
	_ =	sdelay $0x7  }
0xe7: {  	[tilespmem:v2+s22+$0x0] =	vst.idx.add.f32.msk $0xffff, v1  }
0xe8: {  	v2 =	vld [tilespmem:$0x410];
	_ =	sdelay $0x7  }
0xe9: {  	[tilespmem:v2+s22+$0x0] =	vst.idx.add.f32.msk $0xffff, v1  }
0xea: {  	v2 =	vld [tilespmem:$0x420];
	_ =	sdelay $0x7  }
0xeb: {  	[tilespmem:v2+s22+$0x0] =	vst.idx.add.f32.msk $0xffff, v1  }
0xec: {  	v2 =	vld [tilespmem:$0x430];
	_ =	sdelay $0x7  }
0xed: {  	[tilespmem:v2+s22+$0x0] =	vst.idx.add.f32.msk $0xffff, v1  }
0xee: {  	v2 =	vld [tilespmem:$0x440];
	_ =	sdelay $0x7  }
0xef: {  	[tilespmem:v2+s22+$0x0] =	vst.idx.add.f32.msk $0xffff, v1  }
0xf0: {  	v2 =	vld [tilespmem:$0x450];
	_ =	sdelay $0x7  }
0xf1: {  	[tilespmem:v2+s22+$0x0] =	vst.idx.add.f32.msk $0xffff, v1  }
0xf2: {  	v2 =	vld [tilespmem:$0x460];
	_ =	sdelay $0x7  }
0xf3: {  	[tilespmem:v2+s22+$0x0] =	vst.idx.add.f32.msk $0xffff, v1  }
0xf4: {  	v2 =	vld [tilespmem:$0x470];
	_ =	sdelay $0x7  }
0xf5: {  	[tilespmem:v2+s22+$0x0] =	vst.idx.add.f32.msk $0xffff, v1  }
0xf6: {  	_ =	swait.ge [sflag:s30], $0x9000  }
0xf7: {  	[sflag:s30] =	ssyncset.done $0x0  }
0xf8: {  	[sflag:s30] =	ssyncadd.s32 $0xFFFF7000  }
0xf9: {  	[spmem:s2] =	stream.indirect.scatter.add.f32 [tilespmem:s16], [sflag:$0x4], $0x40, s0, s0, $0xb8;
	[tilespmem:$0x1F570] =	vst v63  }
0xfa: {  	_ =	swait.ge [sflag:s19], $0x9000  }
0xfb: {  	[sflag:s19] =	ssyncset.done $0x0  }
0xfc: {  	[sflag:s19] =	ssyncadd.s32 $0xFFFF7000  }
0xfd: {  	_ =	swait.ge [sflag:s11], $0x240  }
0xfe: {  	[sflag:s11] =	ssyncset.done $0x0  }
0xff: {  	[sflag:s11] =	ssyncadd.s32 $0xFFFFFDC0  }
0x100: {  	_ =	swait.ge [sflag:s11], $0x240  }
0x101: {  	[sflag:s11] =	ssyncset.done $0x0  }
0x102: {  	s8 =	rddreg [dreg:$0x10];
	[sflag:s11] =	ssyncadd.s32 $0xFFFFFDC0  }
0x103: {  	[tilespmem:s16], [sflag:$0x3] =	stream.indirect.gather [hbm4b:s4+s0], $0x40, s29, s0, $0xb8;
	[tilespmem:$0x1F570] =	vst v63  }
0x104: {  	s12 =	rddreg [dreg:$0xd]  }
0x105: {  	[tilespmem:s3], [sflag:$0x1] =	stream.linear.gather [hbm4b:s8+s3], $0x240, $0x38;
	[tilespmem:$0x1F570] =	vst v63  }
0x106: {  	s13 =	sadd.s32 s12, s9  }
0x107: {  	[tilespmem:s25], [sflag:$0x1] =	stream.linear.gather [hbm4b:s13+s3], $0x240, $0x38;
	[tilespmem:$0x1F570] =	vst v63  }
0x108: {  	v2 =	vld [tilespmem:$0x480];
	_ =	sdelay $0x7  }
0x109: {  	[tilespmem:v2+s22+$0x0] =	vst.idx.add.f32.msk $0xffff, v1  }
0x10a: {  	v2 =	vld [tilespmem:$0x490];
	_ =	sdelay $0x7  }
0x10b: {  	[tilespmem:v2+s22+$0x0] =	vst.idx.add.f32.msk $0xffff, v1  }
0x10c: {  	v2 =	vld [tilespmem:$0x4A0];
	_ =	sdelay $0x7  }
0x10d: {  	[tilespmem:v2+s22+$0x0] =	vst.idx.add.f32.msk $0xffff, v1  }
0x10e: {  	v2 =	vld [tilespmem:$0x4B0];
	_ =	sdelay $0x7  }
0x10f: {  	[tilespmem:v2+s22+$0x0] =	vst.idx.add.f32.msk $0xffff, v1  }
0x110: {  	v2 =	vld [tilespmem:$0x4C0];
	_ =	sdelay $0x7  }
0x111: {  	[tilespmem:v2+s22+$0x0] =	vst.idx.add.f32.msk $0xffff, v1  }
0x112: {  	v2 =	vld [tilespmem:$0x4D0];
	_ =	sdelay $0x7  }
0x113: {  	[tilespmem:v2+s22+$0x0] =	vst.idx.add.f32.msk $0xffff, v1  }
0x114: {  	v2 =	vld [tilespmem:$0x4E0];
	_ =	sdelay $0x7  }
0x115: {  	[tilespmem:v2+s22+$0x0] =	vst.idx.add.f32.msk $0xffff, v1  }
0x116: {  	v2 =	vld [tilespmem:$0x4F0];
	_ =	sdelay $0x7  }
0x117: {  	[tilespmem:v2+s22+$0x0] =	vst.idx.add.f32.msk $0xffff, v1  }
0x118: {  	v2 =	vld [tilespmem:$0x500];
	_ =	sdelay $0x7  }
0x119: {  	[tilespmem:v2+s22+$0x0] =	vst.idx.add.f32.msk $0xffff, v1  }
0x11a: {  	v2 =	vld [tilespmem:$0x510];
	_ =	sdelay $0x7  }
0x11b: {  	[tilespmem:v2+s22+$0x0] =	vst.idx.add.f32.msk $0xffff, v1  }
0x11c: {  	v2 =	vld [tilespmem:$0x520];
	_ =	sdelay $0x7  }
0x11d: {  	[tilespmem:v2+s22+$0x0] =	vst.idx.add.f32.msk $0xffff, v1  }
0x11e: {  	v2 =	vld [tilespmem:$0x530];
	_ =	sdelay $0x7  }
0x11f: {  	[tilespmem:v2+s22+$0x0] =	vst.idx.add.f32.msk $0xffff, v1  }
0x120: {  	v2 =	vld [tilespmem:$0x540];
	_ =	sdelay $0x7  }
0x121: {  	[tilespmem:v2+s22+$0x0] =	vst.idx.add.f32.msk $0xffff, v1  }
0x122: {  	v2 =	vld [tilespmem:$0x550];
	_ =	sdelay $0x7  }
0x123: {  	[tilespmem:v2+s22+$0x0] =	vst.idx.add.f32.msk $0xffff, v1  }
0x124: {  	v2 =	vld [tilespmem:$0x560];
	_ =	sdelay $0x7  }
0x125: {  	[tilespmem:v2+s22+$0x0] =	vst.idx.add.f32.msk $0xffff, v1  }
0x126: {  	v2 =	vld [tilespmem:$0x570];
	_ =	sdelay $0x7  }
0x127: {  	[tilespmem:v2+s22+$0x0] =	vst.idx.add.f32.msk $0xffff, v1  }
0x128: {  	v2 =	vld [tilespmem:$0x580];
	_ =	sdelay $0x7  }
0x129: {  	[tilespmem:v2+s22+$0x0] =	vst.idx.add.f32.msk $0xffff, v1  }
0x12a: {  	v2 =	vld [tilespmem:$0x590];
	_ =	sdelay $0x7  }
0x12b: {  	[tilespmem:v2+s22+$0x0] =	vst.idx.add.f32.msk $0xffff, v1  }
0x12c: {  	v2 =	vld [tilespmem:$0x5A0];
	_ =	sdelay $0x7  }
0x12d: {  	[tilespmem:v2+s22+$0x0] =	vst.idx.add.f32.msk $0xffff, v1  }
0x12e: {  	v2 =	vld [tilespmem:$0x5B0];
	_ =	sdelay $0x7  }
0x12f: {  	[tilespmem:v2+s22+$0x0] =	vst.idx.add.f32.msk $0xffff, v1  }
0x130: {  	v2 =	vld [tilespmem:$0x5C0];
	_ =	sdelay $0x7  }
0x131: {  	[tilespmem:v2+s22+$0x0] =	vst.idx.add.f32.msk $0xffff, v1  }
0x132: {  	v2 =	vld [tilespmem:$0x5D0];
	_ =	sdelay $0x7  }
0x133: {  	[tilespmem:v2+s22+$0x0] =	vst.idx.add.f32.msk $0xffff, v1  }
0x134: {  	v2 =	vld [tilespmem:$0x5E0];
	_ =	sdelay $0x7  }
0x135: {  	[tilespmem:v2+s22+$0x0] =	vst.idx.add.f32.msk $0xffff, v1  }
0x136: {  	v2 =	vld [tilespmem:$0x5F0];
	_ =	sdelay $0x7  }
0x137: {  	[tilespmem:v2+s22+$0x0] =	vst.idx.add.f32.msk $0xffff, v1  }
0x138: {  	v2 =	vld [tilespmem:$0x600];
	_ =	sdelay $0x7  }
0x139: {  	[tilespmem:v2+s22+$0x0] =	vst.idx.add.f32.msk $0xffff, v1  }
0x13a: {  	v2 =	vld [tilespmem:$0x610];
	_ =	sdelay $0x7  }
0x13b: {  	[tilespmem:v2+s22+$0x0] =	vst.idx.add.f32.msk $0xffff, v1  }
0x13c: {  	v2 =	vld [tilespmem:$0x620];
	_ =	sdelay $0x7  }
0x13d: {  	[tilespmem:v2+s22+$0x0] =	vst.idx.add.f32.msk $0xffff, v1  }
0x13e: {  	v2 =	vld [tilespmem:$0x630];
	_ =	sdelay $0x7  }
0x13f: {  	[tilespmem:v2+s22+$0x0] =	vst.idx.add.f32.msk $0xffff, v1  }
0x140: {  	v2 =	vld [tilespmem:$0x640];
	_ =	sdelay $0x7  }
0x141: {  	[tilespmem:v2+s22+$0x0] =	vst.idx.add.f32.msk $0xffff, v1  }
0x142: {  	v2 =	vld [tilespmem:$0x650];
	_ =	sdelay $0x7  }
0x143: {  	[tilespmem:v2+s22+$0x0] =	vst.idx.add.f32.msk $0xffff, v1  }
0x144: {  	v2 =	vld [tilespmem:$0x660];
	_ =	sdelay $0x7  }
0x145: {  	[tilespmem:v2+s22+$0x0] =	vst.idx.add.f32.msk $0xffff, v1  }
0x146: {  	v2 =	vld [tilespmem:$0x670];
	_ =	sdelay $0x7  }
0x147: {  	[tilespmem:v2+s22+$0x0] =	vst.idx.add.f32.msk $0xffff, v1  }
0x148: {  	v2 =	vld [tilespmem:$0x680];
	_ =	sdelay $0x7  }
0x149: {  	[tilespmem:v2+s22+$0x0] =	vst.idx.add.f32.msk $0xffff, v1  }
0x14a: {  	v2 =	vld [tilespmem:$0x690];
	_ =	sdelay $0x7  }
0x14b: {  	[tilespmem:v2+s22+$0x0] =	vst.idx.add.f32.msk $0xffff, v1  }
0x14c: {  	v2 =	vld [tilespmem:$0x6A0];
	_ =	sdelay $0x7  }
0x14d: {  	[tilespmem:v2+s22+$0x0] =	vst.idx.add.f32.msk $0xffff, v1  }
0x14e: {  	v2 =	vld [tilespmem:$0x6B0];
	_ =	sdelay $0x7  }
0x14f: {  	[tilespmem:v2+s22+$0x0] =	vst.idx.add.f32.msk $0xffff, v1  }
0x150: {  	_ =	swait.ge [sflag:s23], $0x9000  }
0x151: {  	[sflag:s23] =	ssyncset.done $0x0  }
0x152: {  	[sflag:s23] =	ssyncadd.s32 $0xFFFF7000  }
0x153: {  	[spmem:s2] =	stream.indirect.scatter.add.f32 [tilespmem:s14], [sflag:$0x4], $0x40, s17, s0, $0xb8;
	[tilespmem:$0x1F570] =	vst v63  }
0x154: {  	_ =	swait.ge [sflag:s19], $0x9000  }
0x155: {  	[sflag:s19] =	ssyncset.done $0x0  }
0x156: {  	[sflag:s19] =	ssyncadd.s32 $0xFFFF7000  }
0x157: {  	_ =	swait.ge [sflag:s11], $0x240  }
0x158: {  	[sflag:s11] =	ssyncset.done $0x0  }
0x159: {  	[sflag:s11] =	ssyncadd.s32 $0xFFFFFDC0  }
0x15a: {  	_ =	swait.ge [sflag:s11], $0x240  }
0x15b: {  	[sflag:s11] =	ssyncset.done $0x0  }
0x15c: {  	s18 =	rddreg [dreg:$0x11];
	[sflag:s11] =	ssyncadd.s32 $0xFFFFFDC0  }
0x15d: {  	[tilespmem:s14], [sflag:$0x2] =	stream.indirect.gather [hbm4b:s4+s0], $0x40, s25, s0, $0xb8;
	[tilespmem:$0x1F570] =	vst v63  }
0x15e: {  	s20 =	rddreg [dreg:$0xe]  }
0x15f: {  	[tilespmem:s0], [sflag:$0x1] =	stream.linear.gather [hbm4b:s18+s3], $0x240, $0x38;
	[tilespmem:$0x1F570] =	vst v63  }
0x160: {  	s24 =	sadd.s32 s20, s9  }
0x161: {  	[tilespmem:s10], [sflag:$0x1] =	stream.linear.gather [hbm4b:s24+s3], $0x240, $0x38;
	[tilespmem:$0x1F570] =	vst v63  }
0x162: {  	v2 =	vld [tilespmem:$0x6C0];
	_ =	sdelay $0x7  }
0x163: {  	[tilespmem:v2+s22+$0x0] =	vst.idx.add.f32.msk $0xffff, v1  }
0x164: {  	v2 =	vld [tilespmem:$0x6D0];
	_ =	sdelay $0x7  }
0x165: {  	[tilespmem:v2+s22+$0x0] =	vst.idx.add.f32.msk $0xffff, v1  }
0x166: {  	v2 =	vld [tilespmem:$0x6E0];
	_ =	sdelay $0x7  }
0x167: {  	[tilespmem:v2+s22+$0x0] =	vst.idx.add.f32.msk $0xffff, v1  }
0x168: {  	v2 =	vld [tilespmem:$0x6F0];
	_ =	sdelay $0x7  }
0x169: {  	[tilespmem:v2+s22+$0x0] =	vst.idx.add.f32.msk $0xffff, v1  }
0x16a: {  	v2 =	vld [tilespmem:$0x700];
	_ =	sdelay $0x7  }
0x16b: {  	[tilespmem:v2+s22+$0x0] =	vst.idx.add.f32.msk $0xffff, v1  }
0x16c: {  	v2 =	vld [tilespmem:$0x710];
	_ =	sdelay $0x7  }
0x16d: {  	[tilespmem:v2+s22+$0x0] =	vst.idx.add.f32.msk $0xffff, v1  }
0x16e: {  	v2 =	vld [tilespmem:$0x720];
	_ =	sdelay $0x7  }
0x16f: {  	[tilespmem:v2+s22+$0x0] =	vst.idx.add.f32.msk $0xffff, v1  }
0x170: {  	v2 =	vld [tilespmem:$0x730];
	_ =	sdelay $0x7  }
0x171: {  	[tilespmem:v2+s22+$0x0] =	vst.idx.add.f32.msk $0xffff, v1  }
0x172: {  	v2 =	vld [tilespmem:$0x740];
	_ =	sdelay $0x7  }
0x173: {  	[tilespmem:v2+s22+$0x0] =	vst.idx.add.f32.msk $0xffff, v1  }
0x174: {  	v2 =	vld [tilespmem:$0x750];
	_ =	sdelay $0x7  }
0x175: {  	[tilespmem:v2+s22+$0x0] =	vst.idx.add.f32.msk $0xffff, v1  }
0x176: {  	v2 =	vld [tilespmem:$0x760];
	_ =	sdelay $0x7  }
0x177: {  	[tilespmem:v2+s22+$0x0] =	vst.idx.add.f32.msk $0xffff, v1  }
0x178: {  	v2 =	vld [tilespmem:$0x770];
	_ =	sdelay $0x7  }
0x179: {  	[tilespmem:v2+s22+$0x0] =	vst.idx.add.f32.msk $0xffff, v1  }
0x17a: {  	v2 =	vld [tilespmem:$0x780];
	_ =	sdelay $0x7  }
0x17b: {  	[tilespmem:v2+s22+$0x0] =	vst.idx.add.f32.msk $0xffff, v1  }
0x17c: {  	v2 =	vld [tilespmem:$0x790];
	_ =	sdelay $0x7  }
0x17d: {  	[tilespmem:v2+s22+$0x0] =	vst.idx.add.f32.msk $0xffff, v1  }
0x17e: {  	v2 =	vld [tilespmem:$0x7A0];
	_ =	sdelay $0x7  }
0x17f: {  	[tilespmem:v2+s22+$0x0] =	vst.idx.add.f32.msk $0xffff, v1  }
0x180: {  	v2 =	vld [tilespmem:$0x7B0];
	_ =	sdelay $0x7  }
0x181: {  	[tilespmem:v2+s22+$0x0] =	vst.idx.add.f32.msk $0xffff, v1  }
0x182: {  	v2 =	vld [tilespmem:$0x7C0];
	_ =	sdelay $0x7  }
0x183: {  	[tilespmem:v2+s22+$0x0] =	vst.idx.add.f32.msk $0xffff, v1  }
0x184: {  	v2 =	vld [tilespmem:$0x7D0];
	_ =	sdelay $0x7  }
0x185: {  	[tilespmem:v2+s22+$0x0] =	vst.idx.add.f32.msk $0xffff, v1  }
0x186: {  	v2 =	vld [tilespmem:$0x7E0];
	_ =	sdelay $0x7  }
0x187: {  	[tilespmem:v2+s22+$0x0] =	vst.idx.add.f32.msk $0xffff, v1  }
0x188: {  	v2 =	vld [tilespmem:$0x7F0];
	_ =	sdelay $0x7  }
0x189: {  	[tilespmem:v2+s22+$0x0] =	vst.idx.add.f32.msk $0xffff, v1  }
0x18a: {  	v2 =	vld [tilespmem:$0x800];
	_ =	sdelay $0x7  }
0x18b: {  	[tilespmem:v2+s22+$0x0] =	vst.idx.add.f32.msk $0xffff, v1  }
0x18c: {  	v2 =	vld [tilespmem:$0x810];
	_ =	sdelay $0x7  }
0x18d: {  	[tilespmem:v2+s22+$0x0] =	vst.idx.add.f32.msk $0xffff, v1  }
0x18e: {  	v2 =	vld [tilespmem:$0x820];
	_ =	sdelay $0x7  }
0x18f: {  	[tilespmem:v2+s22+$0x0] =	vst.idx.add.f32.msk $0xffff, v1  }
0x190: {  	v2 =	vld [tilespmem:$0x830];
	_ =	sdelay $0x7  }
0x191: {  	[tilespmem:v2+s22+$0x0] =	vst.idx.add.f32.msk $0xffff, v1  }
0x192: {  	v2 =	vld [tilespmem:$0x840];
	_ =	sdelay $0x7  }
0x193: {  	[tilespmem:v2+s22+$0x0] =	vst.idx.add.f32.msk $0xffff, v1  }
0x194: {  	v2 =	vld [tilespmem:$0x850];
	_ =	sdelay $0x7  }
0x195: {  	[tilespmem:v2+s22+$0x0] =	vst.idx.add.f32.msk $0xffff, v1  }
0x196: {  	v2 =	vld [tilespmem:$0x860];
	_ =	sdelay $0x7  }
0x197: {  	[tilespmem:v2+s22+$0x0] =	vst.idx.add.f32.msk $0xffff, v1  }
0x198: {  	v2 =	vld [tilespmem:$0x870];
	_ =	sdelay $0x7  }
0x199: {  	[tilespmem:v2+s22+$0x0] =	vst.idx.add.f32.msk $0xffff, v1  }
0x19a: {  	v2 =	vld [tilespmem:$0x880];
	_ =	sdelay $0x7  }
0x19b: {  	[tilespmem:v2+s22+$0x0] =	vst.idx.add.f32.msk $0xffff, v1  }
0x19c: {  	v2 =	vld [tilespmem:$0x890];
	_ =	sdelay $0x7  }
0x19d: {  	[tilespmem:v2+s22+$0x0] =	vst.idx.add.f32.msk $0xffff, v1  }
0x19e: {  	v2 =	vld [tilespmem:$0x8A0];
	_ =	sdelay $0x7  }
0x19f: {  	[tilespmem:v2+s22+$0x0] =	vst.idx.add.f32.msk $0xffff, v1  }
0x1a0: {  	v2 =	vld [tilespmem:$0x8B0];
	_ =	sdelay $0x7  }
0x1a1: {  	[tilespmem:v2+s22+$0x0] =	vst.idx.add.f32.msk $0xffff, v1  }
0x1a2: {  	v2 =	vld [tilespmem:$0x8C0];
	_ =	sdelay $0x7  }
0x1a3: {  	[tilespmem:v2+s22+$0x0] =	vst.idx.add.f32.msk $0xffff, v1  }
0x1a4: {  	v2 =	vld [tilespmem:$0x8D0];
	_ =	sdelay $0x7  }
0x1a5: {  	[tilespmem:v2+s22+$0x0] =	vst.idx.add.f32.msk $0xffff, v1  }
0x1a6: {  	v2 =	vld [tilespmem:$0x8E0];
	_ =	sdelay $0x7  }
0x1a7: {  	[tilespmem:v2+s22+$0x0] =	vst.idx.add.f32.msk $0xffff, v1  }
0x1a8: {  	v2 =	vld [tilespmem:$0x8F0];
	_ =	sdelay $0x7  }
0x1a9: {  	[tilespmem:v2+s22+$0x0] =	vst.idx.add.f32.msk $0xffff, v1  }
0x1aa: {  	_ =	swait.ge [sflag:s30], $0x9000  }
0x1ab: {  	[sflag:s30] =	ssyncset.done $0x0  }
0x1ac: {  	[sflag:s30] =	ssyncadd.s32 $0xFFFF7000  }
0x1ad: {  	[spmem:s2] =	stream.indirect.scatter.add.f32 [tilespmem:s16], [sflag:$0x4], $0x40, s28, s0, $0xb8;
	[tilespmem:$0x1F570] =	vst v63  }
0x1ae: {  	_ =	swait.ge [sflag:s19], $0x9000  }
0x1af: {  	[sflag:s19] =	ssyncset.done $0x0  }
0x1b0: {  	[sflag:s19] =	ssyncadd.s32 $0xFFFF7000  }
0x1b1: {  	_ =	swait.ge [sflag:s11], $0x240  }
0x1b2: {  	[sflag:s11] =	ssyncset.done $0x0  }
0x1b3: {  	[sflag:s11] =	ssyncadd.s32 $0xFFFFFDC0  }
0x1b4: {  	_ =	swait.ge [sflag:s11], $0x240  }
0x1b5: {  	[sflag:s11] =	ssyncset.done $0x0  }
0x1b6: {  	s31 =	rddreg [dreg:$0x15];
	[sflag:s11] =	ssyncadd.s32 $0xFFFFFDC0  }
0x1b7: {  	[tilespmem:s16], [sflag:$0x3] =	stream.indirect.gather [hbm4b:s4+s0], $0x40, s10, s0, $0xb8;
	[tilespmem:$0x1F570] =	vst v63  }
0x1b8: {  	s8 =	rddreg [dreg:$0x12]  }
0x1b9: {  	[tilespmem:s17], [sflag:$0x1] =	stream.linear.gather [hbm4b:s31+s3], $0x240, $0x38;
	[tilespmem:$0x1F570] =	vst v63  }
0x1ba: {  	s12 =	sadd.s32 s8, s9  }
0x1bb: {  	[tilespmem:s21], [sflag:$0x1] =	stream.linear.gather [hbm4b:s12+s3], $0x240, $0x38;
	[tilespmem:$0x1F570] =	vst v63  }
0x1bc: {  	v2 =	vld [tilespmem:$0x0];
	_ =	sdelay $0x7  }
0x1bd: {  	[tilespmem:v2+s22+$0x0] =	vst.idx.add.f32.msk $0xffff, v1  }
0x1be: {  	v2 =	vld [tilespmem:$0x10];
	_ =	sdelay $0x7  }
0x1bf: {  	[tilespmem:v2+s22+$0x0] =	vst.idx.add.f32.msk $0xffff, v1  }
0x1c0: {  	v2 =	vld [tilespmem:$0x20];
	_ =	sdelay $0x7  }
0x1c1: {  	[tilespmem:v2+s22+$0x0] =	vst.idx.add.f32.msk $0xffff, v1  }
0x1c2: {  	v2 =	vld [tilespmem:$0x30];
	_ =	sdelay $0x7  }
0x1c3: {  	[tilespmem:v2+s22+$0x0] =	vst.idx.add.f32.msk $0xffff, v1  }
0x1c4: {  	v2 =	vld [tilespmem:$0x40];
	_ =	sdelay $0x7  }
0x1c5: {  	[tilespmem:v2+s22+$0x0] =	vst.idx.add.f32.msk $0xffff, v1  }
0x1c6: {  	v2 =	vld [tilespmem:$0x50];
	_ =	sdelay $0x7  }
0x1c7: {  	[tilespmem:v2+s22+$0x0] =	vst.idx.add.f32.msk $0xffff, v1  }
0x1c8: {  	v2 =	vld [tilespmem:$0x60];
	_ =	sdelay $0x7  }
0x1c9: {  	[tilespmem:v2+s22+$0x0] =	vst.idx.add.f32.msk $0xffff, v1  }
0x1ca: {  	v2 =	vld [tilespmem:$0x70];
	_ =	sdelay $0x7  }
0x1cb: {  	[tilespmem:v2+s22+$0x0] =	vst.idx.add.f32.msk $0xffff, v1  }
0x1cc: {  	v2 =	vld [tilespmem:$0x80];
	_ =	sdelay $0x7  }
0x1cd: {  	[tilespmem:v2+s22+$0x0] =	vst.idx.add.f32.msk $0xffff, v1  }
0x1ce: {  	v2 =	vld [tilespmem:$0x90];
	_ =	sdelay $0x7  }
0x1cf: {  	[tilespmem:v2+s22+$0x0] =	vst.idx.add.f32.msk $0xffff, v1  }
0x1d0: {  	v2 =	vld [tilespmem:$0xA0];
	_ =	sdelay $0x7  }
0x1d1: {  	[tilespmem:v2+s22+$0x0] =	vst.idx.add.f32.msk $0xffff, v1  }
0x1d2: {  	v2 =	vld [tilespmem:$0xB0];
	_ =	sdelay $0x7  }
0x1d3: {  	[tilespmem:v2+s22+$0x0] =	vst.idx.add.f32.msk $0xffff, v1  }
0x1d4: {  	v2 =	vld [tilespmem:$0xC0];
	_ =	sdelay $0x7  }
0x1d5: {  	[tilespmem:v2+s22+$0x0] =	vst.idx.add.f32.msk $0xffff, v1  }
0x1d6: {  	v2 =	vld [tilespmem:$0xD0];
	_ =	sdelay $0x7  }
0x1d7: {  	[tilespmem:v2+s22+$0x0] =	vst.idx.add.f32.msk $0xffff, v1  }
0x1d8: {  	v2 =	vld [tilespmem:$0xE0];
	_ =	sdelay $0x7  }
0x1d9: {  	[tilespmem:v2+s22+$0x0] =	vst.idx.add.f32.msk $0xffff, v1  }
0x1da: {  	v2 =	vld [tilespmem:$0xF0];
	_ =	sdelay $0x7  }
0x1db: {  	[tilespmem:v2+s22+$0x0] =	vst.idx.add.f32.msk $0xffff, v1  }
0x1dc: {  	v2 =	vld [tilespmem:$0x100];
	_ =	sdelay $0x7  }
0x1dd: {  	[tilespmem:v2+s22+$0x0] =	vst.idx.add.f32.msk $0xffff, v1  }
0x1de: {  	v2 =	vld [tilespmem:$0x110];
	_ =	sdelay $0x7  }
0x1df: {  	[tilespmem:v2+s22+$0x0] =	vst.idx.add.f32.msk $0xffff, v1  }
0x1e0: {  	v2 =	vld [tilespmem:$0x120];
	_ =	sdelay $0x7  }
0x1e1: {  	[tilespmem:v2+s22+$0x0] =	vst.idx.add.f32.msk $0xffff, v1  }
0x1e2: {  	v2 =	vld [tilespmem:$0x130];
	_ =	sdelay $0x7  }
0x1e3: {  	[tilespmem:v2+s22+$0x0] =	vst.idx.add.f32.msk $0xffff, v1  }
0x1e4: {  	v2 =	vld [tilespmem:$0x140];
	_ =	sdelay $0x7  }
0x1e5: {  	[tilespmem:v2+s22+$0x0] =	vst.idx.add.f32.msk $0xffff, v1  }
0x1e6: {  	v2 =	vld [tilespmem:$0x150];
	_ =	sdelay $0x7  }
0x1e7: {  	[tilespmem:v2+s22+$0x0] =	vst.idx.add.f32.msk $0xffff, v1  }
0x1e8: {  	v2 =	vld [tilespmem:$0x160];
	_ =	sdelay $0x7  }
0x1e9: {  	[tilespmem:v2+s22+$0x0] =	vst.idx.add.f32.msk $0xffff, v1  }
0x1ea: {  	v2 =	vld [tilespmem:$0x170];
	_ =	sdelay $0x7  }
0x1eb: {  	[tilespmem:v2+s22+$0x0] =	vst.idx.add.f32.msk $0xffff, v1  }
0x1ec: {  	v2 =	vld [tilespmem:$0x180];
	_ =	sdelay $0x7  }
0x1ed: {  	[tilespmem:v2+s22+$0x0] =	vst.idx.add.f32.msk $0xffff, v1  }
0x1ee: {  	v2 =	vld [tilespmem:$0x190];
	_ =	sdelay $0x7  }
0x1ef: {  	[tilespmem:v2+s22+$0x0] =	vst.idx.add.f32.msk $0xffff, v1  }
0x1f0: {  	v2 =	vld [tilespmem:$0x1A0];
	_ =	sdelay $0x7  }
0x1f1: {  	[tilespmem:v2+s22+$0x0] =	vst.idx.add.f32.msk $0xffff, v1  }
0x1f2: {  	v2 =	vld [tilespmem:$0x1B0];
	_ =	sdelay $0x7  }
0x1f3: {  	[tilespmem:v2+s22+$0x0] =	vst.idx.add.f32.msk $0xffff, v1  }
0x1f4: {  	v2 =	vld [tilespmem:$0x1C0];
	_ =	sdelay $0x7  }
0x1f5: {  	[tilespmem:v2+s22+$0x0] =	vst.idx.add.f32.msk $0xffff, v1  }
0x1f6: {  	v2 =	vld [tilespmem:$0x1D0];
	_ =	sdelay $0x7  }
0x1f7: {  	[tilespmem:v2+s22+$0x0] =	vst.idx.add.f32.msk $0xffff, v1  }
0x1f8: {  	v2 =	vld [tilespmem:$0x1E0];
	_ =	sdelay $0x7  }
0x1f9: {  	[tilespmem:v2+s22+$0x0] =	vst.idx.add.f32.msk $0xffff, v1  }
0x1fa: {  	v2 =	vld [tilespmem:$0x1F0];
	_ =	sdelay $0x7  }
0x1fb: {  	[tilespmem:v2+s22+$0x0] =	vst.idx.add.f32.msk $0xffff, v1  }
0x1fc: {  	v2 =	vld [tilespmem:$0x200];
	_ =	sdelay $0x7  }
0x1fd: {  	[tilespmem:v2+s22+$0x0] =	vst.idx.add.f32.msk $0xffff, v1  }
0x1fe: {  	v2 =	vld [tilespmem:$0x210];
	_ =	sdelay $0x7  }
0x1ff: {  	[tilespmem:v2+s22+$0x0] =	vst.idx.add.f32.msk $0xffff, v1  }
0x200: {  	v2 =	vld [tilespmem:$0x220];
	_ =	sdelay $0x7  }
0x201: {  	[tilespmem:v2+s22+$0x0] =	vst.idx.add.f32.msk $0xffff, v1  }
0x202: {  	v2 =	vld [tilespmem:$0x230];
	_ =	sdelay $0x7  }
0x203: {  	[tilespmem:v2+s22+$0x0] =	vst.idx.add.f32.msk $0xffff, v1  }
0x204: {  	_ =	swait.ge [sflag:s23], $0x9000  }
0x205: {  	[sflag:s23] =	ssyncset.done $0x0  }
0x206: {  	[sflag:s23] =	ssyncadd.s32 $0xFFFF7000  }
0x207: {  	[spmem:s2] =	stream.indirect.scatter.add.f32 [tilespmem:s14], [sflag:$0x4], $0x40, s3, s0, $0xb8;
	[tilespmem:$0x1F570] =	vst v63  }
0x208: {  	_ =	swait.ge [sflag:s19], $0x9000  }
0x209: {  	[sflag:s19] =	ssyncset.done $0x0  }
0x20a: {  	[sflag:s19] =	ssyncadd.s32 $0xFFFF7000  }
0x20b: {  	_ =	swait.ge [sflag:s11], $0x240  }
0x20c: {  	[sflag:s11] =	ssyncset.done $0x0  }
0x20d: {  	[sflag:s11] =	ssyncadd.s32 $0xFFFFFDC0  }
0x20e: {  	_ =	swait.ge [sflag:s11], $0x240  }
0x20f: {  	[sflag:s11] =	ssyncset.done $0x0  }
0x210: {  	s13 =	rddreg [dreg:$0x16];
	[sflag:s11] =	ssyncadd.s32 $0xFFFFFDC0  }
0x211: {  	[tilespmem:s14], [sflag:$0x2] =	stream.indirect.gather [hbm4b:s4+s0], $0x40, s21, s0, $0xb8;
	[tilespmem:$0x1F570] =	vst v63  }
0x212: {  	s18 =	rddreg [dreg:$0x13]  }
0x213: {  	[tilespmem:s28], [sflag:$0x1] =	stream.linear.gather [hbm4b:s13+s3], $0x240, $0x38;
	[tilespmem:$0x1F570] =	vst v63  }
0x214: {  	s20 =	sadd.s32 s18, s9  }
0x215: {  	[tilespmem:s29], [sflag:$0x1] =	stream.linear.gather [hbm4b:s20+s3], $0x240, $0x38;
	[tilespmem:$0x1F570] =	vst v63  }
0x216: {  	v2 =	vld [tilespmem:$0x240];
	_ =	sdelay $0x7  }
0x217: {  	[tilespmem:v2+s22+$0x0] =	vst.idx.add.f32.msk $0xffff, v1  }
0x218: {  	v2 =	vld [tilespmem:$0x250];
	_ =	sdelay $0x7  }
0x219: {  	[tilespmem:v2+s22+$0x0] =	vst.idx.add.f32.msk $0xffff, v1  }
0x21a: {  	v2 =	vld [tilespmem:$0x260];
	_ =	sdelay $0x7  }
0x21b: {  	[tilespmem:v2+s22+$0x0] =	vst.idx.add.f32.msk $0xffff, v1  }
0x21c: {  	v2 =	vld [tilespmem:$0x270];
	_ =	sdelay $0x7  }
0x21d: {  	[tilespmem:v2+s22+$0x0] =	vst.idx.add.f32.msk $0xffff, v1  }
0x21e: {  	v2 =	vld [tilespmem:$0x280];
	_ =	sdelay $0x7  }
0x21f: {  	[tilespmem:v2+s22+$0x0] =	vst.idx.add.f32.msk $0xffff, v1  }
0x220: {  	v2 =	vld [tilespmem:$0x290];
	_ =	sdelay $0x7  }
0x221: {  	[tilespmem:v2+s22+$0x0] =	vst.idx.add.f32.msk $0xffff, v1  }
0x222: {  	v2 =	vld [tilespmem:$0x2A0];
	_ =	sdelay $0x7  }
0x223: {  	[tilespmem:v2+s22+$0x0] =	vst.idx.add.f32.msk $0xffff, v1  }
0x224: {  	v2 =	vld [tilespmem:$0x2B0];
	_ =	sdelay $0x7  }
0x225: {  	[tilespmem:v2+s22+$0x0] =	vst.idx.add.f32.msk $0xffff, v1  }
0x226: {  	v2 =	vld [tilespmem:$0x2C0];
	_ =	sdelay $0x7  }
0x227: {  	[tilespmem:v2+s22+$0x0] =	vst.idx.add.f32.msk $0xffff, v1  }
0x228: {  	v2 =	vld [tilespmem:$0x2D0];
	_ =	sdelay $0x7  }
0x229: {  	[tilespmem:v2+s22+$0x0] =	vst.idx.add.f32.msk $0xffff, v1  }
0x22a: {  	v2 =	vld [tilespmem:$0x2E0];
	_ =	sdelay $0x7  }
0x22b: {  	[tilespmem:v2+s22+$0x0] =	vst.idx.add.f32.msk $0xffff, v1  }
0x22c: {  	v2 =	vld [tilespmem:$0x2F0];
	_ =	sdelay $0x7  }
0x22d: {  	[tilespmem:v2+s22+$0x0] =	vst.idx.add.f32.msk $0xffff, v1  }
0x22e: {  	v2 =	vld [tilespmem:$0x300];
	_ =	sdelay $0x7  }
0x22f: {  	[tilespmem:v2+s22+$0x0] =	vst.idx.add.f32.msk $0xffff, v1  }
0x230: {  	v2 =	vld [tilespmem:$0x310];
	_ =	sdelay $0x7  }
0x231: {  	[tilespmem:v2+s22+$0x0] =	vst.idx.add.f32.msk $0xffff, v1  }
0x232: {  	v2 =	vld [tilespmem:$0x320];
	_ =	sdelay $0x7  }
0x233: {  	[tilespmem:v2+s22+$0x0] =	vst.idx.add.f32.msk $0xffff, v1  }
0x234: {  	v2 =	vld [tilespmem:$0x330];
	_ =	sdelay $0x7  }
0x235: {  	[tilespmem:v2+s22+$0x0] =	vst.idx.add.f32.msk $0xffff, v1  }
0x236: {  	v2 =	vld [tilespmem:$0x340];
	_ =	sdelay $0x7  }
0x237: {  	[tilespmem:v2+s22+$0x0] =	vst.idx.add.f32.msk $0xffff, v1  }
0x238: {  	v2 =	vld [tilespmem:$0x350];
	_ =	sdelay $0x7  }
0x239: {  	[tilespmem:v2+s22+$0x0] =	vst.idx.add.f32.msk $0xffff, v1  }
0x23a: {  	v2 =	vld [tilespmem:$0x360];
	_ =	sdelay $0x7  }
0x23b: {  	[tilespmem:v2+s22+$0x0] =	vst.idx.add.f32.msk $0xffff, v1  }
0x23c: {  	v2 =	vld [tilespmem:$0x370];
	_ =	sdelay $0x7  }
0x23d: {  	[tilespmem:v2+s22+$0x0] =	vst.idx.add.f32.msk $0xffff, v1  }
0x23e: {  	v2 =	vld [tilespmem:$0x380];
	_ =	sdelay $0x7  }
0x23f: {  	[tilespmem:v2+s22+$0x0] =	vst.idx.add.f32.msk $0xffff, v1  }
0x240: {  	v2 =	vld [tilespmem:$0x390];
	_ =	sdelay $0x7  }
0x241: {  	[tilespmem:v2+s22+$0x0] =	vst.idx.add.f32.msk $0xffff, v1  }
0x242: {  	v2 =	vld [tilespmem:$0x3A0];
	_ =	sdelay $0x7  }
0x243: {  	[tilespmem:v2+s22+$0x0] =	vst.idx.add.f32.msk $0xffff, v1  }
0x244: {  	v2 =	vld [tilespmem:$0x3B0];
	_ =	sdelay $0x7  }
0x245: {  	[tilespmem:v2+s22+$0x0] =	vst.idx.add.f32.msk $0xffff, v1  }
0x246: {  	v2 =	vld [tilespmem:$0x3C0];
	_ =	sdelay $0x7  }
0x247: {  	[tilespmem:v2+s22+$0x0] =	vst.idx.add.f32.msk $0xffff, v1  }
0x248: {  	v2 =	vld [tilespmem:$0x3D0];
	_ =	sdelay $0x7  }
0x249: {  	[tilespmem:v2+s22+$0x0] =	vst.idx.add.f32.msk $0xffff, v1  }
0x24a: {  	v2 =	vld [tilespmem:$0x3E0];
	_ =	sdelay $0x7  }
0x24b: {  	[tilespmem:v2+s22+$0x0] =	vst.idx.add.f32.msk $0xffff, v1  }
0x24c: {  	v2 =	vld [tilespmem:$0x3F0];
	_ =	sdelay $0x7  }
0x24d: {  	[tilespmem:v2+s22+$0x0] =	vst.idx.add.f32.msk $0xffff, v1  }
0x24e: {  	v2 =	vld [tilespmem:$0x400];
	_ =	sdelay $0x7  }
0x24f: {  	[tilespmem:v2+s22+$0x0] =	vst.idx.add.f32.msk $0xffff, v1  }
0x250: {  	v2 =	vld [tilespmem:$0x410];
	_ =	sdelay $0x7  }
0x251: {  	[tilespmem:v2+s22+$0x0] =	vst.idx.add.f32.msk $0xffff, v1  }
0x252: {  	v2 =	vld [tilespmem:$0x420];
	_ =	sdelay $0x7  }
0x253: {  	[tilespmem:v2+s22+$0x0] =	vst.idx.add.f32.msk $0xffff, v1  }
0x254: {  	v2 =	vld [tilespmem:$0x430];
	_ =	sdelay $0x7  }
0x255: {  	[tilespmem:v2+s22+$0x0] =	vst.idx.add.f32.msk $0xffff, v1  }
0x256: {  	v2 =	vld [tilespmem:$0x440];
	_ =	sdelay $0x7  }
0x257: {  	[tilespmem:v2+s22+$0x0] =	vst.idx.add.f32.msk $0xffff, v1  }
0x258: {  	v2 =	vld [tilespmem:$0x450];
	_ =	sdelay $0x7  }
0x259: {  	[tilespmem:v2+s22+$0x0] =	vst.idx.add.f32.msk $0xffff, v1  }
0x25a: {  	v2 =	vld [tilespmem:$0x460];
	_ =	sdelay $0x7  }
0x25b: {  	[tilespmem:v2+s22+$0x0] =	vst.idx.add.f32.msk $0xffff, v1  }
0x25c: {  	v2 =	vld [tilespmem:$0x470];
	_ =	sdelay $0x7  }
0x25d: {  	[tilespmem:v2+s22+$0x0] =	vst.idx.add.f32.msk $0xffff, v1  }
0x25e: {  	_ =	swait.ge [sflag:s30], $0x9000  }
0x25f: {  	[sflag:s30] =	ssyncset.done $0x0  }
0x260: {  	[sflag:s30] =	ssyncadd.s32 $0xFFFF7000  }
0x261: {  	[spmem:s2] =	stream.indirect.scatter.add.f32 [tilespmem:s16], [sflag:$0x4], $0x40, s0, s0, $0xb8;
	[tilespmem:$0x1F570] =	vst v63  }
0x262: {  	_ =	swait.ge [sflag:s19], $0x9000  }
0x263: {  	[sflag:s19] =	ssyncset.done $0x0  }
0x264: {  	[sflag:s19] =	ssyncadd.s32 $0xFFFF7000  }
0x265: {  	_ =	swait.ge [sflag:s11], $0x240  }
0x266: {  	[sflag:s11] =	ssyncset.done $0x0  }
0x267: {  	[sflag:s11] =	ssyncadd.s32 $0xFFFFFDC0  }
0x268: {  	_ =	swait.ge [sflag:s11], $0x240  }
0x269: {  	[sflag:s11] =	ssyncset.done $0x0  }
0x26a: {  	s24 =	rddreg [dreg:$0x17];
	[sflag:s11] =	ssyncadd.s32 $0xFFFFFDC0  }
0x26b: {  	[tilespmem:s16], [sflag:$0x3] =	stream.indirect.gather [hbm4b:s4+s0], $0x40, s29, s0, $0xb8;
	[tilespmem:$0x1F570] =	vst v63  }
0x26c: {  	s31 =	rddreg [dreg:$0x14]  }
0x26d: {  	[tilespmem:s3], [sflag:$0x1] =	stream.linear.gather [hbm4b:s24+s3], $0x240, $0x38;
	[tilespmem:$0x1F570] =	vst v63  }
0x26e: {  	s6 =	sadd.s32 s31, s9  }
0x26f: {  	[tilespmem:s25], [sflag:$0x1] =	stream.linear.gather [hbm4b:s6+s3], $0x240, $0x38;
	[tilespmem:$0x1F570] =	vst v63  }
0x270: {  	v2 =	vld [tilespmem:$0x480];
	_ =	sdelay $0x7  }
0x271: {  	[tilespmem:v2+s22+$0x0] =	vst.idx.add.f32.msk $0xffff, v1  }
0x272: {  	v2 =	vld [tilespmem:$0x490];
	_ =	sdelay $0x7  }
0x273: {  	[tilespmem:v2+s22+$0x0] =	vst.idx.add.f32.msk $0xffff, v1  }
0x274: {  	v2 =	vld [tilespmem:$0x4A0];
	_ =	sdelay $0x7  }
0x275: {  	[tilespmem:v2+s22+$0x0] =	vst.idx.add.f32.msk $0xffff, v1  }
0x276: {  	v2 =	vld [tilespmem:$0x4B0];
	_ =	sdelay $0x7  }
0x277: {  	[tilespmem:v2+s22+$0x0] =	vst.idx.add.f32.msk $0xffff, v1  }
0x278: {  	v2 =	vld [tilespmem:$0x4C0];
	_ =	sdelay $0x7  }
0x279: {  	[tilespmem:v2+s22+$0x0] =	vst.idx.add.f32.msk $0xffff, v1  }
0x27a: {  	v2 =	vld [tilespmem:$0x4D0];
	_ =	sdelay $0x7  }
0x27b: {  	[tilespmem:v2+s22+$0x0] =	vst.idx.add.f32.msk $0xffff, v1  }
0x27c: {  	v2 =	vld [tilespmem:$0x4E0];
	_ =	sdelay $0x7  }
0x27d: {  	[tilespmem:v2+s22+$0x0] =	vst.idx.add.f32.msk $0xffff, v1  }
0x27e: {  	v2 =	vld [tilespmem:$0x4F0];
	_ =	sdelay $0x7  }
0x27f: {  	[tilespmem:v2+s22+$0x0] =	vst.idx.add.f32.msk $0xffff, v1  }
0x280: {  	v2 =	vld [tilespmem:$0x500];
	_ =	sdelay $0x7  }
0x281: {  	[tilespmem:v2+s22+$0x0] =	vst.idx.add.f32.msk $0xffff, v1  }
0x282: {  	v2 =	vld [tilespmem:$0x510];
	_ =	sdelay $0x7  }
0x283: {  	[tilespmem:v2+s22+$0x0] =	vst.idx.add.f32.msk $0xffff, v1  }
0x284: {  	v2 =	vld [tilespmem:$0x520];
	_ =	sdelay $0x7  }
0x285: {  	[tilespmem:v2+s22+$0x0] =	vst.idx.add.f32.msk $0xffff, v1  }
0x286: {  	v2 =	vld [tilespmem:$0x530];
	_ =	sdelay $0x7  }
0x287: {  	[tilespmem:v2+s22+$0x0] =	vst.idx.add.f32.msk $0xffff, v1  }
0x288: {  	v2 =	vld [tilespmem:$0x540];
	_ =	sdelay $0x7  }
0x289: {  	[tilespmem:v2+s22+$0x0] =	vst.idx.add.f32.msk $0xffff, v1  }
0x28a: {  	v2 =	vld [tilespmem:$0x550];
	_ =	sdelay $0x7  }
0x28b: {  	[tilespmem:v2+s22+$0x0] =	vst.idx.add.f32.msk $0xffff, v1  }
0x28c: {  	v2 =	vld [tilespmem:$0x560];
	_ =	sdelay $0x7  }
0x28d: {  	[tilespmem:v2+s22+$0x0] =	vst.idx.add.f32.msk $0xffff, v1  }
0x28e: {  	v2 =	vld [tilespmem:$0x570];
	_ =	sdelay $0x7  }
0x28f: {  	[tilespmem:v2+s22+$0x0] =	vst.idx.add.f32.msk $0xffff, v1  }
0x290: {  	v2 =	vld [tilespmem:$0x580];
	_ =	sdelay $0x7  }
0x291: {  	[tilespmem:v2+s22+$0x0] =	vst.idx.add.f32.msk $0xffff, v1  }
0x292: {  	v2 =	vld [tilespmem:$0x590];
	_ =	sdelay $0x7  }
0x293: {  	[tilespmem:v2+s22+$0x0] =	vst.idx.add.f32.msk $0xffff, v1  }
0x294: {  	v2 =	vld [tilespmem:$0x5A0];
	_ =	sdelay $0x7  }
0x295: {  	[tilespmem:v2+s22+$0x0] =	vst.idx.add.f32.msk $0xffff, v1  }
0x296: {  	v2 =	vld [tilespmem:$0x5B0];
	_ =	sdelay $0x7  }
0x297: {  	[tilespmem:v2+s22+$0x0] =	vst.idx.add.f32.msk $0xffff, v1  }
0x298: {  	v2 =	vld [tilespmem:$0x5C0];
	_ =	sdelay $0x7  }
0x299: {  	[tilespmem:v2+s22+$0x0] =	vst.idx.add.f32.msk $0xffff, v1  }
0x29a: {  	v2 =	vld [tilespmem:$0x5D0];
	_ =	sdelay $0x7  }
0x29b: {  	[tilespmem:v2+s22+$0x0] =	vst.idx.add.f32.msk $0xffff, v1  }
0x29c: {  	v2 =	vld [tilespmem:$0x5E0];
	_ =	sdelay $0x7  }
0x29d: {  	[tilespmem:v2+s22+$0x0] =	vst.idx.add.f32.msk $0xffff, v1  }
0x29e: {  	v2 =	vld [tilespmem:$0x5F0];
	_ =	sdelay $0x7  }
0x29f: {  	[tilespmem:v2+s22+$0x0] =	vst.idx.add.f32.msk $0xffff, v1  }
0x2a0: {  	v2 =	vld [tilespmem:$0x600];
	_ =	sdelay $0x7  }
0x2a1: {  	[tilespmem:v2+s22+$0x0] =	vst.idx.add.f32.msk $0xffff, v1  }
0x2a2: {  	v2 =	vld [tilespmem:$0x610];
	_ =	sdelay $0x7  }
0x2a3: {  	[tilespmem:v2+s22+$0x0] =	vst.idx.add.f32.msk $0xffff, v1  }
0x2a4: {  	v2 =	vld [tilespmem:$0x620];
	_ =	sdelay $0x7  }
0x2a5: {  	[tilespmem:v2+s22+$0x0] =	vst.idx.add.f32.msk $0xffff, v1  }
0x2a6: {  	v2 =	vld [tilespmem:$0x630];
	_ =	sdelay $0x7  }
0x2a7: {  	[tilespmem:v2+s22+$0x0] =	vst.idx.add.f32.msk $0xffff, v1  }
0x2a8: {  	v2 =	vld [tilespmem:$0x640];
	_ =	sdelay $0x7  }
0x2a9: {  	[tilespmem:v2+s22+$0x0] =	vst.idx.add.f32.msk $0xffff, v1  }
0x2aa: {  	v2 =	vld [tilespmem:$0x650];
	_ =	sdelay $0x7  }
0x2ab: {  	[tilespmem:v2+s22+$0x0] =	vst.idx.add.f32.msk $0xffff, v1  }
0x2ac: {  	v2 =	vld [tilespmem:$0x660];
	_ =	sdelay $0x7  }
0x2ad: {  	[tilespmem:v2+s22+$0x0] =	vst.idx.add.f32.msk $0xffff, v1  }
0x2ae: {  	v2 =	vld [tilespmem:$0x670];
	_ =	sdelay $0x7  }
0x2af: {  	[tilespmem:v2+s22+$0x0] =	vst.idx.add.f32.msk $0xffff, v1  }
0x2b0: {  	v2 =	vld [tilespmem:$0x680];
	_ =	sdelay $0x7  }
0x2b1: {  	[tilespmem:v2+s22+$0x0] =	vst.idx.add.f32.msk $0xffff, v1  }
0x2b2: {  	v2 =	vld [tilespmem:$0x690];
	_ =	sdelay $0x7  }
0x2b3: {  	[tilespmem:v2+s22+$0x0] =	vst.idx.add.f32.msk $0xffff, v1  }
0x2b4: {  	v2 =	vld [tilespmem:$0x6A0];
	_ =	sdelay $0x7  }
0x2b5: {  	[tilespmem:v2+s22+$0x0] =	vst.idx.add.f32.msk $0xffff, v1  }
0x2b6: {  	v2 =	vld [tilespmem:$0x6B0];
	_ =	sdelay $0x7  }
0x2b7: {  	[tilespmem:v2+s22+$0x0] =	vst.idx.add.f32.msk $0xffff, v1  }
0x2b8: {  	_ =	swait.ge [sflag:s23], $0x9000  }
0x2b9: {  	[sflag:s23] =	ssyncset.done $0x0  }
0x2ba: {  	[sflag:s23] =	ssyncadd.s32 $0xFFFF7000  }
0x2bb: {  	[spmem:s2] =	stream.indirect.scatter.add.f32 [tilespmem:s14], [sflag:$0x4], $0x40, s17, s0, $0xb8;
	[tilespmem:$0x1F570] =	vst v63  }
0x2bc: {  	_ =	swait.ge [sflag:s19], $0x9000  }
0x2bd: {  	[sflag:s19] =	ssyncset.done $0x0  }
0x2be: {  	[sflag:s19] =	ssyncadd.s32 $0xFFFF7000  }
0x2bf: {  	_ =	swait.ge [sflag:s11], $0x240  }
0x2c0: {  	[sflag:s11] =	ssyncset.done $0x0  }
0x2c1: {  	[sflag:s11] =	ssyncadd.s32 $0xFFFFFDC0  }
0x2c2: {  	_ =	swait.ge [sflag:s11], $0x240  }
0x2c3: {  	[sflag:s11] =	ssyncset.done $0x0  }
0x2c4: {  	s8 =	rddreg [dreg:$0x1b];
	[sflag:s11] =	ssyncadd.s32 $0xFFFFFDC0  }
0x2c5: {  	[tilespmem:s14], [sflag:$0x2] =	stream.indirect.gather [hbm4b:s4+s0], $0x40, s25, s0, $0xb8;
	[tilespmem:$0x1F570] =	vst v63  }
0x2c6: {  	s12 =	rddreg [dreg:$0x18]  }
0x2c7: {  	[tilespmem:s0], [sflag:$0x1] =	stream.linear.gather [hbm4b:s8+s3], $0x240, $0x38;
	[tilespmem:$0x1F570] =	vst v63  }
0x2c8: {  	s13 =	sadd.s32 s12, s9  }
0x2c9: {  	[tilespmem:s10], [sflag:$0x1] =	stream.linear.gather [hbm4b:s13+s3], $0x240, $0x38;
	[tilespmem:$0x1F570] =	vst v63  }
0x2ca: {  	v2 =	vld [tilespmem:$0x6C0];
	_ =	sdelay $0x7  }
0x2cb: {  	[tilespmem:v2+s22+$0x0] =	vst.idx.add.f32.msk $0xffff, v1  }
0x2cc: {  	v2 =	vld [tilespmem:$0x6D0];
	_ =	sdelay $0x7  }
0x2cd: {  	[tilespmem:v2+s22+$0x0] =	vst.idx.add.f32.msk $0xffff, v1  }
0x2ce: {  	v2 =	vld [tilespmem:$0x6E0];
	_ =	sdelay $0x7  }
0x2cf: {  	[tilespmem:v2+s22+$0x0] =	vst.idx.add.f32.msk $0xffff, v1  }
0x2d0: {  	v2 =	vld [tilespmem:$0x6F0];
	_ =	sdelay $0x7  }
0x2d1: {  	[tilespmem:v2+s22+$0x0] =	vst.idx.add.f32.msk $0xffff, v1  }
0x2d2: {  	v2 =	vld [tilespmem:$0x700];
	_ =	sdelay $0x7  }
0x2d3: {  	[tilespmem:v2+s22+$0x0] =	vst.idx.add.f32.msk $0xffff, v1  }
0x2d4: {  	v2 =	vld [tilespmem:$0x710];
	_ =	sdelay $0x7  }
0x2d5: {  	[tilespmem:v2+s22+$0x0] =	vst.idx.add.f32.msk $0xffff, v1  }
0x2d6: {  	v2 =	vld [tilespmem:$0x720];
	_ =	sdelay $0x7  }
0x2d7: {  	[tilespmem:v2+s22+$0x0] =	vst.idx.add.f32.msk $0xffff, v1  }
0x2d8: {  	v2 =	vld [tilespmem:$0x730];
	_ =	sdelay $0x7  }
0x2d9: {  	[tilespmem:v2+s22+$0x0] =	vst.idx.add.f32.msk $0xffff, v1  }
0x2da: {  	v2 =	vld [tilespmem:$0x740];
	_ =	sdelay $0x7  }
0x2db: {  	[tilespmem:v2+s22+$0x0] =	vst.idx.add.f32.msk $0xffff, v1  }
0x2dc: {  	v2 =	vld [tilespmem:$0x750];
	_ =	sdelay $0x7  }
0x2dd: {  	[tilespmem:v2+s22+$0x0] =	vst.idx.add.f32.msk $0xffff, v1  }
0x2de: {  	v2 =	vld [tilespmem:$0x760];
	_ =	sdelay $0x7  }
0x2df: {  	[tilespmem:v2+s22+$0x0] =	vst.idx.add.f32.msk $0xffff, v1  }
0x2e0: {  	v2 =	vld [tilespmem:$0x770];
	_ =	sdelay $0x7  }
0x2e1: {  	[tilespmem:v2+s22+$0x0] =	vst.idx.add.f32.msk $0xffff, v1  }
0x2e2: {  	v2 =	vld [tilespmem:$0x780];
	_ =	sdelay $0x7  }
0x2e3: {  	[tilespmem:v2+s22+$0x0] =	vst.idx.add.f32.msk $0xffff, v1  }
0x2e4: {  	v2 =	vld [tilespmem:$0x790];
	_ =	sdelay $0x7  }
0x2e5: {  	[tilespmem:v2+s22+$0x0] =	vst.idx.add.f32.msk $0xffff, v1  }
0x2e6: {  	v2 =	vld [tilespmem:$0x7A0];
	_ =	sdelay $0x7  }
0x2e7: {  	[tilespmem:v2+s22+$0x0] =	vst.idx.add.f32.msk $0xffff, v1  }
0x2e8: {  	v2 =	vld [tilespmem:$0x7B0];
	_ =	sdelay $0x7  }
0x2e9: {  	[tilespmem:v2+s22+$0x0] =	vst.idx.add.f32.msk $0xffff, v1  }
0x2ea: {  	v2 =	vld [tilespmem:$0x7C0];
	_ =	sdelay $0x7  }
0x2eb: {  	[tilespmem:v2+s22+$0x0] =	vst.idx.add.f32.msk $0xffff, v1  }
0x2ec: {  	v2 =	vld [tilespmem:$0x7D0];
	_ =	sdelay $0x7  }
0x2ed: {  	[tilespmem:v2+s22+$0x0] =	vst.idx.add.f32.msk $0xffff, v1  }
0x2ee: {  	v2 =	vld [tilespmem:$0x7E0];
	_ =	sdelay $0x7  }
0x2ef: {  	[tilespmem:v2+s22+$0x0] =	vst.idx.add.f32.msk $0xffff, v1  }
0x2f0: {  	v2 =	vld [tilespmem:$0x7F0];
	_ =	sdelay $0x7  }
0x2f1: {  	[tilespmem:v2+s22+$0x0] =	vst.idx.add.f32.msk $0xffff, v1  }
0x2f2: {  	v2 =	vld [tilespmem:$0x800];
	_ =	sdelay $0x7  }
0x2f3: {  	[tilespmem:v2+s22+$0x0] =	vst.idx.add.f32.msk $0xffff, v1  }
0x2f4: {  	v2 =	vld [tilespmem:$0x810];
	_ =	sdelay $0x7  }
0x2f5: {  	[tilespmem:v2+s22+$0x0] =	vst.idx.add.f32.msk $0xffff, v1  }
0x2f6: {  	v2 =	vld [tilespmem:$0x820];
	_ =	sdelay $0x7  }
0x2f7: {  	[tilespmem:v2+s22+$0x0] =	vst.idx.add.f32.msk $0xffff, v1  }
0x2f8: {  	v2 =	vld [tilespmem:$0x830];
	_ =	sdelay $0x7  }
0x2f9: {  	[tilespmem:v2+s22+$0x0] =	vst.idx.add.f32.msk $0xffff, v1  }
0x2fa: {  	v2 =	vld [tilespmem:$0x840];
	_ =	sdelay $0x7  }
0x2fb: {  	[tilespmem:v2+s22+$0x0] =	vst.idx.add.f32.msk $0xffff, v1  }
0x2fc: {  	v2 =	vld [tilespmem:$0x850];
	_ =	sdelay $0x7  }
0x2fd: {  	[tilespmem:v2+s22+$0x0] =	vst.idx.add.f32.msk $0xffff, v1  }
0x2fe: {  	v2 =	vld [tilespmem:$0x860];
	_ =	sdelay $0x7  }
0x2ff: {  	[tilespmem:v2+s22+$0x0] =	vst.idx.add.f32.msk $0xffff, v1  }
0x300: {  	v2 =	vld [tilespmem:$0x870];
	_ =	sdelay $0x7  }
0x301: {  	[tilespmem:v2+s22+$0x0] =	vst.idx.add.f32.msk $0xffff, v1  }
0x302: {  	v2 =	vld [tilespmem:$0x880];
	_ =	sdelay $0x7  }
0x303: {  	[tilespmem:v2+s22+$0x0] =	vst.idx.add.f32.msk $0xffff, v1  }
0x304: {  	v2 =	vld [tilespmem:$0x890];
	_ =	sdelay $0x7  }
0x305: {  	[tilespmem:v2+s22+$0x0] =	vst.idx.add.f32.msk $0xffff, v1  }
0x306: {  	v2 =	vld [tilespmem:$0x8A0];
	_ =	sdelay $0x7  }
0x307: {  	[tilespmem:v2+s22+$0x0] =	vst.idx.add.f32.msk $0xffff, v1  }
0x308: {  	v2 =	vld [tilespmem:$0x8B0];
	_ =	sdelay $0x7  }
0x309: {  	[tilespmem:v2+s22+$0x0] =	vst.idx.add.f32.msk $0xffff, v1  }
0x30a: {  	v2 =	vld [tilespmem:$0x8C0];
	_ =	sdelay $0x7  }
0x30b: {  	[tilespmem:v2+s22+$0x0] =	vst.idx.add.f32.msk $0xffff, v1  }
0x30c: {  	v2 =	vld [tilespmem:$0x8D0];
	_ =	sdelay $0x7  }
0x30d: {  	[tilespmem:v2+s22+$0x0] =	vst.idx.add.f32.msk $0xffff, v1  }
0x30e: {  	v2 =	vld [tilespmem:$0x8E0];
	_ =	sdelay $0x7  }
0x30f: {  	[tilespmem:v2+s22+$0x0] =	vst.idx.add.f32.msk $0xffff, v1  }
0x310: {  	v2 =	vld [tilespmem:$0x8F0];
	_ =	sdelay $0x7  }
0x311: {  	[tilespmem:v2+s22+$0x0] =	vst.idx.add.f32.msk $0xffff, v1  }
0x312: {  	_ =	swait.ge [sflag:s30], $0x9000  }
0x313: {  	[sflag:s30] =	ssyncset.done $0x0  }
0x314: {  	[sflag:s30] =	ssyncadd.s32 $0xFFFF7000  }
0x315: {  	[spmem:s2] =	stream.indirect.scatter.add.f32 [tilespmem:s16], [sflag:$0x4], $0x40, s28, s0, $0xb8;
	[tilespmem:$0x1F570] =	vst v63  }
0x316: {  	_ =	swait.ge [sflag:s19], $0x9000  }
0x317: {  	[sflag:s19] =	ssyncset.done $0x0  }
0x318: {  	[sflag:s19] =	ssyncadd.s32 $0xFFFF7000  }
0x319: {  	_ =	swait.ge [sflag:s11], $0x240  }
0x31a: {  	[sflag:s11] =	ssyncset.done $0x0  }
0x31b: {  	[sflag:s11] =	ssyncadd.s32 $0xFFFFFDC0  }
0x31c: {  	_ =	swait.ge [sflag:s11], $0x240  }
0x31d: {  	[sflag:s11] =	ssyncset.done $0x0  }
0x31e: {  	s18 =	rddreg [dreg:$0x1c];
	[sflag:s11] =	ssyncadd.s32 $0xFFFFFDC0  }
0x31f: {  	[tilespmem:s16], [sflag:$0x3] =	stream.indirect.gather [hbm4b:s4+s0], $0x40, s10, s0, $0xb8;
	[tilespmem:$0x1F570] =	vst v63  }
0x320: {  	s20 =	rddreg [dreg:$0x19]  }
0x321: {  	[tilespmem:s17], [sflag:$0x1] =	stream.linear.gather [hbm4b:s18+s3], $0x240, $0x38;
	[tilespmem:$0x1F570] =	vst v63  }
0x322: {  	s24 =	sadd.s32 s20, s9  }
0x323: {  	[tilespmem:s21], [sflag:$0x1] =	stream.linear.gather [hbm4b:s24+s3], $0x240, $0x38;
	[tilespmem:$0x1F570] =	vst v63  }
0x324: {  	v2 =	vld [tilespmem:$0x0];
	_ =	sdelay $0x7  }
0x325: {  	[tilespmem:v2+s22+$0x0] =	vst.idx.add.f32.msk $0xffff, v1  }
0x326: {  	v2 =	vld [tilespmem:$0x10];
	_ =	sdelay $0x7  }
0x327: {  	[tilespmem:v2+s22+$0x0] =	vst.idx.add.f32.msk $0xffff, v1  }
0x328: {  	v2 =	vld [tilespmem:$0x20];
	_ =	sdelay $0x7  }
0x329: {  	[tilespmem:v2+s22+$0x0] =	vst.idx.add.f32.msk $0xffff, v1  }
0x32a: {  	v2 =	vld [tilespmem:$0x30];
	_ =	sdelay $0x7  }
0x32b: {  	[tilespmem:v2+s22+$0x0] =	vst.idx.add.f32.msk $0xffff, v1  }
0x32c: {  	v2 =	vld [tilespmem:$0x40];
	_ =	sdelay $0x7  }
0x32d: {  	[tilespmem:v2+s22+$0x0] =	vst.idx.add.f32.msk $0xffff, v1  }
0x32e: {  	v2 =	vld [tilespmem:$0x50];
	_ =	sdelay $0x7  }
0x32f: {  	[tilespmem:v2+s22+$0x0] =	vst.idx.add.f32.msk $0xffff, v1  }
0x330: {  	v2 =	vld [tilespmem:$0x60];
	_ =	sdelay $0x7  }
0x331: {  	[tilespmem:v2+s22+$0x0] =	vst.idx.add.f32.msk $0xffff, v1  }
0x332: {  	v2 =	vld [tilespmem:$0x70];
	_ =	sdelay $0x7  }
0x333: {  	[tilespmem:v2+s22+$0x0] =	vst.idx.add.f32.msk $0xffff, v1  }
0x334: {  	v2 =	vld [tilespmem:$0x80];
	_ =	sdelay $0x7  }
0x335: {  	[tilespmem:v2+s22+$0x0] =	vst.idx.add.f32.msk $0xffff, v1  }
0x336: {  	v2 =	vld [tilespmem:$0x90];
	_ =	sdelay $0x7  }
0x337: {  	[tilespmem:v2+s22+$0x0] =	vst.idx.add.f32.msk $0xffff, v1  }
0x338: {  	v2 =	vld [tilespmem:$0xA0];
	_ =	sdelay $0x7  }
0x339: {  	[tilespmem:v2+s22+$0x0] =	vst.idx.add.f32.msk $0xffff, v1  }
0x33a: {  	v2 =	vld [tilespmem:$0xB0];
	_ =	sdelay $0x7  }
0x33b: {  	[tilespmem:v2+s22+$0x0] =	vst.idx.add.f32.msk $0xffff, v1  }
0x33c: {  	v2 =	vld [tilespmem:$0xC0];
	_ =	sdelay $0x7  }
0x33d: {  	[tilespmem:v2+s22+$0x0] =	vst.idx.add.f32.msk $0xffff, v1  }
0x33e: {  	v2 =	vld [tilespmem:$0xD0];
	_ =	sdelay $0x7  }
0x33f: {  	[tilespmem:v2+s22+$0x0] =	vst.idx.add.f32.msk $0xffff, v1  }
0x340: {  	v2 =	vld [tilespmem:$0xE0];
	_ =	sdelay $0x7  }
0x341: {  	[tilespmem:v2+s22+$0x0] =	vst.idx.add.f32.msk $0xffff, v1  }
0x342: {  	v2 =	vld [tilespmem:$0xF0];
	_ =	sdelay $0x7  }
0x343: {  	[tilespmem:v2+s22+$0x0] =	vst.idx.add.f32.msk $0xffff, v1  }
0x344: {  	v2 =	vld [tilespmem:$0x100];
	_ =	sdelay $0x7  }
0x345: {  	[tilespmem:v2+s22+$0x0] =	vst.idx.add.f32.msk $0xffff, v1  }
0x346: {  	v2 =	vld [tilespmem:$0x110];
	_ =	sdelay $0x7  }
0x347: {  	[tilespmem:v2+s22+$0x0] =	vst.idx.add.f32.msk $0xffff, v1  }
0x348: {  	v2 =	vld [tilespmem:$0x120];
	_ =	sdelay $0x7  }
0x349: {  	[tilespmem:v2+s22+$0x0] =	vst.idx.add.f32.msk $0xffff, v1  }
0x34a: {  	v2 =	vld [tilespmem:$0x130];
	_ =	sdelay $0x7  }
0x34b: {  	[tilespmem:v2+s22+$0x0] =	vst.idx.add.f32.msk $0xffff, v1  }
0x34c: {  	v2 =	vld [tilespmem:$0x140];
	_ =	sdelay $0x7  }
0x34d: {  	[tilespmem:v2+s22+$0x0] =	vst.idx.add.f32.msk $0xffff, v1  }
0x34e: {  	v2 =	vld [tilespmem:$0x150];
	_ =	sdelay $0x7  }
0x34f: {  	[tilespmem:v2+s22+$0x0] =	vst.idx.add.f32.msk $0xffff, v1  }
0x350: {  	v2 =	vld [tilespmem:$0x160];
	_ =	sdelay $0x7  }
0x351: {  	[tilespmem:v2+s22+$0x0] =	vst.idx.add.f32.msk $0xffff, v1  }
0x352: {  	v2 =	vld [tilespmem:$0x170];
	_ =	sdelay $0x7  }
0x353: {  	[tilespmem:v2+s22+$0x0] =	vst.idx.add.f32.msk $0xffff, v1  }
0x354: {  	v2 =	vld [tilespmem:$0x180];
	_ =	sdelay $0x7  }
0x355: {  	[tilespmem:v2+s22+$0x0] =	vst.idx.add.f32.msk $0xffff, v1  }
0x356: {  	v2 =	vld [tilespmem:$0x190];
	_ =	sdelay $0x7  }
0x357: {  	[tilespmem:v2+s22+$0x0] =	vst.idx.add.f32.msk $0xffff, v1  }
0x358: {  	v2 =	vld [tilespmem:$0x1A0];
	_ =	sdelay $0x7  }
0x359: {  	[tilespmem:v2+s22+$0x0] =	vst.idx.add.f32.msk $0xffff, v1  }
0x35a: {  	v2 =	vld [tilespmem:$0x1B0];
	_ =	sdelay $0x7  }
0x35b: {  	[tilespmem:v2+s22+$0x0] =	vst.idx.add.f32.msk $0xffff, v1  }
0x35c: {  	v2 =	vld [tilespmem:$0x1C0];
	_ =	sdelay $0x7  }
0x35d: {  	[tilespmem:v2+s22+$0x0] =	vst.idx.add.f32.msk $0xffff, v1  }
0x35e: {  	v2 =	vld [tilespmem:$0x1D0];
	_ =	sdelay $0x7  }
0x35f: {  	[tilespmem:v2+s22+$0x0] =	vst.idx.add.f32.msk $0xffff, v1  }
0x360: {  	v2 =	vld [tilespmem:$0x1E0];
	_ =	sdelay $0x7  }
0x361: {  	[tilespmem:v2+s22+$0x0] =	vst.idx.add.f32.msk $0xffff, v1  }
0x362: {  	v2 =	vld [tilespmem:$0x1F0];
	_ =	sdelay $0x7  }
0x363: {  	[tilespmem:v2+s22+$0x0] =	vst.idx.add.f32.msk $0xffff, v1  }
0x364: {  	v2 =	vld [tilespmem:$0x200];
	_ =	sdelay $0x7  }
0x365: {  	[tilespmem:v2+s22+$0x0] =	vst.idx.add.f32.msk $0xffff, v1  }
0x366: {  	v2 =	vld [tilespmem:$0x210];
	_ =	sdelay $0x7  }
0x367: {  	[tilespmem:v2+s22+$0x0] =	vst.idx.add.f32.msk $0xffff, v1  }
0x368: {  	v2 =	vld [tilespmem:$0x220];
	_ =	sdelay $0x7  }
0x369: {  	[tilespmem:v2+s22+$0x0] =	vst.idx.add.f32.msk $0xffff, v1  }
0x36a: {  	v2 =	vld [tilespmem:$0x230];
	_ =	sdelay $0x7  }
0x36b: {  	[tilespmem:v2+s22+$0x0] =	vst.idx.add.f32.msk $0xffff, v1  }
0x36c: {  	_ =	swait.ge [sflag:s23], $0x9000  }
0x36d: {  	[sflag:s23] =	ssyncset.done $0x0  }
0x36e: {  	[sflag:s23] =	ssyncadd.s32 $0xFFFF7000  }
0x36f: {  	[spmem:s2] =	stream.indirect.scatter.add.f32 [tilespmem:s14], [sflag:$0x4], $0x40, s3, s0, $0xb8;
	[tilespmem:$0x1F570] =	vst v63  }
0x370: {  	_ =	swait.ge [sflag:s19], $0x9000  }
0x371: {  	[sflag:s19] =	ssyncset.done $0x0  }
0x372: {  	[sflag:s19] =	ssyncadd.s32 $0xFFFF7000  }
0x373: {  	_ =	swait.ge [sflag:s11], $0x240  }
0x374: {  	[sflag:s11] =	ssyncset.done $0x0  }
0x375: {  	[sflag:s11] =	ssyncadd.s32 $0xFFFFFDC0  }
0x376: {  	_ =	swait.ge [sflag:s11], $0x240  }
0x377: {  	[sflag:s11] =	ssyncset.done $0x0  }
0x378: {  	s31 =	rddreg [dreg:$0x1d];
	[sflag:s11] =	ssyncadd.s32 $0xFFFFFDC0  }
0x379: {  	[tilespmem:s14], [sflag:$0x2] =	stream.indirect.gather [hbm4b:s4+s0], $0x40, s21, s0, $0xb8;
	[tilespmem:$0x1F570] =	vst v63  }
0x37a: {  	s8 =	rddreg [dreg:$0x1a]  }
0x37b: {  	[tilespmem:s28], [sflag:$0x1] =	stream.linear.gather [hbm4b:s31+s3], $0x240, $0x38;
	[tilespmem:$0x1F570] =	vst v63  }
0x37c: {  	s12 =	sadd.s32 s8, s9  }
0x37d: {  	[tilespmem:s29], [sflag:$0x1] =	stream.linear.gather [hbm4b:s12+s3], $0x240, $0x38;
	[tilespmem:$0x1F570] =	vst v63  }
0x37e: {  	v2 =	vld [tilespmem:$0x240];
	_ =	sdelay $0x7  }
0x37f: {  	[tilespmem:v2+s22+$0x0] =	vst.idx.add.f32.msk $0xffff, v1  }
0x380: {  	v2 =	vld [tilespmem:$0x250];
	_ =	sdelay $0x7  }
0x381: {  	[tilespmem:v2+s22+$0x0] =	vst.idx.add.f32.msk $0xffff, v1  }
0x382: {  	v2 =	vld [tilespmem:$0x260];
	_ =	sdelay $0x7  }
0x383: {  	[tilespmem:v2+s22+$0x0] =	vst.idx.add.f32.msk $0xffff, v1  }
0x384: {  	v2 =	vld [tilespmem:$0x270];
	_ =	sdelay $0x7  }
0x385: {  	[tilespmem:v2+s22+$0x0] =	vst.idx.add.f32.msk $0xffff, v1  }
0x386: {  	v2 =	vld [tilespmem:$0x280];
	_ =	sdelay $0x7  }
0x387: {  	[tilespmem:v2+s22+$0x0] =	vst.idx.add.f32.msk $0xffff, v1  }
0x388: {  	v2 =	vld [tilespmem:$0x290];
	_ =	sdelay $0x7  }
0x389: {  	[tilespmem:v2+s22+$0x0] =	vst.idx.add.f32.msk $0xffff, v1  }
0x38a: {  	v2 =	vld [tilespmem:$0x2A0];
	_ =	sdelay $0x7  }
0x38b: {  	[tilespmem:v2+s22+$0x0] =	vst.idx.add.f32.msk $0xffff, v1  }
0x38c: {  	v2 =	vld [tilespmem:$0x2B0];
	_ =	sdelay $0x7  }
0x38d: {  	[tilespmem:v2+s22+$0x0] =	vst.idx.add.f32.msk $0xffff, v1  }
0x38e: {  	v2 =	vld [tilespmem:$0x2C0];
	_ =	sdelay $0x7  }
0x38f: {  	[tilespmem:v2+s22+$0x0] =	vst.idx.add.f32.msk $0xffff, v1  }
0x390: {  	v2 =	vld [tilespmem:$0x2D0];
	_ =	sdelay $0x7  }
0x391: {  	[tilespmem:v2+s22+$0x0] =	vst.idx.add.f32.msk $0xffff, v1  }
0x392: {  	v2 =	vld [tilespmem:$0x2E0];
	_ =	sdelay $0x7  }
0x393: {  	[tilespmem:v2+s22+$0x0] =	vst.idx.add.f32.msk $0xffff, v1  }
0x394: {  	v2 =	vld [tilespmem:$0x2F0];
	_ =	sdelay $0x7  }
0x395: {  	[tilespmem:v2+s22+$0x0] =	vst.idx.add.f32.msk $0xffff, v1  }
0x396: {  	v2 =	vld [tilespmem:$0x300];
	_ =	sdelay $0x7  }
0x397: {  	[tilespmem:v2+s22+$0x0] =	vst.idx.add.f32.msk $0xffff, v1  }
0x398: {  	v2 =	vld [tilespmem:$0x310];
	_ =	sdelay $0x7  }
0x399: {  	[tilespmem:v2+s22+$0x0] =	vst.idx.add.f32.msk $0xffff, v1  }
0x39a: {  	v2 =	vld [tilespmem:$0x320];
	_ =	sdelay $0x7  }
0x39b: {  	[tilespmem:v2+s22+$0x0] =	vst.idx.add.f32.msk $0xffff, v1  }
0x39c: {  	v2 =	vld [tilespmem:$0x330];
	_ =	sdelay $0x7  }
0x39d: {  	[tilespmem:v2+s22+$0x0] =	vst.idx.add.f32.msk $0xffff, v1  }
0x39e: {  	v2 =	vld [tilespmem:$0x340];
	_ =	sdelay $0x7  }
0x39f: {  	[tilespmem:v2+s22+$0x0] =	vst.idx.add.f32.msk $0xffff, v1  }
0x3a0: {  	v2 =	vld [tilespmem:$0x350];
	_ =	sdelay $0x7  }
0x3a1: {  	[tilespmem:v2+s22+$0x0] =	vst.idx.add.f32.msk $0xffff, v1  }
0x3a2: {  	v2 =	vld [tilespmem:$0x360];
	_ =	sdelay $0x7  }
0x3a3: {  	[tilespmem:v2+s22+$0x0] =	vst.idx.add.f32.msk $0xffff, v1  }
0x3a4: {  	v2 =	vld [tilespmem:$0x370];
	_ =	sdelay $0x7  }
0x3a5: {  	[tilespmem:v2+s22+$0x0] =	vst.idx.add.f32.msk $0xffff, v1  }
0x3a6: {  	v2 =	vld [tilespmem:$0x380];
	_ =	sdelay $0x7  }
0x3a7: {  	[tilespmem:v2+s22+$0x0] =	vst.idx.add.f32.msk $0xffff, v1  }
0x3a8: {  	v2 =	vld [tilespmem:$0x390];
	_ =	sdelay $0x7  }
0x3a9: {  	[tilespmem:v2+s22+$0x0] =	vst.idx.add.f32.msk $0xffff, v1  }
0x3aa: {  	v2 =	vld [tilespmem:$0x3A0];
	_ =	sdelay $0x7  }
0x3ab: {  	[tilespmem:v2+s22+$0x0] =	vst.idx.add.f32.msk $0xffff, v1  }
0x3ac: {  	v2 =	vld [tilespmem:$0x3B0];
	_ =	sdelay $0x7  }
0x3ad: {  	[tilespmem:v2+s22+$0x0] =	vst.idx.add.f32.msk $0xffff, v1  }
0x3ae: {  	v2 =	vld [tilespmem:$0x3C0];
	_ =	sdelay $0x7  }
0x3af: {  	[tilespmem:v2+s22+$0x0] =	vst.idx.add.f32.msk $0xffff, v1  }
0x3b0: {  	v2 =	vld [tilespmem:$0x3D0];
	_ =	sdelay $0x7  }
0x3b1: {  	[tilespmem:v2+s22+$0x0] =	vst.idx.add.f32.msk $0xffff, v1  }
0x3b2: {  	v2 =	vld [tilespmem:$0x3E0];
	_ =	sdelay $0x7  }
0x3b3: {  	[tilespmem:v2+s22+$0x0] =	vst.idx.add.f32.msk $0xffff, v1  }
0x3b4: {  	v2 =	vld [tilespmem:$0x3F0];
	_ =	sdelay $0x7  }
0x3b5: {  	[tilespmem:v2+s22+$0x0] =	vst.idx.add.f32.msk $0xffff, v1  }
0x3b6: {  	v2 =	vld [tilespmem:$0x400];
	_ =	sdelay $0x7  }
0x3b7: {  	[tilespmem:v2+s22+$0x0] =	vst.idx.add.f32.msk $0xffff, v1  }
0x3b8: {  	v2 =	vld [tilespmem:$0x410];
	_ =	sdelay $0x7  }
0x3b9: {  	[tilespmem:v2+s22+$0x0] =	vst.idx.add.f32.msk $0xffff, v1  }
0x3ba: {  	v2 =	vld [tilespmem:$0x420];
	_ =	sdelay $0x7  }
0x3bb: {  	[tilespmem:v2+s22+$0x0] =	vst.idx.add.f32.msk $0xffff, v1  }
0x3bc: {  	v2 =	vld [tilespmem:$0x430];
	_ =	sdelay $0x7  }
0x3bd: {  	[tilespmem:v2+s22+$0x0] =	vst.idx.add.f32.msk $0xffff, v1  }
0x3be: {  	v2 =	vld [tilespmem:$0x440];
	_ =	sdelay $0x7  }
0x3bf: {  	[tilespmem:v2+s22+$0x0] =	vst.idx.add.f32.msk $0xffff, v1  }
0x3c0: {  	v2 =	vld [tilespmem:$0x450];
	_ =	sdelay $0x7  }
0x3c1: {  	[tilespmem:v2+s22+$0x0] =	vst.idx.add.f32.msk $0xffff, v1  }
0x3c2: {  	v2 =	vld [tilespmem:$0x460];
	_ =	sdelay $0x7  }
0x3c3: {  	[tilespmem:v2+s22+$0x0] =	vst.idx.add.f32.msk $0xffff, v1  }
0x3c4: {  	v2 =	vld [tilespmem:$0x470];
	_ =	sdelay $0x7  }
0x3c5: {  	[tilespmem:v2+s22+$0x0] =	vst.idx.add.f32.msk $0xffff, v1  }
0x3c6: {  	_ =	swait.ge [sflag:s30], $0x9000  }
0x3c7: {  	[sflag:s30] =	ssyncset.done $0x0  }
0x3c8: {  	[sflag:s30] =	ssyncadd.s32 $0xFFFF7000  }
0x3c9: {  	[spmem:s2] =	stream.indirect.scatter.add.f32 [tilespmem:s16], [sflag:$0x4], $0x40, s0, s0, $0xb8;
	[tilespmem:$0x1F570] =	vst v63  }
0x3ca: {  	_ =	swait.ge [sflag:s19], $0x9000  }
0x3cb: {  	[sflag:s19] =	ssyncset.done $0x0  }
0x3cc: {  	[sflag:s19] =	ssyncadd.s32 $0xFFFF7000  }
0x3cd: {  	_ =	swait.ge [sflag:s11], $0x240  }
0x3ce: {  	[sflag:s11] =	ssyncset.done $0x0  }
0x3cf: {  	[sflag:s11] =	ssyncadd.s32 $0xFFFFFDC0  }
0x3d0: {  	_ =	swait.ge [sflag:s11], $0x240  }
0x3d1: {  	[sflag:s11] =	ssyncset.done $0x0  }
0x3d2: {  	s13 =	sld [smem:$0x7EE];
	[sflag:s11] =	ssyncadd.s32 $0xFFFFFDC0  }
0x3d3: {  	[tilespmem:s16], [sflag:$0x3] =	stream.indirect.gather [hbm4b:s4+s0], $0x40, s29, s0, $0xb8;
	[tilespmem:$0x1F570] =	vst v63  }
0x3d4: {  	s18 =	rddreg [dreg:$0x1e]  }
0x3d5: {  	[tilespmem:s3], [sflag:$0x1] =	stream.linear.gather [hbm4b:s13+s3], $0x240, $0x38;
	[tilespmem:$0x1F570] =	vst v63  }
0x3d6: {  	s20 =	sadd.s32 s18, s9  }
0x3d7: {  	[tilespmem:s25], [sflag:$0x1] =	stream.linear.gather [hbm4b:s20+s3], $0x240, $0x38;
	[tilespmem:$0x1F570] =	vst v63  }
0x3d8: {  	v2 =	vld [tilespmem:$0x480];
	_ =	sdelay $0x7  }
0x3d9: {  	[tilespmem:v2+s22+$0x0] =	vst.idx.add.f32.msk $0xffff, v1  }
0x3da: {  	v2 =	vld [tilespmem:$0x490];
	_ =	sdelay $0x7  }
0x3db: {  	[tilespmem:v2+s22+$0x0] =	vst.idx.add.f32.msk $0xffff, v1  }
0x3dc: {  	v2 =	vld [tilespmem:$0x4A0];
	_ =	sdelay $0x7  }
0x3dd: {  	[tilespmem:v2+s22+$0x0] =	vst.idx.add.f32.msk $0xffff, v1  }
0x3de: {  	v2 =	vld [tilespmem:$0x4B0];
	_ =	sdelay $0x7  }
0x3df: {  	[tilespmem:v2+s22+$0x0] =	vst.idx.add.f32.msk $0xffff, v1  }
0x3e0: {  	v2 =	vld [tilespmem:$0x4C0];
	_ =	sdelay $0x7  }
0x3e1: {  	[tilespmem:v2+s22+$0x0] =	vst.idx.add.f32.msk $0xffff, v1  }
0x3e2: {  	v2 =	vld [tilespmem:$0x4D0];
	_ =	sdelay $0x7  }
0x3e3: {  	[tilespmem:v2+s22+$0x0] =	vst.idx.add.f32.msk $0xffff, v1  }
0x3e4: {  	v2 =	vld [tilespmem:$0x4E0];
	_ =	sdelay $0x7  }
0x3e5: {  	[tilespmem:v2+s22+$0x0] =	vst.idx.add.f32.msk $0xffff, v1  }
0x3e6: {  	v2 =	vld [tilespmem:$0x4F0];
	_ =	sdelay $0x7  }
0x3e7: {  	[tilespmem:v2+s22+$0x0] =	vst.idx.add.f32.msk $0xffff, v1  }
0x3e8: {  	v2 =	vld [tilespmem:$0x500];
	_ =	sdelay $0x7  }
0x3e9: {  	[tilespmem:v2+s22+$0x0] =	vst.idx.add.f32.msk $0xffff, v1  }
0x3ea: {  	v2 =	vld [tilespmem:$0x510];
	_ =	sdelay $0x7  }
0x3eb: {  	[tilespmem:v2+s22+$0x0] =	vst.idx.add.f32.msk $0xffff, v1  }
0x3ec: {  	v2 =	vld [tilespmem:$0x520];
	_ =	sdelay $0x7  }
0x3ed: {  	[tilespmem:v2+s22+$0x0] =	vst.idx.add.f32.msk $0xffff, v1  }
0x3ee: {  	v2 =	vld [tilespmem:$0x530];
	_ =	sdelay $0x7  }
0x3ef: {  	[tilespmem:v2+s22+$0x0] =	vst.idx.add.f32.msk $0xffff, v1  }
0x3f0: {  	v2 =	vld [tilespmem:$0x540];
	_ =	sdelay $0x7  }
0x3f1: {  	[tilespmem:v2+s22+$0x0] =	vst.idx.add.f32.msk $0xffff, v1  }
0x3f2: {  	v2 =	vld [tilespmem:$0x550];
	_ =	sdelay $0x7  }
0x3f3: {  	[tilespmem:v2+s22+$0x0] =	vst.idx.add.f32.msk $0xffff, v1  }
0x3f4: {  	v2 =	vld [tilespmem:$0x560];
	_ =	sdelay $0x7  }
0x3f5: {  	[tilespmem:v2+s22+$0x0] =	vst.idx.add.f32.msk $0xffff, v1  }
0x3f6: {  	v2 =	vld [tilespmem:$0x570];
	_ =	sdelay $0x7  }
0x3f7: {  	[tilespmem:v2+s22+$0x0] =	vst.idx.add.f32.msk $0xffff, v1  }
0x3f8: {  	v2 =	vld [tilespmem:$0x580];
	_ =	sdelay $0x7  }
0x3f9: {  	[tilespmem:v2+s22+$0x0] =	vst.idx.add.f32.msk $0xffff, v1  }
0x3fa: {  	v2 =	vld [tilespmem:$0x590];
	_ =	sdelay $0x7  }
0x3fb: {  	[tilespmem:v2+s22+$0x0] =	vst.idx.add.f32.msk $0xffff, v1  }
0x3fc: {  	v2 =	vld [tilespmem:$0x5A0];
	_ =	sdelay $0x7  }
0x3fd: {  	[tilespmem:v2+s22+$0x0] =	vst.idx.add.f32.msk $0xffff, v1  }
0x3fe: {  	v2 =	vld [tilespmem:$0x5B0];
	_ =	sdelay $0x7  }
0x3ff: {  	[tilespmem:v2+s22+$0x0] =	vst.idx.add.f32.msk $0xffff, v1  }
0x400: {  	v2 =	vld [tilespmem:$0x5C0];
	_ =	sdelay $0x7  }
0x401: {  	[tilespmem:v2+s22+$0x0] =	vst.idx.add.f32.msk $0xffff, v1  }
0x402: {  	v2 =	vld [tilespmem:$0x5D0];
	_ =	sdelay $0x7  }
0x403: {  	[tilespmem:v2+s22+$0x0] =	vst.idx.add.f32.msk $0xffff, v1  }
0x404: {  	v2 =	vld [tilespmem:$0x5E0];
	_ =	sdelay $0x7  }
0x405: {  	[tilespmem:v2+s22+$0x0] =	vst.idx.add.f32.msk $0xffff, v1  }
0x406: {  	v2 =	vld [tilespmem:$0x5F0];
	_ =	sdelay $0x7  }
0x407: {  	[tilespmem:v2+s22+$0x0] =	vst.idx.add.f32.msk $0xffff, v1  }
0x408: {  	v2 =	vld [tilespmem:$0x600];
	_ =	sdelay $0x7  }
0x409: {  	[tilespmem:v2+s22+$0x0] =	vst.idx.add.f32.msk $0xffff, v1  }
0x40a: {  	v2 =	vld [tilespmem:$0x610];
	_ =	sdelay $0x7  }
0x40b: {  	[tilespmem:v2+s22+$0x0] =	vst.idx.add.f32.msk $0xffff, v1  }
0x40c: {  	v2 =	vld [tilespmem:$0x620];
	_ =	sdelay $0x7  }
0x40d: {  	[tilespmem:v2+s22+$0x0] =	vst.idx.add.f32.msk $0xffff, v1  }
0x40e: {  	v2 =	vld [tilespmem:$0x630];
	_ =	sdelay $0x7  }
0x40f: {  	[tilespmem:v2+s22+$0x0] =	vst.idx.add.f32.msk $0xffff, v1  }
0x410: {  	v2 =	vld [tilespmem:$0x640];
	_ =	sdelay $0x7  }
0x411: {  	[tilespmem:v2+s22+$0x0] =	vst.idx.add.f32.msk $0xffff, v1  }
0x412: {  	v2 =	vld [tilespmem:$0x650];
	_ =	sdelay $0x7  }
0x413: {  	[tilespmem:v2+s22+$0x0] =	vst.idx.add.f32.msk $0xffff, v1  }
0x414: {  	v2 =	vld [tilespmem:$0x660];
	_ =	sdelay $0x7  }
0x415: {  	[tilespmem:v2+s22+$0x0] =	vst.idx.add.f32.msk $0xffff, v1  }
0x416: {  	v2 =	vld [tilespmem:$0x670];
	_ =	sdelay $0x7  }
0x417: {  	[tilespmem:v2+s22+$0x0] =	vst.idx.add.f32.msk $0xffff, v1  }
0x418: {  	v2 =	vld [tilespmem:$0x680];
	_ =	sdelay $0x7  }
0x419: {  	[tilespmem:v2+s22+$0x0] =	vst.idx.add.f32.msk $0xffff, v1  }
0x41a: {  	v2 =	vld [tilespmem:$0x690];
	_ =	sdelay $0x7  }
0x41b: {  	[tilespmem:v2+s22+$0x0] =	vst.idx.add.f32.msk $0xffff, v1  }
0x41c: {  	v2 =	vld [tilespmem:$0x6A0];
	_ =	sdelay $0x7  }
0x41d: {  	[tilespmem:v2+s22+$0x0] =	vst.idx.add.f32.msk $0xffff, v1  }
0x41e: {  	v2 =	vld [tilespmem:$0x6B0];
	_ =	sdelay $0x7  }
0x41f: {  	[tilespmem:v2+s22+$0x0] =	vst.idx.add.f32.msk $0xffff, v1  }
0x420: {  	_ =	swait.ge [sflag:s23], $0x9000  }
0x421: {  	[sflag:s23] =	ssyncset.done $0x0  }
0x422: {  	[sflag:s23] =	ssyncadd.s32 $0xFFFF7000  }
0x423: {  	[spmem:s2] =	stream.indirect.scatter.add.f32 [tilespmem:s14], [sflag:$0x4], $0x40, s17, s0, $0xb8;
	[tilespmem:$0x1F570] =	vst v63  }
0x424: {  	_ =	swait.ge [sflag:s19], $0x9000  }
0x425: {  	[sflag:s19] =	ssyncset.done $0x0  }
0x426: {  	[sflag:s19] =	ssyncadd.s32 $0xFFFF7000  }
0x427: {  	_ =	swait.ge [sflag:s11], $0x240  }
0x428: {  	[sflag:s11] =	ssyncset.done $0x0  }
0x429: {  	[sflag:s11] =	ssyncadd.s32 $0xFFFFFDC0  }
0x42a: {  	_ =	swait.ge [sflag:s11], $0x240  }
0x42b: {  	[sflag:s11] =	ssyncset.done $0x0  }
0x42c: {  	s24 =	sld [smem:$0x7EF];
	[sflag:s11] =	ssyncadd.s32 $0xFFFFFDC0  }
0x42d: {  	[tilespmem:s14], [sflag:$0x2] =	stream.indirect.gather [hbm4b:s4+s0], $0x40, s25, s0, $0xb8;
	[tilespmem:$0x1F570] =	vst v63  }
0x42e: {  	s31 =	rddreg [dreg:$0x1f]  }
0x42f: {  	[tilespmem:s0], [sflag:$0x1] =	stream.linear.gather [hbm4b:s24+s3], $0x240, $0x38;
	[tilespmem:$0x1F570] =	vst v63  }
0x430: {  	s6 =	sadd.s32 s31, s9  }
0x431: {  	[tilespmem:s10], [sflag:$0x1] =	stream.linear.gather [hbm4b:s6+s3], $0x240, $0x38;
	[tilespmem:$0x1F570] =	vst v63  }
0x432: {  	v2 =	vld [tilespmem:$0x6C0];
	_ =	sdelay $0x7  }
0x433: {  	[tilespmem:v2+s22+$0x0] =	vst.idx.add.f32.msk $0xffff, v1  }
0x434: {  	v2 =	vld [tilespmem:$0x6D0];
	_ =	sdelay $0x7  }
0x435: {  	[tilespmem:v2+s22+$0x0] =	vst.idx.add.f32.msk $0xffff, v1  }
0x436: {  	v2 =	vld [tilespmem:$0x6E0];
	_ =	sdelay $0x7  }
0x437: {  	[tilespmem:v2+s22+$0x0] =	vst.idx.add.f32.msk $0xffff, v1  }
0x438: {  	v2 =	vld [tilespmem:$0x6F0];
	_ =	sdelay $0x7  }
0x439: {  	[tilespmem:v2+s22+$0x0] =	vst.idx.add.f32.msk $0xffff, v1  }
0x43a: {  	v2 =	vld [tilespmem:$0x700];
	_ =	sdelay $0x7  }
0x43b: {  	[tilespmem:v2+s22+$0x0] =	vst.idx.add.f32.msk $0xffff, v1  }
0x43c: {  	v2 =	vld [tilespmem:$0x710];
	_ =	sdelay $0x7  }
0x43d: {  	[tilespmem:v2+s22+$0x0] =	vst.idx.add.f32.msk $0xffff, v1  }
0x43e: {  	v2 =	vld [tilespmem:$0x720];
	_ =	sdelay $0x7  }
0x43f: {  	[tilespmem:v2+s22+$0x0] =	vst.idx.add.f32.msk $0xffff, v1  }
0x440: {  	v2 =	vld [tilespmem:$0x730];
	_ =	sdelay $0x7  }
0x441: {  	[tilespmem:v2+s22+$0x0] =	vst.idx.add.f32.msk $0xffff, v1  }
0x442: {  	v2 =	vld [tilespmem:$0x740];
	_ =	sdelay $0x7  }
0x443: {  	[tilespmem:v2+s22+$0x0] =	vst.idx.add.f32.msk $0xffff, v1  }
0x444: {  	v2 =	vld [tilespmem:$0x750];
	_ =	sdelay $0x7  }
0x445: {  	[tilespmem:v2+s22+$0x0] =	vst.idx.add.f32.msk $0xffff, v1  }
0x446: {  	v2 =	vld [tilespmem:$0x760];
	_ =	sdelay $0x7  }
0x447: {  	[tilespmem:v2+s22+$0x0] =	vst.idx.add.f32.msk $0xffff, v1  }
0x448: {  	v2 =	vld [tilespmem:$0x770];
	_ =	sdelay $0x7  }
0x449: {  	[tilespmem:v2+s22+$0x0] =	vst.idx.add.f32.msk $0xffff, v1  }
0x44a: {  	v2 =	vld [tilespmem:$0x780];
	_ =	sdelay $0x7  }
0x44b: {  	[tilespmem:v2+s22+$0x0] =	vst.idx.add.f32.msk $0xffff, v1  }
0x44c: {  	v2 =	vld [tilespmem:$0x790];
	_ =	sdelay $0x7  }
0x44d: {  	[tilespmem:v2+s22+$0x0] =	vst.idx.add.f32.msk $0xffff, v1  }
0x44e: {  	v2 =	vld [tilespmem:$0x7A0];
	_ =	sdelay $0x7  }
0x44f: {  	[tilespmem:v2+s22+$0x0] =	vst.idx.add.f32.msk $0xffff, v1  }
0x450: {  	v2 =	vld [tilespmem:$0x7B0];
	_ =	sdelay $0x7  }
0x451: {  	[tilespmem:v2+s22+$0x0] =	vst.idx.add.f32.msk $0xffff, v1  }
0x452: {  	v2 =	vld [tilespmem:$0x7C0];
	_ =	sdelay $0x7  }
0x453: {  	[tilespmem:v2+s22+$0x0] =	vst.idx.add.f32.msk $0xffff, v1  }
0x454: {  	v2 =	vld [tilespmem:$0x7D0];
	_ =	sdelay $0x7  }
0x455: {  	[tilespmem:v2+s22+$0x0] =	vst.idx.add.f32.msk $0xffff, v1  }
0x456: {  	v2 =	vld [tilespmem:$0x7E0];
	_ =	sdelay $0x7  }
0x457: {  	[tilespmem:v2+s22+$0x0] =	vst.idx.add.f32.msk $0xffff, v1  }
0x458: {  	v2 =	vld [tilespmem:$0x7F0];
	_ =	sdelay $0x7  }
0x459: {  	[tilespmem:v2+s22+$0x0] =	vst.idx.add.f32.msk $0xffff, v1  }
0x45a: {  	v2 =	vld [tilespmem:$0x800];
	_ =	sdelay $0x7  }
0x45b: {  	[tilespmem:v2+s22+$0x0] =	vst.idx.add.f32.msk $0xffff, v1  }
0x45c: {  	v2 =	vld [tilespmem:$0x810];
	_ =	sdelay $0x7  }
0x45d: {  	[tilespmem:v2+s22+$0x0] =	vst.idx.add.f32.msk $0xffff, v1  }
0x45e: {  	v2 =	vld [tilespmem:$0x820];
	_ =	sdelay $0x7  }
0x45f: {  	[tilespmem:v2+s22+$0x0] =	vst.idx.add.f32.msk $0xffff, v1  }
0x460: {  	v2 =	vld [tilespmem:$0x830];
	_ =	sdelay $0x7  }
0x461: {  	[tilespmem:v2+s22+$0x0] =	vst.idx.add.f32.msk $0xffff, v1  }
0x462: {  	v2 =	vld [tilespmem:$0x840];
	_ =	sdelay $0x7  }
0x463: {  	[tilespmem:v2+s22+$0x0] =	vst.idx.add.f32.msk $0xffff, v1  }
0x464: {  	v2 =	vld [tilespmem:$0x850];
	_ =	sdelay $0x7  }
0x465: {  	[tilespmem:v2+s22+$0x0] =	vst.idx.add.f32.msk $0xffff, v1  }
0x466: {  	v2 =	vld [tilespmem:$0x860];
	_ =	sdelay $0x7  }
0x467: {  	[tilespmem:v2+s22+$0x0] =	vst.idx.add.f32.msk $0xffff, v1  }
0x468: {  	v2 =	vld [tilespmem:$0x870];
	_ =	sdelay $0x7  }
0x469: {  	[tilespmem:v2+s22+$0x0] =	vst.idx.add.f32.msk $0xffff, v1  }
0x46a: {  	v2 =	vld [tilespmem:$0x880];
	_ =	sdelay $0x7  }
0x46b: {  	[tilespmem:v2+s22+$0x0] =	vst.idx.add.f32.msk $0xffff, v1  }
0x46c: {  	v2 =	vld [tilespmem:$0x890];
	_ =	sdelay $0x7  }
0x46d: {  	[tilespmem:v2+s22+$0x0] =	vst.idx.add.f32.msk $0xffff, v1  }
0x46e: {  	v2 =	vld [tilespmem:$0x8A0];
	_ =	sdelay $0x7  }
0x46f: {  	[tilespmem:v2+s22+$0x0] =	vst.idx.add.f32.msk $0xffff, v1  }
0x470: {  	v2 =	vld [tilespmem:$0x8B0];
	_ =	sdelay $0x7  }
0x471: {  	[tilespmem:v2+s22+$0x0] =	vst.idx.add.f32.msk $0xffff, v1  }
0x472: {  	v2 =	vld [tilespmem:$0x8C0];
	_ =	sdelay $0x7  }
0x473: {  	[tilespmem:v2+s22+$0x0] =	vst.idx.add.f32.msk $0xffff, v1  }
0x474: {  	v2 =	vld [tilespmem:$0x8D0];
	_ =	sdelay $0x7  }
0x475: {  	[tilespmem:v2+s22+$0x0] =	vst.idx.add.f32.msk $0xffff, v1  }
0x476: {  	v2 =	vld [tilespmem:$0x8E0];
	_ =	sdelay $0x7  }
0x477: {  	[tilespmem:v2+s22+$0x0] =	vst.idx.add.f32.msk $0xffff, v1  }
0x478: {  	v2 =	vld [tilespmem:$0x8F0];
	_ =	sdelay $0x7  }
0x479: {  	[tilespmem:v2+s22+$0x0] =	vst.idx.add.f32.msk $0xffff, v1  }
0x47a: {  	_ =	swait.ge [sflag:s30], $0x9000  }
0x47b: {  	[sflag:s30] =	ssyncset.done $0x0  }
0x47c: {  	[sflag:s30] =	ssyncadd.s32 $0xFFFF7000  }
0x47d: {  	[spmem:s2] =	stream.indirect.scatter.add.f32 [tilespmem:s16], [sflag:$0x4], $0x40, s28, s0, $0xb8;
	[tilespmem:$0x1F570] =	vst v63  }
0x47e: {  	_ =	swait.ge [sflag:s19], $0x9000  }
0x47f: {  	[sflag:s19] =	ssyncset.done $0x0  }
0x480: {  	[sflag:s19] =	ssyncadd.s32 $0xFFFF7000  }
0x481: {  	_ =	swait.ge [sflag:s11], $0x240  }
0x482: {  	[sflag:s11] =	ssyncset.done $0x0  }
0x483: {  	[sflag:s11] =	ssyncadd.s32 $0xFFFFFDC0  }
0x484: {  	_ =	swait.ge [sflag:s11], $0x240  }
0x485: {  	[sflag:s11] =	ssyncset.done $0x0;
	s8 =	sld [smem:$0x7F1]  }
0x486: {  	s12 =	sld [smem:$0x7F0];
	[sflag:s11] =	ssyncadd.s32 $0xFFFFFDC0  }
0x487: {  	[tilespmem:s16], [sflag:$0x3] =	stream.indirect.gather [hbm4b:s4+s0], $0x40, s10, s0, $0xb8;
	[tilespmem:$0x1F570] =	vst v63  }
0x488: {  	_ = 	snop  }
0x489: {  	[tilespmem:s17], [sflag:$0x1] =	stream.linear.gather [hbm4b:s8+s3], $0x240, $0x38;
	[tilespmem:$0x1F570] =	vst v63  }
0x48a: {  	s13 =	sadd.s32 s12, s9  }
0x48b: {  	[tilespmem:s21], [sflag:$0x1] =	stream.linear.gather [hbm4b:s13+s3], $0x240, $0x38;
	[tilespmem:$0x1F570] =	vst v63  }
0x48c: {  	v2 =	vld [tilespmem:$0x0];
	_ =	sdelay $0x7  }
0x48d: {  	[tilespmem:v2+s22+$0x0] =	vst.idx.add.f32.msk $0xffff, v1  }
0x48e: {  	v2 =	vld [tilespmem:$0x10];
	_ =	sdelay $0x7  }
0x48f: {  	[tilespmem:v2+s22+$0x0] =	vst.idx.add.f32.msk $0xffff, v1  }
0x490: {  	v2 =	vld [tilespmem:$0x20];
	_ =	sdelay $0x7  }
0x491: {  	[tilespmem:v2+s22+$0x0] =	vst.idx.add.f32.msk $0xffff, v1  }
0x492: {  	v2 =	vld [tilespmem:$0x30];
	_ =	sdelay $0x7  }
0x493: {  	[tilespmem:v2+s22+$0x0] =	vst.idx.add.f32.msk $0xffff, v1  }
0x494: {  	v2 =	vld [tilespmem:$0x40];
	_ =	sdelay $0x7  }
0x495: {  	[tilespmem:v2+s22+$0x0] =	vst.idx.add.f32.msk $0xffff, v1  }
0x496: {  	v2 =	vld [tilespmem:$0x50];
	_ =	sdelay $0x7  }
0x497: {  	[tilespmem:v2+s22+$0x0] =	vst.idx.add.f32.msk $0xffff, v1  }
0x498: {  	v2 =	vld [tilespmem:$0x60];
	_ =	sdelay $0x7  }
0x499: {  	[tilespmem:v2+s22+$0x0] =	vst.idx.add.f32.msk $0xffff, v1  }
0x49a: {  	v2 =	vld [tilespmem:$0x70];
	_ =	sdelay $0x7  }
0x49b: {  	[tilespmem:v2+s22+$0x0] =	vst.idx.add.f32.msk $0xffff, v1  }
0x49c: {  	v2 =	vld [tilespmem:$0x80];
	_ =	sdelay $0x7  }
0x49d: {  	[tilespmem:v2+s22+$0x0] =	vst.idx.add.f32.msk $0xffff, v1  }
0x49e: {  	v2 =	vld [tilespmem:$0x90];
	_ =	sdelay $0x7  }
0x49f: {  	[tilespmem:v2+s22+$0x0] =	vst.idx.add.f32.msk $0xffff, v1  }
0x4a0: {  	v2 =	vld [tilespmem:$0xA0];
	_ =	sdelay $0x7  }
0x4a1: {  	[tilespmem:v2+s22+$0x0] =	vst.idx.add.f32.msk $0xffff, v1  }
0x4a2: {  	v2 =	vld [tilespmem:$0xB0];
	_ =	sdelay $0x7  }
0x4a3: {  	[tilespmem:v2+s22+$0x0] =	vst.idx.add.f32.msk $0xffff, v1  }
0x4a4: {  	v2 =	vld [tilespmem:$0xC0];
	_ =	sdelay $0x7  }
0x4a5: {  	[tilespmem:v2+s22+$0x0] =	vst.idx.add.f32.msk $0xffff, v1  }
0x4a6: {  	v2 =	vld [tilespmem:$0xD0];
	_ =	sdelay $0x7  }
0x4a7: {  	[tilespmem:v2+s22+$0x0] =	vst.idx.add.f32.msk $0xffff, v1  }
0x4a8: {  	v2 =	vld [tilespmem:$0xE0];
	_ =	sdelay $0x7  }
0x4a9: {  	[tilespmem:v2+s22+$0x0] =	vst.idx.add.f32.msk $0xffff, v1  }
0x4aa: {  	v2 =	vld [tilespmem:$0xF0];
	_ =	sdelay $0x7  }
0x4ab: {  	[tilespmem:v2+s22+$0x0] =	vst.idx.add.f32.msk $0xffff, v1  }
0x4ac: {  	v2 =	vld [tilespmem:$0x100];
	_ =	sdelay $0x7  }
0x4ad: {  	[tilespmem:v2+s22+$0x0] =	vst.idx.add.f32.msk $0xffff, v1  }
0x4ae: {  	v2 =	vld [tilespmem:$0x110];
	_ =	sdelay $0x7  }
0x4af: {  	[tilespmem:v2+s22+$0x0] =	vst.idx.add.f32.msk $0xffff, v1  }
0x4b0: {  	v2 =	vld [tilespmem:$0x120];
	_ =	sdelay $0x7  }
0x4b1: {  	[tilespmem:v2+s22+$0x0] =	vst.idx.add.f32.msk $0xffff, v1  }
0x4b2: {  	v2 =	vld [tilespmem:$0x130];
	_ =	sdelay $0x7  }
0x4b3: {  	[tilespmem:v2+s22+$0x0] =	vst.idx.add.f32.msk $0xffff, v1  }
0x4b4: {  	v2 =	vld [tilespmem:$0x140];
	_ =	sdelay $0x7  }
0x4b5: {  	[tilespmem:v2+s22+$0x0] =	vst.idx.add.f32.msk $0xffff, v1  }
0x4b6: {  	v2 =	vld [tilespmem:$0x150];
	_ =	sdelay $0x7  }
0x4b7: {  	[tilespmem:v2+s22+$0x0] =	vst.idx.add.f32.msk $0xffff, v1  }
0x4b8: {  	v2 =	vld [tilespmem:$0x160];
	_ =	sdelay $0x7  }
0x4b9: {  	[tilespmem:v2+s22+$0x0] =	vst.idx.add.f32.msk $0xffff, v1  }
0x4ba: {  	v2 =	vld [tilespmem:$0x170];
	_ =	sdelay $0x7  }
0x4bb: {  	[tilespmem:v2+s22+$0x0] =	vst.idx.add.f32.msk $0xffff, v1  }
0x4bc: {  	v2 =	vld [tilespmem:$0x180];
	_ =	sdelay $0x7  }
0x4bd: {  	[tilespmem:v2+s22+$0x0] =	vst.idx.add.f32.msk $0xffff, v1  }
0x4be: {  	v2 =	vld [tilespmem:$0x190];
	_ =	sdelay $0x7  }
0x4bf: {  	[tilespmem:v2+s22+$0x0] =	vst.idx.add.f32.msk $0xffff, v1  }
0x4c0: {  	v2 =	vld [tilespmem:$0x1A0];
	_ =	sdelay $0x7  }
0x4c1: {  	[tilespmem:v2+s22+$0x0] =	vst.idx.add.f32.msk $0xffff, v1  }
0x4c2: {  	v2 =	vld [tilespmem:$0x1B0];
	_ =	sdelay $0x7  }
0x4c3: {  	[tilespmem:v2+s22+$0x0] =	vst.idx.add.f32.msk $0xffff, v1  }
0x4c4: {  	v2 =	vld [tilespmem:$0x1C0];
	_ =	sdelay $0x7  }
0x4c5: {  	[tilespmem:v2+s22+$0x0] =	vst.idx.add.f32.msk $0xffff, v1  }
0x4c6: {  	v2 =	vld [tilespmem:$0x1D0];
	_ =	sdelay $0x7  }
0x4c7: {  	[tilespmem:v2+s22+$0x0] =	vst.idx.add.f32.msk $0xffff, v1  }
0x4c8: {  	v2 =	vld [tilespmem:$0x1E0];
	_ =	sdelay $0x7  }
0x4c9: {  	[tilespmem:v2+s22+$0x0] =	vst.idx.add.f32.msk $0xffff, v1  }
0x4ca: {  	v2 =	vld [tilespmem:$0x1F0];
	_ =	sdelay $0x7  }
0x4cb: {  	[tilespmem:v2+s22+$0x0] =	vst.idx.add.f32.msk $0xffff, v1  }
0x4cc: {  	v2 =	vld [tilespmem:$0x200];
	_ =	sdelay $0x7  }
0x4cd: {  	[tilespmem:v2+s22+$0x0] =	vst.idx.add.f32.msk $0xffff, v1  }
0x4ce: {  	v2 =	vld [tilespmem:$0x210];
	_ =	sdelay $0x7  }
0x4cf: {  	[tilespmem:v2+s22+$0x0] =	vst.idx.add.f32.msk $0xffff, v1  }
0x4d0: {  	v2 =	vld [tilespmem:$0x220];
	_ =	sdelay $0x7  }
0x4d1: {  	[tilespmem:v2+s22+$0x0] =	vst.idx.add.f32.msk $0xffff, v1  }
0x4d2: {  	v2 =	vld [tilespmem:$0x230];
	_ =	sdelay $0x7  }
0x4d3: {  	[tilespmem:v2+s22+$0x0] =	vst.idx.add.f32.msk $0xffff, v1  }
0x4d4: {  	_ =	swait.ge [sflag:s23], $0x9000  }
0x4d5: {  	[sflag:s23] =	ssyncset.done $0x0  }
0x4d6: {  	[sflag:s23] =	ssyncadd.s32 $0xFFFF7000  }
0x4d7: {  	[spmem:s2] =	stream.indirect.scatter.add.f32 [tilespmem:s14], [sflag:$0x4], $0x40, s3, s0, $0xb8;
	[tilespmem:$0x1F570] =	vst v63  }
0x4d8: {  	_ =	swait.ge [sflag:s19], $0x9000  }
0x4d9: {  	[sflag:s19] =	ssyncset.done $0x0  }
0x4da: {  	[sflag:s19] =	ssyncadd.s32 $0xFFFF7000  }
0x4db: {  	_ =	swait.ge [sflag:s11], $0x240  }
0x4dc: {  	[sflag:s11] =	ssyncset.done $0x0  }
0x4dd: {  	[sflag:s11] =	ssyncadd.s32 $0xFFFFFDC0  }
0x4de: {  	_ =	swait.ge [sflag:s11], $0x240  }
0x4df: {  	[sflag:s11] =	ssyncset.done $0x0;
	s18 =	sld [smem:$0x7F3]  }
0x4e0: {  	s20 =	sld [smem:$0x7F2];
	[sflag:s11] =	ssyncadd.s32 $0xFFFFFDC0  }
0x4e1: {  	[tilespmem:s14], [sflag:$0x2] =	stream.indirect.gather [hbm4b:s4+s0], $0x40, s21, s0, $0xb8;
	[tilespmem:$0x1F570] =	vst v63  }
0x4e2: {  	_ = 	snop  }
0x4e3: {  	[tilespmem:s28], [sflag:$0x1] =	stream.linear.gather [hbm4b:s18+s3], $0x240, $0x38;
	[tilespmem:$0x1F570] =	vst v63  }
0x4e4: {  	s24 =	sadd.s32 s20, s9  }
0x4e5: {  	[tilespmem:s29], [sflag:$0x1] =	stream.linear.gather [hbm4b:s24+s3], $0x240, $0x38;
	[tilespmem:$0x1F570] =	vst v63  }
0x4e6: {  	v2 =	vld [tilespmem:$0x240];
	_ =	sdelay $0x7  }
0x4e7: {  	[tilespmem:v2+s22+$0x0] =	vst.idx.add.f32.msk $0xffff, v1  }
0x4e8: {  	v2 =	vld [tilespmem:$0x250];
	_ =	sdelay $0x7  }
0x4e9: {  	[tilespmem:v2+s22+$0x0] =	vst.idx.add.f32.msk $0xffff, v1  }
0x4ea: {  	v2 =	vld [tilespmem:$0x260];
	_ =	sdelay $0x7  }
0x4eb: {  	[tilespmem:v2+s22+$0x0] =	vst.idx.add.f32.msk $0xffff, v1  }
0x4ec: {  	v2 =	vld [tilespmem:$0x270];
	_ =	sdelay $0x7  }
0x4ed: {  	[tilespmem:v2+s22+$0x0] =	vst.idx.add.f32.msk $0xffff, v1  }
0x4ee: {  	v2 =	vld [tilespmem:$0x280];
	_ =	sdelay $0x7  }
0x4ef: {  	[tilespmem:v2+s22+$0x0] =	vst.idx.add.f32.msk $0xffff, v1  }
0x4f0: {  	v2 =	vld [tilespmem:$0x290];
	_ =	sdelay $0x7  }
0x4f1: {  	[tilespmem:v2+s22+$0x0] =	vst.idx.add.f32.msk $0xffff, v1  }
0x4f2: {  	v2 =	vld [tilespmem:$0x2A0];
	_ =	sdelay $0x7  }
0x4f3: {  	[tilespmem:v2+s22+$0x0] =	vst.idx.add.f32.msk $0xffff, v1  }
0x4f4: {  	v2 =	vld [tilespmem:$0x2B0];
	_ =	sdelay $0x7  }
0x4f5: {  	[tilespmem:v2+s22+$0x0] =	vst.idx.add.f32.msk $0xffff, v1  }
0x4f6: {  	v2 =	vld [tilespmem:$0x2C0];
	_ =	sdelay $0x7  }
0x4f7: {  	[tilespmem:v2+s22+$0x0] =	vst.idx.add.f32.msk $0xffff, v1  }
0x4f8: {  	v2 =	vld [tilespmem:$0x2D0];
	_ =	sdelay $0x7  }
0x4f9: {  	[tilespmem:v2+s22+$0x0] =	vst.idx.add.f32.msk $0xffff, v1  }
0x4fa: {  	v2 =	vld [tilespmem:$0x2E0];
	_ =	sdelay $0x7  }
0x4fb: {  	[tilespmem:v2+s22+$0x0] =	vst.idx.add.f32.msk $0xffff, v1  }
0x4fc: {  	v2 =	vld [tilespmem:$0x2F0];
	_ =	sdelay $0x7  }
0x4fd: {  	[tilespmem:v2+s22+$0x0] =	vst.idx.add.f32.msk $0xffff, v1  }
0x4fe: {  	v2 =	vld [tilespmem:$0x300];
	_ =	sdelay $0x7  }
0x4ff: {  	[tilespmem:v2+s22+$0x0] =	vst.idx.add.f32.msk $0xffff, v1  }
0x500: {  	v2 =	vld [tilespmem:$0x310];
	_ =	sdelay $0x7  }
0x501: {  	[tilespmem:v2+s22+$0x0] =	vst.idx.add.f32.msk $0xffff, v1  }
0x502: {  	v2 =	vld [tilespmem:$0x320];
	_ =	sdelay $0x7  }
0x503: {  	[tilespmem:v2+s22+$0x0] =	vst.idx.add.f32.msk $0xffff, v1  }
0x504: {  	v2 =	vld [tilespmem:$0x330];
	_ =	sdelay $0x7  }
0x505: {  	[tilespmem:v2+s22+$0x0] =	vst.idx.add.f32.msk $0xffff, v1  }
0x506: {  	v2 =	vld [tilespmem:$0x340];
	_ =	sdelay $0x7  }
0x507: {  	[tilespmem:v2+s22+$0x0] =	vst.idx.add.f32.msk $0xffff, v1  }
0x508: {  	v2 =	vld [tilespmem:$0x350];
	_ =	sdelay $0x7  }
0x509: {  	[tilespmem:v2+s22+$0x0] =	vst.idx.add.f32.msk $0xffff, v1  }
0x50a: {  	v2 =	vld [tilespmem:$0x360];
	_ =	sdelay $0x7  }
0x50b: {  	[tilespmem:v2+s22+$0x0] =	vst.idx.add.f32.msk $0xffff, v1  }
0x50c: {  	v2 =	vld [tilespmem:$0x370];
	_ =	sdelay $0x7  }
0x50d: {  	[tilespmem:v2+s22+$0x0] =	vst.idx.add.f32.msk $0xffff, v1  }
0x50e: {  	v2 =	vld [tilespmem:$0x380];
	_ =	sdelay $0x7  }
0x50f: {  	[tilespmem:v2+s22+$0x0] =	vst.idx.add.f32.msk $0xffff, v1  }
0x510: {  	v2 =	vld [tilespmem:$0x390];
	_ =	sdelay $0x7  }
0x511: {  	[tilespmem:v2+s22+$0x0] =	vst.idx.add.f32.msk $0xffff, v1  }
0x512: {  	v2 =	vld [tilespmem:$0x3A0];
	_ =	sdelay $0x7  }
0x513: {  	[tilespmem:v2+s22+$0x0] =	vst.idx.add.f32.msk $0xffff, v1  }
0x514: {  	v2 =	vld [tilespmem:$0x3B0];
	_ =	sdelay $0x7  }
0x515: {  	[tilespmem:v2+s22+$0x0] =	vst.idx.add.f32.msk $0xffff, v1  }
0x516: {  	v2 =	vld [tilespmem:$0x3C0];
	_ =	sdelay $0x7  }
0x517: {  	[tilespmem:v2+s22+$0x0] =	vst.idx.add.f32.msk $0xffff, v1  }
0x518: {  	v2 =	vld [tilespmem:$0x3D0];
	_ =	sdelay $0x7  }
0x519: {  	[tilespmem:v2+s22+$0x0] =	vst.idx.add.f32.msk $0xffff, v1  }
0x51a: {  	v2 =	vld [tilespmem:$0x3E0];
	_ =	sdelay $0x7  }
0x51b: {  	[tilespmem:v2+s22+$0x0] =	vst.idx.add.f32.msk $0xffff, v1  }
0x51c: {  	v2 =	vld [tilespmem:$0x3F0];
	_ =	sdelay $0x7  }
0x51d: {  	[tilespmem:v2+s22+$0x0] =	vst.idx.add.f32.msk $0xffff, v1  }
0x51e: {  	v2 =	vld [tilespmem:$0x400];
	_ =	sdelay $0x7  }
0x51f: {  	[tilespmem:v2+s22+$0x0] =	vst.idx.add.f32.msk $0xffff, v1  }
0x520: {  	v2 =	vld [tilespmem:$0x410];
	_ =	sdelay $0x7  }
0x521: {  	[tilespmem:v2+s22+$0x0] =	vst.idx.add.f32.msk $0xffff, v1  }
0x522: {  	v2 =	vld [tilespmem:$0x420];
	_ =	sdelay $0x7  }
0x523: {  	[tilespmem:v2+s22+$0x0] =	vst.idx.add.f32.msk $0xffff, v1  }
0x524: {  	v2 =	vld [tilespmem:$0x430];
	_ =	sdelay $0x7  }
0x525: {  	[tilespmem:v2+s22+$0x0] =	vst.idx.add.f32.msk $0xffff, v1  }
0x526: {  	v2 =	vld [tilespmem:$0x440];
	_ =	sdelay $0x7  }
0x527: {  	[tilespmem:v2+s22+$0x0] =	vst.idx.add.f32.msk $0xffff, v1  }
0x528: {  	v2 =	vld [tilespmem:$0x450];
	_ =	sdelay $0x7  }
0x529: {  	[tilespmem:v2+s22+$0x0] =	vst.idx.add.f32.msk $0xffff, v1  }
0x52a: {  	v2 =	vld [tilespmem:$0x460];
	_ =	sdelay $0x7  }
0x52b: {  	[tilespmem:v2+s22+$0x0] =	vst.idx.add.f32.msk $0xffff, v1  }
0x52c: {  	v2 =	vld [tilespmem:$0x470];
	_ =	sdelay $0x7  }
0x52d: {  	[tilespmem:v2+s22+$0x0] =	vst.idx.add.f32.msk $0xffff, v1  }
0x52e: {  	_ =	swait.ge [sflag:s30], $0x9000  }
0x52f: {  	[sflag:s30] =	ssyncset.done $0x0  }
0x530: {  	[sflag:s30] =	ssyncadd.s32 $0xFFFF7000  }
0x531: {  	[spmem:s2] =	stream.indirect.scatter.add.f32 [tilespmem:s16], [sflag:$0x4], $0x40, s0, s0, $0xb8;
	[tilespmem:$0x1F570] =	vst v63  }
0x532: {  	_ =	swait.ge [sflag:s19], $0x9000  }
0x533: {  	[sflag:s19] =	ssyncset.done $0x0  }
0x534: {  	[sflag:s19] =	ssyncadd.s32 $0xFFFF7000  }
0x535: {  	_ =	swait.ge [sflag:s11], $0x240  }
0x536: {  	[sflag:s11] =	ssyncset.done $0x0  }
0x537: {  	[sflag:s11] =	ssyncadd.s32 $0xFFFFFDC0  }
0x538: {  	_ =	swait.ge [sflag:s11], $0x240  }
0x539: {  	[sflag:s11] =	ssyncset.done $0x0;
	s31 =	sld [smem:$0x7F5]  }
0x53a: {  	s8 =	sld [smem:$0x7F4];
	[sflag:s11] =	ssyncadd.s32 $0xFFFFFDC0  }
0x53b: {  	[tilespmem:s16], [sflag:$0x3] =	stream.indirect.gather [hbm4b:s4+s0], $0x40, s29, s0, $0xb8;
	[tilespmem:$0x1F570] =	vst v63  }
0x53c: {  	_ = 	snop  }
0x53d: {  	[tilespmem:s3], [sflag:$0x1] =	stream.linear.gather [hbm4b:s31+s3], $0x240, $0x38;
	[tilespmem:$0x1F570] =	vst v63  }
0x53e: {  	s12 =	sadd.s32 s8, s9  }
0x53f: {  	[tilespmem:s25], [sflag:$0x1] =	stream.linear.gather [hbm4b:s12+s3], $0x240, $0x38;
	[tilespmem:$0x1F570] =	vst v63  }
0x540: {  	v2 =	vld [tilespmem:$0x480];
	_ =	sdelay $0x7  }
0x541: {  	[tilespmem:v2+s22+$0x0] =	vst.idx.add.f32.msk $0xffff, v1  }
0x542: {  	v2 =	vld [tilespmem:$0x490];
	_ =	sdelay $0x7  }
0x543: {  	[tilespmem:v2+s22+$0x0] =	vst.idx.add.f32.msk $0xffff, v1  }
0x544: {  	v2 =	vld [tilespmem:$0x4A0];
	_ =	sdelay $0x7  }
0x545: {  	[tilespmem:v2+s22+$0x0] =	vst.idx.add.f32.msk $0xffff, v1  }
0x546: {  	v2 =	vld [tilespmem:$0x4B0];
	_ =	sdelay $0x7  }
0x547: {  	[tilespmem:v2+s22+$0x0] =	vst.idx.add.f32.msk $0xffff, v1  }
0x548: {  	v2 =	vld [tilespmem:$0x4C0];
	_ =	sdelay $0x7  }
0x549: {  	[tilespmem:v2+s22+$0x0] =	vst.idx.add.f32.msk $0xffff, v1  }
0x54a: {  	v2 =	vld [tilespmem:$0x4D0];
	_ =	sdelay $0x7  }
0x54b: {  	[tilespmem:v2+s22+$0x0] =	vst.idx.add.f32.msk $0xffff, v1  }
0x54c: {  	v2 =	vld [tilespmem:$0x4E0];
	_ =	sdelay $0x7  }
0x54d: {  	[tilespmem:v2+s22+$0x0] =	vst.idx.add.f32.msk $0xffff, v1  }
0x54e: {  	v2 =	vld [tilespmem:$0x4F0];
	_ =	sdelay $0x7  }
0x54f: {  	[tilespmem:v2+s22+$0x0] =	vst.idx.add.f32.msk $0xffff, v1  }
0x550: {  	v2 =	vld [tilespmem:$0x500];
	_ =	sdelay $0x7  }
0x551: {  	[tilespmem:v2+s22+$0x0] =	vst.idx.add.f32.msk $0xffff, v1  }
0x552: {  	v2 =	vld [tilespmem:$0x510];
	_ =	sdelay $0x7  }
0x553: {  	[tilespmem:v2+s22+$0x0] =	vst.idx.add.f32.msk $0xffff, v1  }
0x554: {  	v2 =	vld [tilespmem:$0x520];
	_ =	sdelay $0x7  }
0x555: {  	[tilespmem:v2+s22+$0x0] =	vst.idx.add.f32.msk $0xffff, v1  }
0x556: {  	v2 =	vld [tilespmem:$0x530];
	_ =	sdelay $0x7  }
0x557: {  	[tilespmem:v2+s22+$0x0] =	vst.idx.add.f32.msk $0xffff, v1  }
0x558: {  	v2 =	vld [tilespmem:$0x540];
	_ =	sdelay $0x7  }
0x559: {  	[tilespmem:v2+s22+$0x0] =	vst.idx.add.f32.msk $0xffff, v1  }
0x55a: {  	v2 =	vld [tilespmem:$0x550];
	_ =	sdelay $0x7  }
0x55b: {  	[tilespmem:v2+s22+$0x0] =	vst.idx.add.f32.msk $0xffff, v1  }
0x55c: {  	v2 =	vld [tilespmem:$0x560];
	_ =	sdelay $0x7  }
0x55d: {  	[tilespmem:v2+s22+$0x0] =	vst.idx.add.f32.msk $0xffff, v1  }
0x55e: {  	v2 =	vld [tilespmem:$0x570];
	_ =	sdelay $0x7  }
0x55f: {  	[tilespmem:v2+s22+$0x0] =	vst.idx.add.f32.msk $0xffff, v1  }
0x560: {  	v2 =	vld [tilespmem:$0x580];
	_ =	sdelay $0x7  }
0x561: {  	[tilespmem:v2+s22+$0x0] =	vst.idx.add.f32.msk $0xffff, v1  }
0x562: {  	v2 =	vld [tilespmem:$0x590];
	_ =	sdelay $0x7  }
0x563: {  	[tilespmem:v2+s22+$0x0] =	vst.idx.add.f32.msk $0xffff, v1  }
0x564: {  	v2 =	vld [tilespmem:$0x5A0];
	_ =	sdelay $0x7  }
0x565: {  	[tilespmem:v2+s22+$0x0] =	vst.idx.add.f32.msk $0xffff, v1  }
0x566: {  	v2 =	vld [tilespmem:$0x5B0];
	_ =	sdelay $0x7  }
0x567: {  	[tilespmem:v2+s22+$0x0] =	vst.idx.add.f32.msk $0xffff, v1  }
0x568: {  	v2 =	vld [tilespmem:$0x5C0];
	_ =	sdelay $0x7  }
0x569: {  	[tilespmem:v2+s22+$0x0] =	vst.idx.add.f32.msk $0xffff, v1  }
0x56a: {  	v2 =	vld [tilespmem:$0x5D0];
	_ =	sdelay $0x7  }
0x56b: {  	[tilespmem:v2+s22+$0x0] =	vst.idx.add.f32.msk $0xffff, v1  }
0x56c: {  	v2 =	vld [tilespmem:$0x5E0];
	_ =	sdelay $0x7  }
0x56d: {  	[tilespmem:v2+s22+$0x0] =	vst.idx.add.f32.msk $0xffff, v1  }
0x56e: {  	v2 =	vld [tilespmem:$0x5F0];
	_ =	sdelay $0x7  }
0x56f: {  	[tilespmem:v2+s22+$0x0] =	vst.idx.add.f32.msk $0xffff, v1  }
0x570: {  	v2 =	vld [tilespmem:$0x600];
	_ =	sdelay $0x7  }
0x571: {  	[tilespmem:v2+s22+$0x0] =	vst.idx.add.f32.msk $0xffff, v1  }
0x572: {  	v2 =	vld [tilespmem:$0x610];
	_ =	sdelay $0x7  }
0x573: {  	[tilespmem:v2+s22+$0x0] =	vst.idx.add.f32.msk $0xffff, v1  }
0x574: {  	v2 =	vld [tilespmem:$0x620];
	_ =	sdelay $0x7  }
0x575: {  	[tilespmem:v2+s22+$0x0] =	vst.idx.add.f32.msk $0xffff, v1  }
0x576: {  	v2 =	vld [tilespmem:$0x630];
	_ =	sdelay $0x7  }
0x577: {  	[tilespmem:v2+s22+$0x0] =	vst.idx.add.f32.msk $0xffff, v1  }
0x578: {  	v2 =	vld [tilespmem:$0x640];
	_ =	sdelay $0x7  }
0x579: {  	[tilespmem:v2+s22+$0x0] =	vst.idx.add.f32.msk $0xffff, v1  }
0x57a: {  	v2 =	vld [tilespmem:$0x650];
	_ =	sdelay $0x7  }
0x57b: {  	[tilespmem:v2+s22+$0x0] =	vst.idx.add.f32.msk $0xffff, v1  }
0x57c: {  	v2 =	vld [tilespmem:$0x660];
	_ =	sdelay $0x7  }
0x57d: {  	[tilespmem:v2+s22+$0x0] =	vst.idx.add.f32.msk $0xffff, v1  }
0x57e: {  	v2 =	vld [tilespmem:$0x670];
	_ =	sdelay $0x7  }
0x57f: {  	[tilespmem:v2+s22+$0x0] =	vst.idx.add.f32.msk $0xffff, v1  }
0x580: {  	v2 =	vld [tilespmem:$0x680];
	_ =	sdelay $0x7  }
0x581: {  	[tilespmem:v2+s22+$0x0] =	vst.idx.add.f32.msk $0xffff, v1  }
0x582: {  	v2 =	vld [tilespmem:$0x690];
	_ =	sdelay $0x7  }
0x583: {  	[tilespmem:v2+s22+$0x0] =	vst.idx.add.f32.msk $0xffff, v1  }
0x584: {  	v2 =	vld [tilespmem:$0x6A0];
	_ =	sdelay $0x7  }
0x585: {  	[tilespmem:v2+s22+$0x0] =	vst.idx.add.f32.msk $0xffff, v1  }
0x586: {  	v2 =	vld [tilespmem:$0x6B0];
	_ =	sdelay $0x7  }
0x587: {  	[tilespmem:v2+s22+$0x0] =	vst.idx.add.f32.msk $0xffff, v1  }
0x588: {  	_ =	swait.ge [sflag:s23], $0x9000  }
0x589: {  	[sflag:s23] =	ssyncset.done $0x0  }
0x58a: {  	[sflag:s23] =	ssyncadd.s32 $0xFFFF7000  }
0x58b: {  	[spmem:s2] =	stream.indirect.scatter.add.f32 [tilespmem:s14], [sflag:$0x4], $0x40, s17, s0, $0xb8;
	[tilespmem:$0x1F570] =	vst v63  }
0x58c: {  	_ =	swait.ge [sflag:s19], $0x9000  }
0x58d: {  	[sflag:s19] =	ssyncset.done $0x0  }
0x58e: {  	[sflag:s19] =	ssyncadd.s32 $0xFFFF7000  }
0x58f: {  	_ =	swait.ge [sflag:s11], $0x240  }
0x590: {  	[sflag:s11] =	ssyncset.done $0x0  }
0x591: {  	[sflag:s11] =	ssyncadd.s32 $0xFFFFFDC0  }
0x592: {  	_ =	swait.ge [sflag:s11], $0x240  }
0x593: {  	[sflag:s11] =	ssyncset.done $0x0;
	s13 =	sld [smem:$0x7F7]  }
0x594: {  	s18 =	sld [smem:$0x7F6];
	[sflag:s11] =	ssyncadd.s32 $0xFFFFFDC0  }
0x595: {  	[tilespmem:s14], [sflag:$0x2] =	stream.indirect.gather [hbm4b:s4+s0], $0x40, s25, s0, $0xb8;
	[tilespmem:$0x1F570] =	vst v63  }
0x596: {  	_ = 	snop  }
0x597: {  	[tilespmem:s0], [sflag:$0x1] =	stream.linear.gather [hbm4b:s13+s3], $0xD0, $0x38;
	[tilespmem:$0x1F570] =	vst v63  }
0x598: {  	s20 =	sadd.s32 s18, s9  }
0x599: {  	[tilespmem:s10], [sflag:$0x1] =	stream.linear.gather [hbm4b:s20+s3], $0xD0, $0x38;
	[tilespmem:$0x1F570] =	vst v63  }
0x59a: {  	v2 =	vld [tilespmem:$0x6C0];
	_ =	sdelay $0x7  }
0x59b: {  	[tilespmem:v2+s22+$0x0] =	vst.idx.add.f32.msk $0xffff, v1  }
0x59c: {  	v2 =	vld [tilespmem:$0x6D0];
	_ =	sdelay $0x7  }
0x59d: {  	[tilespmem:v2+s22+$0x0] =	vst.idx.add.f32.msk $0xffff, v1  }
0x59e: {  	v2 =	vld [tilespmem:$0x6E0];
	_ =	sdelay $0x7  }
0x59f: {  	[tilespmem:v2+s22+$0x0] =	vst.idx.add.f32.msk $0xffff, v1  }
0x5a0: {  	v2 =	vld [tilespmem:$0x6F0];
	_ =	sdelay $0x7  }
0x5a1: {  	[tilespmem:v2+s22+$0x0] =	vst.idx.add.f32.msk $0xffff, v1  }
0x5a2: {  	v2 =	vld [tilespmem:$0x700];
	_ =	sdelay $0x7  }
0x5a3: {  	[tilespmem:v2+s22+$0x0] =	vst.idx.add.f32.msk $0xffff, v1  }
0x5a4: {  	v2 =	vld [tilespmem:$0x710];
	_ =	sdelay $0x7  }
0x5a5: {  	[tilespmem:v2+s22+$0x0] =	vst.idx.add.f32.msk $0xffff, v1  }
0x5a6: {  	v2 =	vld [tilespmem:$0x720];
	_ =	sdelay $0x7  }
0x5a7: {  	[tilespmem:v2+s22+$0x0] =	vst.idx.add.f32.msk $0xffff, v1  }
0x5a8: {  	v2 =	vld [tilespmem:$0x730];
	_ =	sdelay $0x7  }
0x5a9: {  	[tilespmem:v2+s22+$0x0] =	vst.idx.add.f32.msk $0xffff, v1  }
0x5aa: {  	v2 =	vld [tilespmem:$0x740];
	_ =	sdelay $0x7  }
0x5ab: {  	[tilespmem:v2+s22+$0x0] =	vst.idx.add.f32.msk $0xffff, v1  }
0x5ac: {  	v2 =	vld [tilespmem:$0x750];
	_ =	sdelay $0x7  }
0x5ad: {  	[tilespmem:v2+s22+$0x0] =	vst.idx.add.f32.msk $0xffff, v1  }
0x5ae: {  	v2 =	vld [tilespmem:$0x760];
	_ =	sdelay $0x7  }
0x5af: {  	[tilespmem:v2+s22+$0x0] =	vst.idx.add.f32.msk $0xffff, v1  }
0x5b0: {  	v2 =	vld [tilespmem:$0x770];
	_ =	sdelay $0x7  }
0x5b1: {  	[tilespmem:v2+s22+$0x0] =	vst.idx.add.f32.msk $0xffff, v1  }
0x5b2: {  	v2 =	vld [tilespmem:$0x780];
	_ =	sdelay $0x7  }
0x5b3: {  	[tilespmem:v2+s22+$0x0] =	vst.idx.add.f32.msk $0xffff, v1  }
0x5b4: {  	v2 =	vld [tilespmem:$0x790];
	_ =	sdelay $0x7  }
0x5b5: {  	[tilespmem:v2+s22+$0x0] =	vst.idx.add.f32.msk $0xffff, v1  }
0x5b6: {  	v2 =	vld [tilespmem:$0x7A0];
	_ =	sdelay $0x7  }
0x5b7: {  	[tilespmem:v2+s22+$0x0] =	vst.idx.add.f32.msk $0xffff, v1  }
0x5b8: {  	v2 =	vld [tilespmem:$0x7B0];
	_ =	sdelay $0x7  }
0x5b9: {  	[tilespmem:v2+s22+$0x0] =	vst.idx.add.f32.msk $0xffff, v1  }
0x5ba: {  	v2 =	vld [tilespmem:$0x7C0];
	_ =	sdelay $0x7  }
0x5bb: {  	[tilespmem:v2+s22+$0x0] =	vst.idx.add.f32.msk $0xffff, v1  }
0x5bc: {  	v2 =	vld [tilespmem:$0x7D0];
	_ =	sdelay $0x7  }
0x5bd: {  	[tilespmem:v2+s22+$0x0] =	vst.idx.add.f32.msk $0xffff, v1  }
0x5be: {  	v2 =	vld [tilespmem:$0x7E0];
	_ =	sdelay $0x7  }
0x5bf: {  	[tilespmem:v2+s22+$0x0] =	vst.idx.add.f32.msk $0xffff, v1  }
0x5c0: {  	v2 =	vld [tilespmem:$0x7F0];
	_ =	sdelay $0x7  }
0x5c1: {  	[tilespmem:v2+s22+$0x0] =	vst.idx.add.f32.msk $0xffff, v1  }
0x5c2: {  	v2 =	vld [tilespmem:$0x800];
	_ =	sdelay $0x7  }
0x5c3: {  	[tilespmem:v2+s22+$0x0] =	vst.idx.add.f32.msk $0xffff, v1  }
0x5c4: {  	v2 =	vld [tilespmem:$0x810];
	_ =	sdelay $0x7  }
0x5c5: {  	[tilespmem:v2+s22+$0x0] =	vst.idx.add.f32.msk $0xffff, v1  }
0x5c6: {  	v2 =	vld [tilespmem:$0x820];
	_ =	sdelay $0x7  }
0x5c7: {  	[tilespmem:v2+s22+$0x0] =	vst.idx.add.f32.msk $0xffff, v1  }
0x5c8: {  	v2 =	vld [tilespmem:$0x830];
	_ =	sdelay $0x7  }
0x5c9: {  	[tilespmem:v2+s22+$0x0] =	vst.idx.add.f32.msk $0xffff, v1  }
0x5ca: {  	v2 =	vld [tilespmem:$0x840];
	_ =	sdelay $0x7  }
0x5cb: {  	[tilespmem:v2+s22+$0x0] =	vst.idx.add.f32.msk $0xffff, v1  }
0x5cc: {  	v2 =	vld [tilespmem:$0x850];
	_ =	sdelay $0x7  }
0x5cd: {  	[tilespmem:v2+s22+$0x0] =	vst.idx.add.f32.msk $0xffff, v1  }
0x5ce: {  	v2 =	vld [tilespmem:$0x860];
	_ =	sdelay $0x7  }
0x5cf: {  	[tilespmem:v2+s22+$0x0] =	vst.idx.add.f32.msk $0xffff, v1  }
0x5d0: {  	v2 =	vld [tilespmem:$0x870];
	_ =	sdelay $0x7  }
0x5d1: {  	[tilespmem:v2+s22+$0x0] =	vst.idx.add.f32.msk $0xffff, v1  }
0x5d2: {  	v2 =	vld [tilespmem:$0x880];
	_ =	sdelay $0x7  }
0x5d3: {  	[tilespmem:v2+s22+$0x0] =	vst.idx.add.f32.msk $0xffff, v1  }
0x5d4: {  	v2 =	vld [tilespmem:$0x890];
	_ =	sdelay $0x7  }
0x5d5: {  	[tilespmem:v2+s22+$0x0] =	vst.idx.add.f32.msk $0xffff, v1  }
0x5d6: {  	v2 =	vld [tilespmem:$0x8A0];
	_ =	sdelay $0x7  }
0x5d7: {  	[tilespmem:v2+s22+$0x0] =	vst.idx.add.f32.msk $0xffff, v1  }
0x5d8: {  	v2 =	vld [tilespmem:$0x8B0];
	_ =	sdelay $0x7  }
0x5d9: {  	[tilespmem:v2+s22+$0x0] =	vst.idx.add.f32.msk $0xffff, v1  }
0x5da: {  	v2 =	vld [tilespmem:$0x8C0];
	_ =	sdelay $0x7  }
0x5db: {  	[tilespmem:v2+s22+$0x0] =	vst.idx.add.f32.msk $0xffff, v1  }
0x5dc: {  	v2 =	vld [tilespmem:$0x8D0];
	_ =	sdelay $0x7  }
0x5dd: {  	[tilespmem:v2+s22+$0x0] =	vst.idx.add.f32.msk $0xffff, v1  }
0x5de: {  	v2 =	vld [tilespmem:$0x8E0];
	_ =	sdelay $0x7  }
0x5df: {  	[tilespmem:v2+s22+$0x0] =	vst.idx.add.f32.msk $0xffff, v1  }
0x5e0: {  	v2 =	vld [tilespmem:$0x8F0];
	_ =	sdelay $0x7  }
0x5e1: {  	[tilespmem:v2+s22+$0x0] =	vst.idx.add.f32.msk $0xffff, v1  }
0x5e2: {  	_ =	swait.ge [sflag:s30], $0x9000  }
0x5e3: {  	[sflag:s30] =	ssyncset.done $0x0  }
0x5e4: {  	[sflag:s30] =	ssyncadd.s32 $0xFFFF7000  }
0x5e5: {  	[spmem:s2] =	stream.indirect.scatter.add.f32 [tilespmem:s16], [sflag:$0x4], $0x40, s28, s0, $0xb8;
	[tilespmem:$0x1F570] =	vst v63  }
0x5e6: {  	_ =	swait.ge [sflag:s19], $0x9000  }
0x5e7: {  	[sflag:s19] =	ssyncset.done $0x0  }
0x5e8: {  	[sflag:s19] =	ssyncadd.s32 $0xFFFF7000  }
0x5e9: {  	_ =	swait.ge [sflag:s11], $0xD0  }
0x5ea: {  	[sflag:s11] =	ssyncset.done $0x0  }
0x5eb: {  	[sflag:s11] =	ssyncadd.s32 $0xFFFFFF30  }
0x5ec: {  	_ =	swait.ge [sflag:s11], $0xD0  }
0x5ed: {  	[sflag:s11] =	ssyncset.done $0x0  }
0x5ee: {  	s24 =	simm.s32 $0xD0;
	[sflag:s11] =	ssyncadd.s32 $0xFFFFFF30  }
0x5ef: {  	[tilespmem:s16], [sflag:$0x3] =	stream.indirect.gather [hbm4b:s4+s24], $0x40, s10, s24, $0xb8;
	[tilespmem:$0x1F570] =	vst v63  }
0x5f0: {  	v2 =	vld [tilespmem:$0x0];
	_ =	sdelay $0x7  }
0x5f1: {  	[tilespmem:v2+s22+$0x0] =	vst.idx.add.f32.msk $0xffff, v1  }
0x5f2: {  	v2 =	vld [tilespmem:$0x10];
	_ =	sdelay $0x7  }
0x5f3: {  	[tilespmem:v2+s22+$0x0] =	vst.idx.add.f32.msk $0xffff, v1  }
0x5f4: {  	v2 =	vld [tilespmem:$0x20];
	_ =	sdelay $0x7  }
0x5f5: {  	[tilespmem:v2+s22+$0x0] =	vst.idx.add.f32.msk $0xffff, v1  }
0x5f6: {  	v2 =	vld [tilespmem:$0x30];
	_ =	sdelay $0x7  }
0x5f7: {  	[tilespmem:v2+s22+$0x0] =	vst.idx.add.f32.msk $0xffff, v1  }
0x5f8: {  	v2 =	vld [tilespmem:$0x40];
	_ =	sdelay $0x7  }
0x5f9: {  	[tilespmem:v2+s22+$0x0] =	vst.idx.add.f32.msk $0xffff, v1  }
0x5fa: {  	v2 =	vld [tilespmem:$0x50];
	_ =	sdelay $0x7  }
0x5fb: {  	[tilespmem:v2+s22+$0x0] =	vst.idx.add.f32.msk $0xffff, v1  }
0x5fc: {  	v2 =	vld [tilespmem:$0x60];
	_ =	sdelay $0x7  }
0x5fd: {  	[tilespmem:v2+s22+$0x0] =	vst.idx.add.f32.msk $0xffff, v1  }
0x5fe: {  	v2 =	vld [tilespmem:$0x70];
	_ =	sdelay $0x7  }
0x5ff: {  	[tilespmem:v2+s22+$0x0] =	vst.idx.add.f32.msk $0xffff, v1  }
0x600: {  	v2 =	vld [tilespmem:$0x80];
	_ =	sdelay $0x7  }
0x601: {  	[tilespmem:v2+s22+$0x0] =	vst.idx.add.f32.msk $0xffff, v1  }
0x602: {  	v2 =	vld [tilespmem:$0x90];
	_ =	sdelay $0x7  }
0x603: {  	[tilespmem:v2+s22+$0x0] =	vst.idx.add.f32.msk $0xffff, v1  }
0x604: {  	v2 =	vld [tilespmem:$0xA0];
	_ =	sdelay $0x7  }
0x605: {  	[tilespmem:v2+s22+$0x0] =	vst.idx.add.f32.msk $0xffff, v1  }
0x606: {  	v2 =	vld [tilespmem:$0xB0];
	_ =	sdelay $0x7  }
0x607: {  	[tilespmem:v2+s22+$0x0] =	vst.idx.add.f32.msk $0xffff, v1  }
0x608: {  	v2 =	vld [tilespmem:$0xC0];
	_ =	sdelay $0x7  }
0x609: {  	[tilespmem:v2+s22+$0x0] =	vst.idx.add.f32.msk $0xffff, v1  }
0x60a: {  	v2 =	vld [tilespmem:$0xD0];
	_ =	sdelay $0x7  }
0x60b: {  	[tilespmem:v2+s22+$0x0] =	vst.idx.add.f32.msk $0xffff, v1  }
0x60c: {  	v2 =	vld [tilespmem:$0xE0];
	_ =	sdelay $0x7  }
0x60d: {  	[tilespmem:v2+s22+$0x0] =	vst.idx.add.f32.msk $0xffff, v1  }
0x60e: {  	v2 =	vld [tilespmem:$0xF0];
	_ =	sdelay $0x7  }
0x60f: {  	[tilespmem:v2+s22+$0x0] =	vst.idx.add.f32.msk $0xffff, v1  }
0x610: {  	v2 =	vld [tilespmem:$0x100];
	_ =	sdelay $0x7  }
0x611: {  	[tilespmem:v2+s22+$0x0] =	vst.idx.add.f32.msk $0xffff, v1  }
0x612: {  	v2 =	vld [tilespmem:$0x110];
	_ =	sdelay $0x7  }
0x613: {  	[tilespmem:v2+s22+$0x0] =	vst.idx.add.f32.msk $0xffff, v1  }
0x614: {  	v2 =	vld [tilespmem:$0x120];
	_ =	sdelay $0x7  }
0x615: {  	[tilespmem:v2+s22+$0x0] =	vst.idx.add.f32.msk $0xffff, v1  }
0x616: {  	v2 =	vld [tilespmem:$0x130];
	_ =	sdelay $0x7  }
0x617: {  	[tilespmem:v2+s22+$0x0] =	vst.idx.add.f32.msk $0xffff, v1  }
0x618: {  	v2 =	vld [tilespmem:$0x140];
	_ =	sdelay $0x7  }
0x619: {  	[tilespmem:v2+s22+$0x0] =	vst.idx.add.f32.msk $0xffff, v1  }
0x61a: {  	v2 =	vld [tilespmem:$0x150];
	_ =	sdelay $0x7  }
0x61b: {  	[tilespmem:v2+s22+$0x0] =	vst.idx.add.f32.msk $0xffff, v1  }
0x61c: {  	v2 =	vld [tilespmem:$0x160];
	_ =	sdelay $0x7  }
0x61d: {  	[tilespmem:v2+s22+$0x0] =	vst.idx.add.f32.msk $0xffff, v1  }
0x61e: {  	v2 =	vld [tilespmem:$0x170];
	_ =	sdelay $0x7  }
0x61f: {  	[tilespmem:v2+s22+$0x0] =	vst.idx.add.f32.msk $0xffff, v1  }
0x620: {  	v2 =	vld [tilespmem:$0x180];
	_ =	sdelay $0x7  }
0x621: {  	[tilespmem:v2+s22+$0x0] =	vst.idx.add.f32.msk $0xffff, v1  }
0x622: {  	v2 =	vld [tilespmem:$0x190];
	_ =	sdelay $0x7  }
0x623: {  	[tilespmem:v2+s22+$0x0] =	vst.idx.add.f32.msk $0xffff, v1  }
0x624: {  	v2 =	vld [tilespmem:$0x1A0];
	_ =	sdelay $0x7  }
0x625: {  	[tilespmem:v2+s22+$0x0] =	vst.idx.add.f32.msk $0xffff, v1  }
0x626: {  	v2 =	vld [tilespmem:$0x1B0];
	_ =	sdelay $0x7  }
0x627: {  	[tilespmem:v2+s22+$0x0] =	vst.idx.add.f32.msk $0xffff, v1  }
0x628: {  	v2 =	vld [tilespmem:$0x1C0];
	_ =	sdelay $0x7  }
0x629: {  	[tilespmem:v2+s22+$0x0] =	vst.idx.add.f32.msk $0xffff, v1  }
0x62a: {  	v2 =	vld [tilespmem:$0x1D0];
	_ =	sdelay $0x7  }
0x62b: {  	[tilespmem:v2+s22+$0x0] =	vst.idx.add.f32.msk $0xffff, v1  }
0x62c: {  	v2 =	vld [tilespmem:$0x1E0];
	_ =	sdelay $0x7  }
0x62d: {  	[tilespmem:v2+s22+$0x0] =	vst.idx.add.f32.msk $0xffff, v1  }
0x62e: {  	v2 =	vld [tilespmem:$0x1F0];
	_ =	sdelay $0x7  }
0x62f: {  	[tilespmem:v2+s22+$0x0] =	vst.idx.add.f32.msk $0xffff, v1  }
0x630: {  	v2 =	vld [tilespmem:$0x200];
	_ =	sdelay $0x7  }
0x631: {  	[tilespmem:v2+s22+$0x0] =	vst.idx.add.f32.msk $0xffff, v1  }
0x632: {  	v2 =	vld [tilespmem:$0x210];
	_ =	sdelay $0x7  }
0x633: {  	[tilespmem:v2+s22+$0x0] =	vst.idx.add.f32.msk $0xffff, v1  }
0x634: {  	v2 =	vld [tilespmem:$0x220];
	_ =	sdelay $0x7  }
0x635: {  	[tilespmem:v2+s22+$0x0] =	vst.idx.add.f32.msk $0xffff, v1  }
0x636: {  	v2 =	vld [tilespmem:$0x230];
	_ =	sdelay $0x7  }
0x637: {  	[tilespmem:v2+s22+$0x0] =	vst.idx.add.f32.msk $0xffff, v1  }
0x638: {  	_ =	swait.ge [sflag:s23], $0x9000  }
0x639: {  	[sflag:s23] =	ssyncset.done $0x0  }
0x63a: {  	[sflag:s23] =	ssyncadd.s32 $0xFFFF7000  }
0x63b: {  	[spmem:s2] =	stream.indirect.scatter.add.f32 [tilespmem:s14], [sflag:$0x4], $0x40, s3, s0, $0xb8;
	[tilespmem:$0x1F570] =	vst v63  }
0x63c: {  	_ =	swait.ge [sflag:s19], $0x9000  }
0x63d: {  	[sflag:s19] =	ssyncset.done $0x0  }
0x63e: {  	[sflag:s19] =	ssyncadd.s32 $0xFFFF7000  }
0x63f: {  	v2 =	vld [tilespmem:$0x240];
	_ =	sdelay $0x7  }
0x640: {  	[tilespmem:v2+s22+$0x0] =	vst.idx.add.f32.msk $0xffff, v1  }
0x641: {  	v2 =	vld [tilespmem:$0x250];
	_ =	sdelay $0x7  }
0x642: {  	[tilespmem:v2+s22+$0x0] =	vst.idx.add.f32.msk $0xffff, v1  }
0x643: {  	v2 =	vld [tilespmem:$0x260];
	_ =	sdelay $0x7  }
0x644: {  	[tilespmem:v2+s22+$0x0] =	vst.idx.add.f32.msk $0xffff, v1  }
0x645: {  	v2 =	vld [tilespmem:$0x270];
	_ =	sdelay $0x7  }
0x646: {  	[tilespmem:v2+s22+$0x0] =	vst.idx.add.f32.msk $0xffff, v1  }
0x647: {  	v2 =	vld [tilespmem:$0x280];
	_ =	sdelay $0x7  }
0x648: {  	[tilespmem:v2+s22+$0x0] =	vst.idx.add.f32.msk $0xffff, v1  }
0x649: {  	v2 =	vld [tilespmem:$0x290];
	_ =	sdelay $0x7  }
0x64a: {  	[tilespmem:v2+s22+$0x0] =	vst.idx.add.f32.msk $0xffff, v1  }
0x64b: {  	v2 =	vld [tilespmem:$0x2A0];
	_ =	sdelay $0x7  }
0x64c: {  	[tilespmem:v2+s22+$0x0] =	vst.idx.add.f32.msk $0xffff, v1  }
0x64d: {  	v2 =	vld [tilespmem:$0x2B0];
	_ =	sdelay $0x7  }
0x64e: {  	[tilespmem:v2+s22+$0x0] =	vst.idx.add.f32.msk $0xffff, v1  }
0x64f: {  	v2 =	vld [tilespmem:$0x2C0];
	_ =	sdelay $0x7  }
0x650: {  	[tilespmem:v2+s22+$0x0] =	vst.idx.add.f32.msk $0xffff, v1  }
0x651: {  	v2 =	vld [tilespmem:$0x2D0];
	_ =	sdelay $0x7  }
0x652: {  	[tilespmem:v2+s22+$0x0] =	vst.idx.add.f32.msk $0xffff, v1  }
0x653: {  	v2 =	vld [tilespmem:$0x2E0];
	_ =	sdelay $0x7  }
0x654: {  	[tilespmem:v2+s22+$0x0] =	vst.idx.add.f32.msk $0xffff, v1  }
0x655: {  	v2 =	vld [tilespmem:$0x2F0];
	_ =	sdelay $0x7  }
0x656: {  	[tilespmem:v2+s22+$0x0] =	vst.idx.add.f32.msk $0xffff, v1  }
0x657: {  	v2 =	vld [tilespmem:$0x300];
	_ =	sdelay $0x7  }
0x658: {  	[tilespmem:v2+s22+$0x0] =	vst.idx.add.f32.msk $0xffff, v1  }
0x659: {  	_ =	swait.ge [sflag:s30], $0x3400  }
0x65a: {  	[sflag:s30] =	ssyncset.done $0x0  }
0x65b: {  	[sflag:s30] =	ssyncadd.s32 $0xFFFFCC00  }
0x65c: {  	[spmem:s2] =	stream.indirect.scatter.add.f32 [tilespmem:s16], [sflag:$0x4], $0x40, s0, s24, $0xb8;
	[tilespmem:$0x1F570] =	vst v63  }
0x65d: {  	_ =	swait.ge [sflag:s19], $0x3400  }
0x65e: {  	[sflag:s19] =	ssyncset.done $0x0  }
0x65f: {  	[sflag:s19] =	ssyncadd.s32 $0xFFFFCC00  }
0x660: {  	[bflag:$0x0] =	sbarrier.arrive $0xFFFF  }
0x661: {  	s6 =	sld [smem:$0x7FD];
	_ =	sdelay $0x1  }
0x662: {  	s13 =	rddreg [dreg:$0xf]  }
0x663: {  	s20 =	simm.s32 @p0 $0x1FC2;
	s8 =	sadd.s32 @p0 $0x12480, s13;
	s12 =	sshrl.u32 @p0 s6, $0x3  }
0x664: {  	[hbm:s8], [sflag:s20] =	dma.local @p0 [spmem:s12], $0x1400  }
0x665: {  	s8 =	simm.s32 @p0 $0x0;
	s20 =	simm.s32 @p0 $0x13200  }
0x666: {  	[hbm4b:s15+s8] =	stream.linear.scatter @p0 [tilespmem:s20], [sflag:$0x3], $0x2710, $0x38;
	[tilespmem:$0x1F570] =	vst v63  }
0x667: {  	s8 =	simm.s32 @p0 $0x2  }
0x668: {  	_ =	swait.ge @p0 [sflag:s8], $0x1400  }
0x669: {  	[sflag:s8] =	ssyncset.done @p0 $0x0  }
0x66a: {  	[sflag:s8] =	ssyncadd.s32 @p0 $0xFFFFEC00;
	s8 =	simm.s32 @p0 $0x1FC4  }
0x66b: {  	[spmem:s12], [sflag:s8] =	dma.local @p0 [hbm:s7], $0x1400  }
0x66c: {  	s8 =	simm.s32 @p0 $0x3  }
0x66d: {  	_ =	swait.ge @p0 [sflag:s8], $0x2710  }
0x66e: {  	[sflag:s8] =	ssyncset.done @p0 $0x0  }
0x66f: {  	[sflag:s8] =	ssyncadd.s32 @p0 $0xFFFFD8F0;
	s8 =	simm.s32 @p0 $0x4  }
0x670: {  	_ =	swait.ge @p0 [sflag:s8], $0x1400  }
0x671: {  	[sflag:s8] =	ssyncset.done @p0 $0x0  }
0x672: {  	[sflag:s8] =	ssyncadd.s32 @p0 $0xFFFFEC00  }
0x673: {  	[bflag:$0x0] =	sbarrier.arrive @p0 $0xFFFF  }
0x674: {  	s20 =	simm.s32 @p0 $0x1FC5;
	s8 =	sadd.s32 @p0 $0x12480, s26;
	[bflag:$0x0] =	sbarrier.arrive @p0 $0xFFFF  }
0x675: {  	[hbm:s8], [sflag:s20] =	dma.local @p0 [spmem:s12], $0x1400  }
0x676: {  	s8 =	simm.s32 @p0 $0x5  }
0x677: {  	_ =	swait.ge @p0 [sflag:s8], $0x1400  }
0x678: {  	s6 =	stileid.u32;
	[sflag:s8] =	ssyncset.done @p0 $0x0  }
0x679: {  	[sflag:s8] =	ssyncadd.s32 @p0 $0xFFFFEC00;
	s8 =	sshll.u32 @!p0 s6, $0x6;
	s6 =	sld [smem:$0x7F8]  }
0x67a: {  	_ =	sdelay $0x1  }
0x67b: {  	s12 =	sadd.s32 @!p0 s1, s13;
	s20 =	sor.u32 @!p0 $0x1C02, s8;
	s24 =	sshrl.u32 @!p0 s6, $0x3  }
0x67c: {  	[hbm:s12], [sflag:s20] =	dma.local @!p0 [spmem:s24], $0x1380  }
0x67d: {  	s12 =	simm.s32 @!p0 $0x0;
	s20 =	simm.s32 @!p0 $0x13200  }
0x67e: {  	[hbm4b:s15+s12] =	stream.linear.scatter @!p0 [tilespmem:s20], [sflag:$0x3], $0x2710, $0x38;
	[tilespmem:$0x1F570] =	vst v63  }
0x67f: {  	s12 =	simm.s32 @!p0 $0x2  }
0x680: {  	_ =	swait.ge @!p0 [sflag:s12], $0x1380  }
0x681: {  	[sflag:s12] =	ssyncset.done @!p0 $0x0  }
0x682: {  	[sflag:s12] =	ssyncadd.s32 @!p0 $0xFFFFEC80;
	s12 =	sor.u32 @!p0 $0x1C04, s8  }
0x683: {  	[spmem:s24], [sflag:s12] =	dma.local @!p0 [hbm:s7], $0x1380  }
0x684: {  	s12 =	simm.s32 @!p0 $0x3  }
0x685: {  	_ =	swait.ge @!p0 [sflag:s12], $0x2710  }
0x686: {  	[sflag:s12] =	ssyncset.done @!p0 $0x0  }
0x687: {  	[sflag:s12] =	ssyncadd.s32 @!p0 $0xFFFFD8F0;
	s12 =	simm.s32 @!p0 $0x4  }
0x688: {  	_ =	swait.ge @!p0 [sflag:s12], $0x1380  }
0x689: {  	[sflag:s12] =	ssyncset.done @!p0 $0x0  }
0x68a: {  	[sflag:s12] =	ssyncadd.s32 @!p0 $0xFFFFEC80  }
0x68b: {  	[bflag:$0x0] =	sbarrier.arrive @!p0 $0xFFFF  }
0x68c: {  	s6 =	sld [smem:$0x7F9];
	_ =	sdelay $0x1  }
0x68d: {  	s20 =	simm.s32 @!p1 $0x5;
	s12 =	simm.s32 @!p1 $0x0  }
0x68e: {  	[tilespmem:s12], [sflag:$0x5] =	stream.linear.gather @!p1 [hbm4b:s6+s12], $0x200, $0x38;
	[tilespmem:$0x1F570] =	vst v63  }
0x68f: {  	_ =	swait.ge @!p1 [sflag:s20], $0x200  }
0x690: {  	s6 =	sld [smem:$0x7FA]  }
0x691: {  	[sflag:s20] =	ssyncset.done @!p1 $0x0  }
0x692: {  	s31 =	simm.s32 @!p1 $0x240;
	[sflag:s20] =	ssyncadd.s32 @!p1 $0xFFFFFE00  }
0x693: {  	[tilespmem:s31], [sflag:$0x5] =	stream.linear.gather @!p1 [hbm4b:s6+s12], $0x200, $0x38;
	[tilespmem:$0x1F570] =	vst v63  }
0x694: {  	_ =	swait.ge @!p1 [sflag:s20], $0x200  }
0x695: {  	s13 =	simm.s32 @!p1 $0x200;
	[sflag:s20] =	ssyncset.done @!p1 $0x0  }
0x696: {  	s6 =	simm.s32 @!p1 $0x1200;
	s18 =	rddreg [dreg:$0x4];
	[sflag:s20] =	ssyncadd.s32 @!p1 $0xFFFFFE00  }
0x697: {  	[tilespmem:s6], [sflag:$0x2] =	stream.indirect.gather @!p1 [hbm4b:s18+s13], $0x40, s12, s13, $0xb8;
	[tilespmem:$0x1F570] =	vst v63  }
0x698: {  	s12 =	simm.s32 @!p1 $0x2  }
0x699: {  	_ =	swait.ge @!p1 [sflag:s12], $0x8000  }
0x69a: {  	[sflag:s12] =	ssyncset.done @!p1 $0x0  }
0x69b: {  	[sflag:s12] =	ssyncadd.s32 @!p1 $0xFFFF8000  }
0x69c: {  	[spmem:s2] =	stream.indirect.scatter.add.f32 @!p1 [tilespmem:s6], [sflag:$0x5], $0x40, s31, s13, $0xb8;
	[tilespmem:$0x1F570] =	vst v63  }
0x69d: {  	_ =	swait.ge @!p1 [sflag:s20], $0x8000  }
0x69e: {  	[sflag:s20] =	ssyncset.done @!p1 $0x0  }
0x69f: {  	[sflag:s20] =	ssyncadd.s32 @!p1 $0xFFFF8000  }
0x6a0: {  	s8 =	sor.u32 @!p0 $0x1C05, s8;
	s6 =	sadd.s32 @!p0 s1, s26;
	[bflag:$0x0] =	sbarrier.arrive @!p0 $0xFFFF  }
0x6a1: {  	[hbm:s6], [sflag:s8] =	dma.local @!p0 [spmem:s24], $0x1380  }
0x6a2: {  	s6 =	simm.s32 @!p0 $0x5  }
0x6a3: {  	_ =	swait.ge @!p0 [sflag:s6], $0x1380  }
0x6a4: {  	s31 =	sld [smem:$0x7FB];
	_ =	sdelay $0x1  }
0x6a5: {  	s5 =	sadd.s32 $0x1, s5  }
0x6a6: {  	p2 =	sne.s32 s5, s31  }
.Ltmp1:
0x6a7: {  	_ = 	snop;
	(pc) =	sbr.rel @!p2 .LBB2_9-.Ltmp1, $3  }
0x6a8: {  	_ =	sdelay $0x1  }
0x6a9: {  	[sflag:s6] =	ssyncset.done @!p0 $0x0  }
0x6aa: {  	[sflag:s6] =	ssyncadd.s32 @!p0 $0xFFFFEC80  }
.LBB2_1:
.Ltmp2:
0x6ab: {  	(pc) =	sbr.rel @!p0 .LBB2_2-.Ltmp2, $1  }
0x6ac: {  	_ =	sdelay $0x3  }
0x6ad: {  	s6 =	sld [smem:$0x7FD];
	_ =	sdelay $0x2  }
0x6ae: {  	s31 =	simm.s32 $0x1FC4;
	s8 =	sshrl.u32 s6, $0x3  }
0x6af: {  	[spmem:s8], [sflag:s31] =	dma.local [hbm:s7], $0x1400  }
0x6b0: {  	s12 =	simm.s32 $0x0;
	s8 =	simm.s32 $0x40  }
.LBB2_6:
0x6b1: {  	p2 =	sne.s32 s8, $0x9C00;
	[tilespmem:s12+$0x13200] =	vst v0;
	s12 =	smov.u32 s8;
	s8 =	sadd.s32 $0x40, s8  }
.Ltmp3:
0x6b2: {  	(pc) =	sbr.rel @p2 .LBB2_6-.Ltmp3, $2  }
0x6b3: {  	_ =	sdelay $0x2  }
0x6b4: {  	s12 =	sshra.s32 s12, $0x2  }
.Ltmp4:
0x6b5: {  	_ = 	snop;
	(pc) =	sbr.rel .LBB2_7-.Ltmp4, $1  }
0x6b6: {  	_ =	sdelay $0x3  }
.LBB2_2:
0x6b7: {  	s6 =	stileid.u32;
	s31 =	sld [smem:$0x7FC]  }
0x6b8: {  	s8 =	sshll.u32 s6, $0x6  }
0x6b9: {  	s8 =	sor.u32 $0x1C04, s8  }
0x6ba: {  	[spmem:s31], [sflag:s8] =	dma.local [hbm:s7], $0x1380  }
0x6bb: {  	s12 =	simm.s32 $0x0;
	s8 =	simm.s32 $0x40  }
.LBB2_3:
0x6bc: {  	p2 =	sne.s32 s8, $0x9C00;
	[tilespmem:s12+$0x13200] =	vst v0;
	s12 =	smov.u32 s8;
	s8 =	sadd.s32 $0x40, s8  }
.Ltmp5:
0x6bd: {  	(pc) =	sbr.rel @p2 .LBB2_3-.Ltmp5, $2  }
0x6be: {  	_ =	sdelay $0x2  }
0x6bf: {  	s12 =	sshra.s32 s12, $0x2  }
.Ltmp6:
0x6c0: {  	(pc) =	sbr.rel .LBB2_8-.Ltmp6, $4  }
0x6c1: {  	[tilespmem:s12+$0x13200] =	vst v0  }
0x6c2: {  	_ =	swait.ge [sflag:s19], $0x1380  }
0x6c3: {  	[sflag:s19] =	ssyncset.done $0x0  }
0x6c4: {  	[sflag:s19] =	ssyncadd.s32 $0xFFFFEC80  }
.LBB2_9:
0x6c5: {  	_ =	sfence.sel $0x180000  }
0x6c6: {  	[bflag:$0x0] =	sbarrier.arrive $0xFFFF  }
0x6c7: {  	_ =	strace $0x90000047  }
0x6c8: {  	s0 =	stileid.u32;
	[bflag:$0x2] =	sbarrier.arrive $0xFFFF  }
0x6c9: {  	p0 =	sne.s32 s0, $0x0;
	s0 =	rddreg [dreg:$0x3]  }
0x6ca: {  	s0 =	sadd.s32 @!p0 $0x100000, s0  }
0x6cb: {  	[sflag:s0] =	ssyncadd.tile.s32 @!p0 $0x1;
	_ =	shalt  }
.Lfunc_end2:
_tile_overlayer_lowered:
.L_overlay_start_2:
0x6cc: {  	(tag) =	ssettag $0x2  }
0x6cd: {  	s0 =	rddreg [dreg:$0x0];
	s2 =	stileid.u32  }
0x6ce: {  	s1 =	rddreg [dreg:$0x1];
	p0 =	sne.s32 s2, $0x0  }
0x6cf: {  	s3 =	rddreg [dreg:$0x2];
	[bflag:$0x3] =	sbarrier.arrive $0xFFFF;
	s2 =	simm.s32 @!p0 $0x1C05  }
0x6d0: {  	[timem:s3], [sflag:s2] =	dma.local @!p0 [hbm:s0], s1  }
0x6d1: {  	s0 =	simm.s32 @!p0 $0x5  }
0x6d2: {  	_ =	swait.ge @!p0 [sflag:s0], s1  }
0x6d3: {  	s1 =	ssub.s32 @!p0 $0x0, s1;
	[sflag:s0] =	ssyncset.done @!p0 $0x0  }
0x6d4: {  	[sflag:s0] =	ssyncadd.s32 @!p0 s1  }
0x6d5: {  	[bflag:$0x3] =	sbarrier.arrive $0xFFFF  }
0x6d6: {  	_ =	shalt  }

</sc_bundles>
